<compile_context>
chip_gen: v7x
topology: tpu7x:2x2x1
jax: 0.10.2.dev20260603
libtpu: 0.0.44.dev20260713+nightly
codegen_flags: <defaults>
</compile_context>

<pallas_src>
import functools

import jax
import jax.numpy as jnp
from jax import lax
from jax.experimental import pallas as pl
from jax.experimental.pallas import tpu as pltpu
from jax.experimental.pallas import tpu_sc as plsc

D = 64
L = 16
NC = 2
NS = 16
NW = NC * NS
C = 352


@jax.jit
def _run(x_user, x_movie, eli):
    E = eli.shape[1]
    eli = eli.astype(jnp.int32)
    Tf = E // (NW * C)
    T = Tf + 1
    T += T % 2
    assert NW * C <= E
    mesh = plsc.VectorSubcoreMesh(core_axis_name="c", subcore_axis_name="s")

    @functools.partial(
        pl.kernel,
        mesh=mesh,
        compiler_params=pltpu.CompilerParams(
            needs_layout_passes=False, use_tc_tiling_on_sc=False
        ),
        out_type=jax.ShapeDtypeStruct((E,), jnp.float32),
        scratch_types=[
            pltpu.VMEM((T * C,), jnp.int32),
            pltpu.VMEM((T * C,), jnp.int32),
            pltpu.VMEM((C, D), jnp.float32),
            pltpu.VMEM((C, D), jnp.float32),
            pltpu.VMEM((C, D), jnp.float32),
            pltpu.VMEM((C, D), jnp.float32),
            pltpu.VMEM((C,), jnp.float32),
            pltpu.VMEM((C,), jnp.float32),
            pltpu.SemaphoreType.DMA,
            pltpu.SemaphoreType.DMA,
            pltpu.SemaphoreType.DMA,
            pltpu.SemaphoreType.DMA,
        ],
    )
    def k(xu, xm, ei, out, iu_all, im_all,
          ru0, ru1, rm0, rm1, o0, o1, sg0, sg1, so0, so1):
        wid = lax.axis_index("s") * NC + lax.axis_index("c")
        n_tail = T - Tf

        def hbase(t):
            return jnp.where(
                t < Tf,
                (wid * Tf + t) * C,
                E - ((T - t) * NW - wid) * C,
            )

        pltpu.sync_copy(ei.at[0, pl.ds(wid * Tf * C, Tf * C)],
                        iu_all.at[pl.ds(0, Tf * C)])
        pltpu.sync_copy(ei.at[1, pl.ds(wid * Tf * C, Tf * C)],
                        im_all.at[pl.ds(0, Tf * C)])
        for j in range(n_tail):
            tb = E - ((n_tail - j) * NW - wid) * C
            pltpu.sync_copy(ei.at[0, pl.ds(tb, C)],
                            iu_all.at[pl.ds((Tf + j) * C, C)])
            pltpu.sync_copy(ei.at[1, pl.ds(tb, C)],
                            im_all.at[pl.ds((Tf + j) * C, C)])

        bufs = ((ru0, rm0, o0, sg0, so0), (ru1, rm1, o1, sg1, so1))

        def gathers(t, b):
            ruv, rmv, _, sg, _ = bufs[b]
            cu = pltpu.make_async_copy(xu.at[iu_all.at[pl.ds(t * C, C)]], ruv, sg)
            cm = pltpu.make_async_copy(xm.at[im_all.at[pl.ds(t * C, C)]], rmv, sg)
            return cu, cm

        for b in range(2):
            cu, cm = gathers(b, b)
            cu.start()
            cm.start()

        lanes = lax.iota(jnp.int32, L)
        iE = (lanes % (L // 2)) * 2
        iO = iE + 1
        lo_mask = lanes < (L // 2)

        def _perm(a, idx_):
            return jnp.take_along_axis(a, idx_, axis=0)

        def _hadd(a, b):
            ta = _perm(a, iE) + _perm(a, iO)
            tb = _perm(b, iE) + _perm(b, iO)
            return jnp.where(lo_mask, ta, tb)

        def outer(i, carry):
            t0 = i * 2
            for b in range(2):
                ruv, rmv, ov, sg, so = bufs[b]
                t = t0 + b
                cu, cm = gathers(t, b)
                cu.wait()
                cm.wait()

                @pl.when(t >= 2)
                def _():
                    pltpu.make_async_copy(
                        ov, out.at[pl.ds(hbase(t - 2), C)], so
                    ).wait()

                def group_body(g, carry2):
                    eb = g * L
                    p = []
                    for j in range(L):
                        e = eb + j
                        v = ruv[e, pl.ds(0, L)] * rmv[e, pl.ds(0, L)]
                        for q in range(1, D // L):
                            v = v + ruv[e, pl.ds(q * L, L)] * rmv[e, pl.ds(q * L, L)]
                        p.append(v)
                    while len(p) > 1:
                        p = [_hadd(p[i2], p[i2 + 1]) for i2 in range(0, len(p), 2)]
                    ov[pl.ds(eb, L)] = p[0]
                    return carry2

                lax.fori_loop(0, C // L, group_body, 0)
                pltpu.make_async_copy(ov, out.at[pl.ds(hbase(t), C)], so).start()

                @pl.when(t + 2 < T)
                def _():
                    cu2, cm2 = gathers(t + 2, b)
                    cu2.start()
                    cm2.start()

            return carry

        lax.fori_loop(0, T // 2, outer, 0)

        for b in range(2):
            _, _, ov, _, so = bufs[b]
            t = T - 2 + b
            pltpu.make_async_copy(ov, out.at[pl.ds(hbase(t), C)], so).wait()

    return k(x_user, x_movie, eli)


def kernel(x_user, x_movie, edge_label_index):
    return _run(x_user, x_movie, edge_label_index)

# --- scband reference (transcript-rebuilt; emitter-appended) ---
"""Pipeline reference for scband-classifier-652835029172 (READ-ONLY COPY).

The authoritative reference and input builder live on the scoring server;
editing this copy changes nothing except your own understanding.
"""

import jax, jax.numpy as jnp
import numpy as np


def setup_inputs(seed: int = 0) -> dict:
    key = jax.random.key(seed)
    k1, k2, k3 = jax.random.split(key, 3)
    x_user = jax.random.normal(k1, (100000, 64), dtype=jnp.float32)
    x_movie = jax.random.normal(k2, (100000, 64), dtype=jnp.float32)
    edge_label_index = jax.random.randint(k3, (2, 500000), 0, 100000, dtype=jnp.int64)
    return {"x_user": x_user, "x_movie": x_movie, "edge_label_index": edge_label_index}


def reference(x_user, x_movie, edge_label_index):
    edge_feat_user = jnp.take(x_user, edge_label_index[0], axis=0)
    edge_feat_movie = jnp.take(x_movie, edge_label_index[1], axis=0)
    return (edge_feat_user * edge_feat_movie).sum(axis=-1)

if __name__ == "__main__":
    import jax
    _d = setup_inputs()
    print(jax.jit(kernel)(*tuple(_d.values())))

</pallas_src>

<mosaic_0001>
#map = affine_map<(d0, d1) -> (0, 0)>
#map1 = affine_map<(d0, d1) -> (0)>
module attributes {stable_mosaic.version = 14 : i64} {
  func.func @k(%arg0: i32, %arg1: i32, %arg2: memref<100000x64xf32, #tpu.memory_space<hbm>>, %arg3: memref<100000x64xf32, #tpu.memory_space<hbm>>, %arg4: memref<2x500000xi32, #tpu.memory_space<hbm>>, %arg5: memref<500000xf32, #tpu.memory_space<hbm>>, %arg6: memref<16192xi32, #tpu.memory_space<vmem>>, %arg7: memref<16192xi32, #tpu.memory_space<vmem>>, %arg8: memref<352x64xf32, #tpu.memory_space<vmem>>, %arg9: memref<352x64xf32, #tpu.memory_space<vmem>>, %arg10: memref<352x64xf32, #tpu.memory_space<vmem>>, %arg11: memref<352x64xf32, #tpu.memory_space<vmem>>, %arg12: memref<352xf32, #tpu.memory_space<vmem>>, %arg13: memref<352xf32, #tpu.memory_space<vmem>>, %arg14: memref<!tpu.dma_semaphore, #tpu.memory_space<semaphore_mem>>, %arg15: memref<!tpu.dma_semaphore, #tpu.memory_space<semaphore_mem>>, %arg16: memref<!tpu.dma_semaphore, #tpu.memory_space<semaphore_mem>>, %arg17: memref<!tpu.dma_semaphore, #tpu.memory_space<semaphore_mem>>) attributes {dimension_semantics = [#tpu.dimension_semantics<core_parallel>, #tpu.dimension_semantics<subcore_parallel>], iteration_bounds = array<i64: 2, 16>, scalar_prefetch = 0 : i64, scratch_operands = 12 : i64, tpu.core_type = #tpu.core_type<sc_vector_subcore>, window_params = [{transform_indices = #map}, {transform_indices = #map}, {transform_indices = #map}, {transform_indices = #map1}]} {
    %mul3A = arith.constant 2 : i32
    %mul3A_0 = arith.muli %arg1, %mul3A : i32
    %add3A = arith.addi %mul3A_0, %arg0 : i32
    %mul3A_1 = arith.constant 44 : i32
    %mul3A_2 = arith.muli %add3A, %mul3A_1 : i32
    %mul3A_3 = arith.constant 352 : i32
    %mul3A_4 = arith.muli %mul3A_2, %mul3A_3 : i32
    %run_scoped3A = arith.constant 0 : i32
    "tpu.region"() ({
      %run_scoped3A_104 = tpu.sem_alloc : memref<!tpu.dma_semaphore, #tpu.memory_space<semaphore_mem>>
      %dma_start3A_105 = arith.constant 0 : i32
      %dma_start3A_106 = tpu.memref_slice %arg6[%dma_start3A_105] : memref<16192xi32, #tpu.memory_space<vmem>> -> memref<15488xi32, #tpu.memory_space<vmem>>
      %dma_start3A_107 = tpu.memref_slice %arg4[%run_scoped3A, %mul3A_4] : memref<2x500000xi32, #tpu.memory_space<hbm>> -> memref<1x15488xi32, #tpu.memory_space<hbm>>
      %dma_start3A_108 = tpu.memref_squeeze %dma_start3A_107 : memref<1x15488xi32, #tpu.memory_space<hbm>> -> memref<15488xi32, #tpu.memory_space<hbm>>
      %dma_start3A_109 = arith.constant 0 : i32
      %dma_start3A_110 = tpu.memref_slice %arg6[%dma_start3A_109] : memref<16192xi32, #tpu.memory_space<vmem>> -> memref<15488xi32, #tpu.memory_space<vmem>>
      %dma_start3A_111 = tpu.memref_slice %arg4[%run_scoped3A, %mul3A_4] : memref<2x500000xi32, #tpu.memory_space<hbm>> -> memref<1x15488xi32, #tpu.memory_space<hbm>>
      %dma_start3A_112 = tpu.memref_squeeze %dma_start3A_111 : memref<1x15488xi32, #tpu.memory_space<hbm>> -> memref<15488xi32, #tpu.memory_space<hbm>>
      tpu.enqueue_dma source(%dma_start3A_112 : memref<15488xi32, #tpu.memory_space<hbm>>) target(%dma_start3A_110 : memref<15488xi32, #tpu.memory_space<vmem>>) target_semaphore(%run_scoped3A_104 : memref<!tpu.dma_semaphore, #tpu.memory_space<semaphore_mem>>)
      %dma_wait3A_113 = arith.constant 0 : i32
      %dma_wait3A_114 = tpu.memref_slice %arg6[%dma_wait3A_113] : memref<16192xi32, #tpu.memory_space<vmem>> -> memref<15488xi32, #tpu.memory_space<vmem>>
      %dma_wait3A_115 = tpu.memref_slice %arg4[%run_scoped3A, %mul3A_4] : memref<2x500000xi32, #tpu.memory_space<hbm>> -> memref<1x15488xi32, #tpu.memory_space<hbm>>
      %dma_wait3A_116 = tpu.memref_squeeze %dma_wait3A_115 : memref<1x15488xi32, #tpu.memory_space<hbm>> -> memref<15488xi32, #tpu.memory_space<hbm>>
      %dma_wait3A_117 = arith.constant 0 : i32
      %dma_wait3A_118 = tpu.memref_slice %arg6[%dma_wait3A_117] : memref<16192xi32, #tpu.memory_space<vmem>> -> memref<15488xi32, #tpu.memory_space<vmem>>
      %dma_wait3A_119 = tpu.memref_slice %arg4[%run_scoped3A, %mul3A_4] : memref<2x500000xi32, #tpu.memory_space<hbm>> -> memref<1x15488xi32, #tpu.memory_space<hbm>>
      %dma_wait3A_120 = tpu.memref_squeeze %dma_wait3A_119 : memref<1x15488xi32, #tpu.memory_space<hbm>> -> memref<15488xi32, #tpu.memory_space<hbm>>
      tpu.wait_dma2 semaphore(%run_scoped3A_104 : memref<!tpu.dma_semaphore, #tpu.memory_space<semaphore_mem>>) src(%dma_wait3A_120 : memref<15488xi32, #tpu.memory_space<hbm>>) dst(%dma_wait3A_118 : memref<15488xi32, #tpu.memory_space<vmem>>)
      tpu.yield
    }) : () -> ()
    %mul3A_5 = arith.constant 44 : i32
    %mul3A_6 = arith.muli %add3A, %mul3A_5 : i32
    %mul3A_7 = arith.constant 352 : i32
    %mul3A_8 = arith.muli %mul3A_6, %mul3A_7 : i32
    %run_scoped3A_9 = arith.constant 1 : i32
    "tpu.region"() ({
      %run_scoped3A_104 = tpu.sem_alloc : memref<!tpu.dma_semaphore, #tpu.memory_space<semaphore_mem>>
      %dma_start3A_105 = arith.constant 0 : i32
      %dma_start3A_106 = tpu.memref_slice %arg7[%dma_start3A_105] : memref<16192xi32, #tpu.memory_space<vmem>> -> memref<15488xi32, #tpu.memory_space<vmem>>
      %dma_start3A_107 = tpu.memref_slice %arg4[%run_scoped3A_9, %mul3A_8] : memref<2x500000xi32, #tpu.memory_space<hbm>> -> memref<1x15488xi32, #tpu.memory_space<hbm>>
      %dma_start3A_108 = tpu.memref_squeeze %dma_start3A_107 : memref<1x15488xi32, #tpu.memory_space<hbm>> -> memref<15488xi32, #tpu.memory_space<hbm>>
      %dma_start3A_109 = arith.constant 0 : i32
      %dma_start3A_110 = tpu.memref_slice %arg7[%dma_start3A_109] : memref<16192xi32, #tpu.memory_space<vmem>> -> memref<15488xi32, #tpu.memory_space<vmem>>
      %dma_start3A_111 = tpu.memref_slice %arg4[%run_scoped3A_9, %mul3A_8] : memref<2x500000xi32, #tpu.memory_space<hbm>> -> memref<1x15488xi32, #tpu.memory_space<hbm>>
      %dma_start3A_112 = tpu.memref_squeeze %dma_start3A_111 : memref<1x15488xi32, #tpu.memory_space<hbm>> -> memref<15488xi32, #tpu.memory_space<hbm>>
      tpu.enqueue_dma source(%dma_start3A_112 : memref<15488xi32, #tpu.memory_space<hbm>>) target(%dma_start3A_110 : memref<15488xi32, #tpu.memory_space<vmem>>) target_semaphore(%run_scoped3A_104 : memref<!tpu.dma_semaphore, #tpu.memory_space<semaphore_mem>>)
      %dma_wait3A_113 = arith.constant 0 : i32
      %dma_wait3A_114 = tpu.memref_slice %arg7[%dma_wait3A_113] : memref<16192xi32, #tpu.memory_space<vmem>> -> memref<15488xi32, #tpu.memory_space<vmem>>
      %dma_wait3A_115 = tpu.memref_slice %arg4[%run_scoped3A_9, %mul3A_8] : memref<2x500000xi32, #tpu.memory_space<hbm>> -> memref<1x15488xi32, #tpu.memory_space<hbm>>
      %dma_wait3A_116 = tpu.memref_squeeze %dma_wait3A_115 : memref<1x15488xi32, #tpu.memory_space<hbm>> -> memref<15488xi32, #tpu.memory_space<hbm>>
      %dma_wait3A_117 = arith.constant 0 : i32
      %dma_wait3A_118 = tpu.memref_slice %arg7[%dma_wait3A_117] : memref<16192xi32, #tpu.memory_space<vmem>> -> memref<15488xi32, #tpu.memory_space<vmem>>
      %dma_wait3A_119 = tpu.memref_slice %arg4[%run_scoped3A_9, %mul3A_8] : memref<2x500000xi32, #tpu.memory_space<hbm>> -> memref<1x15488xi32, #tpu.memory_space<hbm>>
      %dma_wait3A_120 = tpu.memref_squeeze %dma_wait3A_119 : memref<1x15488xi32, #tpu.memory_space<hbm>> -> memref<15488xi32, #tpu.memory_space<hbm>>
      tpu.wait_dma2 semaphore(%run_scoped3A_104 : memref<!tpu.dma_semaphore, #tpu.memory_space<semaphore_mem>>) src(%dma_wait3A_120 : memref<15488xi32, #tpu.memory_space<hbm>>) dst(%dma_wait3A_118 : memref<15488xi32, #tpu.memory_space<vmem>>)
      tpu.yield
    }) : () -> ()
    %sub3A = arith.constant 64 : i32
    %sub3A_10 = arith.subi %sub3A, %add3A : i32
    %mul3A_11 = arith.constant 352 : i32
    %mul3A_12 = arith.muli %sub3A_10, %mul3A_11 : i32
    %sub3A_13 = arith.constant 500000 : i32
    %sub3A_14 = arith.subi %sub3A_13, %mul3A_12 : i32
    %run_scoped3A_15 = arith.constant 0 : i32
    "tpu.region"() ({
      %run_scoped3A_104 = tpu.sem_alloc : memref<!tpu.dma_semaphore, #tpu.memory_space<semaphore_mem>>
      %dma_start3A_105 = arith.constant 15488 : i32
      %dma_start3A_106 = tpu.memref_slice %arg6[%dma_start3A_105] : memref<16192xi32, #tpu.memory_space<vmem>> -> memref<352xi32, #tpu.memory_space<vmem>>
      %dma_start3A_107 = tpu.memref_slice %arg4[%run_scoped3A_15, %sub3A_14] : memref<2x500000xi32, #tpu.memory_space<hbm>> -> memref<1x352xi32, #tpu.memory_space<hbm>>
      %dma_start3A_108 = tpu.memref_squeeze %dma_start3A_107 : memref<1x352xi32, #tpu.memory_space<hbm>> -> memref<352xi32, #tpu.memory_space<hbm>>
      %dma_start3A_109 = arith.constant 15488 : i32
      %dma_start3A_110 = tpu.memref_slice %arg6[%dma_start3A_109] : memref<16192xi32, #tpu.memory_space<vmem>> -> memref<352xi32, #tpu.memory_space<vmem>>
      %dma_start3A_111 = tpu.memref_slice %arg4[%run_scoped3A_15, %sub3A_14] : memref<2x500000xi32, #tpu.memory_space<hbm>> -> memref<1x352xi32, #tpu.memory_space<hbm>>
      %dma_start3A_112 = tpu.memref_squeeze %dma_start3A_111 : memref<1x352xi32, #tpu.memory_space<hbm>> -> memref<352xi32, #tpu.memory_space<hbm>>
      tpu.enqueue_dma source(%dma_start3A_112 : memref<352xi32, #tpu.memory_space<hbm>>) target(%dma_start3A_110 : memref<352xi32, #tpu.memory_space<vmem>>) target_semaphore(%run_scoped3A_104 : memref<!tpu.dma_semaphore, #tpu.memory_space<semaphore_mem>>)
      %dma_wait3A_113 = arith.constant 15488 : i32
      %dma_wait3A_114 = tpu.memref_slice %arg6[%dma_wait3A_113] : memref<16192xi32, #tpu.memory_space<vmem>> -> memref<352xi32, #tpu.memory_space<vmem>>
      %dma_wait3A_115 = tpu.memref_slice %arg4[%run_scoped3A_15, %sub3A_14] : memref<2x500000xi32, #tpu.memory_space<hbm>> -> memref<1x352xi32, #tpu.memory_space<hbm>>
      %dma_wait3A_116 = tpu.memref_squeeze %dma_wait3A_115 : memref<1x352xi32, #tpu.memory_space<hbm>> -> memref<352xi32, #tpu.memory_space<hbm>>
      %dma_wait3A_117 = arith.constant 15488 : i32
      %dma_wait3A_118 = tpu.memref_slice %arg6[%dma_wait3A_117] : memref<16192xi32, #tpu.memory_space<vmem>> -> memref<352xi32, #tpu.memory_space<vmem>>
      %dma_wait3A_119 = tpu.memref_slice %arg4[%run_scoped3A_15, %sub3A_14] : memref<2x500000xi32, #tpu.memory_space<hbm>> -> memref<1x352xi32, #tpu.memory_space<hbm>>
      %dma_wait3A_120 = tpu.memref_squeeze %dma_wait3A_119 : memref<1x352xi32, #tpu.memory_space<hbm>> -> memref<352xi32, #tpu.memory_space<hbm>>
      tpu.wait_dma2 semaphore(%run_scoped3A_104 : memref<!tpu.dma_semaphore, #tpu.memory_space<semaphore_mem>>) src(%dma_wait3A_120 : memref<352xi32, #tpu.memory_space<hbm>>) dst(%dma_wait3A_118 : memref<352xi32, #tpu.memory_space<vmem>>)
      tpu.yield
    }) : () -> ()
    %run_scoped3A_16 = arith.constant 1 : i32
    "tpu.region"() ({
      %run_scoped3A_104 = tpu.sem_alloc : memref<!tpu.dma_semaphore, #tpu.memory_space<semaphore_mem>>
      %dma_start3A_105 = arith.constant 15488 : i32
      %dma_start3A_106 = tpu.memref_slice %arg7[%dma_start3A_105] : memref<16192xi32, #tpu.memory_space<vmem>> -> memref<352xi32, #tpu.memory_space<vmem>>
      %dma_start3A_107 = tpu.memref_slice %arg4[%run_scoped3A_16, %sub3A_14] : memref<2x500000xi32, #tpu.memory_space<hbm>> -> memref<1x352xi32, #tpu.memory_space<hbm>>
      %dma_start3A_108 = tpu.memref_squeeze %dma_start3A_107 : memref<1x352xi32, #tpu.memory_space<hbm>> -> memref<352xi32, #tpu.memory_space<hbm>>
      %dma_start3A_109 = arith.constant 15488 : i32
      %dma_start3A_110 = tpu.memref_slice %arg7[%dma_start3A_109] : memref<16192xi32, #tpu.memory_space<vmem>> -> memref<352xi32, #tpu.memory_space<vmem>>
      %dma_start3A_111 = tpu.memref_slice %arg4[%run_scoped3A_16, %sub3A_14] : memref<2x500000xi32, #tpu.memory_space<hbm>> -> memref<1x352xi32, #tpu.memory_space<hbm>>
      %dma_start3A_112 = tpu.memref_squeeze %dma_start3A_111 : memref<1x352xi32, #tpu.memory_space<hbm>> -> memref<352xi32, #tpu.memory_space<hbm>>
      tpu.enqueue_dma source(%dma_start3A_112 : memref<352xi32, #tpu.memory_space<hbm>>) target(%dma_start3A_110 : memref<352xi32, #tpu.memory_space<vmem>>) target_semaphore(%run_scoped3A_104 : memref<!tpu.dma_semaphore, #tpu.memory_space<semaphore_mem>>)
      %dma_wait3A_113 = arith.constant 15488 : i32
      %dma_wait3A_114 = tpu.memref_slice %arg7[%dma_wait3A_113] : memref<16192xi32, #tpu.memory_space<vmem>> -> memref<352xi32, #tpu.memory_space<vmem>>
      %dma_wait3A_115 = tpu.memref_slice %arg4[%run_scoped3A_16, %sub3A_14] : memref<2x500000xi32, #tpu.memory_space<hbm>> -> memref<1x352xi32, #tpu.memory_space<hbm>>
      %dma_wait3A_116 = tpu.memref_squeeze %dma_wait3A_115 : memref<1x352xi32, #tpu.memory_space<hbm>> -> memref<352xi32, #tpu.memory_space<hbm>>
      %dma_wait3A_117 = arith.constant 15488 : i32
      %dma_wait3A_118 = tpu.memref_slice %arg7[%dma_wait3A_117] : memref<16192xi32, #tpu.memory_space<vmem>> -> memref<352xi32, #tpu.memory_space<vmem>>
      %dma_wait3A_119 = tpu.memref_slice %arg4[%run_scoped3A_16, %sub3A_14] : memref<2x500000xi32, #tpu.memory_space<hbm>> -> memref<1x352xi32, #tpu.memory_space<hbm>>
      %dma_wait3A_120 = tpu.memref_squeeze %dma_wait3A_119 : memref<1x352xi32, #tpu.memory_space<hbm>> -> memref<352xi32, #tpu.memory_space<hbm>>
      tpu.wait_dma2 semaphore(%run_scoped3A_104 : memref<!tpu.dma_semaphore, #tpu.memory_space<semaphore_mem>>) src(%dma_wait3A_120 : memref<352xi32, #tpu.memory_space<hbm>>) dst(%dma_wait3A_118 : memref<352xi32, #tpu.memory_space<vmem>>)
      tpu.yield
    }) : () -> ()
    %sub3A_17 = arith.constant 32 : i32
    %sub3A_18 = arith.subi %sub3A_17, %add3A : i32
    %mul3A_19 = arith.constant 352 : i32
    %mul3A_20 = arith.muli %sub3A_18, %mul3A_19 : i32
    %sub3A_21 = arith.constant 500000 : i32
    %sub3A_22 = arith.subi %sub3A_21, %mul3A_20 : i32
    %run_scoped3A_23 = arith.constant 0 : i32
    "tpu.region"() ({
      %run_scoped3A_104 = tpu.sem_alloc : memref<!tpu.dma_semaphore, #tpu.memory_space<semaphore_mem>>
      %dma_start3A_105 = arith.constant 15840 : i32
      %dma_start3A_106 = tpu.memref_slice %arg6[%dma_start3A_105] : memref<16192xi32, #tpu.memory_space<vmem>> -> memref<352xi32, #tpu.memory_space<vmem>>
      %dma_start3A_107 = tpu.memref_slice %arg4[%run_scoped3A_23, %sub3A_22] : memref<2x500000xi32, #tpu.memory_space<hbm>> -> memref<1x352xi32, #tpu.memory_space<hbm>>
      %dma_start3A_108 = tpu.memref_squeeze %dma_start3A_107 : memref<1x352xi32, #tpu.memory_space<hbm>> -> memref<352xi32, #tpu.memory_space<hbm>>
      %dma_start3A_109 = arith.constant 15840 : i32
      %dma_start3A_110 = tpu.memref_slice %arg6[%dma_start3A_109] : memref<16192xi32, #tpu.memory_space<vmem>> -> memref<352xi32, #tpu.memory_space<vmem>>
      %dma_start3A_111 = tpu.memref_slice %arg4[%run_scoped3A_23, %sub3A_22] : memref<2x500000xi32, #tpu.memory_space<hbm>> -> memref<1x352xi32, #tpu.memory_space<hbm>>
      %dma_start3A_112 = tpu.memref_squeeze %dma_start3A_111 : memref<1x352xi32, #tpu.memory_space<hbm>> -> memref<352xi32, #tpu.memory_space<hbm>>
      tpu.enqueue_dma source(%dma_start3A_112 : memref<352xi32, #tpu.memory_space<hbm>>) target(%dma_start3A_110 : memref<352xi32, #tpu.memory_space<vmem>>) target_semaphore(%run_scoped3A_104 : memref<!tpu.dma_semaphore, #tpu.memory_space<semaphore_mem>>)
      %dma_wait3A_113 = arith.constant 15840 : i32
      %dma_wait3A_114 = tpu.memref_slice %arg6[%dma_wait3A_113] : memref<16192xi32, #tpu.memory_space<vmem>> -> memref<352xi32, #tpu.memory_space<vmem>>
      %dma_wait3A_115 = tpu.memref_slice %arg4[%run_scoped3A_23, %sub3A_22] : memref<2x500000xi32, #tpu.memory_space<hbm>> -> memref<1x352xi32, #tpu.memory_space<hbm>>
      %dma_wait3A_116 = tpu.memref_squeeze %dma_wait3A_115 : memref<1x352xi32, #tpu.memory_space<hbm>> -> memref<352xi32, #tpu.memory_space<hbm>>
      %dma_wait3A_117 = arith.constant 15840 : i32
      %dma_wait3A_118 = tpu.memref_slice %arg6[%dma_wait3A_117] : memref<16192xi32, #tpu.memory_space<vmem>> -> memref<352xi32, #tpu.memory_space<vmem>>
      %dma_wait3A_119 = tpu.memref_slice %arg4[%run_scoped3A_23, %sub3A_22] : memref<2x500000xi32, #tpu.memory_space<hbm>> -> memref<1x352xi32, #tpu.memory_space<hbm>>
      %dma_wait3A_120 = tpu.memref_squeeze %dma_wait3A_119 : memref<1x352xi32, #tpu.memory_space<hbm>> -> memref<352xi32, #tpu.memory_space<hbm>>
      tpu.wait_dma2 semaphore(%run_scoped3A_104 : memref<!tpu.dma_semaphore, #tpu.memory_space<semaphore_mem>>) src(%dma_wait3A_120 : memref<352xi32, #tpu.memory_space<hbm>>) dst(%dma_wait3A_118 : memref<352xi32, #tpu.memory_space<vmem>>)
      tpu.yield
    }) : () -> ()
    %run_scoped3A_24 = arith.constant 1 : i32
    "tpu.region"() ({
      %run_scoped3A_104 = tpu.sem_alloc : memref<!tpu.dma_semaphore, #tpu.memory_space<semaphore_mem>>
      %dma_start3A_105 = arith.constant 15840 : i32
      %dma_start3A_106 = tpu.memref_slice %arg7[%dma_start3A_105] : memref<16192xi32, #tpu.memory_space<vmem>> -> memref<352xi32, #tpu.memory_space<vmem>>
      %dma_start3A_107 = tpu.memref_slice %arg4[%run_scoped3A_24, %sub3A_22] : memref<2x500000xi32, #tpu.memory_space<hbm>> -> memref<1x352xi32, #tpu.memory_space<hbm>>
      %dma_start3A_108 = tpu.memref_squeeze %dma_start3A_107 : memref<1x352xi32, #tpu.memory_space<hbm>> -> memref<352xi32, #tpu.memory_space<hbm>>
      %dma_start3A_109 = arith.constant 15840 : i32
      %dma_start3A_110 = tpu.memref_slice %arg7[%dma_start3A_109] : memref<16192xi32, #tpu.memory_space<vmem>> -> memref<352xi32, #tpu.memory_space<vmem>>
      %dma_start3A_111 = tpu.memref_slice %arg4[%run_scoped3A_24, %sub3A_22] : memref<2x500000xi32, #tpu.memory_space<hbm>> -> memref<1x352xi32, #tpu.memory_space<hbm>>
      %dma_start3A_112 = tpu.memref_squeeze %dma_start3A_111 : memref<1x352xi32, #tpu.memory_space<hbm>> -> memref<352xi32, #tpu.memory_space<hbm>>
      tpu.enqueue_dma source(%dma_start3A_112 : memref<352xi32, #tpu.memory_space<hbm>>) target(%dma_start3A_110 : memref<352xi32, #tpu.memory_space<vmem>>) target_semaphore(%run_scoped3A_104 : memref<!tpu.dma_semaphore, #tpu.memory_space<semaphore_mem>>)
      %dma_wait3A_113 = arith.constant 15840 : i32
      %dma_wait3A_114 = tpu.memref_slice %arg7[%dma_wait3A_113] : memref<16192xi32, #tpu.memory_space<vmem>> -> memref<352xi32, #tpu.memory_space<vmem>>
      %dma_wait3A_115 = tpu.memref_slice %arg4[%run_scoped3A_24, %sub3A_22] : memref<2x500000xi32, #tpu.memory_space<hbm>> -> memref<1x352xi32, #tpu.memory_space<hbm>>
      %dma_wait3A_116 = tpu.memref_squeeze %dma_wait3A_115 : memref<1x352xi32, #tpu.memory_space<hbm>> -> memref<352xi32, #tpu.memory_space<hbm>>
      %dma_wait3A_117 = arith.constant 15840 : i32
      %dma_wait3A_118 = tpu.memref_slice %arg7[%dma_wait3A_117] : memref<16192xi32, #tpu.memory_space<vmem>> -> memref<352xi32, #tpu.memory_space<vmem>>
      %dma_wait3A_119 = tpu.memref_slice %arg4[%run_scoped3A_24, %sub3A_22] : memref<2x500000xi32, #tpu.memory_space<hbm>> -> memref<1x352xi32, #tpu.memory_space<hbm>>
      %dma_wait3A_120 = tpu.memref_squeeze %dma_wait3A_119 : memref<1x352xi32, #tpu.memory_space<hbm>> -> memref<352xi32, #tpu.memory_space<hbm>>
      tpu.wait_dma2 semaphore(%run_scoped3A_104 : memref<!tpu.dma_semaphore, #tpu.memory_space<semaphore_mem>>) src(%dma_wait3A_120 : memref<352xi32, #tpu.memory_space<hbm>>) dst(%dma_wait3A_118 : memref<352xi32, #tpu.memory_space<vmem>>)
      tpu.yield
    }) : () -> ()
    %dma_start3A = arith.constant 0 : i32
    %dma_start3A_25 = tpu.memref_slice %arg6[%dma_start3A] : memref<16192xi32, #tpu.memory_space<vmem>> -> memref<352xi32, #tpu.memory_space<vmem>>
    %dma_start3A_26 = arith.constant 0 : i32
    %dma_start3A_27 = arith.constant 0 : i32
    %dma_start3A_28 = tpu.memref_slice %arg2[%dma_start3A_26, %dma_start3A_27] : memref<100000x64xf32, #tpu.memory_space<hbm>> -> memref<100000x64xf32, #tpu.memory_space<hbm>>
    tpu.enqueue_indirect_dma source(%dma_start3A_28 : memref<100000x64xf32, #tpu.memory_space<hbm>>) target(%arg8 : memref<352x64xf32, #tpu.memory_space<vmem>>) offsets(%dma_start3A_25 : memref<352xi32, #tpu.memory_space<vmem>>) semaphore(%arg14 : memref<!tpu.dma_semaphore, #tpu.memory_space<semaphore_mem>>)
    %dma_start3A_29 = arith.constant 0 : i32
    %dma_start3A_30 = tpu.memref_slice %arg7[%dma_start3A_29] : memref<16192xi32, #tpu.memory_space<vmem>> -> memref<352xi32, #tpu.memory_space<vmem>>
    %dma_start3A_31 = arith.constant 0 : i32
    %dma_start3A_32 = arith.constant 0 : i32
    %dma_start3A_33 = tpu.memref_slice %arg3[%dma_start3A_31, %dma_start3A_32] : memref<100000x64xf32, #tpu.memory_space<hbm>> -> memref<100000x64xf32, #tpu.memory_space<hbm>>
    tpu.enqueue_indirect_dma source(%dma_start3A_33 : memref<100000x64xf32, #tpu.memory_space<hbm>>) target(%arg10 : memref<352x64xf32, #tpu.memory_space<vmem>>) offsets(%dma_start3A_30 : memref<352xi32, #tpu.memory_space<vmem>>) semaphore(%arg14 : memref<!tpu.dma_semaphore, #tpu.memory_space<semaphore_mem>>)
    %dma_start3A_34 = arith.constant 352 : i32
    %dma_start3A_35 = tpu.memref_slice %arg6[%dma_start3A_34] : memref<16192xi32, #tpu.memory_space<vmem>> -> memref<352xi32, #tpu.memory_space<vmem>>
    %dma_start3A_36 = arith.constant 0 : i32
    %dma_start3A_37 = arith.constant 0 : i32
    %dma_start3A_38 = tpu.memref_slice %arg2[%dma_start3A_36, %dma_start3A_37] : memref<100000x64xf32, #tpu.memory_space<hbm>> -> memref<100000x64xf32, #tpu.memory_space<hbm>>
    tpu.enqueue_indirect_dma source(%dma_start3A_38 : memref<100000x64xf32, #tpu.memory_space<hbm>>) target(%arg9 : memref<352x64xf32, #tpu.memory_space<vmem>>) offsets(%dma_start3A_35 : memref<352xi32, #tpu.memory_space<vmem>>) semaphore(%arg15 : memref<!tpu.dma_semaphore, #tpu.memory_space<semaphore_mem>>)
    %dma_start3A_39 = arith.constant 352 : i32
    %dma_start3A_40 = tpu.memref_slice %arg7[%dma_start3A_39] : memref<16192xi32, #tpu.memory_space<vmem>> -> memref<352xi32, #tpu.memory_space<vmem>>
    %dma_start3A_41 = arith.constant 0 : i32
    %dma_start3A_42 = arith.constant 0 : i32
    %dma_start3A_43 = tpu.memref_slice %arg3[%dma_start3A_41, %dma_start3A_42] : memref<100000x64xf32, #tpu.memory_space<hbm>> -> memref<100000x64xf32, #tpu.memory_space<hbm>>
    tpu.enqueue_indirect_dma source(%dma_start3A_43 : memref<100000x64xf32, #tpu.memory_space<hbm>>) target(%arg11 : memref<352x64xf32, #tpu.memory_space<vmem>>) offsets(%dma_start3A_40 : memref<352xi32, #tpu.memory_space<vmem>>) semaphore(%arg15 : memref<!tpu.dma_semaphore, #tpu.memory_space<semaphore_mem>>)
    %iota3A = tpu.iota {dimensions = array<i32: 0>} : vector<16xi32>
    %jit3A = arith.constant 8 : i32
    %eq3A = arith.constant 0 : i32
    %eq3A_44 = arith.cmpi eq, %jit3A, %eq3A : i32
    %jit3A_45 = arith.constant 1 : i32
    %select_n3A = arith.select %eq3A_44, %jit3A_45, %jit3A : i32
    %rem3A = vector.broadcast %select_n3A : i32 to vector<16xi32>
    %rem3A_46 = arith.remsi %iota3A, %rem3A : vector<16xi32>
    %ne3A = arith.constant 0 : i32
    %ne3A_47 = vector.broadcast %ne3A : i32 to vector<16xi32>
    %ne3A_48 = arith.cmpi ne, %rem3A_46, %ne3A_47 : vector<16xi32>
    %lt3A = arith.constant 0 : i32
    %lt3A_49 = vector.broadcast %lt3A : i32 to vector<16xi32>
    %lt3A_50 = arith.cmpi slt, %rem3A_46, %lt3A_49 : vector<16xi32>
    %lt3A_51 = arith.constant 0 : i32
    %lt3A_52 = arith.cmpi slt, %select_n3A, %lt3A_51 : i32
    %ne3A_53 = vector.broadcast %lt3A_52 : i1 to vector<16xi1>
    %ne3A_54 = vector.broadcast %ne3A_53 : vector<16xi1> to vector<16xi1>
    %ne3A_55 = arith.xori %lt3A_50, %ne3A_54 : vector<16xi1>
    %and3A = arith.andi %ne3A_55, %ne3A_48 : vector<16xi1>
    %add3A_56 = vector.broadcast %select_n3A : i32 to vector<16xi32>
    %add3A_57 = arith.addi %rem3A_46, %add3A_56 : vector<16xi32>
    %select_n3A_58 = arith.select %and3A, %add3A_57, %rem3A_46 : vector<16xi1>, vector<16xi32>
    %mul3A_59 = arith.constant 2 : i32
    %mul3A_60 = vector.broadcast %mul3A_59 : i32 to vector<16xi32>
    %mul3A_61 = arith.muli %select_n3A_58, %mul3A_60 : vector<16xi32>
    %add3A_62 = arith.constant 1 : i32
    %add3A_63 = vector.broadcast %add3A_62 : i32 to vector<16xi32>
    %add3A_64 = arith.addi %mul3A_61, %add3A_63 : vector<16xi32>
    %lt3A_65 = arith.constant 8 : i32
    %lt3A_66 = vector.broadcast %lt3A_65 : i32 to vector<16xi32>
    %lt3A_67 = arith.cmpi slt, %iota3A, %lt3A_66 : vector<16xi32>
    %scan3A = arith.constant 0 : i32
    %scan3A_68 = arith.constant 0 : i32
    %scan3A_69 = arith.constant 23 : i32
    %scan3A_70 = arith.addi %scan3A_68, %scan3A_69 : i32
    %scan3A_71 = arith.constant 1 : i32
    scf.for %scan3A_104 = %scan3A_68 to %scan3A_70 step %scan3A_71  : i32 {
      %mul3A_105 = arith.constant 2 : i32
      %mul3A_106 = arith.muli %scan3A_104, %mul3A_105 : i32
      %add3A_107 = arith.constant 0 : i32
      %add3A_108 = arith.addi %mul3A_106, %add3A_107 : i32
      %mul3A_109 = arith.constant 352 : i32
      %mul3A_110 = arith.muli %add3A_108, %mul3A_109 : i32
      %mul3A_111 = arith.constant 352 : i32
      %mul3A_112 = arith.muli %add3A_108, %mul3A_111 : i32
      %dma_wait3A_113 = tpu.memref_slice %arg6[%mul3A_110] : memref<16192xi32, #tpu.memory_space<vmem>> -> memref<352xi32, #tpu.memory_space<vmem>>
      %dma_wait3A_114 = arith.constant 0 : i32
      %dma_wait3A_115 = arith.constant 0 : i32
      %dma_wait3A_116 = tpu.memref_slice %arg2[%dma_wait3A_114, %dma_wait3A_115] : memref<100000x64xf32, #tpu.memory_space<hbm>> -> memref<100000x64xf32, #tpu.memory_space<hbm>>
      tpu.wait_indirect_dma semaphore(%arg14 : memref<!tpu.dma_semaphore, #tpu.memory_space<semaphore_mem>>) src(%dma_wait3A_116 : memref<100000x64xf32, #tpu.memory_space<hbm>>) dst(%arg8 : memref<352x64xf32, #tpu.memory_space<vmem>>)
      %dma_wait3A_117 = tpu.memref_slice %arg7[%mul3A_112] : memref<16192xi32, #tpu.memory_space<vmem>> -> memref<352xi32, #tpu.memory_space<vmem>>
      %dma_wait3A_118 = arith.constant 0 : i32
      %dma_wait3A_119 = arith.constant 0 : i32
      %dma_wait3A_120 = tpu.memref_slice %arg3[%dma_wait3A_118, %dma_wait3A_119] : memref<100000x64xf32, #tpu.memory_space<hbm>> -> memref<100000x64xf32, #tpu.memory_space<hbm>>
      tpu.wait_indirect_dma semaphore(%arg14 : memref<!tpu.dma_semaphore, #tpu.memory_space<semaphore_mem>>) src(%dma_wait3A_120 : memref<100000x64xf32, #tpu.memory_space<hbm>>) dst(%arg10 : memref<352x64xf32, #tpu.memory_space<vmem>>)
      %ge3A = arith.constant 2 : i32
      %ge3A_121 = arith.cmpi sge, %add3A_108, %ge3A : i32
      %convert_element_type3A = arith.extui %ge3A_121 : i1 to i32
      %cond3A = arith.constant 0 : i32
      %cond3A_122 = arith.cmpi ne, %convert_element_type3A, %cond3A : i32
      scf.if %cond3A_122 {
        %sub3A_206 = arith.constant 2 : i32
        %sub3A_207 = arith.subi %add3A_108, %sub3A_206 : i32
        %lt3A_208 = arith.constant 44 : i32
        %lt3A_209 = arith.cmpi slt, %sub3A_207, %lt3A_208 : i32
        %mul3A_210 = arith.constant 44 : i32
        %mul3A_211 = arith.muli %add3A, %mul3A_210 : i32
        %add3A_212 = arith.addi %mul3A_211, %sub3A_207 : i32
        %mul3A_213 = arith.constant 352 : i32
        %mul3A_214 = arith.muli %add3A_212, %mul3A_213 : i32
        %sub3A_215 = arith.constant 46 : i32
        %sub3A_216 = arith.subi %sub3A_215, %sub3A_207 : i32
        %mul3A_217 = arith.constant 32 : i32
        %mul3A_218 = arith.muli %sub3A_216, %mul3A_217 : i32
        %sub3A_219 = arith.subi %mul3A_218, %add3A : i32
        %mul3A_220 = arith.constant 352 : i32
        %mul3A_221 = arith.muli %sub3A_219, %mul3A_220 : i32
        %sub3A_222 = arith.constant 500000 : i32
        %sub3A_223 = arith.subi %sub3A_222, %mul3A_221 : i32
        %select_n3A_224 = arith.select %lt3A_209, %mul3A_214, %sub3A_223 : i32
        %dma_wait3A_225 = tpu.memref_slice %arg5[%select_n3A_224] : memref<500000xf32, #tpu.memory_space<hbm>> -> memref<352xf32, #tpu.memory_space<hbm>>
        %dma_wait3A_226 = tpu.memref_slice %arg5[%select_n3A_224] : memref<500000xf32, #tpu.memory_space<hbm>> -> memref<352xf32, #tpu.memory_space<hbm>>
        tpu.wait_dma2 semaphore(%arg16 : memref<!tpu.dma_semaphore, #tpu.memory_space<semaphore_mem>>) src(%arg12 : memref<352xf32, #tpu.memory_space<vmem>>) dst(%dma_wait3A_226 : memref<352xf32, #tpu.memory_space<hbm>>)
      } else {
      }
      %scan3A_123 = arith.constant 0 : i32
      %scan3A_124 = arith.constant 0 : i32
      %scan3A_125 = arith.constant 22 : i32
      %scan3A_126 = arith.addi %scan3A_124, %scan3A_125 : i32
      %scan3A_127 = arith.constant 1 : i32
      scf.for %scan3A_206 = %scan3A_124 to %scan3A_126 step %scan3A_127  : i32 {
        %mul3A_207 = arith.constant 16 : i32
        %mul3A_208 = arith.muli %scan3A_206, %mul3A_207 : i32
        %add3A_209 = arith.constant 0 : i32
        %add3A_210 = arith.addi %mul3A_208, %add3A_209 : i32
        %get3A = arith.index_cast %add3A_210 : i32 to index
        %get3A_211 = arith.constant 0 : index
        %get3A_212 = tpu.vector_load %arg8[%get3A, %get3A_211] {strides = array<i32>} : memref<352x64xf32, #tpu.memory_space<vmem>>, vector<16xf32>,
        %get3A_213 = arith.index_cast %add3A_210 : i32 to index
        %get3A_214 = arith.constant 0 : index
        %get3A_215 = tpu.vector_load %arg10[%get3A_213, %get3A_214] {strides = array<i32>} : memref<352x64xf32, #tpu.memory_space<vmem>>, vector<16xf32>,
        %mul3A_216 = arith.mulf %get3A_212, %get3A_215 : vector<16xf32>
        %get3A_217 = arith.index_cast %add3A_210 : i32 to index
        %get3A_218 = arith.constant 16 : index
        %get3A_219 = tpu.vector_load %arg8[%get3A_217, %get3A_218] {strides = array<i32>} : memref<352x64xf32, #tpu.memory_space<vmem>>, vector<16xf32>,
        %get3A_220 = arith.index_cast %add3A_210 : i32 to index
        %get3A_221 = arith.constant 16 : index
        %get3A_222 = tpu.vector_load %arg10[%get3A_220, %get3A_221] {strides = array<i32>} : memref<352x64xf32, #tpu.memory_space<vmem>>, vector<16xf32>,
        %mul3A_223 = arith.mulf %get3A_219, %get3A_222 : vector<16xf32>
        %add3A_224 = arith.addf %mul3A_216, %mul3A_223 : vector<16xf32>
        %get3A_225 = arith.index_cast %add3A_210 : i32 to index
        %get3A_226 = arith.constant 32 : index
        %get3A_227 = tpu.vector_load %arg8[%get3A_225, %get3A_226] {strides = array<i32>} : memref<352x64xf32, #tpu.memory_space<vmem>>, vector<16xf32>,
        %get3A_228 = arith.index_cast %add3A_210 : i32 to index
        %get3A_229 = arith.constant 32 : index
        %get3A_230 = tpu.vector_load %arg10[%get3A_228, %get3A_229] {strides = array<i32>} : memref<352x64xf32, #tpu.memory_space<vmem>>, vector<16xf32>,
        %mul3A_231 = arith.mulf %get3A_227, %get3A_230 : vector<16xf32>
        %add3A_232 = arith.addf %add3A_224, %mul3A_231 : vector<16xf32>
        %get3A_233 = arith.index_cast %add3A_210 : i32 to index
        %get3A_234 = arith.constant 48 : index
        %get3A_235 = tpu.vector_load %arg8[%get3A_233, %get3A_234] {strides = array<i32>} : memref<352x64xf32, #tpu.memory_space<vmem>>, vector<16xf32>,
        %get3A_236 = arith.index_cast %add3A_210 : i32 to index
        %get3A_237 = arith.constant 48 : index
        %get3A_238 = tpu.vector_load %arg10[%get3A_236, %get3A_237] {strides = array<i32>} : memref<352x64xf32, #tpu.memory_space<vmem>>, vector<16xf32>,
        %mul3A_239 = arith.mulf %get3A_235, %get3A_238 : vector<16xf32>
        %add3A_240 = arith.addf %add3A_232, %mul3A_239 : vector<16xf32>
        %add3A_241 = arith.constant 1 : i32
        %add3A_242 = arith.addi %mul3A_208, %add3A_241 : i32
        %get3A_243 = arith.index_cast %add3A_242 : i32 to index
        %get3A_244 = arith.constant 0 : index
        %get3A_245 = tpu.vector_load %arg8[%get3A_243, %get3A_244] {strides = array<i32>} : memref<352x64xf32, #tpu.memory_space<vmem>>, vector<16xf32>,
        %get3A_246 = arith.index_cast %add3A_242 : i32 to index
        %get3A_247 = arith.constant 0 : index
        %get3A_248 = tpu.vector_load %arg10[%get3A_246, %get3A_247] {strides = array<i32>} : memref<352x64xf32, #tpu.memory_space<vmem>>, vector<16xf32>,
        %mul3A_249 = arith.mulf %get3A_245, %get3A_248 : vector<16xf32>
        %get3A_250 = arith.index_cast %add3A_242 : i32 to index
        %get3A_251 = arith.constant 16 : index
        %get3A_252 = tpu.vector_load %arg8[%get3A_250, %get3A_251] {strides = array<i32>} : memref<352x64xf32, #tpu.memory_space<vmem>>, vector<16xf32>,
        %get3A_253 = arith.index_cast %add3A_242 : i32 to index
        %get3A_254 = arith.constant 16 : index
        %get3A_255 = tpu.vector_load %arg10[%get3A_253, %get3A_254] {strides = array<i32>} : memref<352x64xf32, #tpu.memory_space<vmem>>, vector<16xf32>,
        %mul3A_256 = arith.mulf %get3A_252, %get3A_255 : vector<16xf32>
        %add3A_257 = arith.addf %mul3A_249, %mul3A_256 : vector<16xf32>
        %get3A_258 = arith.index_cast %add3A_242 : i32 to index
        %get3A_259 = arith.constant 32 : index
        %get3A_260 = tpu.vector_load %arg8[%get3A_258, %get3A_259] {strides = array<i32>} : memref<352x64xf32, #tpu.memory_space<vmem>>, vector<16xf32>,
        %get3A_261 = arith.index_cast %add3A_242 : i32 to index
        %get3A_262 = arith.constant 32 : index
        %get3A_263 = tpu.vector_load %arg10[%get3A_261, %get3A_262] {strides = array<i32>} : memref<352x64xf32, #tpu.memory_space<vmem>>, vector<16xf32>,
        %mul3A_264 = arith.mulf %get3A_260, %get3A_263 : vector<16xf32>
        %add3A_265 = arith.addf %add3A_257, %mul3A_264 : vector<16xf32>
        %get3A_266 = arith.index_cast %add3A_242 : i32 to index
        %get3A_267 = arith.constant 48 : index
        %get3A_268 = tpu.vector_load %arg8[%get3A_266, %get3A_267] {strides = array<i32>} : memref<352x64xf32, #tpu.memory_space<vmem>>, vector<16xf32>,
        %get3A_269 = arith.index_cast %add3A_242 : i32 to index
        %get3A_270 = arith.constant 48 : index
        %get3A_271 = tpu.vector_load %arg10[%get3A_269, %get3A_270] {strides = array<i32>} : memref<352x64xf32, #tpu.memory_space<vmem>>, vector<16xf32>,
        %mul3A_272 = arith.mulf %get3A_268, %get3A_271 : vector<16xf32>
        %add3A_273 = arith.addf %add3A_265, %mul3A_272 : vector<16xf32>
        %add3A_274 = arith.constant 2 : i32
        %add3A_275 = arith.addi %mul3A_208, %add3A_274 : i32
        %get3A_276 = arith.index_cast %add3A_275 : i32 to index
        %get3A_277 = arith.constant 0 : index
        %get3A_278 = tpu.vector_load %arg8[%get3A_276, %get3A_277] {strides = array<i32>} : memref<352x64xf32, #tpu.memory_space<vmem>>, vector<16xf32>,
        %get3A_279 = arith.index_cast %add3A_275 : i32 to index
        %get3A_280 = arith.constant 0 : index
        %get3A_281 = tpu.vector_load %arg10[%get3A_279, %get3A_280] {strides = array<i32>} : memref<352x64xf32, #tpu.memory_space<vmem>>, vector<16xf32>,
        %mul3A_282 = arith.mulf %get3A_278, %get3A_281 : vector<16xf32>
        %get3A_283 = arith.index_cast %add3A_275 : i32 to index
        %get3A_284 = arith.constant 16 : index
        %get3A_285 = tpu.vector_load %arg8[%get3A_283, %get3A_284] {strides = array<i32>} : memref<352x64xf32, #tpu.memory_space<vmem>>, vector<16xf32>,
        %get3A_286 = arith.index_cast %add3A_275 : i32 to index
        %get3A_287 = arith.constant 16 : index
        %get3A_288 = tpu.vector_load %arg10[%get3A_286, %get3A_287] {strides = array<i32>} : memref<352x64xf32, #tpu.memory_space<vmem>>, vector<16xf32>,
        %mul3A_289 = arith.mulf %get3A_285, %get3A_288 : vector<16xf32>
        %add3A_290 = arith.addf %mul3A_282, %mul3A_289 : vector<16xf32>
        %get3A_291 = arith.index_cast %add3A_275 : i32 to index
        %get3A_292 = arith.constant 32 : index
        %get3A_293 = tpu.vector_load %arg8[%get3A_291, %get3A_292] {strides = array<i32>} : memref<352x64xf32, #tpu.memory_space<vmem>>, vector<16xf32>,
        %get3A_294 = arith.index_cast %add3A_275 : i32 to index
        %get3A_295 = arith.constant 32 : index
        %get3A_296 = tpu.vector_load %arg10[%get3A_294, %get3A_295] {strides = array<i32>} : memref<352x64xf32, #tpu.memory_space<vmem>>, vector<16xf32>,
        %mul3A_297 = arith.mulf %get3A_293, %get3A_296 : vector<16xf32>
        %add3A_298 = arith.addf %add3A_290, %mul3A_297 : vector<16xf32>
        %get3A_299 = arith.index_cast %add3A_275 : i32 to index
        %get3A_300 = arith.constant 48 : index
        %get3A_301 = tpu.vector_load %arg8[%get3A_299, %get3A_300] {strides = array<i32>} : memref<352x64xf32, #tpu.memory_space<vmem>>, vector<16xf32>,
        %get3A_302 = arith.index_cast %add3A_275 : i32 to index
        %get3A_303 = arith.constant 48 : index
        %get3A_304 = tpu.vector_load %arg10[%get3A_302, %get3A_303] {strides = array<i32>} : memref<352x64xf32, #tpu.memory_space<vmem>>, vector<16xf32>,
        %mul3A_305 = arith.mulf %get3A_301, %get3A_304 : vector<16xf32>
        %add3A_306 = arith.addf %add3A_298, %mul3A_305 : vector<16xf32>
        %add3A_307 = arith.constant 3 : i32
        %add3A_308 = arith.addi %mul3A_208, %add3A_307 : i32
        %get3A_309 = arith.index_cast %add3A_308 : i32 to index
        %get3A_310 = arith.constant 0 : index
        %get3A_311 = tpu.vector_load %arg8[%get3A_309, %get3A_310] {strides = array<i32>} : memref<352x64xf32, #tpu.memory_space<vmem>>, vector<16xf32>,
        %get3A_312 = arith.index_cast %add3A_308 : i32 to index
        %get3A_313 = arith.constant 0 : index
        %get3A_314 = tpu.vector_load %arg10[%get3A_312, %get3A_313] {strides = array<i32>} : memref<352x64xf32, #tpu.memory_space<vmem>>, vector<16xf32>,
        %mul3A_315 = arith.mulf %get3A_311, %get3A_314 : vector<16xf32>
        %get3A_316 = arith.index_cast %add3A_308 : i32 to index
        %get3A_317 = arith.constant 16 : index
        %get3A_318 = tpu.vector_load %arg8[%get3A_316, %get3A_317] {strides = array<i32>} : memref<352x64xf32, #tpu.memory_space<vmem>>, vector<16xf32>,
        %get3A_319 = arith.index_cast %add3A_308 : i32 to index
        %get3A_320 = arith.constant 16 : index
        %get3A_321 = tpu.vector_load %arg10[%get3A_319, %get3A_320] {strides = array<i32>} : memref<352x64xf32, #tpu.memory_space<vmem>>, vector<16xf32>,
        %mul3A_322 = arith.mulf %get3A_318, %get3A_321 : vector<16xf32>
        %add3A_323 = arith.addf %mul3A_315, %mul3A_322 : vector<16xf32>
        %get3A_324 = arith.index_cast %add3A_308 : i32 to index
        %get3A_325 = arith.constant 32 : index
        %get3A_326 = tpu.vector_load %arg8[%get3A_324, %get3A_325] {strides = array<i32>} : memref<352x64xf32, #tpu.memory_space<vmem>>, vector<16xf32>,
        %get3A_327 = arith.index_cast %add3A_308 : i32 to index
        %get3A_328 = arith.constant 32 : index
        %get3A_329 = tpu.vector_load %arg10[%get3A_327, %get3A_328] {strides = array<i32>} : memref<352x64xf32, #tpu.memory_space<vmem>>, vector<16xf32>,
        %mul3A_330 = arith.mulf %get3A_326, %get3A_329 : vector<16xf32>
        %add3A_331 = arith.addf %add3A_323, %mul3A_330 : vector<16xf32>
        %get3A_332 = arith.index_cast %add3A_308 : i32 to index
        %get3A_333 = arith.constant 48 : index
        %get3A_334 = tpu.vector_load %arg8[%get3A_332, %get3A_333] {strides = array<i32>} : memref<352x64xf32, #tpu.memory_space<vmem>>, vector<16xf32>,
        %get3A_335 = arith.index_cast %add3A_308 : i32 to index
        %get3A_336 = arith.constant 48 : index
        %get3A_337 = tpu.vector_load %arg10[%get3A_335, %get3A_336] {strides = array<i32>} : memref<352x64xf32, #tpu.memory_space<vmem>>, vector<16xf32>,
        %mul3A_338 = arith.mulf %get3A_334, %get3A_337 : vector<16xf32>
        %add3A_339 = arith.addf %add3A_331, %mul3A_338 : vector<16xf32>
        %add3A_340 = arith.constant 4 : i32
        %add3A_341 = arith.addi %mul3A_208, %add3A_340 : i32
        %get3A_342 = arith.index_cast %add3A_341 : i32 to index
        %get3A_343 = arith.constant 0 : index
        %get3A_344 = tpu.vector_load %arg8[%get3A_342, %get3A_343] {strides = array<i32>} : memref<352x64xf32, #tpu.memory_space<vmem>>, vector<16xf32>,
        %get3A_345 = arith.index_cast %add3A_341 : i32 to index
        %get3A_346 = arith.constant 0 : index
        %get3A_347 = tpu.vector_load %arg10[%get3A_345, %get3A_346] {strides = array<i32>} : memref<352x64xf32, #tpu.memory_space<vmem>>, vector<16xf32>,
        %mul3A_348 = arith.mulf %get3A_344, %get3A_347 : vector<16xf32>
        %get3A_349 = arith.index_cast %add3A_341 : i32 to index
        %get3A_350 = arith.constant 16 : index
        %get3A_351 = tpu.vector_load %arg8[%get3A_349, %get3A_350] {strides = array<i32>} : memref<352x64xf32, #tpu.memory_space<vmem>>, vector<16xf32>,
        %get3A_352 = arith.index_cast %add3A_341 : i32 to index
        %get3A_353 = arith.constant 16 : index
        %get3A_354 = tpu.vector_load %arg10[%get3A_352, %get3A_353] {strides = array<i32>} : memref<352x64xf32, #tpu.memory_space<vmem>>, vector<16xf32>,
        %mul3A_355 = arith.mulf %get3A_351, %get3A_354 : vector<16xf32>
        %add3A_356 = arith.addf %mul3A_348, %mul3A_355 : vector<16xf32>
        %get3A_357 = arith.index_cast %add3A_341 : i32 to index
        %get3A_358 = arith.constant 32 : index
        %get3A_359 = tpu.vector_load %arg8[%get3A_357, %get3A_358] {strides = array<i32>} : memref<352x64xf32, #tpu.memory_space<vmem>>, vector<16xf32>,
        %get3A_360 = arith.index_cast %add3A_341 : i32 to index
        %get3A_361 = arith.constant 32 : index
        %get3A_362 = tpu.vector_load %arg10[%get3A_360, %get3A_361] {strides = array<i32>} : memref<352x64xf32, #tpu.memory_space<vmem>>, vector<16xf32>,
        %mul3A_363 = arith.mulf %get3A_359, %get3A_362 : vector<16xf32>
        %add3A_364 = arith.addf %add3A_356, %mul3A_363 : vector<16xf32>
        %get3A_365 = arith.index_cast %add3A_341 : i32 to index
        %get3A_366 = arith.constant 48 : index
        %get3A_367 = tpu.vector_load %arg8[%get3A_365, %get3A_366] {strides = array<i32>} : memref<352x64xf32, #tpu.memory_space<vmem>>, vector<16xf32>,
        %get3A_368 = arith.index_cast %add3A_341 : i32 to index
        %get3A_369 = arith.constant 48 : index
        %get3A_370 = tpu.vector_load %arg10[%get3A_368, %get3A_369] {strides = array<i32>} : memref<352x64xf32, #tpu.memory_space<vmem>>, vector<16xf32>,
        %mul3A_371 = arith.mulf %get3A_367, %get3A_370 : vector<16xf32>
        %add3A_372 = arith.addf %add3A_364, %mul3A_371 : vector<16xf32>
        %add3A_373 = arith.constant 5 : i32
        %add3A_374 = arith.addi %mul3A_208, %add3A_373 : i32
        %get3A_375 = arith.index_cast %add3A_374 : i32 to index
        %get3A_376 = arith.constant 0 : index
        %get3A_377 = tpu.vector_load %arg8[%get3A_375, %get3A_376] {strides = array<i32>} : memref<352x64xf32, #tpu.memory_space<vmem>>, vector<16xf32>,
        %get3A_378 = arith.index_cast %add3A_374 : i32 to index
        %get3A_379 = arith.constant 0 : index
        %get3A_380 = tpu.vector_load %arg10[%get3A_378, %get3A_379] {strides = array<i32>} : memref<352x64xf32, #tpu.memory_space<vmem>>, vector<16xf32>,
        %mul3A_381 = arith.mulf %get3A_377, %get3A_380 : vector<16xf32>
        %get3A_382 = arith.index_cast %add3A_374 : i32 to index
        %get3A_383 = arith.constant 16 : index
        %get3A_384 = tpu.vector_load %arg8[%get3A_382, %get3A_383] {strides = array<i32>} : memref<352x64xf32, #tpu.memory_space<vmem>>, vector<16xf32>,
        %get3A_385 = arith.index_cast %add3A_374 : i32 to index
        %get3A_386 = arith.constant 16 : index
        %get3A_387 = tpu.vector_load %arg10[%get3A_385, %get3A_386] {strides = array<i32>} : memref<352x64xf32, #tpu.memory_space<vmem>>, vector<16xf32>,
        %mul3A_388 = arith.mulf %get3A_384, %get3A_387 : vector<16xf32>
        %add3A_389 = arith.addf %mul3A_381, %mul3A_388 : vector<16xf32>
        %get3A_390 = arith.index_cast %add3A_374 : i32 to index
        %get3A_391 = arith.constant 32 : index
        %get3A_392 = tpu.vector_load %arg8[%get3A_390, %get3A_391] {strides = array<i32>} : memref<352x64xf32, #tpu.memory_space<vmem>>, vector<16xf32>,
        %get3A_393 = arith.index_cast %add3A_374 : i32 to index
        %get3A_394 = arith.constant 32 : index
        %get3A_395 = tpu.vector_load %arg10[%get3A_393, %get3A_394] {strides = array<i32>} : memref<352x64xf32, #tpu.memory_space<vmem>>, vector<16xf32>,
        %mul3A_396 = arith.mulf %get3A_392, %get3A_395 : vector<16xf32>
        %add3A_397 = arith.addf %add3A_389, %mul3A_396 : vector<16xf32>
        %get3A_398 = arith.index_cast %add3A_374 : i32 to index
        %get3A_399 = arith.constant 48 : index
        %get3A_400 = tpu.vector_load %arg8[%get3A_398, %get3A_399] {strides = array<i32>} : memref<352x64xf32, #tpu.memory_space<vmem>>, vector<16xf32>,
        %get3A_401 = arith.index_cast %add3A_374 : i32 to index
        %get3A_402 = arith.constant 48 : index
        %get3A_403 = tpu.vector_load %arg10[%get3A_401, %get3A_402] {strides = array<i32>} : memref<352x64xf32, #tpu.memory_space<vmem>>, vector<16xf32>,
        %mul3A_404 = arith.mulf %get3A_400, %get3A_403 : vector<16xf32>
        %add3A_405 = arith.addf %add3A_397, %mul3A_404 : vector<16xf32>
        %add3A_406 = arith.constant 6 : i32
        %add3A_407 = arith.addi %mul3A_208, %add3A_406 : i32
        %get3A_408 = arith.index_cast %add3A_407 : i32 to index
        %get3A_409 = arith.constant 0 : index
        %get3A_410 = tpu.vector_load %arg8[%get3A_408, %get3A_409] {strides = array<i32>} : memref<352x64xf32, #tpu.memory_space<vmem>>, vector<16xf32>,
        %get3A_411 = arith.index_cast %add3A_407 : i32 to index
        %get3A_412 = arith.constant 0 : index
        %get3A_413 = tpu.vector_load %arg10[%get3A_411, %get3A_412] {strides = array<i32>} : memref<352x64xf32, #tpu.memory_space<vmem>>, vector<16xf32>,
        %mul3A_414 = arith.mulf %get3A_410, %get3A_413 : vector<16xf32>
        %get3A_415 = arith.index_cast %add3A_407 : i32 to index
        %get3A_416 = arith.constant 16 : index
        %get3A_417 = tpu.vector_load %arg8[%get3A_415, %get3A_416] {strides = array<i32>} : memref<352x64xf32, #tpu.memory_space<vmem>>, vector<16xf32>,
        %get3A_418 = arith.index_cast %add3A_407 : i32 to index
        %get3A_419 = arith.constant 16 : index
        %get3A_420 = tpu.vector_load %arg10[%get3A_418, %get3A_419] {strides = array<i32>} : memref<352x64xf32, #tpu.memory_space<vmem>>, vector<16xf32>,
        %mul3A_421 = arith.mulf %get3A_417, %get3A_420 : vector<16xf32>
        %add3A_422 = arith.addf %mul3A_414, %mul3A_421 : vector<16xf32>
        %get3A_423 = arith.index_cast %add3A_407 : i32 to index
        %get3A_424 = arith.constant 32 : index
        %get3A_425 = tpu.vector_load %arg8[%get3A_423, %get3A_424] {strides = array<i32>} : memref<352x64xf32, #tpu.memory_space<vmem>>, vector<16xf32>,
        %get3A_426 = arith.index_cast %add3A_407 : i32 to index
        %get3A_427 = arith.constant 32 : index
        %get3A_428 = tpu.vector_load %arg10[%get3A_426, %get3A_427] {strides = array<i32>} : memref<352x64xf32, #tpu.memory_space<vmem>>, vector<16xf32>,
        %mul3A_429 = arith.mulf %get3A_425, %get3A_428 : vector<16xf32>
        %add3A_430 = arith.addf %add3A_422, %mul3A_429 : vector<16xf32>
        %get3A_431 = arith.index_cast %add3A_407 : i32 to index
        %get3A_432 = arith.constant 48 : index
        %get3A_433 = tpu.vector_load %arg8[%get3A_431, %get3A_432] {strides = array<i32>} : memref<352x64xf32, #tpu.memory_space<vmem>>, vector<16xf32>,
        %get3A_434 = arith.index_cast %add3A_407 : i32 to index
        %get3A_435 = arith.constant 48 : index
        %get3A_436 = tpu.vector_load %arg10[%get3A_434, %get3A_435] {strides = array<i32>} : memref<352x64xf32, #tpu.memory_space<vmem>>, vector<16xf32>,
        %mul3A_437 = arith.mulf %get3A_433, %get3A_436 : vector<16xf32>
        %add3A_438 = arith.addf %add3A_430, %mul3A_437 : vector<16xf32>
        %add3A_439 = arith.constant 7 : i32
        %add3A_440 = arith.addi %mul3A_208, %add3A_439 : i32
        %get3A_441 = arith.index_cast %add3A_440 : i32 to index
        %get3A_442 = arith.constant 0 : index
        %get3A_443 = tpu.vector_load %arg8[%get3A_441, %get3A_442] {strides = array<i32>} : memref<352x64xf32, #tpu.memory_space<vmem>>, vector<16xf32>,
        %get3A_444 = arith.index_cast %add3A_440 : i32 to index
        %get3A_445 = arith.constant 0 : index
        %get3A_446 = tpu.vector_load %arg10[%get3A_444, %get3A_445] {strides = array<i32>} : memref<352x64xf32, #tpu.memory_space<vmem>>, vector<16xf32>,
        %mul3A_447 = arith.mulf %get3A_443, %get3A_446 : vector<16xf32>
        %get3A_448 = arith.index_cast %add3A_440 : i32 to index
        %get3A_449 = arith.constant 16 : index
        %get3A_450 = tpu.vector_load %arg8[%get3A_448, %get3A_449] {strides = array<i32>} : memref<352x64xf32, #tpu.memory_space<vmem>>, vector<16xf32>,
        %get3A_451 = arith.index_cast %add3A_440 : i32 to index
        %get3A_452 = arith.constant 16 : index
        %get3A_453 = tpu.vector_load %arg10[%get3A_451, %get3A_452] {strides = array<i32>} : memref<352x64xf32, #tpu.memory_space<vmem>>, vector<16xf32>,
        %mul3A_454 = arith.mulf %get3A_450, %get3A_453 : vector<16xf32>
        %add3A_455 = arith.addf %mul3A_447, %mul3A_454 : vector<16xf32>
        %get3A_456 = arith.index_cast %add3A_440 : i32 to index
        %get3A_457 = arith.constant 32 : index
        %get3A_458 = tpu.vector_load %arg8[%get3A_456, %get3A_457] {strides = array<i32>} : memref<352x64xf32, #tpu.memory_space<vmem>>, vector<16xf32>,
        %get3A_459 = arith.index_cast %add3A_440 : i32 to index
        %get3A_460 = arith.constant 32 : index
        %get3A_461 = tpu.vector_load %arg10[%get3A_459, %get3A_460] {strides = array<i32>} : memref<352x64xf32, #tpu.memory_space<vmem>>, vector<16xf32>,
        %mul3A_462 = arith.mulf %get3A_458, %get3A_461 : vector<16xf32>
        %add3A_463 = arith.addf %add3A_455, %mul3A_462 : vector<16xf32>
        %get3A_464 = arith.index_cast %add3A_440 : i32 to index
        %get3A_465 = arith.constant 48 : index
        %get3A_466 = tpu.vector_load %arg8[%get3A_464, %get3A_465] {strides = array<i32>} : memref<352x64xf32, #tpu.memory_space<vmem>>, vector<16xf32>,
        %get3A_467 = arith.index_cast %add3A_440 : i32 to index
        %get3A_468 = arith.constant 48 : index
        %get3A_469 = tpu.vector_load %arg10[%get3A_467, %get3A_468] {strides = array<i32>} : memref<352x64xf32, #tpu.memory_space<vmem>>, vector<16xf32>,
        %mul3A_470 = arith.mulf %get3A_466, %get3A_469 : vector<16xf32>
        %add3A_471 = arith.addf %add3A_463, %mul3A_470 : vector<16xf32>
        %add3A_472 = arith.constant 8 : i32
        %add3A_473 = arith.addi %mul3A_208, %add3A_472 : i32
        %get3A_474 = arith.index_cast %add3A_473 : i32 to index
        %get3A_475 = arith.constant 0 : index
        %get3A_476 = tpu.vector_load %arg8[%get3A_474, %get3A_475] {strides = array<i32>} : memref<352x64xf32, #tpu.memory_space<vmem>>, vector<16xf32>,
        %get3A_477 = arith.index_cast %add3A_473 : i32 to index
        %get3A_478 = arith.constant 0 : index
        %get3A_479 = tpu.vector_load %arg10[%get3A_477, %get3A_478] {strides = array<i32>} : memref<352x64xf32, #tpu.memory_space<vmem>>, vector<16xf32>,
        %mul3A_480 = arith.mulf %get3A_476, %get3A_479 : vector<16xf32>
        %get3A_481 = arith.index_cast %add3A_473 : i32 to index
        %get3A_482 = arith.constant 16 : index
        %get3A_483 = tpu.vector_load %arg8[%get3A_481, %get3A_482] {strides = array<i32>} : memref<352x64xf32, #tpu.memory_space<vmem>>, vector<16xf32>,
        %get3A_484 = arith.index_cast %add3A_473 : i32 to index
        %get3A_485 = arith.constant 16 : index
        %get3A_486 = tpu.vector_load %arg10[%get3A_484, %get3A_485] {strides = array<i32>} : memref<352x64xf32, #tpu.memory_space<vmem>>, vector<16xf32>,
        %mul3A_487 = arith.mulf %get3A_483, %get3A_486 : vector<16xf32>
        %add3A_488 = arith.addf %mul3A_480, %mul3A_487 : vector<16xf32>
        %get3A_489 = arith.index_cast %add3A_473 : i32 to index
        %get3A_490 = arith.constant 32 : index
        %get3A_491 = tpu.vector_load %arg8[%get3A_489, %get3A_490] {strides = array<i32>} : memref<352x64xf32, #tpu.memory_space<vmem>>, vector<16xf32>,
        %get3A_492 = arith.index_cast %add3A_473 : i32 to index
        %get3A_493 = arith.constant 32 : index
        %get3A_494 = tpu.vector_load %arg10[%get3A_492, %get3A_493] {strides = array<i32>} : memref<352x64xf32, #tpu.memory_space<vmem>>, vector<16xf32>,
        %mul3A_495 = arith.mulf %get3A_491, %get3A_494 : vector<16xf32>
        %add3A_496 = arith.addf %add3A_488, %mul3A_495 : vector<16xf32>
        %get3A_497 = arith.index_cast %add3A_473 : i32 to index
        %get3A_498 = arith.constant 48 : index
        %get3A_499 = tpu.vector_load %arg8[%get3A_497, %get3A_498] {strides = array<i32>} : memref<352x64xf32, #tpu.memory_space<vmem>>, vector<16xf32>,
        %get3A_500 = arith.index_cast %add3A_473 : i32 to index
        %get3A_501 = arith.constant 48 : index
        %get3A_502 = tpu.vector_load %arg10[%get3A_500, %get3A_501] {strides = array<i32>} : memref<352x64xf32, #tpu.memory_space<vmem>>, vector<16xf32>,
        %mul3A_503 = arith.mulf %get3A_499, %get3A_502 : vector<16xf32>
        %add3A_504 = arith.addf %add3A_496, %mul3A_503 : vector<16xf32>
        %add3A_505 = arith.constant 9 : i32
        %add3A_506 = arith.addi %mul3A_208, %add3A_505 : i32
        %get3A_507 = arith.index_cast %add3A_506 : i32 to index
        %get3A_508 = arith.constant 0 : index
        %get3A_509 = tpu.vector_load %arg8[%get3A_507, %get3A_508] {strides = array<i32>} : memref<352x64xf32, #tpu.memory_space<vmem>>, vector<16xf32>,
        %get3A_510 = arith.index_cast %add3A_506 : i32 to index
        %get3A_511 = arith.constant 0 : index
        %get3A_512 = tpu.vector_load %arg10[%get3A_510, %get3A_511] {strides = array<i32>} : memref<352x64xf32, #tpu.memory_space<vmem>>, vector<16xf32>,
        %mul3A_513 = arith.mulf %get3A_509, %get3A_512 : vector<16xf32>
        %get3A_514 = arith.index_cast %add3A_506 : i32 to index
        %get3A_515 = arith.constant 16 : index
        %get3A_516 = tpu.vector_load %arg8[%get3A_514, %get3A_515] {strides = array<i32>} : memref<352x64xf32, #tpu.memory_space<vmem>>, vector<16xf32>,
        %get3A_517 = arith.index_cast %add3A_506 : i32 to index
        %get3A_518 = arith.constant 16 : index
        %get3A_519 = tpu.vector_load %arg10[%get3A_517, %get3A_518] {strides = array<i32>} : memref<352x64xf32, #tpu.memory_space<vmem>>, vector<16xf32>,
        %mul3A_520 = arith.mulf %get3A_516, %get3A_519 : vector<16xf32>
        %add3A_521 = arith.addf %mul3A_513, %mul3A_520 : vector<16xf32>
        %get3A_522 = arith.index_cast %add3A_506 : i32 to index
        %get3A_523 = arith.constant 32 : index
        %get3A_524 = tpu.vector_load %arg8[%get3A_522, %get3A_523] {strides = array<i32>} : memref<352x64xf32, #tpu.memory_space<vmem>>, vector<16xf32>,
        %get3A_525 = arith.index_cast %add3A_506 : i32 to index
        %get3A_526 = arith.constant 32 : index
        %get3A_527 = tpu.vector_load %arg10[%get3A_525, %get3A_526] {strides = array<i32>} : memref<352x64xf32, #tpu.memory_space<vmem>>, vector<16xf32>,
        %mul3A_528 = arith.mulf %get3A_524, %get3A_527 : vector<16xf32>
        %add3A_529 = arith.addf %add3A_521, %mul3A_528 : vector<16xf32>
        %get3A_530 = arith.index_cast %add3A_506 : i32 to index
        %get3A_531 = arith.constant 48 : index
        %get3A_532 = tpu.vector_load %arg8[%get3A_530, %get3A_531] {strides = array<i32>} : memref<352x64xf32, #tpu.memory_space<vmem>>, vector<16xf32>,
        %get3A_533 = arith.index_cast %add3A_506 : i32 to index
        %get3A_534 = arith.constant 48 : index
        %get3A_535 = tpu.vector_load %arg10[%get3A_533, %get3A_534] {strides = array<i32>} : memref<352x64xf32, #tpu.memory_space<vmem>>, vector<16xf32>,
        %mul3A_536 = arith.mulf %get3A_532, %get3A_535 : vector<16xf32>
        %add3A_537 = arith.addf %add3A_529, %mul3A_536 : vector<16xf32>
        %add3A_538 = arith.constant 10 : i32
        %add3A_539 = arith.addi %mul3A_208, %add3A_538 : i32
        %get3A_540 = arith.index_cast %add3A_539 : i32 to index
        %get3A_541 = arith.constant 0 : index
        %get3A_542 = tpu.vector_load %arg8[%get3A_540, %get3A_541] {strides = array<i32>} : memref<352x64xf32, #tpu.memory_space<vmem>>, vector<16xf32>,
        %get3A_543 = arith.index_cast %add3A_539 : i32 to index
        %get3A_544 = arith.constant 0 : index
        %get3A_545 = tpu.vector_load %arg10[%get3A_543, %get3A_544] {strides = array<i32>} : memref<352x64xf32, #tpu.memory_space<vmem>>, vector<16xf32>,
        %mul3A_546 = arith.mulf %get3A_542, %get3A_545 : vector<16xf32>
        %get3A_547 = arith.index_cast %add3A_539 : i32 to index
        %get3A_548 = arith.constant 16 : index
        %get3A_549 = tpu.vector_load %arg8[%get3A_547, %get3A_548] {strides = array<i32>} : memref<352x64xf32, #tpu.memory_space<vmem>>, vector<16xf32>,
        %get3A_550 = arith.index_cast %add3A_539 : i32 to index
        %get3A_551 = arith.constant 16 : index
        %get3A_552 = tpu.vector_load %arg10[%get3A_550, %get3A_551] {strides = array<i32>} : memref<352x64xf32, #tpu.memory_space<vmem>>, vector<16xf32>,
        %mul3A_553 = arith.mulf %get3A_549, %get3A_552 : vector<16xf32>
        %add3A_554 = arith.addf %mul3A_546, %mul3A_553 : vector<16xf32>
        %get3A_555 = arith.index_cast %add3A_539 : i32 to index
        %get3A_556 = arith.constant 32 : index
        %get3A_557 = tpu.vector_load %arg8[%get3A_555, %get3A_556] {strides = array<i32>} : memref<352x64xf32, #tpu.memory_space<vmem>>, vector<16xf32>,
        %get3A_558 = arith.index_cast %add3A_539 : i32 to index
        %get3A_559 = arith.constant 32 : index
        %get3A_560 = tpu.vector_load %arg10[%get3A_558, %get3A_559] {strides = array<i32>} : memref<352x64xf32, #tpu.memory_space<vmem>>, vector<16xf32>,
        %mul3A_561 = arith.mulf %get3A_557, %get3A_560 : vector<16xf32>
        %add3A_562 = arith.addf %add3A_554, %mul3A_561 : vector<16xf32>
        %get3A_563 = arith.index_cast %add3A_539 : i32 to index
        %get3A_564 = arith.constant 48 : index
        %get3A_565 = tpu.vector_load %arg8[%get3A_563, %get3A_564] {strides = array<i32>} : memref<352x64xf32, #tpu.memory_space<vmem>>, vector<16xf32>,
        %get3A_566 = arith.index_cast %add3A_539 : i32 to index
        %get3A_567 = arith.constant 48 : index
        %get3A_568 = tpu.vector_load %arg10[%get3A_566, %get3A_567] {strides = array<i32>} : memref<352x64xf32, #tpu.memory_space<vmem>>, vector<16xf32>,
        %mul3A_569 = arith.mulf %get3A_565, %get3A_568 : vector<16xf32>
        %add3A_570 = arith.addf %add3A_562, %mul3A_569 : vector<16xf32>
        %add3A_571 = arith.constant 11 : i32
        %add3A_572 = arith.addi %mul3A_208, %add3A_571 : i32
        %get3A_573 = arith.index_cast %add3A_572 : i32 to index
        %get3A_574 = arith.constant 0 : index
        %get3A_575 = tpu.vector_load %arg8[%get3A_573, %get3A_574] {strides = array<i32>} : memref<352x64xf32, #tpu.memory_space<vmem>>, vector<16xf32>,
        %get3A_576 = arith.index_cast %add3A_572 : i32 to index
        %get3A_577 = arith.constant 0 : index
        %get3A_578 = tpu.vector_load %arg10[%get3A_576, %get3A_577] {strides = array<i32>} : memref<352x64xf32, #tpu.memory_space<vmem>>, vector<16xf32>,
        %mul3A_579 = arith.mulf %get3A_575, %get3A_578 : vector<16xf32>
        %get3A_580 = arith.index_cast %add3A_572 : i32 to index
        %get3A_581 = arith.constant 16 : index
        %get3A_582 = tpu.vector_load %arg8[%get3A_580, %get3A_581] {strides = array<i32>} : memref<352x64xf32, #tpu.memory_space<vmem>>, vector<16xf32>,
        %get3A_583 = arith.index_cast %add3A_572 : i32 to index
        %get3A_584 = arith.constant 16 : index
        %get3A_585 = tpu.vector_load %arg10[%get3A_583, %get3A_584] {strides = array<i32>} : memref<352x64xf32, #tpu.memory_space<vmem>>, vector<16xf32>,
        %mul3A_586 = arith.mulf %get3A_582, %get3A_585 : vector<16xf32>
        %add3A_587 = arith.addf %mul3A_579, %mul3A_586 : vector<16xf32>
        %get3A_588 = arith.index_cast %add3A_572 : i32 to index
        %get3A_589 = arith.constant 32 : index
        %get3A_590 = tpu.vector_load %arg8[%get3A_588, %get3A_589] {strides = array<i32>} : memref<352x64xf32, #tpu.memory_space<vmem>>, vector<16xf32>,
        %get3A_591 = arith.index_cast %add3A_572 : i32 to index
        %get3A_592 = arith.constant 32 : index
        %get3A_593 = tpu.vector_load %arg10[%get3A_591, %get3A_592] {strides = array<i32>} : memref<352x64xf32, #tpu.memory_space<vmem>>, vector<16xf32>,
        %mul3A_594 = arith.mulf %get3A_590, %get3A_593 : vector<16xf32>
        %add3A_595 = arith.addf %add3A_587, %mul3A_594 : vector<16xf32>
        %get3A_596 = arith.index_cast %add3A_572 : i32 to index
        %get3A_597 = arith.constant 48 : index
        %get3A_598 = tpu.vector_load %arg8[%get3A_596, %get3A_597] {strides = array<i32>} : memref<352x64xf32, #tpu.memory_space<vmem>>, vector<16xf32>,
        %get3A_599 = arith.index_cast %add3A_572 : i32 to index
        %get3A_600 = arith.constant 48 : index
        %get3A_601 = tpu.vector_load %arg10[%get3A_599, %get3A_600] {strides = array<i32>} : memref<352x64xf32, #tpu.memory_space<vmem>>, vector<16xf32>,
        %mul3A_602 = arith.mulf %get3A_598, %get3A_601 : vector<16xf32>
        %add3A_603 = arith.addf %add3A_595, %mul3A_602 : vector<16xf32>
        %add3A_604 = arith.constant 12 : i32
        %add3A_605 = arith.addi %mul3A_208, %add3A_604 : i32
        %get3A_606 = arith.index_cast %add3A_605 : i32 to index
        %get3A_607 = arith.constant 0 : index
        %get3A_608 = tpu.vector_load %arg8[%get3A_606, %get3A_607] {strides = array<i32>} : memref<352x64xf32, #tpu.memory_space<vmem>>, vector<16xf32>,
        %get3A_609 = arith.index_cast %add3A_605 : i32 to index
        %get3A_610 = arith.constant 0 : index
        %get3A_611 = tpu.vector_load %arg10[%get3A_609, %get3A_610] {strides = array<i32>} : memref<352x64xf32, #tpu.memory_space<vmem>>, vector<16xf32>,
        %mul3A_612 = arith.mulf %get3A_608, %get3A_611 : vector<16xf32>
        %get3A_613 = arith.index_cast %add3A_605 : i32 to index
        %get3A_614 = arith.constant 16 : index
        %get3A_615 = tpu.vector_load %arg8[%get3A_613, %get3A_614] {strides = array<i32>} : memref<352x64xf32, #tpu.memory_space<vmem>>, vector<16xf32>,
        %get3A_616 = arith.index_cast %add3A_605 : i32 to index
        %get3A_617 = arith.constant 16 : index
        %get3A_618 = tpu.vector_load %arg10[%get3A_616, %get3A_617] {strides = array<i32>} : memref<352x64xf32, #tpu.memory_space<vmem>>, vector<16xf32>,
        %mul3A_619 = arith.mulf %get3A_615, %get3A_618 : vector<16xf32>
        %add3A_620 = arith.addf %mul3A_612, %mul3A_619 : vector<16xf32>
        %get3A_621 = arith.index_cast %add3A_605 : i32 to index
        %get3A_622 = arith.constant 32 : index
        %get3A_623 = tpu.vector_load %arg8[%get3A_621, %get3A_622] {strides = array<i32>} : memref<352x64xf32, #tpu.memory_space<vmem>>, vector<16xf32>,
        %get3A_624 = arith.index_cast %add3A_605 : i32 to index
        %get3A_625 = arith.constant 32 : index
        %get3A_626 = tpu.vector_load %arg10[%get3A_624, %get3A_625] {strides = array<i32>} : memref<352x64xf32, #tpu.memory_space<vmem>>, vector<16xf32>,
        %mul3A_627 = arith.mulf %get3A_623, %get3A_626 : vector<16xf32>
        %add3A_628 = arith.addf %add3A_620, %mul3A_627 : vector<16xf32>
        %get3A_629 = arith.index_cast %add3A_605 : i32 to index
        %get3A_630 = arith.constant 48 : index
        %get3A_631 = tpu.vector_load %arg8[%get3A_629, %get3A_630] {strides = array<i32>} : memref<352x64xf32, #tpu.memory_space<vmem>>, vector<16xf32>,
        %get3A_632 = arith.index_cast %add3A_605 : i32 to index
        %get3A_633 = arith.constant 48 : index
        %get3A_634 = tpu.vector_load %arg10[%get3A_632, %get3A_633] {strides = array<i32>} : memref<352x64xf32, #tpu.memory_space<vmem>>, vector<16xf32>,
        %mul3A_635 = arith.mulf %get3A_631, %get3A_634 : vector<16xf32>
        %add3A_636 = arith.addf %add3A_628, %mul3A_635 : vector<16xf32>
        %add3A_637 = arith.constant 13 : i32
        %add3A_638 = arith.addi %mul3A_208, %add3A_637 : i32
        %get3A_639 = arith.index_cast %add3A_638 : i32 to index
        %get3A_640 = arith.constant 0 : index
        %get3A_641 = tpu.vector_load %arg8[%get3A_639, %get3A_640] {strides = array<i32>} : memref<352x64xf32, #tpu.memory_space<vmem>>, vector<16xf32>,
        %get3A_642 = arith.index_cast %add3A_638 : i32 to index
        %get3A_643 = arith.constant 0 : index
        %get3A_644 = tpu.vector_load %arg10[%get3A_642, %get3A_643] {strides = array<i32>} : memref<352x64xf32, #tpu.memory_space<vmem>>, vector<16xf32>,
        %mul3A_645 = arith.mulf %get3A_641, %get3A_644 : vector<16xf32>
        %get3A_646 = arith.index_cast %add3A_638 : i32 to index
        %get3A_647 = arith.constant 16 : index
        %get3A_648 = tpu.vector_load %arg8[%get3A_646, %get3A_647] {strides = array<i32>} : memref<352x64xf32, #tpu.memory_space<vmem>>, vector<16xf32>,
        %get3A_649 = arith.index_cast %add3A_638 : i32 to index
        %get3A_650 = arith.constant 16 : index
        %get3A_651 = tpu.vector_load %arg10[%get3A_649, %get3A_650] {strides = array<i32>} : memref<352x64xf32, #tpu.memory_space<vmem>>, vector<16xf32>,
        %mul3A_652 = arith.mulf %get3A_648, %get3A_651 : vector<16xf32>
        %add3A_653 = arith.addf %mul3A_645, %mul3A_652 : vector<16xf32>
        %get3A_654 = arith.index_cast %add3A_638 : i32 to index
        %get3A_655 = arith.constant 32 : index
        %get3A_656 = tpu.vector_load %arg8[%get3A_654, %get3A_655] {strides = array<i32>} : memref<352x64xf32, #tpu.memory_space<vmem>>, vector<16xf32>,
        %get3A_657 = arith.index_cast %add3A_638 : i32 to index
        %get3A_658 = arith.constant 32 : index
        %get3A_659 = tpu.vector_load %arg10[%get3A_657, %get3A_658] {strides = array<i32>} : memref<352x64xf32, #tpu.memory_space<vmem>>, vector<16xf32>,
        %mul3A_660 = arith.mulf %get3A_656, %get3A_659 : vector<16xf32>
        %add3A_661 = arith.addf %add3A_653, %mul3A_660 : vector<16xf32>
        %get3A_662 = arith.index_cast %add3A_638 : i32 to index
        %get3A_663 = arith.constant 48 : index
        %get3A_664 = tpu.vector_load %arg8[%get3A_662, %get3A_663] {strides = array<i32>} : memref<352x64xf32, #tpu.memory_space<vmem>>, vector<16xf32>,
        %get3A_665 = arith.index_cast %add3A_638 : i32 to index
        %get3A_666 = arith.constant 48 : index
        %get3A_667 = tpu.vector_load %arg10[%get3A_665, %get3A_666] {strides = array<i32>} : memref<352x64xf32, #tpu.memory_space<vmem>>, vector<16xf32>,
        %mul3A_668 = arith.mulf %get3A_664, %get3A_667 : vector<16xf32>
        %add3A_669 = arith.addf %add3A_661, %mul3A_668 : vector<16xf32>
        %add3A_670 = arith.constant 14 : i32
        %add3A_671 = arith.addi %mul3A_208, %add3A_670 : i32
        %get3A_672 = arith.index_cast %add3A_671 : i32 to index
        %get3A_673 = arith.constant 0 : index
        %get3A_674 = tpu.vector_load %arg8[%get3A_672, %get3A_673] {strides = array<i32>} : memref<352x64xf32, #tpu.memory_space<vmem>>, vector<16xf32>,
        %get3A_675 = arith.index_cast %add3A_671 : i32 to index
        %get3A_676 = arith.constant 0 : index
        %get3A_677 = tpu.vector_load %arg10[%get3A_675, %get3A_676] {strides = array<i32>} : memref<352x64xf32, #tpu.memory_space<vmem>>, vector<16xf32>,
        %mul3A_678 = arith.mulf %get3A_674, %get3A_677 : vector<16xf32>
        %get3A_679 = arith.index_cast %add3A_671 : i32 to index
        %get3A_680 = arith.constant 16 : index
        %get3A_681 = tpu.vector_load %arg8[%get3A_679, %get3A_680] {strides = array<i32>} : memref<352x64xf32, #tpu.memory_space<vmem>>, vector<16xf32>,
        %get3A_682 = arith.index_cast %add3A_671 : i32 to index
        %get3A_683 = arith.constant 16 : index
        %get3A_684 = tpu.vector_load %arg10[%get3A_682, %get3A_683] {strides = array<i32>} : memref<352x64xf32, #tpu.memory_space<vmem>>, vector<16xf32>,
        %mul3A_685 = arith.mulf %get3A_681, %get3A_684 : vector<16xf32>
        %add3A_686 = arith.addf %mul3A_678, %mul3A_685 : vector<16xf32>
        %get3A_687 = arith.index_cast %add3A_671 : i32 to index
        %get3A_688 = arith.constant 32 : index
        %get3A_689 = tpu.vector_load %arg8[%get3A_687, %get3A_688] {strides = array<i32>} : memref<352x64xf32, #tpu.memory_space<vmem>>, vector<16xf32>,
        %get3A_690 = arith.index_cast %add3A_671 : i32 to index
        %get3A_691 = arith.constant 32 : index
        %get3A_692 = tpu.vector_load %arg10[%get3A_690, %get3A_691] {strides = array<i32>} : memref<352x64xf32, #tpu.memory_space<vmem>>, vector<16xf32>,
        %mul3A_693 = arith.mulf %get3A_689, %get3A_692 : vector<16xf32>
        %add3A_694 = arith.addf %add3A_686, %mul3A_693 : vector<16xf32>
        %get3A_695 = arith.index_cast %add3A_671 : i32 to index
        %get3A_696 = arith.constant 48 : index
        %get3A_697 = tpu.vector_load %arg8[%get3A_695, %get3A_696] {strides = array<i32>} : memref<352x64xf32, #tpu.memory_space<vmem>>, vector<16xf32>,
        %get3A_698 = arith.index_cast %add3A_671 : i32 to index
        %get3A_699 = arith.constant 48 : index
        %get3A_700 = tpu.vector_load %arg10[%get3A_698, %get3A_699] {strides = array<i32>} : memref<352x64xf32, #tpu.memory_space<vmem>>, vector<16xf32>,
        %mul3A_701 = arith.mulf %get3A_697, %get3A_700 : vector<16xf32>
        %add3A_702 = arith.addf %add3A_694, %mul3A_701 : vector<16xf32>
        %add3A_703 = arith.constant 15 : i32
        %add3A_704 = arith.addi %mul3A_208, %add3A_703 : i32
        %get3A_705 = arith.index_cast %add3A_704 : i32 to index
        %get3A_706 = arith.constant 0 : index
        %get3A_707 = tpu.vector_load %arg8[%get3A_705, %get3A_706] {strides = array<i32>} : memref<352x64xf32, #tpu.memory_space<vmem>>, vector<16xf32>,
        %get3A_708 = arith.index_cast %add3A_704 : i32 to index
        %get3A_709 = arith.constant 0 : index
        %get3A_710 = tpu.vector_load %arg10[%get3A_708, %get3A_709] {strides = array<i32>} : memref<352x64xf32, #tpu.memory_space<vmem>>, vector<16xf32>,
        %mul3A_711 = arith.mulf %get3A_707, %get3A_710 : vector<16xf32>
        %get3A_712 = arith.index_cast %add3A_704 : i32 to index
        %get3A_713 = arith.constant 16 : index
        %get3A_714 = tpu.vector_load %arg8[%get3A_712, %get3A_713] {strides = array<i32>} : memref<352x64xf32, #tpu.memory_space<vmem>>, vector<16xf32>,
        %get3A_715 = arith.index_cast %add3A_704 : i32 to index
        %get3A_716 = arith.constant 16 : index
        %get3A_717 = tpu.vector_load %arg10[%get3A_715, %get3A_716] {strides = array<i32>} : memref<352x64xf32, #tpu.memory_space<vmem>>, vector<16xf32>,
        %mul3A_718 = arith.mulf %get3A_714, %get3A_717 : vector<16xf32>
        %add3A_719 = arith.addf %mul3A_711, %mul3A_718 : vector<16xf32>
        %get3A_720 = arith.index_cast %add3A_704 : i32 to index
        %get3A_721 = arith.constant 32 : index
        %get3A_722 = tpu.vector_load %arg8[%get3A_720, %get3A_721] {strides = array<i32>} : memref<352x64xf32, #tpu.memory_space<vmem>>, vector<16xf32>,
        %get3A_723 = arith.index_cast %add3A_704 : i32 to index
        %get3A_724 = arith.constant 32 : index
        %get3A_725 = tpu.vector_load %arg10[%get3A_723, %get3A_724] {strides = array<i32>} : memref<352x64xf32, #tpu.memory_space<vmem>>, vector<16xf32>,
        %mul3A_726 = arith.mulf %get3A_722, %get3A_725 : vector<16xf32>
        %add3A_727 = arith.addf %add3A_719, %mul3A_726 : vector<16xf32>
        %get3A_728 = arith.index_cast %add3A_704 : i32 to index
        %get3A_729 = arith.constant 48 : index
        %get3A_730 = tpu.vector_load %arg8[%get3A_728, %get3A_729] {strides = array<i32>} : memref<352x64xf32, #tpu.memory_space<vmem>>, vector<16xf32>,
        %get3A_731 = arith.index_cast %add3A_704 : i32 to index
        %get3A_732 = arith.constant 48 : index
        %get3A_733 = tpu.vector_load %arg10[%get3A_731, %get3A_732] {strides = array<i32>} : memref<352x64xf32, #tpu.memory_space<vmem>>, vector<16xf32>,
        %mul3A_734 = arith.mulf %get3A_730, %get3A_733 : vector<16xf32>
        %add3A_735 = arith.addf %add3A_727, %mul3A_734 : vector<16xf32>
        %lt3A_736 = arith.constant 0 : i32
        %lt3A_737 = vector.broadcast %lt3A_736 : i32 to vector<16xi32>
        %lt3A_738 = arith.cmpi slt, %mul3A_61, %lt3A_737 : vector<16xi32>
        %add3A_739 = arith.constant 16 : i32
        %add3A_740 = vector.broadcast %add3A_739 : i32 to vector<16xi32>
        %add3A_741 = arith.addi %mul3A_61, %add3A_740 : vector<16xi32>
        %select_n3A_742 = arith.select %lt3A_738, %add3A_741, %mul3A_61 : vector<16xi1>, vector<16xi32>
        %reshape3A = vector.shape_cast %select_n3A_742 : vector<16xi32> to vector<16x1xi32>
        %gather3A = vector.shape_cast %reshape3A : vector<16x1xi32> to vector<16xi32>
        %gather3A_743 = tpu.dynamic_gather %add3A_240[%gather3A] in [0] : vector<16xf32>, vector<16xi32> -> vector<16xf32>
        %lt3A_744 = arith.constant 0 : i32
        %lt3A_745 = vector.broadcast %lt3A_744 : i32 to vector<16xi32>
        %lt3A_746 = arith.cmpi slt, %add3A_64, %lt3A_745 : vector<16xi32>
        %add3A_747 = arith.constant 16 : i32
        %add3A_748 = vector.broadcast %add3A_747 : i32 to vector<16xi32>
        %add3A_749 = arith.addi %add3A_64, %add3A_748 : vector<16xi32>
        %select_n3A_750 = arith.select %lt3A_746, %add3A_749, %add3A_64 : vector<16xi1>, vector<16xi32>
        %reshape3A_751 = vector.shape_cast %select_n3A_750 : vector<16xi32> to vector<16x1xi32>
        %gather3A_752 = vector.shape_cast %reshape3A_751 : vector<16x1xi32> to vector<16xi32>
        %gather3A_753 = tpu.dynamic_gather %add3A_240[%gather3A_752] in [0] : vector<16xf32>, vector<16xi32> -> vector<16xf32>
        %add3A_754 = arith.addf %gather3A_743, %gather3A_753 : vector<16xf32>
        %lt3A_755 = arith.constant 0 : i32
        %lt3A_756 = vector.broadcast %lt3A_755 : i32 to vector<16xi32>
        %lt3A_757 = arith.cmpi slt, %mul3A_61, %lt3A_756 : vector<16xi32>
        %add3A_758 = arith.constant 16 : i32
        %add3A_759 = vector.broadcast %add3A_758 : i32 to vector<16xi32>
        %add3A_760 = arith.addi %mul3A_61, %add3A_759 : vector<16xi32>
        %select_n3A_761 = arith.select %lt3A_757, %add3A_760, %mul3A_61 : vector<16xi1>, vector<16xi32>
        %reshape3A_762 = vector.shape_cast %select_n3A_761 : vector<16xi32> to vector<16x1xi32>
        %gather3A_763 = vector.shape_cast %reshape3A_762 : vector<16x1xi32> to vector<16xi32>
        %gather3A_764 = tpu.dynamic_gather %add3A_273[%gather3A_763] in [0] : vector<16xf32>, vector<16xi32> -> vector<16xf32>
        %lt3A_765 = arith.constant 0 : i32
        %lt3A_766 = vector.broadcast %lt3A_765 : i32 to vector<16xi32>
        %lt3A_767 = arith.cmpi slt, %add3A_64, %lt3A_766 : vector<16xi32>
        %add3A_768 = arith.constant 16 : i32
        %add3A_769 = vector.broadcast %add3A_768 : i32 to vector<16xi32>
        %add3A_770 = arith.addi %add3A_64, %add3A_769 : vector<16xi32>
        %select_n3A_771 = arith.select %lt3A_767, %add3A_770, %add3A_64 : vector<16xi1>, vector<16xi32>
        %reshape3A_772 = vector.shape_cast %select_n3A_771 : vector<16xi32> to vector<16x1xi32>
        %gather3A_773 = vector.shape_cast %reshape3A_772 : vector<16x1xi32> to vector<16xi32>
        %gather3A_774 = tpu.dynamic_gather %add3A_273[%gather3A_773] in [0] : vector<16xf32>, vector<16xi32> -> vector<16xf32>
        %add3A_775 = arith.addf %gather3A_764, %gather3A_774 : vector<16xf32>
        %select_n3A_776 = arith.select %lt3A_67, %add3A_754, %add3A_775 : vector<16xi1>, vector<16xf32>
        %lt3A_777 = arith.constant 0 : i32
        %lt3A_778 = vector.broadcast %lt3A_777 : i32 to vector<16xi32>
        %lt3A_779 = arith.cmpi slt, %mul3A_61, %lt3A_778 : vector<16xi32>
        %add3A_780 = arith.constant 16 : i32
        %add3A_781 = vector.broadcast %add3A_780 : i32 to vector<16xi32>
        %add3A_782 = arith.addi %mul3A_61, %add3A_781 : vector<16xi32>
        %select_n3A_783 = arith.select %lt3A_779, %add3A_782, %mul3A_61 : vector<16xi1>, vector<16xi32>
        %reshape3A_784 = vector.shape_cast %select_n3A_783 : vector<16xi32> to vector<16x1xi32>
        %gather3A_785 = vector.shape_cast %reshape3A_784 : vector<16x1xi32> to vector<16xi32>
        %gather3A_786 = tpu.dynamic_gather %add3A_306[%gather3A_785] in [0] : vector<16xf32>, vector<16xi32> -> vector<16xf32>
        %lt3A_787 = arith.constant 0 : i32
        %lt3A_788 = vector.broadcast %lt3A_787 : i32 to vector<16xi32>
        %lt3A_789 = arith.cmpi slt, %add3A_64, %lt3A_788 : vector<16xi32>
        %add3A_790 = arith.constant 16 : i32
        %add3A_791 = vector.broadcast %add3A_790 : i32 to vector<16xi32>
        %add3A_792 = arith.addi %add3A_64, %add3A_791 : vector<16xi32>
        %select_n3A_793 = arith.select %lt3A_789, %add3A_792, %add3A_64 : vector<16xi1>, vector<16xi32>
        %reshape3A_794 = vector.shape_cast %select_n3A_793 : vector<16xi32> to vector<16x1xi32>
        %gather3A_795 = vector.shape_cast %reshape3A_794 : vector<16x1xi32> to vector<16xi32>
        %gather3A_796 = tpu.dynamic_gather %add3A_306[%gather3A_795] in [0] : vector<16xf32>, vector<16xi32> -> vector<16xf32>
        %add3A_797 = arith.addf %gather3A_786, %gather3A_796 : vector<16xf32>
        %lt3A_798 = arith.constant 0 : i32
        %lt3A_799 = vector.broadcast %lt3A_798 : i32 to vector<16xi32>
        %lt3A_800 = arith.cmpi slt, %mul3A_61, %lt3A_799 : vector<16xi32>
        %add3A_801 = arith.constant 16 : i32
        %add3A_802 = vector.broadcast %add3A_801 : i32 to vector<16xi32>
        %add3A_803 = arith.addi %mul3A_61, %add3A_802 : vector<16xi32>
        %select_n3A_804 = arith.select %lt3A_800, %add3A_803, %mul3A_61 : vector<16xi1>, vector<16xi32>
        %reshape3A_805 = vector.shape_cast %select_n3A_804 : vector<16xi32> to vector<16x1xi32>
        %gather3A_806 = vector.shape_cast %reshape3A_805 : vector<16x1xi32> to vector<16xi32>
        %gather3A_807 = tpu.dynamic_gather %add3A_339[%gather3A_806] in [0] : vector<16xf32>, vector<16xi32> -> vector<16xf32>
        %lt3A_808 = arith.constant 0 : i32
        %lt3A_809 = vector.broadcast %lt3A_808 : i32 to vector<16xi32>
        %lt3A_810 = arith.cmpi slt, %add3A_64, %lt3A_809 : vector<16xi32>
        %add3A_811 = arith.constant 16 : i32
        %add3A_812 = vector.broadcast %add3A_811 : i32 to vector<16xi32>
        %add3A_813 = arith.addi %add3A_64, %add3A_812 : vector<16xi32>
        %select_n3A_814 = arith.select %lt3A_810, %add3A_813, %add3A_64 : vector<16xi1>, vector<16xi32>
        %reshape3A_815 = vector.shape_cast %select_n3A_814 : vector<16xi32> to vector<16x1xi32>
        %gather3A_816 = vector.shape_cast %reshape3A_815 : vector<16x1xi32> to vector<16xi32>
        %gather3A_817 = tpu.dynamic_gather %add3A_339[%gather3A_816] in [0] : vector<16xf32>, vector<16xi32> -> vector<16xf32>
        %add3A_818 = arith.addf %gather3A_807, %gather3A_817 : vector<16xf32>
        %select_n3A_819 = arith.select %lt3A_67, %add3A_797, %add3A_818 : vector<16xi1>, vector<16xf32>
        %lt3A_820 = arith.constant 0 : i32
        %lt3A_821 = vector.broadcast %lt3A_820 : i32 to vector<16xi32>
        %lt3A_822 = arith.cmpi slt, %mul3A_61, %lt3A_821 : vector<16xi32>
        %add3A_823 = arith.constant 16 : i32
        %add3A_824 = vector.broadcast %add3A_823 : i32 to vector<16xi32>
        %add3A_825 = arith.addi %mul3A_61, %add3A_824 : vector<16xi32>
        %select_n3A_826 = arith.select %lt3A_822, %add3A_825, %mul3A_61 : vector<16xi1>, vector<16xi32>
        %reshape3A_827 = vector.shape_cast %select_n3A_826 : vector<16xi32> to vector<16x1xi32>
        %gather3A_828 = vector.shape_cast %reshape3A_827 : vector<16x1xi32> to vector<16xi32>
        %gather3A_829 = tpu.dynamic_gather %add3A_372[%gather3A_828] in [0] : vector<16xf32>, vector<16xi32> -> vector<16xf32>
        %lt3A_830 = arith.constant 0 : i32
        %lt3A_831 = vector.broadcast %lt3A_830 : i32 to vector<16xi32>
        %lt3A_832 = arith.cmpi slt, %add3A_64, %lt3A_831 : vector<16xi32>
        %add3A_833 = arith.constant 16 : i32
        %add3A_834 = vector.broadcast %add3A_833 : i32 to vector<16xi32>
        %add3A_835 = arith.addi %add3A_64, %add3A_834 : vector<16xi32>
        %select_n3A_836 = arith.select %lt3A_832, %add3A_835, %add3A_64 : vector<16xi1>, vector<16xi32>
        %reshape3A_837 = vector.shape_cast %select_n3A_836 : vector<16xi32> to vector<16x1xi32>
        %gather3A_838 = vector.shape_cast %reshape3A_837 : vector<16x1xi32> to vector<16xi32>
        %gather3A_839 = tpu.dynamic_gather %add3A_372[%gather3A_838] in [0] : vector<16xf32>, vector<16xi32> -> vector<16xf32>
        %add3A_840 = arith.addf %gather3A_829, %gather3A_839 : vector<16xf32>
        %lt3A_841 = arith.constant 0 : i32
        %lt3A_842 = vector.broadcast %lt3A_841 : i32 to vector<16xi32>
        %lt3A_843 = arith.cmpi slt, %mul3A_61, %lt3A_842 : vector<16xi32>
        %add3A_844 = arith.constant 16 : i32
        %add3A_845 = vector.broadcast %add3A_844 : i32 to vector<16xi32>
        %add3A_846 = arith.addi %mul3A_61, %add3A_845 : vector<16xi32>
        %select_n3A_847 = arith.select %lt3A_843, %add3A_846, %mul3A_61 : vector<16xi1>, vector<16xi32>
        %reshape3A_848 = vector.shape_cast %select_n3A_847 : vector<16xi32> to vector<16x1xi32>
        %gather3A_849 = vector.shape_cast %reshape3A_848 : vector<16x1xi32> to vector<16xi32>
        %gather3A_850 = tpu.dynamic_gather %add3A_405[%gather3A_849] in [0] : vector<16xf32>, vector<16xi32> -> vector<16xf32>
        %lt3A_851 = arith.constant 0 : i32
        %lt3A_852 = vector.broadcast %lt3A_851 : i32 to vector<16xi32>
        %lt3A_853 = arith.cmpi slt, %add3A_64, %lt3A_852 : vector<16xi32>
        %add3A_854 = arith.constant 16 : i32
        %add3A_855 = vector.broadcast %add3A_854 : i32 to vector<16xi32>
        %add3A_856 = arith.addi %add3A_64, %add3A_855 : vector<16xi32>
        %select_n3A_857 = arith.select %lt3A_853, %add3A_856, %add3A_64 : vector<16xi1>, vector<16xi32>
        %reshape3A_858 = vector.shape_cast %select_n3A_857 : vector<16xi32> to vector<16x1xi32>
        %gather3A_859 = vector.shape_cast %reshape3A_858 : vector<16x1xi32> to vector<16xi32>
        %gather3A_860 = tpu.dynamic_gather %add3A_405[%gather3A_859] in [0] : vector<16xf32>, vector<16xi32> -> vector<16xf32>
        %add3A_861 = arith.addf %gather3A_850, %gather3A_860 : vector<16xf32>
        %select_n3A_862 = arith.select %lt3A_67, %add3A_840, %add3A_861 : vector<16xi1>, vector<16xf32>
        %lt3A_863 = arith.constant 0 : i32
        %lt3A_864 = vector.broadcast %lt3A_863 : i32 to vector<16xi32>
        %lt3A_865 = arith.cmpi slt, %mul3A_61, %lt3A_864 : vector<16xi32>
        %add3A_866 = arith.constant 16 : i32
        %add3A_867 = vector.broadcast %add3A_866 : i32 to vector<16xi32>
        %add3A_868 = arith.addi %mul3A_61, %add3A_867 : vector<16xi32>
        %select_n3A_869 = arith.select %lt3A_865, %add3A_868, %mul3A_61 : vector<16xi1>, vector<16xi32>
        %reshape3A_870 = vector.shape_cast %select_n3A_869 : vector<16xi32> to vector<16x1xi32>
        %gather3A_871 = vector.shape_cast %reshape3A_870 : vector<16x1xi32> to vector<16xi32>
        %gather3A_872 = tpu.dynamic_gather %add3A_438[%gather3A_871] in [0] : vector<16xf32>, vector<16xi32> -> vector<16xf32>
        %lt3A_873 = arith.constant 0 : i32
        %lt3A_874 = vector.broadcast %lt3A_873 : i32 to vector<16xi32>
        %lt3A_875 = arith.cmpi slt, %add3A_64, %lt3A_874 : vector<16xi32>
        %add3A_876 = arith.constant 16 : i32
        %add3A_877 = vector.broadcast %add3A_876 : i32 to vector<16xi32>
        %add3A_878 = arith.addi %add3A_64, %add3A_877 : vector<16xi32>
        %select_n3A_879 = arith.select %lt3A_875, %add3A_878, %add3A_64 : vector<16xi1>, vector<16xi32>
        %reshape3A_880 = vector.shape_cast %select_n3A_879 : vector<16xi32> to vector<16x1xi32>
        %gather3A_881 = vector.shape_cast %reshape3A_880 : vector<16x1xi32> to vector<16xi32>
        %gather3A_882 = tpu.dynamic_gather %add3A_438[%gather3A_881] in [0] : vector<16xf32>, vector<16xi32> -> vector<16xf32>
        %add3A_883 = arith.addf %gather3A_872, %gather3A_882 : vector<16xf32>
        %lt3A_884 = arith.constant 0 : i32
        %lt3A_885 = vector.broadcast %lt3A_884 : i32 to vector<16xi32>
        %lt3A_886 = arith.cmpi slt, %mul3A_61, %lt3A_885 : vector<16xi32>
        %add3A_887 = arith.constant 16 : i32
        %add3A_888 = vector.broadcast %add3A_887 : i32 to vector<16xi32>
        %add3A_889 = arith.addi %mul3A_61, %add3A_888 : vector<16xi32>
        %select_n3A_890 = arith.select %lt3A_886, %add3A_889, %mul3A_61 : vector<16xi1>, vector<16xi32>
        %reshape3A_891 = vector.shape_cast %select_n3A_890 : vector<16xi32> to vector<16x1xi32>
        %gather3A_892 = vector.shape_cast %reshape3A_891 : vector<16x1xi32> to vector<16xi32>
        %gather3A_893 = tpu.dynamic_gather %add3A_471[%gather3A_892] in [0] : vector<16xf32>, vector<16xi32> -> vector<16xf32>
        %lt3A_894 = arith.constant 0 : i32
        %lt3A_895 = vector.broadcast %lt3A_894 : i32 to vector<16xi32>
        %lt3A_896 = arith.cmpi slt, %add3A_64, %lt3A_895 : vector<16xi32>
        %add3A_897 = arith.constant 16 : i32
        %add3A_898 = vector.broadcast %add3A_897 : i32 to vector<16xi32>
        %add3A_899 = arith.addi %add3A_64, %add3A_898 : vector<16xi32>
        %select_n3A_900 = arith.select %lt3A_896, %add3A_899, %add3A_64 : vector<16xi1>, vector<16xi32>
        %reshape3A_901 = vector.shape_cast %select_n3A_900 : vector<16xi32> to vector<16x1xi32>
        %gather3A_902 = vector.shape_cast %reshape3A_901 : vector<16x1xi32> to vector<16xi32>
        %gather3A_903 = tpu.dynamic_gather %add3A_471[%gather3A_902] in [0] : vector<16xf32>, vector<16xi32> -> vector<16xf32>
        %add3A_904 = arith.addf %gather3A_893, %gather3A_903 : vector<16xf32>
        %select_n3A_905 = arith.select %lt3A_67, %add3A_883, %add3A_904 : vector<16xi1>, vector<16xf32>
        %lt3A_906 = arith.constant 0 : i32
        %lt3A_907 = vector.broadcast %lt3A_906 : i32 to vector<16xi32>
        %lt3A_908 = arith.cmpi slt, %mul3A_61, %lt3A_907 : vector<16xi32>
        %add3A_909 = arith.constant 16 : i32
        %add3A_910 = vector.broadcast %add3A_909 : i32 to vector<16xi32>
        %add3A_911 = arith.addi %mul3A_61, %add3A_910 : vector<16xi32>
        %select_n3A_912 = arith.select %lt3A_908, %add3A_911, %mul3A_61 : vector<16xi1>, vector<16xi32>
        %reshape3A_913 = vector.shape_cast %select_n3A_912 : vector<16xi32> to vector<16x1xi32>
        %gather3A_914 = vector.shape_cast %reshape3A_913 : vector<16x1xi32> to vector<16xi32>
        %gather3A_915 = tpu.dynamic_gather %add3A_504[%gather3A_914] in [0] : vector<16xf32>, vector<16xi32> -> vector<16xf32>
        %lt3A_916 = arith.constant 0 : i32
        %lt3A_917 = vector.broadcast %lt3A_916 : i32 to vector<16xi32>
        %lt3A_918 = arith.cmpi slt, %add3A_64, %lt3A_917 : vector<16xi32>
        %add3A_919 = arith.constant 16 : i32
        %add3A_920 = vector.broadcast %add3A_919 : i32 to vector<16xi32>
        %add3A_921 = arith.addi %add3A_64, %add3A_920 : vector<16xi32>
        %select_n3A_922 = arith.select %lt3A_918, %add3A_921, %add3A_64 : vector<16xi1>, vector<16xi32>
        %reshape3A_923 = vector.shape_cast %select_n3A_922 : vector<16xi32> to vector<16x1xi32>
        %gather3A_924 = vector.shape_cast %reshape3A_923 : vector<16x1xi32> to vector<16xi32>
        %gather3A_925 = tpu.dynamic_gather %add3A_504[%gather3A_924] in [0] : vector<16xf32>, vector<16xi32> -> vector<16xf32>
        %add3A_926 = arith.addf %gather3A_915, %gather3A_925 : vector<16xf32>
        %lt3A_927 = arith.constant 0 : i32
        %lt3A_928 = vector.broadcast %lt3A_927 : i32 to vector<16xi32>
        %lt3A_929 = arith.cmpi slt, %mul3A_61, %lt3A_928 : vector<16xi32>
        %add3A_930 = arith.constant 16 : i32
        %add3A_931 = vector.broadcast %add3A_930 : i32 to vector<16xi32>
        %add3A_932 = arith.addi %mul3A_61, %add3A_931 : vector<16xi32>
        %select_n3A_933 = arith.select %lt3A_929, %add3A_932, %mul3A_61 : vector<16xi1>, vector<16xi32>
        %reshape3A_934 = vector.shape_cast %select_n3A_933 : vector<16xi32> to vector<16x1xi32>
        %gather3A_935 = vector.shape_cast %reshape3A_934 : vector<16x1xi32> to vector<16xi32>
        %gather3A_936 = tpu.dynamic_gather %add3A_537[%gather3A_935] in [0] : vector<16xf32>, vector<16xi32> -> vector<16xf32>
        %lt3A_937 = arith.constant 0 : i32
        %lt3A_938 = vector.broadcast %lt3A_937 : i32 to vector<16xi32>
        %lt3A_939 = arith.cmpi slt, %add3A_64, %lt3A_938 : vector<16xi32>
        %add3A_940 = arith.constant 16 : i32
        %add3A_941 = vector.broadcast %add3A_940 : i32 to vector<16xi32>
        %add3A_942 = arith.addi %add3A_64, %add3A_941 : vector<16xi32>
        %select_n3A_943 = arith.select %lt3A_939, %add3A_942, %add3A_64 : vector<16xi1>, vector<16xi32>
        %reshape3A_944 = vector.shape_cast %select_n3A_943 : vector<16xi32> to vector<16x1xi32>
        %gather3A_945 = vector.shape_cast %reshape3A_944 : vector<16x1xi32> to vector<16xi32>
        %gather3A_946 = tpu.dynamic_gather %add3A_537[%gather3A_945] in [0] : vector<16xf32>, vector<16xi32> -> vector<16xf32>
        %add3A_947 = arith.addf %gather3A_936, %gather3A_946 : vector<16xf32>
        %select_n3A_948 = arith.select %lt3A_67, %add3A_926, %add3A_947 : vector<16xi1>, vector<16xf32>
        %lt3A_949 = arith.constant 0 : i32
        %lt3A_950 = vector.broadcast %lt3A_949 : i32 to vector<16xi32>
        %lt3A_951 = arith.cmpi slt, %mul3A_61, %lt3A_950 : vector<16xi32>
        %add3A_952 = arith.constant 16 : i32
        %add3A_953 = vector.broadcast %add3A_952 : i32 to vector<16xi32>
        %add3A_954 = arith.addi %mul3A_61, %add3A_953 : vector<16xi32>
        %select_n3A_955 = arith.select %lt3A_951, %add3A_954, %mul3A_61 : vector<16xi1>, vector<16xi32>
        %reshape3A_956 = vector.shape_cast %select_n3A_955 : vector<16xi32> to vector<16x1xi32>
        %gather3A_957 = vector.shape_cast %reshape3A_956 : vector<16x1xi32> to vector<16xi32>
        %gather3A_958 = tpu.dynamic_gather %add3A_570[%gather3A_957] in [0] : vector<16xf32>, vector<16xi32> -> vector<16xf32>
        %lt3A_959 = arith.constant 0 : i32
        %lt3A_960 = vector.broadcast %lt3A_959 : i32 to vector<16xi32>
        %lt3A_961 = arith.cmpi slt, %add3A_64, %lt3A_960 : vector<16xi32>
        %add3A_962 = arith.constant 16 : i32
        %add3A_963 = vector.broadcast %add3A_962 : i32 to vector<16xi32>
        %add3A_964 = arith.addi %add3A_64, %add3A_963 : vector<16xi32>
        %select_n3A_965 = arith.select %lt3A_961, %add3A_964, %add3A_64 : vector<16xi1>, vector<16xi32>
        %reshape3A_966 = vector.shape_cast %select_n3A_965 : vector<16xi32> to vector<16x1xi32>
        %gather3A_967 = vector.shape_cast %reshape3A_966 : vector<16x1xi32> to vector<16xi32>
        %gather3A_968 = tpu.dynamic_gather %add3A_570[%gather3A_967] in [0] : vector<16xf32>, vector<16xi32> -> vector<16xf32>
        %add3A_969 = arith.addf %gather3A_958, %gather3A_968 : vector<16xf32>
        %lt3A_970 = arith.constant 0 : i32
        %lt3A_971 = vector.broadcast %lt3A_970 : i32 to vector<16xi32>
        %lt3A_972 = arith.cmpi slt, %mul3A_61, %lt3A_971 : vector<16xi32>
        %add3A_973 = arith.constant 16 : i32
        %add3A_974 = vector.broadcast %add3A_973 : i32 to vector<16xi32>
        %add3A_975 = arith.addi %mul3A_61, %add3A_974 : vector<16xi32>
        %select_n3A_976 = arith.select %lt3A_972, %add3A_975, %mul3A_61 : vector<16xi1>, vector<16xi32>
        %reshape3A_977 = vector.shape_cast %select_n3A_976 : vector<16xi32> to vector<16x1xi32>
        %gather3A_978 = vector.shape_cast %reshape3A_977 : vector<16x1xi32> to vector<16xi32>
        %gather3A_979 = tpu.dynamic_gather %add3A_603[%gather3A_978] in [0] : vector<16xf32>, vector<16xi32> -> vector<16xf32>
        %lt3A_980 = arith.constant 0 : i32
        %lt3A_981 = vector.broadcast %lt3A_980 : i32 to vector<16xi32>
        %lt3A_982 = arith.cmpi slt, %add3A_64, %lt3A_981 : vector<16xi32>
        %add3A_983 = arith.constant 16 : i32
        %add3A_984 = vector.broadcast %add3A_983 : i32 to vector<16xi32>
        %add3A_985 = arith.addi %add3A_64, %add3A_984 : vector<16xi32>
        %select_n3A_986 = arith.select %lt3A_982, %add3A_985, %add3A_64 : vector<16xi1>, vector<16xi32>
        %reshape3A_987 = vector.shape_cast %select_n3A_986 : vector<16xi32> to vector<16x1xi32>
        %gather3A_988 = vector.shape_cast %reshape3A_987 : vector<16x1xi32> to vector<16xi32>
        %gather3A_989 = tpu.dynamic_gather %add3A_603[%gather3A_988] in [0] : vector<16xf32>, vector<16xi32> -> vector<16xf32>
        %add3A_990 = arith.addf %gather3A_979, %gather3A_989 : vector<16xf32>
        %select_n3A_991 = arith.select %lt3A_67, %add3A_969, %add3A_990 : vector<16xi1>, vector<16xf32>
        %lt3A_992 = arith.constant 0 : i32
        %lt3A_993 = vector.broadcast %lt3A_992 : i32 to vector<16xi32>
        %lt3A_994 = arith.cmpi slt, %mul3A_61, %lt3A_993 : vector<16xi32>
        %add3A_995 = arith.constant 16 : i32
        %add3A_996 = vector.broadcast %add3A_995 : i32 to vector<16xi32>
        %add3A_997 = arith.addi %mul3A_61, %add3A_996 : vector<16xi32>
        %select_n3A_998 = arith.select %lt3A_994, %add3A_997, %mul3A_61 : vector<16xi1>, vector<16xi32>
        %reshape3A_999 = vector.shape_cast %select_n3A_998 : vector<16xi32> to vector<16x1xi32>
        %gather3A_1000 = vector.shape_cast %reshape3A_999 : vector<16x1xi32> to vector<16xi32>
        %gather3A_1001 = tpu.dynamic_gather %add3A_636[%gather3A_1000] in [0] : vector<16xf32>, vector<16xi32> -> vector<16xf32>
        %lt3A_1002 = arith.constant 0 : i32
        %lt3A_1003 = vector.broadcast %lt3A_1002 : i32 to vector<16xi32>
        %lt3A_1004 = arith.cmpi slt, %add3A_64, %lt3A_1003 : vector<16xi32>
        %add3A_1005 = arith.constant 16 : i32
        %add3A_1006 = vector.broadcast %add3A_1005 : i32 to vector<16xi32>
        %add3A_1007 = arith.addi %add3A_64, %add3A_1006 : vector<16xi32>
        %select_n3A_1008 = arith.select %lt3A_1004, %add3A_1007, %add3A_64 : vector<16xi1>, vector<16xi32>
        %reshape3A_1009 = vector.shape_cast %select_n3A_1008 : vector<16xi32> to vector<16x1xi32>
        %gather3A_1010 = vector.shape_cast %reshape3A_1009 : vector<16x1xi32> to vector<16xi32>
        %gather3A_1011 = tpu.dynamic_gather %add3A_636[%gather3A_1010] in [0] : vector<16xf32>, vector<16xi32> -> vector<16xf32>
        %add3A_1012 = arith.addf %gather3A_1001, %gather3A_1011 : vector<16xf32>
        %lt3A_1013 = arith.constant 0 : i32
        %lt3A_1014 = vector.broadcast %lt3A_1013 : i32 to vector<16xi32>
        %lt3A_1015 = arith.cmpi slt, %mul3A_61, %lt3A_1014 : vector<16xi32>
        %add3A_1016 = arith.constant 16 : i32
        %add3A_1017 = vector.broadcast %add3A_1016 : i32 to vector<16xi32>
        %add3A_1018 = arith.addi %mul3A_61, %add3A_1017 : vector<16xi32>
        %select_n3A_1019 = arith.select %lt3A_1015, %add3A_1018, %mul3A_61 : vector<16xi1>, vector<16xi32>
        %reshape3A_1020 = vector.shape_cast %select_n3A_1019 : vector<16xi32> to vector<16x1xi32>
        %gather3A_1021 = vector.shape_cast %reshape3A_1020 : vector<16x1xi32> to vector<16xi32>
        %gather3A_1022 = tpu.dynamic_gather %add3A_669[%gather3A_1021] in [0] : vector<16xf32>, vector<16xi32> -> vector<16xf32>
        %lt3A_1023 = arith.constant 0 : i32
        %lt3A_1024 = vector.broadcast %lt3A_1023 : i32 to vector<16xi32>
        %lt3A_1025 = arith.cmpi slt, %add3A_64, %lt3A_1024 : vector<16xi32>
        %add3A_1026 = arith.constant 16 : i32
        %add3A_1027 = vector.broadcast %add3A_1026 : i32 to vector<16xi32>
        %add3A_1028 = arith.addi %add3A_64, %add3A_1027 : vector<16xi32>
        %select_n3A_1029 = arith.select %lt3A_1025, %add3A_1028, %add3A_64 : vector<16xi1>, vector<16xi32>
        %reshape3A_1030 = vector.shape_cast %select_n3A_1029 : vector<16xi32> to vector<16x1xi32>
        %gather3A_1031 = vector.shape_cast %reshape3A_1030 : vector<16x1xi32> to vector<16xi32>
        %gather3A_1032 = tpu.dynamic_gather %add3A_669[%gather3A_1031] in [0] : vector<16xf32>, vector<16xi32> -> vector<16xf32>
        %add3A_1033 = arith.addf %gather3A_1022, %gather3A_1032 : vector<16xf32>
        %select_n3A_1034 = arith.select %lt3A_67, %add3A_1012, %add3A_1033 : vector<16xi1>, vector<16xf32>
        %lt3A_1035 = arith.constant 0 : i32
        %lt3A_1036 = vector.broadcast %lt3A_1035 : i32 to vector<16xi32>
        %lt3A_1037 = arith.cmpi slt, %mul3A_61, %lt3A_1036 : vector<16xi32>
        %add3A_1038 = arith.constant 16 : i32
        %add3A_1039 = vector.broadcast %add3A_1038 : i32 to vector<16xi32>
        %add3A_1040 = arith.addi %mul3A_61, %add3A_1039 : vector<16xi32>
        %select_n3A_1041 = arith.select %lt3A_1037, %add3A_1040, %mul3A_61 : vector<16xi1>, vector<16xi32>
        %reshape3A_1042 = vector.shape_cast %select_n3A_1041 : vector<16xi32> to vector<16x1xi32>
        %gather3A_1043 = vector.shape_cast %reshape3A_1042 : vector<16x1xi32> to vector<16xi32>
        %gather3A_1044 = tpu.dynamic_gather %add3A_702[%gather3A_1043] in [0] : vector<16xf32>, vector<16xi32> -> vector<16xf32>
        %lt3A_1045 = arith.constant 0 : i32
        %lt3A_1046 = vector.broadcast %lt3A_1045 : i32 to vector<16xi32>
        %lt3A_1047 = arith.cmpi slt, %add3A_64, %lt3A_1046 : vector<16xi32>
        %add3A_1048 = arith.constant 16 : i32
        %add3A_1049 = vector.broadcast %add3A_1048 : i32 to vector<16xi32>
        %add3A_1050 = arith.addi %add3A_64, %add3A_1049 : vector<16xi32>
        %select_n3A_1051 = arith.select %lt3A_1047, %add3A_1050, %add3A_64 : vector<16xi1>, vector<16xi32>
        %reshape3A_1052 = vector.shape_cast %select_n3A_1051 : vector<16xi32> to vector<16x1xi32>
        %gather3A_1053 = vector.shape_cast %reshape3A_1052 : vector<16x1xi32> to vector<16xi32>
        %gather3A_1054 = tpu.dynamic_gather %add3A_702[%gather3A_1053] in [0] : vector<16xf32>, vector<16xi32> -> vector<16xf32>
        %add3A_1055 = arith.addf %gather3A_1044, %gather3A_1054 : vector<16xf32>
        %lt3A_1056 = arith.constant 0 : i32
        %lt3A_1057 = vector.broadcast %lt3A_1056 : i32 to vector<16xi32>
        %lt3A_1058 = arith.cmpi slt, %mul3A_61, %lt3A_1057 : vector<16xi32>
        %add3A_1059 = arith.constant 16 : i32
        %add3A_1060 = vector.broadcast %add3A_1059 : i32 to vector<16xi32>
        %add3A_1061 = arith.addi %mul3A_61, %add3A_1060 : vector<16xi32>
        %select_n3A_1062 = arith.select %lt3A_1058, %add3A_1061, %mul3A_61 : vector<16xi1>, vector<16xi32>
        %reshape3A_1063 = vector.shape_cast %select_n3A_1062 : vector<16xi32> to vector<16x1xi32>
        %gather3A_1064 = vector.shape_cast %reshape3A_1063 : vector<16x1xi32> to vector<16xi32>
        %gather3A_1065 = tpu.dynamic_gather %add3A_735[%gather3A_1064] in [0] : vector<16xf32>, vector<16xi32> -> vector<16xf32>
        %lt3A_1066 = arith.constant 0 : i32
        %lt3A_1067 = vector.broadcast %lt3A_1066 : i32 to vector<16xi32>
        %lt3A_1068 = arith.cmpi slt, %add3A_64, %lt3A_1067 : vector<16xi32>
        %add3A_1069 = arith.constant 16 : i32
        %add3A_1070 = vector.broadcast %add3A_1069 : i32 to vector<16xi32>
        %add3A_1071 = arith.addi %add3A_64, %add3A_1070 : vector<16xi32>
        %select_n3A_1072 = arith.select %lt3A_1068, %add3A_1071, %add3A_64 : vector<16xi1>, vector<16xi32>
        %reshape3A_1073 = vector.shape_cast %select_n3A_1072 : vector<16xi32> to vector<16x1xi32>
        %gather3A_1074 = vector.shape_cast %reshape3A_1073 : vector<16x1xi32> to vector<16xi32>
        %gather3A_1075 = tpu.dynamic_gather %add3A_735[%gather3A_1074] in [0] : vector<16xf32>, vector<16xi32> -> vector<16xf32>
        %add3A_1076 = arith.addf %gather3A_1065, %gather3A_1075 : vector<16xf32>
        %select_n3A_1077 = arith.select %lt3A_67, %add3A_1055, %add3A_1076 : vector<16xi1>, vector<16xf32>
        %lt3A_1078 = arith.constant 0 : i32
        %lt3A_1079 = vector.broadcast %lt3A_1078 : i32 to vector<16xi32>
        %lt3A_1080 = arith.cmpi slt, %mul3A_61, %lt3A_1079 : vector<16xi32>
        %add3A_1081 = arith.constant 16 : i32
        %add3A_1082 = vector.broadcast %add3A_1081 : i32 to vector<16xi32>
        %add3A_1083 = arith.addi %mul3A_61, %add3A_1082 : vector<16xi32>
        %select_n3A_1084 = arith.select %lt3A_1080, %add3A_1083, %mul3A_61 : vector<16xi1>, vector<16xi32>
        %reshape3A_1085 = vector.shape_cast %select_n3A_1084 : vector<16xi32> to vector<16x1xi32>
        %gather3A_1086 = vector.shape_cast %reshape3A_1085 : vector<16x1xi32> to vector<16xi32>
        %gather3A_1087 = tpu.dynamic_gather %select_n3A_776[%gather3A_1086] in [0] : vector<16xf32>, vector<16xi32> -> vector<16xf32>
        %lt3A_1088 = arith.constant 0 : i32
        %lt3A_1089 = vector.broadcast %lt3A_1088 : i32 to vector<16xi32>
        %lt3A_1090 = arith.cmpi slt, %add3A_64, %lt3A_1089 : vector<16xi32>
        %add3A_1091 = arith.constant 16 : i32
        %add3A_1092 = vector.broadcast %add3A_1091 : i32 to vector<16xi32>
        %add3A_1093 = arith.addi %add3A_64, %add3A_1092 : vector<16xi32>
        %select_n3A_1094 = arith.select %lt3A_1090, %add3A_1093, %add3A_64 : vector<16xi1>, vector<16xi32>
        %reshape3A_1095 = vector.shape_cast %select_n3A_1094 : vector<16xi32> to vector<16x1xi32>
        %gather3A_1096 = vector.shape_cast %reshape3A_1095 : vector<16x1xi32> to vector<16xi32>
        %gather3A_1097 = tpu.dynamic_gather %select_n3A_776[%gather3A_1096] in [0] : vector<16xf32>, vector<16xi32> -> vector<16xf32>
        %add3A_1098 = arith.addf %gather3A_1087, %gather3A_1097 : vector<16xf32>
        %lt3A_1099 = arith.constant 0 : i32
        %lt3A_1100 = vector.broadcast %lt3A_1099 : i32 to vector<16xi32>
        %lt3A_1101 = arith.cmpi slt, %mul3A_61, %lt3A_1100 : vector<16xi32>
        %add3A_1102 = arith.constant 16 : i32
        %add3A_1103 = vector.broadcast %add3A_1102 : i32 to vector<16xi32>
        %add3A_1104 = arith.addi %mul3A_61, %add3A_1103 : vector<16xi32>
        %select_n3A_1105 = arith.select %lt3A_1101, %add3A_1104, %mul3A_61 : vector<16xi1>, vector<16xi32>
        %reshape3A_1106 = vector.shape_cast %select_n3A_1105 : vector<16xi32> to vector<16x1xi32>
        %gather3A_1107 = vector.shape_cast %reshape3A_1106 : vector<16x1xi32> to vector<16xi32>
        %gather3A_1108 = tpu.dynamic_gather %select_n3A_819[%gather3A_1107] in [0] : vector<16xf32>, vector<16xi32> -> vector<16xf32>
        %lt3A_1109 = arith.constant 0 : i32
        %lt3A_1110 = vector.broadcast %lt3A_1109 : i32 to vector<16xi32>
        %lt3A_1111 = arith.cmpi slt, %add3A_64, %lt3A_1110 : vector<16xi32>
        %add3A_1112 = arith.constant 16 : i32
        %add3A_1113 = vector.broadcast %add3A_1112 : i32 to vector<16xi32>
        %add3A_1114 = arith.addi %add3A_64, %add3A_1113 : vector<16xi32>
        %select_n3A_1115 = arith.select %lt3A_1111, %add3A_1114, %add3A_64 : vector<16xi1>, vector<16xi32>
        %reshape3A_1116 = vector.shape_cast %select_n3A_1115 : vector<16xi32> to vector<16x1xi32>
        %gather3A_1117 = vector.shape_cast %reshape3A_1116 : vector<16x1xi32> to vector<16xi32>
        %gather3A_1118 = tpu.dynamic_gather %select_n3A_819[%gather3A_1117] in [0] : vector<16xf32>, vector<16xi32> -> vector<16xf32>
        %add3A_1119 = arith.addf %gather3A_1108, %gather3A_1118 : vector<16xf32>
        %select_n3A_1120 = arith.select %lt3A_67, %add3A_1098, %add3A_1119 : vector<16xi1>, vector<16xf32>
        %lt3A_1121 = arith.constant 0 : i32
        %lt3A_1122 = vector.broadcast %lt3A_1121 : i32 to vector<16xi32>
        %lt3A_1123 = arith.cmpi slt, %mul3A_61, %lt3A_1122 : vector<16xi32>
        %add3A_1124 = arith.constant 16 : i32
        %add3A_1125 = vector.broadcast %add3A_1124 : i32 to vector<16xi32>
        %add3A_1126 = arith.addi %mul3A_61, %add3A_1125 : vector<16xi32>
        %select_n3A_1127 = arith.select %lt3A_1123, %add3A_1126, %mul3A_61 : vector<16xi1>, vector<16xi32>
        %reshape3A_1128 = vector.shape_cast %select_n3A_1127 : vector<16xi32> to vector<16x1xi32>
        %gather3A_1129 = vector.shape_cast %reshape3A_1128 : vector<16x1xi32> to vector<16xi32>
        %gather3A_1130 = tpu.dynamic_gather %select_n3A_862[%gather3A_1129] in [0] : vector<16xf32>, vector<16xi32> -> vector<16xf32>
        %lt3A_1131 = arith.constant 0 : i32
        %lt3A_1132 = vector.broadcast %lt3A_1131 : i32 to vector<16xi32>
        %lt3A_1133 = arith.cmpi slt, %add3A_64, %lt3A_1132 : vector<16xi32>
        %add3A_1134 = arith.constant 16 : i32
        %add3A_1135 = vector.broadcast %add3A_1134 : i32 to vector<16xi32>
        %add3A_1136 = arith.addi %add3A_64, %add3A_1135 : vector<16xi32>
        %select_n3A_1137 = arith.select %lt3A_1133, %add3A_1136, %add3A_64 : vector<16xi1>, vector<16xi32>
        %reshape3A_1138 = vector.shape_cast %select_n3A_1137 : vector<16xi32> to vector<16x1xi32>
        %gather3A_1139 = vector.shape_cast %reshape3A_1138 : vector<16x1xi32> to vector<16xi32>
        %gather3A_1140 = tpu.dynamic_gather %select_n3A_862[%gather3A_1139] in [0] : vector<16xf32>, vector<16xi32> -> vector<16xf32>
        %add3A_1141 = arith.addf %gather3A_1130, %gather3A_1140 : vector<16xf32>
        %lt3A_1142 = arith.constant 0 : i32
        %lt3A_1143 = vector.broadcast %lt3A_1142 : i32 to vector<16xi32>
        %lt3A_1144 = arith.cmpi slt, %mul3A_61, %lt3A_1143 : vector<16xi32>
        %add3A_1145 = arith.constant 16 : i32
        %add3A_1146 = vector.broadcast %add3A_1145 : i32 to vector<16xi32>
        %add3A_1147 = arith.addi %mul3A_61, %add3A_1146 : vector<16xi32>
        %select_n3A_1148 = arith.select %lt3A_1144, %add3A_1147, %mul3A_61 : vector<16xi1>, vector<16xi32>
        %reshape3A_1149 = vector.shape_cast %select_n3A_1148 : vector<16xi32> to vector<16x1xi32>
        %gather3A_1150 = vector.shape_cast %reshape3A_1149 : vector<16x1xi32> to vector<16xi32>
        %gather3A_1151 = tpu.dynamic_gather %select_n3A_905[%gather3A_1150] in [0] : vector<16xf32>, vector<16xi32> -> vector<16xf32>
        %lt3A_1152 = arith.constant 0 : i32
        %lt3A_1153 = vector.broadcast %lt3A_1152 : i32 to vector<16xi32>
        %lt3A_1154 = arith.cmpi slt, %add3A_64, %lt3A_1153 : vector<16xi32>
        %add3A_1155 = arith.constant 16 : i32
        %add3A_1156 = vector.broadcast %add3A_1155 : i32 to vector<16xi32>
        %add3A_1157 = arith.addi %add3A_64, %add3A_1156 : vector<16xi32>
        %select_n3A_1158 = arith.select %lt3A_1154, %add3A_1157, %add3A_64 : vector<16xi1>, vector<16xi32>
        %reshape3A_1159 = vector.shape_cast %select_n3A_1158 : vector<16xi32> to vector<16x1xi32>
        %gather3A_1160 = vector.shape_cast %reshape3A_1159 : vector<16x1xi32> to vector<16xi32>
        %gather3A_1161 = tpu.dynamic_gather %select_n3A_905[%gather3A_1160] in [0] : vector<16xf32>, vector<16xi32> -> vector<16xf32>
        %add3A_1162 = arith.addf %gather3A_1151, %gather3A_1161 : vector<16xf32>
        %select_n3A_1163 = arith.select %lt3A_67, %add3A_1141, %add3A_1162 : vector<16xi1>, vector<16xf32>
        %lt3A_1164 = arith.constant 0 : i32
        %lt3A_1165 = vector.broadcast %lt3A_1164 : i32 to vector<16xi32>
        %lt3A_1166 = arith.cmpi slt, %mul3A_61, %lt3A_1165 : vector<16xi32>
        %add3A_1167 = arith.constant 16 : i32
        %add3A_1168 = vector.broadcast %add3A_1167 : i32 to vector<16xi32>
        %add3A_1169 = arith.addi %mul3A_61, %add3A_1168 : vector<16xi32>
        %select_n3A_1170 = arith.select %lt3A_1166, %add3A_1169, %mul3A_61 : vector<16xi1>, vector<16xi32>
        %reshape3A_1171 = vector.shape_cast %select_n3A_1170 : vector<16xi32> to vector<16x1xi32>
        %gather3A_1172 = vector.shape_cast %reshape3A_1171 : vector<16x1xi32> to vector<16xi32>
        %gather3A_1173 = tpu.dynamic_gather %select_n3A_948[%gather3A_1172] in [0] : vector<16xf32>, vector<16xi32> -> vector<16xf32>
        %lt3A_1174 = arith.constant 0 : i32
        %lt3A_1175 = vector.broadcast %lt3A_1174 : i32 to vector<16xi32>
        %lt3A_1176 = arith.cmpi slt, %add3A_64, %lt3A_1175 : vector<16xi32>
        %add3A_1177 = arith.constant 16 : i32
        %add3A_1178 = vector.broadcast %add3A_1177 : i32 to vector<16xi32>
        %add3A_1179 = arith.addi %add3A_64, %add3A_1178 : vector<16xi32>
        %select_n3A_1180 = arith.select %lt3A_1176, %add3A_1179, %add3A_64 : vector<16xi1>, vector<16xi32>
        %reshape3A_1181 = vector.shape_cast %select_n3A_1180 : vector<16xi32> to vector<16x1xi32>
        %gather3A_1182 = vector.shape_cast %reshape3A_1181 : vector<16x1xi32> to vector<16xi32>
        %gather3A_1183 = tpu.dynamic_gather %select_n3A_948[%gather3A_1182] in [0] : vector<16xf32>, vector<16xi32> -> vector<16xf32>
        %add3A_1184 = arith.addf %gather3A_1173, %gather3A_1183 : vector<16xf32>
        %lt3A_1185 = arith.constant 0 : i32
        %lt3A_1186 = vector.broadcast %lt3A_1185 : i32 to vector<16xi32>
        %lt3A_1187 = arith.cmpi slt, %mul3A_61, %lt3A_1186 : vector<16xi32>
        %add3A_1188 = arith.constant 16 : i32
        %add3A_1189 = vector.broadcast %add3A_1188 : i32 to vector<16xi32>
        %add3A_1190 = arith.addi %mul3A_61, %add3A_1189 : vector<16xi32>
        %select_n3A_1191 = arith.select %lt3A_1187, %add3A_1190, %mul3A_61 : vector<16xi1>, vector<16xi32>
        %reshape3A_1192 = vector.shape_cast %select_n3A_1191 : vector<16xi32> to vector<16x1xi32>
        %gather3A_1193 = vector.shape_cast %reshape3A_1192 : vector<16x1xi32> to vector<16xi32>
        %gather3A_1194 = tpu.dynamic_gather %select_n3A_991[%gather3A_1193] in [0] : vector<16xf32>, vector<16xi32> -> vector<16xf32>
        %lt3A_1195 = arith.constant 0 : i32
        %lt3A_1196 = vector.broadcast %lt3A_1195 : i32 to vector<16xi32>
        %lt3A_1197 = arith.cmpi slt, %add3A_64, %lt3A_1196 : vector<16xi32>
        %add3A_1198 = arith.constant 16 : i32
        %add3A_1199 = vector.broadcast %add3A_1198 : i32 to vector<16xi32>
        %add3A_1200 = arith.addi %add3A_64, %add3A_1199 : vector<16xi32>
        %select_n3A_1201 = arith.select %lt3A_1197, %add3A_1200, %add3A_64 : vector<16xi1>, vector<16xi32>
        %reshape3A_1202 = vector.shape_cast %select_n3A_1201 : vector<16xi32> to vector<16x1xi32>
        %gather3A_1203 = vector.shape_cast %reshape3A_1202 : vector<16x1xi32> to vector<16xi32>
        %gather3A_1204 = tpu.dynamic_gather %select_n3A_991[%gather3A_1203] in [0] : vector<16xf32>, vector<16xi32> -> vector<16xf32>
        %add3A_1205 = arith.addf %gather3A_1194, %gather3A_1204 : vector<16xf32>
        %select_n3A_1206 = arith.select %lt3A_67, %add3A_1184, %add3A_1205 : vector<16xi1>, vector<16xf32>
        %lt3A_1207 = arith.constant 0 : i32
        %lt3A_1208 = vector.broadcast %lt3A_1207 : i32 to vector<16xi32>
        %lt3A_1209 = arith.cmpi slt, %mul3A_61, %lt3A_1208 : vector<16xi32>
        %add3A_1210 = arith.constant 16 : i32
        %add3A_1211 = vector.broadcast %add3A_1210 : i32 to vector<16xi32>
        %add3A_1212 = arith.addi %mul3A_61, %add3A_1211 : vector<16xi32>
        %select_n3A_1213 = arith.select %lt3A_1209, %add3A_1212, %mul3A_61 : vector<16xi1>, vector<16xi32>
        %reshape3A_1214 = vector.shape_cast %select_n3A_1213 : vector<16xi32> to vector<16x1xi32>
        %gather3A_1215 = vector.shape_cast %reshape3A_1214 : vector<16x1xi32> to vector<16xi32>
        %gather3A_1216 = tpu.dynamic_gather %select_n3A_1034[%gather3A_1215] in [0] : vector<16xf32>, vector<16xi32> -> vector<16xf32>
        %lt3A_1217 = arith.constant 0 : i32
        %lt3A_1218 = vector.broadcast %lt3A_1217 : i32 to vector<16xi32>
        %lt3A_1219 = arith.cmpi slt, %add3A_64, %lt3A_1218 : vector<16xi32>
        %add3A_1220 = arith.constant 16 : i32
        %add3A_1221 = vector.broadcast %add3A_1220 : i32 to vector<16xi32>
        %add3A_1222 = arith.addi %add3A_64, %add3A_1221 : vector<16xi32>
        %select_n3A_1223 = arith.select %lt3A_1219, %add3A_1222, %add3A_64 : vector<16xi1>, vector<16xi32>
        %reshape3A_1224 = vector.shape_cast %select_n3A_1223 : vector<16xi32> to vector<16x1xi32>
        %gather3A_1225 = vector.shape_cast %reshape3A_1224 : vector<16x1xi32> to vector<16xi32>
        %gather3A_1226 = tpu.dynamic_gather %select_n3A_1034[%gather3A_1225] in [0] : vector<16xf32>, vector<16xi32> -> vector<16xf32>
        %add3A_1227 = arith.addf %gather3A_1216, %gather3A_1226 : vector<16xf32>
        %lt3A_1228 = arith.constant 0 : i32
        %lt3A_1229 = vector.broadcast %lt3A_1228 : i32 to vector<16xi32>
        %lt3A_1230 = arith.cmpi slt, %mul3A_61, %lt3A_1229 : vector<16xi32>
        %add3A_1231 = arith.constant 16 : i32
        %add3A_1232 = vector.broadcast %add3A_1231 : i32 to vector<16xi32>
        %add3A_1233 = arith.addi %mul3A_61, %add3A_1232 : vector<16xi32>
        %select_n3A_1234 = arith.select %lt3A_1230, %add3A_1233, %mul3A_61 : vector<16xi1>, vector<16xi32>
        %reshape3A_1235 = vector.shape_cast %select_n3A_1234 : vector<16xi32> to vector<16x1xi32>
        %gather3A_1236 = vector.shape_cast %reshape3A_1235 : vector<16x1xi32> to vector<16xi32>
        %gather3A_1237 = tpu.dynamic_gather %select_n3A_1077[%gather3A_1236] in [0] : vector<16xf32>, vector<16xi32> -> vector<16xf32>
        %lt3A_1238 = arith.constant 0 : i32
        %lt3A_1239 = vector.broadcast %lt3A_1238 : i32 to vector<16xi32>
        %lt3A_1240 = arith.cmpi slt, %add3A_64, %lt3A_1239 : vector<16xi32>
        %add3A_1241 = arith.constant 16 : i32
        %add3A_1242 = vector.broadcast %add3A_1241 : i32 to vector<16xi32>
        %add3A_1243 = arith.addi %add3A_64, %add3A_1242 : vector<16xi32>
        %select_n3A_1244 = arith.select %lt3A_1240, %add3A_1243, %add3A_64 : vector<16xi1>, vector<16xi32>
        %reshape3A_1245 = vector.shape_cast %select_n3A_1244 : vector<16xi32> to vector<16x1xi32>
        %gather3A_1246 = vector.shape_cast %reshape3A_1245 : vector<16x1xi32> to vector<16xi32>
        %gather3A_1247 = tpu.dynamic_gather %select_n3A_1077[%gather3A_1246] in [0] : vector<16xf32>, vector<16xi32> -> vector<16xf32>
        %add3A_1248 = arith.addf %gather3A_1237, %gather3A_1247 : vector<16xf32>
        %select_n3A_1249 = arith.select %lt3A_67, %add3A_1227, %add3A_1248 : vector<16xi1>, vector<16xf32>
        %lt3A_1250 = arith.constant 0 : i32
        %lt3A_1251 = vector.broadcast %lt3A_1250 : i32 to vector<16xi32>
        %lt3A_1252 = arith.cmpi slt, %mul3A_61, %lt3A_1251 : vector<16xi32>
        %add3A_1253 = arith.constant 16 : i32
        %add3A_1254 = vector.broadcast %add3A_1253 : i32 to vector<16xi32>
        %add3A_1255 = arith.addi %mul3A_61, %add3A_1254 : vector<16xi32>
        %select_n3A_1256 = arith.select %lt3A_1252, %add3A_1255, %mul3A_61 : vector<16xi1>, vector<16xi32>
        %reshape3A_1257 = vector.shape_cast %select_n3A_1256 : vector<16xi32> to vector<16x1xi32>
        %gather3A_1258 = vector.shape_cast %reshape3A_1257 : vector<16x1xi32> to vector<16xi32>
        %gather3A_1259 = tpu.dynamic_gather %select_n3A_1120[%gather3A_1258] in [0] : vector<16xf32>, vector<16xi32> -> vector<16xf32>
        %lt3A_1260 = arith.constant 0 : i32
        %lt3A_1261 = vector.broadcast %lt3A_1260 : i32 to vector<16xi32>
        %lt3A_1262 = arith.cmpi slt, %add3A_64, %lt3A_1261 : vector<16xi32>
        %add3A_1263 = arith.constant 16 : i32
        %add3A_1264 = vector.broadcast %add3A_1263 : i32 to vector<16xi32>
        %add3A_1265 = arith.addi %add3A_64, %add3A_1264 : vector<16xi32>
        %select_n3A_1266 = arith.select %lt3A_1262, %add3A_1265, %add3A_64 : vector<16xi1>, vector<16xi32>
        %reshape3A_1267 = vector.shape_cast %select_n3A_1266 : vector<16xi32> to vector<16x1xi32>
        %gather3A_1268 = vector.shape_cast %reshape3A_1267 : vector<16x1xi32> to vector<16xi32>
        %gather3A_1269 = tpu.dynamic_gather %select_n3A_1120[%gather3A_1268] in [0] : vector<16xf32>, vector<16xi32> -> vector<16xf32>
        %add3A_1270 = arith.addf %gather3A_1259, %gather3A_1269 : vector<16xf32>
        %lt3A_1271 = arith.constant 0 : i32
        %lt3A_1272 = vector.broadcast %lt3A_1271 : i32 to vector<16xi32>
        %lt3A_1273 = arith.cmpi slt, %mul3A_61, %lt3A_1272 : vector<16xi32>
        %add3A_1274 = arith.constant 16 : i32
        %add3A_1275 = vector.broadcast %add3A_1274 : i32 to vector<16xi32>
        %add3A_1276 = arith.addi %mul3A_61, %add3A_1275 : vector<16xi32>
        %select_n3A_1277 = arith.select %lt3A_1273, %add3A_1276, %mul3A_61 : vector<16xi1>, vector<16xi32>
        %reshape3A_1278 = vector.shape_cast %select_n3A_1277 : vector<16xi32> to vector<16x1xi32>
        %gather3A_1279 = vector.shape_cast %reshape3A_1278 : vector<16x1xi32> to vector<16xi32>
        %gather3A_1280 = tpu.dynamic_gather %select_n3A_1163[%gather3A_1279] in [0] : vector<16xf32>, vector<16xi32> -> vector<16xf32>
        %lt3A_1281 = arith.constant 0 : i32
        %lt3A_1282 = vector.broadcast %lt3A_1281 : i32 to vector<16xi32>
        %lt3A_1283 = arith.cmpi slt, %add3A_64, %lt3A_1282 : vector<16xi32>
        %add3A_1284 = arith.constant 16 : i32
        %add3A_1285 = vector.broadcast %add3A_1284 : i32 to vector<16xi32>
        %add3A_1286 = arith.addi %add3A_64, %add3A_1285 : vector<16xi32>
        %select_n3A_1287 = arith.select %lt3A_1283, %add3A_1286, %add3A_64 : vector<16xi1>, vector<16xi32>
        %reshape3A_1288 = vector.shape_cast %select_n3A_1287 : vector<16xi32> to vector<16x1xi32>
        %gather3A_1289 = vector.shape_cast %reshape3A_1288 : vector<16x1xi32> to vector<16xi32>
        %gather3A_1290 = tpu.dynamic_gather %select_n3A_1163[%gather3A_1289] in [0] : vector<16xf32>, vector<16xi32> -> vector<16xf32>
        %add3A_1291 = arith.addf %gather3A_1280, %gather3A_1290 : vector<16xf32>
        %select_n3A_1292 = arith.select %lt3A_67, %add3A_1270, %add3A_1291 : vector<16xi1>, vector<16xf32>
        %lt3A_1293 = arith.constant 0 : i32
        %lt3A_1294 = vector.broadcast %lt3A_1293 : i32 to vector<16xi32>
        %lt3A_1295 = arith.cmpi slt, %mul3A_61, %lt3A_1294 : vector<16xi32>
        %add3A_1296 = arith.constant 16 : i32
        %add3A_1297 = vector.broadcast %add3A_1296 : i32 to vector<16xi32>
        %add3A_1298 = arith.addi %mul3A_61, %add3A_1297 : vector<16xi32>
        %select_n3A_1299 = arith.select %lt3A_1295, %add3A_1298, %mul3A_61 : vector<16xi1>, vector<16xi32>
        %reshape3A_1300 = vector.shape_cast %select_n3A_1299 : vector<16xi32> to vector<16x1xi32>
        %gather3A_1301 = vector.shape_cast %reshape3A_1300 : vector<16x1xi32> to vector<16xi32>
        %gather3A_1302 = tpu.dynamic_gather %select_n3A_1206[%gather3A_1301] in [0] : vector<16xf32>, vector<16xi32> -> vector<16xf32>
        %lt3A_1303 = arith.constant 0 : i32
        %lt3A_1304 = vector.broadcast %lt3A_1303 : i32 to vector<16xi32>
        %lt3A_1305 = arith.cmpi slt, %add3A_64, %lt3A_1304 : vector<16xi32>
        %add3A_1306 = arith.constant 16 : i32
        %add3A_1307 = vector.broadcast %add3A_1306 : i32 to vector<16xi32>
        %add3A_1308 = arith.addi %add3A_64, %add3A_1307 : vector<16xi32>
        %select_n3A_1309 = arith.select %lt3A_1305, %add3A_1308, %add3A_64 : vector<16xi1>, vector<16xi32>
        %reshape3A_1310 = vector.shape_cast %select_n3A_1309 : vector<16xi32> to vector<16x1xi32>
        %gather3A_1311 = vector.shape_cast %reshape3A_1310 : vector<16x1xi32> to vector<16xi32>
        %gather3A_1312 = tpu.dynamic_gather %select_n3A_1206[%gather3A_1311] in [0] : vector<16xf32>, vector<16xi32> -> vector<16xf32>
        %add3A_1313 = arith.addf %gather3A_1302, %gather3A_1312 : vector<16xf32>
        %lt3A_1314 = arith.constant 0 : i32
        %lt3A_1315 = vector.broadcast %lt3A_1314 : i32 to vector<16xi32>
        %lt3A_1316 = arith.cmpi slt, %mul3A_61, %lt3A_1315 : vector<16xi32>
        %add3A_1317 = arith.constant 16 : i32
        %add3A_1318 = vector.broadcast %add3A_1317 : i32 to vector<16xi32>
        %add3A_1319 = arith.addi %mul3A_61, %add3A_1318 : vector<16xi32>
        %select_n3A_1320 = arith.select %lt3A_1316, %add3A_1319, %mul3A_61 : vector<16xi1>, vector<16xi32>
        %reshape3A_1321 = vector.shape_cast %select_n3A_1320 : vector<16xi32> to vector<16x1xi32>
        %gather3A_1322 = vector.shape_cast %reshape3A_1321 : vector<16x1xi32> to vector<16xi32>
        %gather3A_1323 = tpu.dynamic_gather %select_n3A_1249[%gather3A_1322] in [0] : vector<16xf32>, vector<16xi32> -> vector<16xf32>
        %lt3A_1324 = arith.constant 0 : i32
        %lt3A_1325 = vector.broadcast %lt3A_1324 : i32 to vector<16xi32>
        %lt3A_1326 = arith.cmpi slt, %add3A_64, %lt3A_1325 : vector<16xi32>
        %add3A_1327 = arith.constant 16 : i32
        %add3A_1328 = vector.broadcast %add3A_1327 : i32 to vector<16xi32>
        %add3A_1329 = arith.addi %add3A_64, %add3A_1328 : vector<16xi32>
        %select_n3A_1330 = arith.select %lt3A_1326, %add3A_1329, %add3A_64 : vector<16xi1>, vector<16xi32>
        %reshape3A_1331 = vector.shape_cast %select_n3A_1330 : vector<16xi32> to vector<16x1xi32>
        %gather3A_1332 = vector.shape_cast %reshape3A_1331 : vector<16x1xi32> to vector<16xi32>
        %gather3A_1333 = tpu.dynamic_gather %select_n3A_1249[%gather3A_1332] in [0] : vector<16xf32>, vector<16xi32> -> vector<16xf32>
        %add3A_1334 = arith.addf %gather3A_1323, %gather3A_1333 : vector<16xf32>
        %select_n3A_1335 = arith.select %lt3A_67, %add3A_1313, %add3A_1334 : vector<16xi1>, vector<16xf32>
        %lt3A_1336 = arith.constant 0 : i32
        %lt3A_1337 = vector.broadcast %lt3A_1336 : i32 to vector<16xi32>
        %lt3A_1338 = arith.cmpi slt, %mul3A_61, %lt3A_1337 : vector<16xi32>
        %add3A_1339 = arith.constant 16 : i32
        %add3A_1340 = vector.broadcast %add3A_1339 : i32 to vector<16xi32>
        %add3A_1341 = arith.addi %mul3A_61, %add3A_1340 : vector<16xi32>
        %select_n3A_1342 = arith.select %lt3A_1338, %add3A_1341, %mul3A_61 : vector<16xi1>, vector<16xi32>
        %reshape3A_1343 = vector.shape_cast %select_n3A_1342 : vector<16xi32> to vector<16x1xi32>
        %gather3A_1344 = vector.shape_cast %reshape3A_1343 : vector<16x1xi32> to vector<16xi32>
        %gather3A_1345 = tpu.dynamic_gather %select_n3A_1292[%gather3A_1344] in [0] : vector<16xf32>, vector<16xi32> -> vector<16xf32>
        %lt3A_1346 = arith.constant 0 : i32
        %lt3A_1347 = vector.broadcast %lt3A_1346 : i32 to vector<16xi32>
        %lt3A_1348 = arith.cmpi slt, %add3A_64, %lt3A_1347 : vector<16xi32>
        %add3A_1349 = arith.constant 16 : i32
        %add3A_1350 = vector.broadcast %add3A_1349 : i32 to vector<16xi32>
        %add3A_1351 = arith.addi %add3A_64, %add3A_1350 : vector<16xi32>
        %select_n3A_1352 = arith.select %lt3A_1348, %add3A_1351, %add3A_64 : vector<16xi1>, vector<16xi32>
        %reshape3A_1353 = vector.shape_cast %select_n3A_1352 : vector<16xi32> to vector<16x1xi32>
        %gather3A_1354 = vector.shape_cast %reshape3A_1353 : vector<16x1xi32> to vector<16xi32>
        %gather3A_1355 = tpu.dynamic_gather %select_n3A_1292[%gather3A_1354] in [0] : vector<16xf32>, vector<16xi32> -> vector<16xf32>
        %add3A_1356 = arith.addf %gather3A_1345, %gather3A_1355 : vector<16xf32>
        %lt3A_1357 = arith.constant 0 : i32
        %lt3A_1358 = vector.broadcast %lt3A_1357 : i32 to vector<16xi32>
        %lt3A_1359 = arith.cmpi slt, %mul3A_61, %lt3A_1358 : vector<16xi32>
        %add3A_1360 = arith.constant 16 : i32
        %add3A_1361 = vector.broadcast %add3A_1360 : i32 to vector<16xi32>
        %add3A_1362 = arith.addi %mul3A_61, %add3A_1361 : vector<16xi32>
        %select_n3A_1363 = arith.select %lt3A_1359, %add3A_1362, %mul3A_61 : vector<16xi1>, vector<16xi32>
        %reshape3A_1364 = vector.shape_cast %select_n3A_1363 : vector<16xi32> to vector<16x1xi32>
        %gather3A_1365 = vector.shape_cast %reshape3A_1364 : vector<16x1xi32> to vector<16xi32>
        %gather3A_1366 = tpu.dynamic_gather %select_n3A_1335[%gather3A_1365] in [0] : vector<16xf32>, vector<16xi32> -> vector<16xf32>
        %lt3A_1367 = arith.constant 0 : i32
        %lt3A_1368 = vector.broadcast %lt3A_1367 : i32 to vector<16xi32>
        %lt3A_1369 = arith.cmpi slt, %add3A_64, %lt3A_1368 : vector<16xi32>
        %add3A_1370 = arith.constant 16 : i32
        %add3A_1371 = vector.broadcast %add3A_1370 : i32 to vector<16xi32>
        %add3A_1372 = arith.addi %add3A_64, %add3A_1371 : vector<16xi32>
        %select_n3A_1373 = arith.select %lt3A_1369, %add3A_1372, %add3A_64 : vector<16xi1>, vector<16xi32>
        %reshape3A_1374 = vector.shape_cast %select_n3A_1373 : vector<16xi32> to vector<16x1xi32>
        %gather3A_1375 = vector.shape_cast %reshape3A_1374 : vector<16x1xi32> to vector<16xi32>
        %gather3A_1376 = tpu.dynamic_gather %select_n3A_1335[%gather3A_1375] in [0] : vector<16xf32>, vector<16xi32> -> vector<16xf32>
        %add3A_1377 = arith.addf %gather3A_1366, %gather3A_1376 : vector<16xf32>
        %select_n3A_1378 = arith.select %lt3A_67, %add3A_1356, %add3A_1377 : vector<16xi1>, vector<16xf32>
        %swap3A = arith.index_cast %mul3A_208 : i32 to index
        %swap3A_1379 = tpu.vector_load %arg12[%swap3A] {strides = array<i32>} : memref<352xf32, #tpu.memory_space<vmem>>, vector<16xf32>,
        tpu.vector_store %arg12[%swap3A], %select_n3A_1378 {strides = array<i32>} : memref<352xf32, #tpu.memory_space<vmem>>, vector<16xf32>,
      }
      %scan3A_128 = arith.constant 22 : i32
      %lt3A_129 = arith.constant 44 : i32
      %lt3A_130 = arith.cmpi slt, %add3A_108, %lt3A_129 : i32
      %mul3A_131 = arith.constant 44 : i32
      %mul3A_132 = arith.muli %add3A, %mul3A_131 : i32
      %add3A_133 = arith.addi %mul3A_132, %add3A_108 : i32
      %mul3A_134 = arith.constant 352 : i32
      %mul3A_135 = arith.muli %add3A_133, %mul3A_134 : i32
      %sub3A_136 = arith.constant 46 : i32
      %sub3A_137 = arith.subi %sub3A_136, %add3A_108 : i32
      %mul3A_138 = arith.constant 32 : i32
      %mul3A_139 = arith.muli %sub3A_137, %mul3A_138 : i32
      %sub3A_140 = arith.subi %mul3A_139, %add3A : i32
      %mul3A_141 = arith.constant 352 : i32
      %mul3A_142 = arith.muli %sub3A_140, %mul3A_141 : i32
      %sub3A_143 = arith.constant 500000 : i32
      %sub3A_144 = arith.subi %sub3A_143, %mul3A_142 : i32
      %select_n3A_145 = arith.select %lt3A_130, %mul3A_135, %sub3A_144 : i32
      %dma_start3A_146 = tpu.memref_slice %arg5[%select_n3A_145] : memref<500000xf32, #tpu.memory_space<hbm>> -> memref<352xf32, #tpu.memory_space<hbm>>
      %dma_start3A_147 = tpu.memref_slice %arg5[%select_n3A_145] : memref<500000xf32, #tpu.memory_space<hbm>> -> memref<352xf32, #tpu.memory_space<hbm>>
      tpu.enqueue_dma source(%arg12 : memref<352xf32, #tpu.memory_space<vmem>>) target(%dma_start3A_147 : memref<352xf32, #tpu.memory_space<hbm>>) target_semaphore(%arg16 : memref<!tpu.dma_semaphore, #tpu.memory_space<semaphore_mem>>)
      %add3A_148 = arith.constant 2 : i32
      %add3A_149 = arith.addi %add3A_108, %add3A_148 : i32
      %lt3A_150 = arith.constant 46 : i32
      %lt3A_151 = arith.cmpi slt, %add3A_149, %lt3A_150 : i32
      %convert_element_type3A_152 = arith.extui %lt3A_151 : i1 to i32
      %cond3A_153 = arith.constant 0 : i32
      %cond3A_154 = arith.cmpi ne, %convert_element_type3A_152, %cond3A_153 : i32
      scf.if %cond3A_154 {
        %add3A_206 = arith.constant 2 : i32
        %add3A_207 = arith.addi %add3A_108, %add3A_206 : i32
        %mul3A_208 = arith.constant 352 : i32
        %mul3A_209 = arith.muli %add3A_207, %mul3A_208 : i32
        %mul3A_210 = arith.constant 352 : i32
        %mul3A_211 = arith.muli %add3A_207, %mul3A_210 : i32
        %dma_start3A_212 = tpu.memref_slice %arg6[%mul3A_209] : memref<16192xi32, #tpu.memory_space<vmem>> -> memref<352xi32, #tpu.memory_space<vmem>>
        %dma_start3A_213 = arith.constant 0 : i32
        %dma_start3A_214 = arith.constant 0 : i32
        %dma_start3A_215 = tpu.memref_slice %arg2[%dma_start3A_213, %dma_start3A_214] : memref<100000x64xf32, #tpu.memory_space<hbm>> -> memref<100000x64xf32, #tpu.memory_space<hbm>>
        tpu.enqueue_indirect_dma source(%dma_start3A_215 : memref<100000x64xf32, #tpu.memory_space<hbm>>) target(%arg8 : memref<352x64xf32, #tpu.memory_space<vmem>>) offsets(%dma_start3A_212 : memref<352xi32, #tpu.memory_space<vmem>>) semaphore(%arg14 : memref<!tpu.dma_semaphore, #tpu.memory_space<semaphore_mem>>)
        %dma_start3A_216 = tpu.memref_slice %arg7[%mul3A_211] : memref<16192xi32, #tpu.memory_space<vmem>> -> memref<352xi32, #tpu.memory_space<vmem>>
        %dma_start3A_217 = arith.constant 0 : i32
        %dma_start3A_218 = arith.constant 0 : i32
        %dma_start3A_219 = tpu.memref_slice %arg3[%dma_start3A_217, %dma_start3A_218] : memref<100000x64xf32, #tpu.memory_space<hbm>> -> memref<100000x64xf32, #tpu.memory_space<hbm>>
        tpu.enqueue_indirect_dma source(%dma_start3A_219 : memref<100000x64xf32, #tpu.memory_space<hbm>>) target(%arg10 : memref<352x64xf32, #tpu.memory_space<vmem>>) offsets(%dma_start3A_216 : memref<352xi32, #tpu.memory_space<vmem>>) semaphore(%arg14 : memref<!tpu.dma_semaphore, #tpu.memory_space<semaphore_mem>>)
      } else {
      }
      %add3A_155 = arith.constant 1 : i32
      %add3A_156 = arith.addi %mul3A_106, %add3A_155 : i32
      %mul3A_157 = arith.constant 352 : i32
      %mul3A_158 = arith.muli %add3A_156, %mul3A_157 : i32
      %mul3A_159 = arith.constant 352 : i32
      %mul3A_160 = arith.muli %add3A_156, %mul3A_159 : i32
      %dma_wait3A_161 = tpu.memref_slice %arg6[%mul3A_158] : memref<16192xi32, #tpu.memory_space<vmem>> -> memref<352xi32, #tpu.memory_space<vmem>>
      %dma_wait3A_162 = arith.constant 0 : i32
      %dma_wait3A_163 = arith.constant 0 : i32
      %dma_wait3A_164 = tpu.memref_slice %arg2[%dma_wait3A_162, %dma_wait3A_163] : memref<100000x64xf32, #tpu.memory_space<hbm>> -> memref<100000x64xf32, #tpu.memory_space<hbm>>
      tpu.wait_indirect_dma semaphore(%arg15 : memref<!tpu.dma_semaphore, #tpu.memory_space<semaphore_mem>>) src(%dma_wait3A_164 : memref<100000x64xf32, #tpu.memory_space<hbm>>) dst(%arg9 : memref<352x64xf32, #tpu.memory_space<vmem>>)
      %dma_wait3A_165 = tpu.memref_slice %arg7[%mul3A_160] : memref<16192xi32, #tpu.memory_space<vmem>> -> memref<352xi32, #tpu.memory_space<vmem>>
      %dma_wait3A_166 = arith.constant 0 : i32
      %dma_wait3A_167 = arith.constant 0 : i32
      %dma_wait3A_168 = tpu.memref_slice %arg3[%dma_wait3A_166, %dma_wait3A_167] : memref<100000x64xf32, #tpu.memory_space<hbm>> -> memref<100000x64xf32, #tpu.memory_space<hbm>>
      tpu.wait_indirect_dma semaphore(%arg15 : memref<!tpu.dma_semaphore, #tpu.memory_space<semaphore_mem>>) src(%dma_wait3A_168 : memref<100000x64xf32, #tpu.memory_space<hbm>>) dst(%arg11 : memref<352x64xf32, #tpu.memory_space<vmem>>)
      %ge3A_169 = arith.constant 2 : i32
      %ge3A_170 = arith.cmpi sge, %add3A_156, %ge3A_169 : i32
      %convert_element_type3A_171 = arith.extui %ge3A_170 : i1 to i32
      %cond3A_172 = arith.constant 0 : i32
      %cond3A_173 = arith.cmpi ne, %convert_element_type3A_171, %cond3A_172 : i32
      scf.if %cond3A_173 {
        %sub3A_206 = arith.constant 2 : i32
        %sub3A_207 = arith.subi %add3A_156, %sub3A_206 : i32
        %lt3A_208 = arith.constant 44 : i32
        %lt3A_209 = arith.cmpi slt, %sub3A_207, %lt3A_208 : i32
        %mul3A_210 = arith.constant 44 : i32
        %mul3A_211 = arith.muli %add3A, %mul3A_210 : i32
        %add3A_212 = arith.addi %mul3A_211, %sub3A_207 : i32
        %mul3A_213 = arith.constant 352 : i32
        %mul3A_214 = arith.muli %add3A_212, %mul3A_213 : i32
        %sub3A_215 = arith.constant 46 : i32
        %sub3A_216 = arith.subi %sub3A_215, %sub3A_207 : i32
        %mul3A_217 = arith.constant 32 : i32
        %mul3A_218 = arith.muli %sub3A_216, %mul3A_217 : i32
        %sub3A_219 = arith.subi %mul3A_218, %add3A : i32
        %mul3A_220 = arith.constant 352 : i32
        %mul3A_221 = arith.muli %sub3A_219, %mul3A_220 : i32
        %sub3A_222 = arith.constant 500000 : i32
        %sub3A_223 = arith.subi %sub3A_222, %mul3A_221 : i32
        %select_n3A_224 = arith.select %lt3A_209, %mul3A_214, %sub3A_223 : i32
        %dma_wait3A_225 = tpu.memref_slice %arg5[%select_n3A_224] : memref<500000xf32, #tpu.memory_space<hbm>> -> memref<352xf32, #tpu.memory_space<hbm>>
        %dma_wait3A_226 = tpu.memref_slice %arg5[%select_n3A_224] : memref<500000xf32, #tpu.memory_space<hbm>> -> memref<352xf32, #tpu.memory_space<hbm>>
        tpu.wait_dma2 semaphore(%arg17 : memref<!tpu.dma_semaphore, #tpu.memory_space<semaphore_mem>>) src(%arg13 : memref<352xf32, #tpu.memory_space<vmem>>) dst(%dma_wait3A_226 : memref<352xf32, #tpu.memory_space<hbm>>)
      } else {
      }
      %scan3A_174 = arith.constant 0 : i32
      %scan3A_175 = arith.constant 0 : i32
      %scan3A_176 = arith.constant 22 : i32
      %scan3A_177 = arith.addi %scan3A_175, %scan3A_176 : i32
      %scan3A_178 = arith.constant 1 : i32
      scf.for %scan3A_206 = %scan3A_175 to %scan3A_177 step %scan3A_178  : i32 {
        %mul3A_207 = arith.constant 16 : i32
        %mul3A_208 = arith.muli %scan3A_206, %mul3A_207 : i32
        %add3A_209 = arith.constant 0 : i32
        %add3A_210 = arith.addi %mul3A_208, %add3A_209 : i32
        %get3A = arith.index_cast %add3A_210 : i32 to index
        %get3A_211 = arith.constant 0 : index
        %get3A_212 = tpu.vector_load %arg9[%get3A, %get3A_211] {strides = array<i32>} : memref<352x64xf32, #tpu.memory_space<vmem>>, vector<16xf32>,
        %get3A_213 = arith.index_cast %add3A_210 : i32 to index
        %get3A_214 = arith.constant 0 : index
        %get3A_215 = tpu.vector_load %arg11[%get3A_213, %get3A_214] {strides = array<i32>} : memref<352x64xf32, #tpu.memory_space<vmem>>, vector<16xf32>,
        %mul3A_216 = arith.mulf %get3A_212, %get3A_215 : vector<16xf32>
        %get3A_217 = arith.index_cast %add3A_210 : i32 to index
        %get3A_218 = arith.constant 16 : index
        %get3A_219 = tpu.vector_load %arg9[%get3A_217, %get3A_218] {strides = array<i32>} : memref<352x64xf32, #tpu.memory_space<vmem>>, vector<16xf32>,
        %get3A_220 = arith.index_cast %add3A_210 : i32 to index
        %get3A_221 = arith.constant 16 : index
        %get3A_222 = tpu.vector_load %arg11[%get3A_220, %get3A_221] {strides = array<i32>} : memref<352x64xf32, #tpu.memory_space<vmem>>, vector<16xf32>,
        %mul3A_223 = arith.mulf %get3A_219, %get3A_222 : vector<16xf32>
        %add3A_224 = arith.addf %mul3A_216, %mul3A_223 : vector<16xf32>
        %get3A_225 = arith.index_cast %add3A_210 : i32 to index
        %get3A_226 = arith.constant 32 : index
        %get3A_227 = tpu.vector_load %arg9[%get3A_225, %get3A_226] {strides = array<i32>} : memref<352x64xf32, #tpu.memory_space<vmem>>, vector<16xf32>,
        %get3A_228 = arith.index_cast %add3A_210 : i32 to index
        %get3A_229 = arith.constant 32 : index
        %get3A_230 = tpu.vector_load %arg11[%get3A_228, %get3A_229] {strides = array<i32>} : memref<352x64xf32, #tpu.memory_space<vmem>>, vector<16xf32>,
        %mul3A_231 = arith.mulf %get3A_227, %get3A_230 : vector<16xf32>
        %add3A_232 = arith.addf %add3A_224, %mul3A_231 : vector<16xf32>
        %get3A_233 = arith.index_cast %add3A_210 : i32 to index
        %get3A_234 = arith.constant 48 : index
        %get3A_235 = tpu.vector_load %arg9[%get3A_233, %get3A_234] {strides = array<i32>} : memref<352x64xf32, #tpu.memory_space<vmem>>, vector<16xf32>,
        %get3A_236 = arith.index_cast %add3A_210 : i32 to index
        %get3A_237 = arith.constant 48 : index
        %get3A_238 = tpu.vector_load %arg11[%get3A_236, %get3A_237] {strides = array<i32>} : memref<352x64xf32, #tpu.memory_space<vmem>>, vector<16xf32>,
        %mul3A_239 = arith.mulf %get3A_235, %get3A_238 : vector<16xf32>
        %add3A_240 = arith.addf %add3A_232, %mul3A_239 : vector<16xf32>
        %add3A_241 = arith.constant 1 : i32
        %add3A_242 = arith.addi %mul3A_208, %add3A_241 : i32
        %get3A_243 = arith.index_cast %add3A_242 : i32 to index
        %get3A_244 = arith.constant 0 : index
        %get3A_245 = tpu.vector_load %arg9[%get3A_243, %get3A_244] {strides = array<i32>} : memref<352x64xf32, #tpu.memory_space<vmem>>, vector<16xf32>,
        %get3A_246 = arith.index_cast %add3A_242 : i32 to index
        %get3A_247 = arith.constant 0 : index
        %get3A_248 = tpu.vector_load %arg11[%get3A_246, %get3A_247] {strides = array<i32>} : memref<352x64xf32, #tpu.memory_space<vmem>>, vector<16xf32>,
        %mul3A_249 = arith.mulf %get3A_245, %get3A_248 : vector<16xf32>
        %get3A_250 = arith.index_cast %add3A_242 : i32 to index
        %get3A_251 = arith.constant 16 : index
        %get3A_252 = tpu.vector_load %arg9[%get3A_250, %get3A_251] {strides = array<i32>} : memref<352x64xf32, #tpu.memory_space<vmem>>, vector<16xf32>,
        %get3A_253 = arith.index_cast %add3A_242 : i32 to index
        %get3A_254 = arith.constant 16 : index
        %get3A_255 = tpu.vector_load %arg11[%get3A_253, %get3A_254] {strides = array<i32>} : memref<352x64xf32, #tpu.memory_space<vmem>>, vector<16xf32>,
        %mul3A_256 = arith.mulf %get3A_252, %get3A_255 : vector<16xf32>
        %add3A_257 = arith.addf %mul3A_249, %mul3A_256 : vector<16xf32>
        %get3A_258 = arith.index_cast %add3A_242 : i32 to index
        %get3A_259 = arith.constant 32 : index
        %get3A_260 = tpu.vector_load %arg9[%get3A_258, %get3A_259] {strides = array<i32>} : memref<352x64xf32, #tpu.memory_space<vmem>>, vector<16xf32>,
        %get3A_261 = arith.index_cast %add3A_242 : i32 to index
        %get3A_262 = arith.constant 32 : index
        %get3A_263 = tpu.vector_load %arg11[%get3A_261, %get3A_262] {strides = array<i32>} : memref<352x64xf32, #tpu.memory_space<vmem>>, vector<16xf32>,
        %mul3A_264 = arith.mulf %get3A_260, %get3A_263 : vector<16xf32>
        %add3A_265 = arith.addf %add3A_257, %mul3A_264 : vector<16xf32>
        %get3A_266 = arith.index_cast %add3A_242 : i32 to index
        %get3A_267 = arith.constant 48 : index
        %get3A_268 = tpu.vector_load %arg9[%get3A_266, %get3A_267] {strides = array<i32>} : memref<352x64xf32, #tpu.memory_space<vmem>>, vector<16xf32>,
        %get3A_269 = arith.index_cast %add3A_242 : i32 to index
        %get3A_270 = arith.constant 48 : index
        %get3A_271 = tpu.vector_load %arg11[%get3A_269, %get3A_270] {strides = array<i32>} : memref<352x64xf32, #tpu.memory_space<vmem>>, vector<16xf32>,
        %mul3A_272 = arith.mulf %get3A_268, %get3A_271 : vector<16xf32>
        %add3A_273 = arith.addf %add3A_265, %mul3A_272 : vector<16xf32>
        %add3A_274 = arith.constant 2 : i32
        %add3A_275 = arith.addi %mul3A_208, %add3A_274 : i32
        %get3A_276 = arith.index_cast %add3A_275 : i32 to index
        %get3A_277 = arith.constant 0 : index
        %get3A_278 = tpu.vector_load %arg9[%get3A_276, %get3A_277] {strides = array<i32>} : memref<352x64xf32, #tpu.memory_space<vmem>>, vector<16xf32>,
        %get3A_279 = arith.index_cast %add3A_275 : i32 to index
        %get3A_280 = arith.constant 0 : index
        %get3A_281 = tpu.vector_load %arg11[%get3A_279, %get3A_280] {strides = array<i32>} : memref<352x64xf32, #tpu.memory_space<vmem>>, vector<16xf32>,
        %mul3A_282 = arith.mulf %get3A_278, %get3A_281 : vector<16xf32>
        %get3A_283 = arith.index_cast %add3A_275 : i32 to index
        %get3A_284 = arith.constant 16 : index
        %get3A_285 = tpu.vector_load %arg9[%get3A_283, %get3A_284] {strides = array<i32>} : memref<352x64xf32, #tpu.memory_space<vmem>>, vector<16xf32>,
        %get3A_286 = arith.index_cast %add3A_275 : i32 to index
        %get3A_287 = arith.constant 16 : index
        %get3A_288 = tpu.vector_load %arg11[%get3A_286, %get3A_287] {strides = array<i32>} : memref<352x64xf32, #tpu.memory_space<vmem>>, vector<16xf32>,
        %mul3A_289 = arith.mulf %get3A_285, %get3A_288 : vector<16xf32>
        %add3A_290 = arith.addf %mul3A_282, %mul3A_289 : vector<16xf32>
        %get3A_291 = arith.index_cast %add3A_275 : i32 to index
        %get3A_292 = arith.constant 32 : index
        %get3A_293 = tpu.vector_load %arg9[%get3A_291, %get3A_292] {strides = array<i32>} : memref<352x64xf32, #tpu.memory_space<vmem>>, vector<16xf32>,
        %get3A_294 = arith.index_cast %add3A_275 : i32 to index
        %get3A_295 = arith.constant 32 : index
        %get3A_296 = tpu.vector_load %arg11[%get3A_294, %get3A_295] {strides = array<i32>} : memref<352x64xf32, #tpu.memory_space<vmem>>, vector<16xf32>,
        %mul3A_297 = arith.mulf %get3A_293, %get3A_296 : vector<16xf32>
        %add3A_298 = arith.addf %add3A_290, %mul3A_297 : vector<16xf32>
        %get3A_299 = arith.index_cast %add3A_275 : i32 to index
        %get3A_300 = arith.constant 48 : index
        %get3A_301 = tpu.vector_load %arg9[%get3A_299, %get3A_300] {strides = array<i32>} : memref<352x64xf32, #tpu.memory_space<vmem>>, vector<16xf32>,
        %get3A_302 = arith.index_cast %add3A_275 : i32 to index
        %get3A_303 = arith.constant 48 : index
        %get3A_304 = tpu.vector_load %arg11[%get3A_302, %get3A_303] {strides = array<i32>} : memref<352x64xf32, #tpu.memory_space<vmem>>, vector<16xf32>,
        %mul3A_305 = arith.mulf %get3A_301, %get3A_304 : vector<16xf32>
        %add3A_306 = arith.addf %add3A_298, %mul3A_305 : vector<16xf32>
        %add3A_307 = arith.constant 3 : i32
        %add3A_308 = arith.addi %mul3A_208, %add3A_307 : i32
        %get3A_309 = arith.index_cast %add3A_308 : i32 to index
        %get3A_310 = arith.constant 0 : index
        %get3A_311 = tpu.vector_load %arg9[%get3A_309, %get3A_310] {strides = array<i32>} : memref<352x64xf32, #tpu.memory_space<vmem>>, vector<16xf32>,
        %get3A_312 = arith.index_cast %add3A_308 : i32 to index
        %get3A_313 = arith.constant 0 : index
        %get3A_314 = tpu.vector_load %arg11[%get3A_312, %get3A_313] {strides = array<i32>} : memref<352x64xf32, #tpu.memory_space<vmem>>, vector<16xf32>,
        %mul3A_315 = arith.mulf %get3A_311, %get3A_314 : vector<16xf32>
        %get3A_316 = arith.index_cast %add3A_308 : i32 to index
        %get3A_317 = arith.constant 16 : index
        %get3A_318 = tpu.vector_load %arg9[%get3A_316, %get3A_317] {strides = array<i32>} : memref<352x64xf32, #tpu.memory_space<vmem>>, vector<16xf32>,
        %get3A_319 = arith.index_cast %add3A_308 : i32 to index
        %get3A_320 = arith.constant 16 : index
        %get3A_321 = tpu.vector_load %arg11[%get3A_319, %get3A_320] {strides = array<i32>} : memref<352x64xf32, #tpu.memory_space<vmem>>, vector<16xf32>,
        %mul3A_322 = arith.mulf %get3A_318, %get3A_321 : vector<16xf32>
        %add3A_323 = arith.addf %mul3A_315, %mul3A_322 : vector<16xf32>
        %get3A_324 = arith.index_cast %add3A_308 : i32 to index
        %get3A_325 = arith.constant 32 : index
        %get3A_326 = tpu.vector_load %arg9[%get3A_324, %get3A_325] {strides = array<i32>} : memref<352x64xf32, #tpu.memory_space<vmem>>, vector<16xf32>,
        %get3A_327 = arith.index_cast %add3A_308 : i32 to index
        %get3A_328 = arith.constant 32 : index
        %get3A_329 = tpu.vector_load %arg11[%get3A_327, %get3A_328] {strides = array<i32>} : memref<352x64xf32, #tpu.memory_space<vmem>>, vector<16xf32>,
        %mul3A_330 = arith.mulf %get3A_326, %get3A_329 : vector<16xf32>
        %add3A_331 = arith.addf %add3A_323, %mul3A_330 : vector<16xf32>
        %get3A_332 = arith.index_cast %add3A_308 : i32 to index
        %get3A_333 = arith.constant 48 : index
        %get3A_334 = tpu.vector_load %arg9[%get3A_332, %get3A_333] {strides = array<i32>} : memref<352x64xf32, #tpu.memory_space<vmem>>, vector<16xf32>,
        %get3A_335 = arith.index_cast %add3A_308 : i32 to index
        %get3A_336 = arith.constant 48 : index
        %get3A_337 = tpu.vector_load %arg11[%get3A_335, %get3A_336] {strides = array<i32>} : memref<352x64xf32, #tpu.memory_space<vmem>>, vector<16xf32>,
        %mul3A_338 = arith.mulf %get3A_334, %get3A_337 : vector<16xf32>
        %add3A_339 = arith.addf %add3A_331, %mul3A_338 : vector<16xf32>
        %add3A_340 = arith.constant 4 : i32
        %add3A_341 = arith.addi %mul3A_208, %add3A_340 : i32
        %get3A_342 = arith.index_cast %add3A_341 : i32 to index
        %get3A_343 = arith.constant 0 : index
        %get3A_344 = tpu.vector_load %arg9[%get3A_342, %get3A_343] {strides = array<i32>} : memref<352x64xf32, #tpu.memory_space<vmem>>, vector<16xf32>,
        %get3A_345 = arith.index_cast %add3A_341 : i32 to index
        %get3A_346 = arith.constant 0 : index
        %get3A_347 = tpu.vector_load %arg11[%get3A_345, %get3A_346] {strides = array<i32>} : memref<352x64xf32, #tpu.memory_space<vmem>>, vector<16xf32>,
        %mul3A_348 = arith.mulf %get3A_344, %get3A_347 : vector<16xf32>
        %get3A_349 = arith.index_cast %add3A_341 : i32 to index
        %get3A_350 = arith.constant 16 : index
        %get3A_351 = tpu.vector_load %arg9[%get3A_349, %get3A_350] {strides = array<i32>} : memref<352x64xf32, #tpu.memory_space<vmem>>, vector<16xf32>,
        %get3A_352 = arith.index_cast %add3A_341 : i32 to index
        %get3A_353 = arith.constant 16 : index
        %get3A_354 = tpu.vector_load %arg11[%get3A_352, %get3A_353] {strides = array<i32>} : memref<352x64xf32, #tpu.memory_space<vmem>>, vector<16xf32>,
        %mul3A_355 = arith.mulf %get3A_351, %get3A_354 : vector<16xf32>
        %add3A_356 = arith.addf %mul3A_348, %mul3A_355 : vector<16xf32>
        %get3A_357 = arith.index_cast %add3A_341 : i32 to index
        %get3A_358 = arith.constant 32 : index
        %get3A_359 = tpu.vector_load %arg9[%get3A_357, %get3A_358] {strides = array<i32>} : memref<352x64xf32, #tpu.memory_space<vmem>>, vector<16xf32>,
        %get3A_360 = arith.index_cast %add3A_341 : i32 to index
        %get3A_361 = arith.constant 32 : index
        %get3A_362 = tpu.vector_load %arg11[%get3A_360, %get3A_361] {strides = array<i32>} : memref<352x64xf32, #tpu.memory_space<vmem>>, vector<16xf32>,
        %mul3A_363 = arith.mulf %get3A_359, %get3A_362 : vector<16xf32>
        %add3A_364 = arith.addf %add3A_356, %mul3A_363 : vector<16xf32>
        %get3A_365 = arith.index_cast %add3A_341 : i32 to index
        %get3A_366 = arith.constant 48 : index
        %get3A_367 = tpu.vector_load %arg9[%get3A_365, %get3A_366] {strides = array<i32>} : memref<352x64xf32, #tpu.memory_space<vmem>>, vector<16xf32>,
        %get3A_368 = arith.index_cast %add3A_341 : i32 to index
        %get3A_369 = arith.constant 48 : index
        %get3A_370 = tpu.vector_load %arg11[%get3A_368, %get3A_369] {strides = array<i32>} : memref<352x64xf32, #tpu.memory_space<vmem>>, vector<16xf32>,
        %mul3A_371 = arith.mulf %get3A_367, %get3A_370 : vector<16xf32>
        %add3A_372 = arith.addf %add3A_364, %mul3A_371 : vector<16xf32>
        %add3A_373 = arith.constant 5 : i32
        %add3A_374 = arith.addi %mul3A_208, %add3A_373 : i32
        %get3A_375 = arith.index_cast %add3A_374 : i32 to index
        %get3A_376 = arith.constant 0 : index
        %get3A_377 = tpu.vector_load %arg9[%get3A_375, %get3A_376] {strides = array<i32>} : memref<352x64xf32, #tpu.memory_space<vmem>>, vector<16xf32>,
        %get3A_378 = arith.index_cast %add3A_374 : i32 to index
        %get3A_379 = arith.constant 0 : index
        %get3A_380 = tpu.vector_load %arg11[%get3A_378, %get3A_379] {strides = array<i32>} : memref<352x64xf32, #tpu.memory_space<vmem>>, vector<16xf32>,
        %mul3A_381 = arith.mulf %get3A_377, %get3A_380 : vector<16xf32>
        %get3A_382 = arith.index_cast %add3A_374 : i32 to index
        %get3A_383 = arith.constant 16 : index
        %get3A_384 = tpu.vector_load %arg9[%get3A_382, %get3A_383] {strides = array<i32>} : memref<352x64xf32, #tpu.memory_space<vmem>>, vector<16xf32>,
        %get3A_385 = arith.index_cast %add3A_374 : i32 to index
        %get3A_386 = arith.constant 16 : index
        %get3A_387 = tpu.vector_load %arg11[%get3A_385, %get3A_386] {strides = array<i32>} : memref<352x64xf32, #tpu.memory_space<vmem>>, vector<16xf32>,
        %mul3A_388 = arith.mulf %get3A_384, %get3A_387 : vector<16xf32>
        %add3A_389 = arith.addf %mul3A_381, %mul3A_388 : vector<16xf32>
        %get3A_390 = arith.index_cast %add3A_374 : i32 to index
        %get3A_391 = arith.constant 32 : index
        %get3A_392 = tpu.vector_load %arg9[%get3A_390, %get3A_391] {strides = array<i32>} : memref<352x64xf32, #tpu.memory_space<vmem>>, vector<16xf32>,
        %get3A_393 = arith.index_cast %add3A_374 : i32 to index
        %get3A_394 = arith.constant 32 : index
        %get3A_395 = tpu.vector_load %arg11[%get3A_393, %get3A_394] {strides = array<i32>} : memref<352x64xf32, #tpu.memory_space<vmem>>, vector<16xf32>,
        %mul3A_396 = arith.mulf %get3A_392, %get3A_395 : vector<16xf32>
        %add3A_397 = arith.addf %add3A_389, %mul3A_396 : vector<16xf32>
        %get3A_398 = arith.index_cast %add3A_374 : i32 to index
        %get3A_399 = arith.constant 48 : index
        %get3A_400 = tpu.vector_load %arg9[%get3A_398, %get3A_399] {strides = array<i32>} : memref<352x64xf32, #tpu.memory_space<vmem>>, vector<16xf32>,
        %get3A_401 = arith.index_cast %add3A_374 : i32 to index
        %get3A_402 = arith.constant 48 : index
        %get3A_403 = tpu.vector_load %arg11[%get3A_401, %get3A_402] {strides = array<i32>} : memref<352x64xf32, #tpu.memory_space<vmem>>, vector<16xf32>,
        %mul3A_404 = arith.mulf %get3A_400, %get3A_403 : vector<16xf32>
        %add3A_405 = arith.addf %add3A_397, %mul3A_404 : vector<16xf32>
        %add3A_406 = arith.constant 6 : i32
        %add3A_407 = arith.addi %mul3A_208, %add3A_406 : i32
        %get3A_408 = arith.index_cast %add3A_407 : i32 to index
        %get3A_409 = arith.constant 0 : index
        %get3A_410 = tpu.vector_load %arg9[%get3A_408, %get3A_409] {strides = array<i32>} : memref<352x64xf32, #tpu.memory_space<vmem>>, vector<16xf32>,
        %get3A_411 = arith.index_cast %add3A_407 : i32 to index
        %get3A_412 = arith.constant 0 : index
        %get3A_413 = tpu.vector_load %arg11[%get3A_411, %get3A_412] {strides = array<i32>} : memref<352x64xf32, #tpu.memory_space<vmem>>, vector<16xf32>,
        %mul3A_414 = arith.mulf %get3A_410, %get3A_413 : vector<16xf32>
        %get3A_415 = arith.index_cast %add3A_407 : i32 to index
        %get3A_416 = arith.constant 16 : index
        %get3A_417 = tpu.vector_load %arg9[%get3A_415, %get3A_416] {strides = array<i32>} : memref<352x64xf32, #tpu.memory_space<vmem>>, vector<16xf32>,
        %get3A_418 = arith.index_cast %add3A_407 : i32 to index
        %get3A_419 = arith.constant 16 : index
        %get3A_420 = tpu.vector_load %arg11[%get3A_418, %get3A_419] {strides = array<i32>} : memref<352x64xf32, #tpu.memory_space<vmem>>, vector<16xf32>,
        %mul3A_421 = arith.mulf %get3A_417, %get3A_420 : vector<16xf32>
        %add3A_422 = arith.addf %mul3A_414, %mul3A_421 : vector<16xf32>
        %get3A_423 = arith.index_cast %add3A_407 : i32 to index
        %get3A_424 = arith.constant 32 : index
        %get3A_425 = tpu.vector_load %arg9[%get3A_423, %get3A_424] {strides = array<i32>} : memref<352x64xf32, #tpu.memory_space<vmem>>, vector<16xf32>,
        %get3A_426 = arith.index_cast %add3A_407 : i32 to index
        %get3A_427 = arith.constant 32 : index
        %get3A_428 = tpu.vector_load %arg11[%get3A_426, %get3A_427] {strides = array<i32>} : memref<352x64xf32, #tpu.memory_space<vmem>>, vector<16xf32>,
        %mul3A_429 = arith.mulf %get3A_425, %get3A_428 : vector<16xf32>
        %add3A_430 = arith.addf %add3A_422, %mul3A_429 : vector<16xf32>
        %get3A_431 = arith.index_cast %add3A_407 : i32 to index
        %get3A_432 = arith.constant 48 : index
        %get3A_433 = tpu.vector_load %arg9[%get3A_431, %get3A_432] {strides = array<i32>} : memref<352x64xf32, #tpu.memory_space<vmem>>, vector<16xf32>,
        %get3A_434 = arith.index_cast %add3A_407 : i32 to index
        %get3A_435 = arith.constant 48 : index
        %get3A_436 = tpu.vector_load %arg11[%get3A_434, %get3A_435] {strides = array<i32>} : memref<352x64xf32, #tpu.memory_space<vmem>>, vector<16xf32>,
        %mul3A_437 = arith.mulf %get3A_433, %get3A_436 : vector<16xf32>
        %add3A_438 = arith.addf %add3A_430, %mul3A_437 : vector<16xf32>
        %add3A_439 = arith.constant 7 : i32
        %add3A_440 = arith.addi %mul3A_208, %add3A_439 : i32
        %get3A_441 = arith.index_cast %add3A_440 : i32 to index
        %get3A_442 = arith.constant 0 : index
        %get3A_443 = tpu.vector_load %arg9[%get3A_441, %get3A_442] {strides = array<i32>} : memref<352x64xf32, #tpu.memory_space<vmem>>, vector<16xf32>,
        %get3A_444 = arith.index_cast %add3A_440 : i32 to index
        %get3A_445 = arith.constant 0 : index
        %get3A_446 = tpu.vector_load %arg11[%get3A_444, %get3A_445] {strides = array<i32>} : memref<352x64xf32, #tpu.memory_space<vmem>>, vector<16xf32>,
        %mul3A_447 = arith.mulf %get3A_443, %get3A_446 : vector<16xf32>
        %get3A_448 = arith.index_cast %add3A_440 : i32 to index
        %get3A_449 = arith.constant 16 : index
        %get3A_450 = tpu.vector_load %arg9[%get3A_448, %get3A_449] {strides = array<i32>} : memref<352x64xf32, #tpu.memory_space<vmem>>, vector<16xf32>,
        %get3A_451 = arith.index_cast %add3A_440 : i32 to index
        %get3A_452 = arith.constant 16 : index
        %get3A_453 = tpu.vector_load %arg11[%get3A_451, %get3A_452] {strides = array<i32>} : memref<352x64xf32, #tpu.memory_space<vmem>>, vector<16xf32>,
        %mul3A_454 = arith.mulf %get3A_450, %get3A_453 : vector<16xf32>
        %add3A_455 = arith.addf %mul3A_447, %mul3A_454 : vector<16xf32>
        %get3A_456 = arith.index_cast %add3A_440 : i32 to index
        %get3A_457 = arith.constant 32 : index
        %get3A_458 = tpu.vector_load %arg9[%get3A_456, %get3A_457] {strides = array<i32>} : memref<352x64xf32, #tpu.memory_space<vmem>>, vector<16xf32>,
        %get3A_459 = arith.index_cast %add3A_440 : i32 to index
        %get3A_460 = arith.constant 32 : index
        %get3A_461 = tpu.vector_load %arg11[%get3A_459, %get3A_460] {strides = array<i32>} : memref<352x64xf32, #tpu.memory_space<vmem>>, vector<16xf32>,
        %mul3A_462 = arith.mulf %get3A_458, %get3A_461 : vector<16xf32>
        %add3A_463 = arith.addf %add3A_455, %mul3A_462 : vector<16xf32>
        %get3A_464 = arith.index_cast %add3A_440 : i32 to index
        %get3A_465 = arith.constant 48 : index
        %get3A_466 = tpu.vector_load %arg9[%get3A_464, %get3A_465] {strides = array<i32>} : memref<352x64xf32, #tpu.memory_space<vmem>>, vector<16xf32>,
        %get3A_467 = arith.index_cast %add3A_440 : i32 to index
        %get3A_468 = arith.constant 48 : index
        %get3A_469 = tpu.vector_load %arg11[%get3A_467, %get3A_468] {strides = array<i32>} : memref<352x64xf32, #tpu.memory_space<vmem>>, vector<16xf32>,
        %mul3A_470 = arith.mulf %get3A_466, %get3A_469 : vector<16xf32>
        %add3A_471 = arith.addf %add3A_463, %mul3A_470 : vector<16xf32>
        %add3A_472 = arith.constant 8 : i32
        %add3A_473 = arith.addi %mul3A_208, %add3A_472 : i32
        %get3A_474 = arith.index_cast %add3A_473 : i32 to index
        %get3A_475 = arith.constant 0 : index
        %get3A_476 = tpu.vector_load %arg9[%get3A_474, %get3A_475] {strides = array<i32>} : memref<352x64xf32, #tpu.memory_space<vmem>>, vector<16xf32>,
        %get3A_477 = arith.index_cast %add3A_473 : i32 to index
        %get3A_478 = arith.constant 0 : index
        %get3A_479 = tpu.vector_load %arg11[%get3A_477, %get3A_478] {strides = array<i32>} : memref<352x64xf32, #tpu.memory_space<vmem>>, vector<16xf32>,
        %mul3A_480 = arith.mulf %get3A_476, %get3A_479 : vector<16xf32>
        %get3A_481 = arith.index_cast %add3A_473 : i32 to index
        %get3A_482 = arith.constant 16 : index
        %get3A_483 = tpu.vector_load %arg9[%get3A_481, %get3A_482] {strides = array<i32>} : memref<352x64xf32, #tpu.memory_space<vmem>>, vector<16xf32>,
        %get3A_484 = arith.index_cast %add3A_473 : i32 to index
        %get3A_485 = arith.constant 16 : index
        %get3A_486 = tpu.vector_load %arg11[%get3A_484, %get3A_485] {strides = array<i32>} : memref<352x64xf32, #tpu.memory_space<vmem>>, vector<16xf32>,
        %mul3A_487 = arith.mulf %get3A_483, %get3A_486 : vector<16xf32>
        %add3A_488 = arith.addf %mul3A_480, %mul3A_487 : vector<16xf32>
        %get3A_489 = arith.index_cast %add3A_473 : i32 to index
        %get3A_490 = arith.constant 32 : index
        %get3A_491 = tpu.vector_load %arg9[%get3A_489, %get3A_490] {strides = array<i32>} : memref<352x64xf32, #tpu.memory_space<vmem>>, vector<16xf32>,
        %get3A_492 = arith.index_cast %add3A_473 : i32 to index
        %get3A_493 = arith.constant 32 : index
        %get3A_494 = tpu.vector_load %arg11[%get3A_492, %get3A_493] {strides = array<i32>} : memref<352x64xf32, #tpu.memory_space<vmem>>, vector<16xf32>,
        %mul3A_495 = arith.mulf %get3A_491, %get3A_494 : vector<16xf32>
        %add3A_496 = arith.addf %add3A_488, %mul3A_495 : vector<16xf32>
        %get3A_497 = arith.index_cast %add3A_473 : i32 to index
        %get3A_498 = arith.constant 48 : index
        %get3A_499 = tpu.vector_load %arg9[%get3A_497, %get3A_498] {strides = array<i32>} : memref<352x64xf32, #tpu.memory_space<vmem>>, vector<16xf32>,
        %get3A_500 = arith.index_cast %add3A_473 : i32 to index
        %get3A_501 = arith.constant 48 : index
        %get3A_502 = tpu.vector_load %arg11[%get3A_500, %get3A_501] {strides = array<i32>} : memref<352x64xf32, #tpu.memory_space<vmem>>, vector<16xf32>,
        %mul3A_503 = arith.mulf %get3A_499, %get3A_502 : vector<16xf32>
        %add3A_504 = arith.addf %add3A_496, %mul3A_503 : vector<16xf32>
        %add3A_505 = arith.constant 9 : i32
        %add3A_506 = arith.addi %mul3A_208, %add3A_505 : i32
        %get3A_507 = arith.index_cast %add3A_506 : i32 to index
        %get3A_508 = arith.constant 0 : index
        %get3A_509 = tpu.vector_load %arg9[%get3A_507, %get3A_508] {strides = array<i32>} : memref<352x64xf32, #tpu.memory_space<vmem>>, vector<16xf32>,
        %get3A_510 = arith.index_cast %add3A_506 : i32 to index
        %get3A_511 = arith.constant 0 : index
        %get3A_512 = tpu.vector_load %arg11[%get3A_510, %get3A_511] {strides = array<i32>} : memref<352x64xf32, #tpu.memory_space<vmem>>, vector<16xf32>,
        %mul3A_513 = arith.mulf %get3A_509, %get3A_512 : vector<16xf32>
        %get3A_514 = arith.index_cast %add3A_506 : i32 to index
        %get3A_515 = arith.constant 16 : index
        %get3A_516 = tpu.vector_load %arg9[%get3A_514, %get3A_515] {strides = array<i32>} : memref<352x64xf32, #tpu.memory_space<vmem>>, vector<16xf32>,
        %get3A_517 = arith.index_cast %add3A_506 : i32 to index
        %get3A_518 = arith.constant 16 : index
        %get3A_519 = tpu.vector_load %arg11[%get3A_517, %get3A_518] {strides = array<i32>} : memref<352x64xf32, #tpu.memory_space<vmem>>, vector<16xf32>,
        %mul3A_520 = arith.mulf %get3A_516, %get3A_519 : vector<16xf32>
        %add3A_521 = arith.addf %mul3A_513, %mul3A_520 : vector<16xf32>
        %get3A_522 = arith.index_cast %add3A_506 : i32 to index
        %get3A_523 = arith.constant 32 : index
        %get3A_524 = tpu.vector_load %arg9[%get3A_522, %get3A_523] {strides = array<i32>} : memref<352x64xf32, #tpu.memory_space<vmem>>, vector<16xf32>,
        %get3A_525 = arith.index_cast %add3A_506 : i32 to index
        %get3A_526 = arith.constant 32 : index
        %get3A_527 = tpu.vector_load %arg11[%get3A_525, %get3A_526] {strides = array<i32>} : memref<352x64xf32, #tpu.memory_space<vmem>>, vector<16xf32>,
        %mul3A_528 = arith.mulf %get3A_524, %get3A_527 : vector<16xf32>
        %add3A_529 = arith.addf %add3A_521, %mul3A_528 : vector<16xf32>
        %get3A_530 = arith.index_cast %add3A_506 : i32 to index
        %get3A_531 = arith.constant 48 : index
        %get3A_532 = tpu.vector_load %arg9[%get3A_530, %get3A_531] {strides = array<i32>} : memref<352x64xf32, #tpu.memory_space<vmem>>, vector<16xf32>,
        %get3A_533 = arith.index_cast %add3A_506 : i32 to index
        %get3A_534 = arith.constant 48 : index
        %get3A_535 = tpu.vector_load %arg11[%get3A_533, %get3A_534] {strides = array<i32>} : memref<352x64xf32, #tpu.memory_space<vmem>>, vector<16xf32>,
        %mul3A_536 = arith.mulf %get3A_532, %get3A_535 : vector<16xf32>
        %add3A_537 = arith.addf %add3A_529, %mul3A_536 : vector<16xf32>
        %add3A_538 = arith.constant 10 : i32
        %add3A_539 = arith.addi %mul3A_208, %add3A_538 : i32
        %get3A_540 = arith.index_cast %add3A_539 : i32 to index
        %get3A_541 = arith.constant 0 : index
        %get3A_542 = tpu.vector_load %arg9[%get3A_540, %get3A_541] {strides = array<i32>} : memref<352x64xf32, #tpu.memory_space<vmem>>, vector<16xf32>,
        %get3A_543 = arith.index_cast %add3A_539 : i32 to index
        %get3A_544 = arith.constant 0 : index
        %get3A_545 = tpu.vector_load %arg11[%get3A_543, %get3A_544] {strides = array<i32>} : memref<352x64xf32, #tpu.memory_space<vmem>>, vector<16xf32>,
        %mul3A_546 = arith.mulf %get3A_542, %get3A_545 : vector<16xf32>
        %get3A_547 = arith.index_cast %add3A_539 : i32 to index
        %get3A_548 = arith.constant 16 : index
        %get3A_549 = tpu.vector_load %arg9[%get3A_547, %get3A_548] {strides = array<i32>} : memref<352x64xf32, #tpu.memory_space<vmem>>, vector<16xf32>,
        %get3A_550 = arith.index_cast %add3A_539 : i32 to index
        %get3A_551 = arith.constant 16 : index
        %get3A_552 = tpu.vector_load %arg11[%get3A_550, %get3A_551] {strides = array<i32>} : memref<352x64xf32, #tpu.memory_space<vmem>>, vector<16xf32>,
        %mul3A_553 = arith.mulf %get3A_549, %get3A_552 : vector<16xf32>
        %add3A_554 = arith.addf %mul3A_546, %mul3A_553 : vector<16xf32>
        %get3A_555 = arith.index_cast %add3A_539 : i32 to index
        %get3A_556 = arith.constant 32 : index
        %get3A_557 = tpu.vector_load %arg9[%get3A_555, %get3A_556] {strides = array<i32>} : memref<352x64xf32, #tpu.memory_space<vmem>>, vector<16xf32>,
        %get3A_558 = arith.index_cast %add3A_539 : i32 to index
        %get3A_559 = arith.constant 32 : index
        %get3A_560 = tpu.vector_load %arg11[%get3A_558, %get3A_559] {strides = array<i32>} : memref<352x64xf32, #tpu.memory_space<vmem>>, vector<16xf32>,
        %mul3A_561 = arith.mulf %get3A_557, %get3A_560 : vector<16xf32>
        %add3A_562 = arith.addf %add3A_554, %mul3A_561 : vector<16xf32>
        %get3A_563 = arith.index_cast %add3A_539 : i32 to index
        %get3A_564 = arith.constant 48 : index
        %get3A_565 = tpu.vector_load %arg9[%get3A_563, %get3A_564] {strides = array<i32>} : memref<352x64xf32, #tpu.memory_space<vmem>>, vector<16xf32>,
        %get3A_566 = arith.index_cast %add3A_539 : i32 to index
        %get3A_567 = arith.constant 48 : index
        %get3A_568 = tpu.vector_load %arg11[%get3A_566, %get3A_567] {strides = array<i32>} : memref<352x64xf32, #tpu.memory_space<vmem>>, vector<16xf32>,
        %mul3A_569 = arith.mulf %get3A_565, %get3A_568 : vector<16xf32>
        %add3A_570 = arith.addf %add3A_562, %mul3A_569 : vector<16xf32>
        %add3A_571 = arith.constant 11 : i32
        %add3A_572 = arith.addi %mul3A_208, %add3A_571 : i32
        %get3A_573 = arith.index_cast %add3A_572 : i32 to index
        %get3A_574 = arith.constant 0 : index
        %get3A_575 = tpu.vector_load %arg9[%get3A_573, %get3A_574] {strides = array<i32>} : memref<352x64xf32, #tpu.memory_space<vmem>>, vector<16xf32>,
        %get3A_576 = arith.index_cast %add3A_572 : i32 to index
        %get3A_577 = arith.constant 0 : index
        %get3A_578 = tpu.vector_load %arg11[%get3A_576, %get3A_577] {strides = array<i32>} : memref<352x64xf32, #tpu.memory_space<vmem>>, vector<16xf32>,
        %mul3A_579 = arith.mulf %get3A_575, %get3A_578 : vector<16xf32>
        %get3A_580 = arith.index_cast %add3A_572 : i32 to index
        %get3A_581 = arith.constant 16 : index
        %get3A_582 = tpu.vector_load %arg9[%get3A_580, %get3A_581] {strides = array<i32>} : memref<352x64xf32, #tpu.memory_space<vmem>>, vector<16xf32>,
        %get3A_583 = arith.index_cast %add3A_572 : i32 to index
        %get3A_584 = arith.constant 16 : index
        %get3A_585 = tpu.vector_load %arg11[%get3A_583, %get3A_584] {strides = array<i32>} : memref<352x64xf32, #tpu.memory_space<vmem>>, vector<16xf32>,
        %mul3A_586 = arith.mulf %get3A_582, %get3A_585 : vector<16xf32>
        %add3A_587 = arith.addf %mul3A_579, %mul3A_586 : vector<16xf32>
        %get3A_588 = arith.index_cast %add3A_572 : i32 to index
        %get3A_589 = arith.constant 32 : index
        %get3A_590 = tpu.vector_load %arg9[%get3A_588, %get3A_589] {strides = array<i32>} : memref<352x64xf32, #tpu.memory_space<vmem>>, vector<16xf32>,
        %get3A_591 = arith.index_cast %add3A_572 : i32 to index
        %get3A_592 = arith.constant 32 : index
        %get3A_593 = tpu.vector_load %arg11[%get3A_591, %get3A_592] {strides = array<i32>} : memref<352x64xf32, #tpu.memory_space<vmem>>, vector<16xf32>,
        %mul3A_594 = arith.mulf %get3A_590, %get3A_593 : vector<16xf32>
        %add3A_595 = arith.addf %add3A_587, %mul3A_594 : vector<16xf32>
        %get3A_596 = arith.index_cast %add3A_572 : i32 to index
        %get3A_597 = arith.constant 48 : index
        %get3A_598 = tpu.vector_load %arg9[%get3A_596, %get3A_597] {strides = array<i32>} : memref<352x64xf32, #tpu.memory_space<vmem>>, vector<16xf32>,
        %get3A_599 = arith.index_cast %add3A_572 : i32 to index
        %get3A_600 = arith.constant 48 : index
        %get3A_601 = tpu.vector_load %arg11[%get3A_599, %get3A_600] {strides = array<i32>} : memref<352x64xf32, #tpu.memory_space<vmem>>, vector<16xf32>,
        %mul3A_602 = arith.mulf %get3A_598, %get3A_601 : vector<16xf32>
        %add3A_603 = arith.addf %add3A_595, %mul3A_602 : vector<16xf32>
        %add3A_604 = arith.constant 12 : i32
        %add3A_605 = arith.addi %mul3A_208, %add3A_604 : i32
        %get3A_606 = arith.index_cast %add3A_605 : i32 to index
        %get3A_607 = arith.constant 0 : index
        %get3A_608 = tpu.vector_load %arg9[%get3A_606, %get3A_607] {strides = array<i32>} : memref<352x64xf32, #tpu.memory_space<vmem>>, vector<16xf32>,
        %get3A_609 = arith.index_cast %add3A_605 : i32 to index
        %get3A_610 = arith.constant 0 : index
        %get3A_611 = tpu.vector_load %arg11[%get3A_609, %get3A_610] {strides = array<i32>} : memref<352x64xf32, #tpu.memory_space<vmem>>, vector<16xf32>,
        %mul3A_612 = arith.mulf %get3A_608, %get3A_611 : vector<16xf32>
        %get3A_613 = arith.index_cast %add3A_605 : i32 to index
        %get3A_614 = arith.constant 16 : index
        %get3A_615 = tpu.vector_load %arg9[%get3A_613, %get3A_614] {strides = array<i32>} : memref<352x64xf32, #tpu.memory_space<vmem>>, vector<16xf32>,
        %get3A_616 = arith.index_cast %add3A_605 : i32 to index
        %get3A_617 = arith.constant 16 : index
        %get3A_618 = tpu.vector_load %arg11[%get3A_616, %get3A_617] {strides = array<i32>} : memref<352x64xf32, #tpu.memory_space<vmem>>, vector<16xf32>,
        %mul3A_619 = arith.mulf %get3A_615, %get3A_618 : vector<16xf32>
        %add3A_620 = arith.addf %mul3A_612, %mul3A_619 : vector<16xf32>
        %get3A_621 = arith.index_cast %add3A_605 : i32 to index
        %get3A_622 = arith.constant 32 : index
        %get3A_623 = tpu.vector_load %arg9[%get3A_621, %get3A_622] {strides = array<i32>} : memref<352x64xf32, #tpu.memory_space<vmem>>, vector<16xf32>,
        %get3A_624 = arith.index_cast %add3A_605 : i32 to index
        %get3A_625 = arith.constant 32 : index
        %get3A_626 = tpu.vector_load %arg11[%get3A_624, %get3A_625] {strides = array<i32>} : memref<352x64xf32, #tpu.memory_space<vmem>>, vector<16xf32>,
        %mul3A_627 = arith.mulf %get3A_623, %get3A_626 : vector<16xf32>
        %add3A_628 = arith.addf %add3A_620, %mul3A_627 : vector<16xf32>
        %get3A_629 = arith.index_cast %add3A_605 : i32 to index
        %get3A_630 = arith.constant 48 : index
        %get3A_631 = tpu.vector_load %arg9[%get3A_629, %get3A_630] {strides = array<i32>} : memref<352x64xf32, #tpu.memory_space<vmem>>, vector<16xf32>,
        %get3A_632 = arith.index_cast %add3A_605 : i32 to index
        %get3A_633 = arith.constant 48 : index
        %get3A_634 = tpu.vector_load %arg11[%get3A_632, %get3A_633] {strides = array<i32>} : memref<352x64xf32, #tpu.memory_space<vmem>>, vector<16xf32>,
        %mul3A_635 = arith.mulf %get3A_631, %get3A_634 : vector<16xf32>
        %add3A_636 = arith.addf %add3A_628, %mul3A_635 : vector<16xf32>
        %add3A_637 = arith.constant 13 : i32
        %add3A_638 = arith.addi %mul3A_208, %add3A_637 : i32
        %get3A_639 = arith.index_cast %add3A_638 : i32 to index
        %get3A_640 = arith.constant 0 : index
        %get3A_641 = tpu.vector_load %arg9[%get3A_639, %get3A_640] {strides = array<i32>} : memref<352x64xf32, #tpu.memory_space<vmem>>, vector<16xf32>,
        %get3A_642 = arith.index_cast %add3A_638 : i32 to index
        %get3A_643 = arith.constant 0 : index
        %get3A_644 = tpu.vector_load %arg11[%get3A_642, %get3A_643] {strides = array<i32>} : memref<352x64xf32, #tpu.memory_space<vmem>>, vector<16xf32>,
        %mul3A_645 = arith.mulf %get3A_641, %get3A_644 : vector<16xf32>
        %get3A_646 = arith.index_cast %add3A_638 : i32 to index
        %get3A_647 = arith.constant 16 : index
        %get3A_648 = tpu.vector_load %arg9[%get3A_646, %get3A_647] {strides = array<i32>} : memref<352x64xf32, #tpu.memory_space<vmem>>, vector<16xf32>,
        %get3A_649 = arith.index_cast %add3A_638 : i32 to index
        %get3A_650 = arith.constant 16 : index
        %get3A_651 = tpu.vector_load %arg11[%get3A_649, %get3A_650] {strides = array<i32>} : memref<352x64xf32, #tpu.memory_space<vmem>>, vector<16xf32>,
        %mul3A_652 = arith.mulf %get3A_648, %get3A_651 : vector<16xf32>
        %add3A_653 = arith.addf %mul3A_645, %mul3A_652 : vector<16xf32>
        %get3A_654 = arith.index_cast %add3A_638 : i32 to index
        %get3A_655 = arith.constant 32 : index
        %get3A_656 = tpu.vector_load %arg9[%get3A_654, %get3A_655] {strides = array<i32>} : memref<352x64xf32, #tpu.memory_space<vmem>>, vector<16xf32>,
        %get3A_657 = arith.index_cast %add3A_638 : i32 to index
        %get3A_658 = arith.constant 32 : index
        %get3A_659 = tpu.vector_load %arg11[%get3A_657, %get3A_658] {strides = array<i32>} : memref<352x64xf32, #tpu.memory_space<vmem>>, vector<16xf32>,
        %mul3A_660 = arith.mulf %get3A_656, %get3A_659 : vector<16xf32>
        %add3A_661 = arith.addf %add3A_653, %mul3A_660 : vector<16xf32>
        %get3A_662 = arith.index_cast %add3A_638 : i32 to index
        %get3A_663 = arith.constant 48 : index
        %get3A_664 = tpu.vector_load %arg9[%get3A_662, %get3A_663] {strides = array<i32>} : memref<352x64xf32, #tpu.memory_space<vmem>>, vector<16xf32>,
        %get3A_665 = arith.index_cast %add3A_638 : i32 to index
        %get3A_666 = arith.constant 48 : index
        %get3A_667 = tpu.vector_load %arg11[%get3A_665, %get3A_666] {strides = array<i32>} : memref<352x64xf32, #tpu.memory_space<vmem>>, vector<16xf32>,
        %mul3A_668 = arith.mulf %get3A_664, %get3A_667 : vector<16xf32>
        %add3A_669 = arith.addf %add3A_661, %mul3A_668 : vector<16xf32>
        %add3A_670 = arith.constant 14 : i32
        %add3A_671 = arith.addi %mul3A_208, %add3A_670 : i32
        %get3A_672 = arith.index_cast %add3A_671 : i32 to index
        %get3A_673 = arith.constant 0 : index
        %get3A_674 = tpu.vector_load %arg9[%get3A_672, %get3A_673] {strides = array<i32>} : memref<352x64xf32, #tpu.memory_space<vmem>>, vector<16xf32>,
        %get3A_675 = arith.index_cast %add3A_671 : i32 to index
        %get3A_676 = arith.constant 0 : index
        %get3A_677 = tpu.vector_load %arg11[%get3A_675, %get3A_676] {strides = array<i32>} : memref<352x64xf32, #tpu.memory_space<vmem>>, vector<16xf32>,
        %mul3A_678 = arith.mulf %get3A_674, %get3A_677 : vector<16xf32>
        %get3A_679 = arith.index_cast %add3A_671 : i32 to index
        %get3A_680 = arith.constant 16 : index
        %get3A_681 = tpu.vector_load %arg9[%get3A_679, %get3A_680] {strides = array<i32>} : memref<352x64xf32, #tpu.memory_space<vmem>>, vector<16xf32>,
        %get3A_682 = arith.index_cast %add3A_671 : i32 to index
        %get3A_683 = arith.constant 16 : index
        %get3A_684 = tpu.vector_load %arg11[%get3A_682, %get3A_683] {strides = array<i32>} : memref<352x64xf32, #tpu.memory_space<vmem>>, vector<16xf32>,
        %mul3A_685 = arith.mulf %get3A_681, %get3A_684 : vector<16xf32>
        %add3A_686 = arith.addf %mul3A_678, %mul3A_685 : vector<16xf32>
        %get3A_687 = arith.index_cast %add3A_671 : i32 to index
        %get3A_688 = arith.constant 32 : index
        %get3A_689 = tpu.vector_load %arg9[%get3A_687, %get3A_688] {strides = array<i32>} : memref<352x64xf32, #tpu.memory_space<vmem>>, vector<16xf32>,
        %get3A_690 = arith.index_cast %add3A_671 : i32 to index
        %get3A_691 = arith.constant 32 : index
        %get3A_692 = tpu.vector_load %arg11[%get3A_690, %get3A_691] {strides = array<i32>} : memref<352x64xf32, #tpu.memory_space<vmem>>, vector<16xf32>,
        %mul3A_693 = arith.mulf %get3A_689, %get3A_692 : vector<16xf32>
        %add3A_694 = arith.addf %add3A_686, %mul3A_693 : vector<16xf32>
        %get3A_695 = arith.index_cast %add3A_671 : i32 to index
        %get3A_696 = arith.constant 48 : index
        %get3A_697 = tpu.vector_load %arg9[%get3A_695, %get3A_696] {strides = array<i32>} : memref<352x64xf32, #tpu.memory_space<vmem>>, vector<16xf32>,
        %get3A_698 = arith.index_cast %add3A_671 : i32 to index
        %get3A_699 = arith.constant 48 : index
        %get3A_700 = tpu.vector_load %arg11[%get3A_698, %get3A_699] {strides = array<i32>} : memref<352x64xf32, #tpu.memory_space<vmem>>, vector<16xf32>,
        %mul3A_701 = arith.mulf %get3A_697, %get3A_700 : vector<16xf32>
        %add3A_702 = arith.addf %add3A_694, %mul3A_701 : vector<16xf32>
        %add3A_703 = arith.constant 15 : i32
        %add3A_704 = arith.addi %mul3A_208, %add3A_703 : i32
        %get3A_705 = arith.index_cast %add3A_704 : i32 to index
        %get3A_706 = arith.constant 0 : index
        %get3A_707 = tpu.vector_load %arg9[%get3A_705, %get3A_706] {strides = array<i32>} : memref<352x64xf32, #tpu.memory_space<vmem>>, vector<16xf32>,
        %get3A_708 = arith.index_cast %add3A_704 : i32 to index
        %get3A_709 = arith.constant 0 : index
        %get3A_710 = tpu.vector_load %arg11[%get3A_708, %get3A_709] {strides = array<i32>} : memref<352x64xf32, #tpu.memory_space<vmem>>, vector<16xf32>,
        %mul3A_711 = arith.mulf %get3A_707, %get3A_710 : vector<16xf32>
        %get3A_712 = arith.index_cast %add3A_704 : i32 to index
        %get3A_713 = arith.constant 16 : index
        %get3A_714 = tpu.vector_load %arg9[%get3A_712, %get3A_713] {strides = array<i32>} : memref<352x64xf32, #tpu.memory_space<vmem>>, vector<16xf32>,
        %get3A_715 = arith.index_cast %add3A_704 : i32 to index
        %get3A_716 = arith.constant 16 : index
        %get3A_717 = tpu.vector_load %arg11[%get3A_715, %get3A_716] {strides = array<i32>} : memref<352x64xf32, #tpu.memory_space<vmem>>, vector<16xf32>,
        %mul3A_718 = arith.mulf %get3A_714, %get3A_717 : vector<16xf32>
        %add3A_719 = arith.addf %mul3A_711, %mul3A_718 : vector<16xf32>
        %get3A_720 = arith.index_cast %add3A_704 : i32 to index
        %get3A_721 = arith.constant 32 : index
        %get3A_722 = tpu.vector_load %arg9[%get3A_720, %get3A_721] {strides = array<i32>} : memref<352x64xf32, #tpu.memory_space<vmem>>, vector<16xf32>,
        %get3A_723 = arith.index_cast %add3A_704 : i32 to index
        %get3A_724 = arith.constant 32 : index
        %get3A_725 = tpu.vector_load %arg11[%get3A_723, %get3A_724] {strides = array<i32>} : memref<352x64xf32, #tpu.memory_space<vmem>>, vector<16xf32>,
        %mul3A_726 = arith.mulf %get3A_722, %get3A_725 : vector<16xf32>
        %add3A_727 = arith.addf %add3A_719, %mul3A_726 : vector<16xf32>
        %get3A_728 = arith.index_cast %add3A_704 : i32 to index
        %get3A_729 = arith.constant 48 : index
        %get3A_730 = tpu.vector_load %arg9[%get3A_728, %get3A_729] {strides = array<i32>} : memref<352x64xf32, #tpu.memory_space<vmem>>, vector<16xf32>,
        %get3A_731 = arith.index_cast %add3A_704 : i32 to index
        %get3A_732 = arith.constant 48 : index
        %get3A_733 = tpu.vector_load %arg11[%get3A_731, %get3A_732] {strides = array<i32>} : memref<352x64xf32, #tpu.memory_space<vmem>>, vector<16xf32>,
        %mul3A_734 = arith.mulf %get3A_730, %get3A_733 : vector<16xf32>
        %add3A_735 = arith.addf %add3A_727, %mul3A_734 : vector<16xf32>
        %lt3A_736 = arith.constant 0 : i32
        %lt3A_737 = vector.broadcast %lt3A_736 : i32 to vector<16xi32>
        %lt3A_738 = arith.cmpi slt, %mul3A_61, %lt3A_737 : vector<16xi32>
        %add3A_739 = arith.constant 16 : i32
        %add3A_740 = vector.broadcast %add3A_739 : i32 to vector<16xi32>
        %add3A_741 = arith.addi %mul3A_61, %add3A_740 : vector<16xi32>
        %select_n3A_742 = arith.select %lt3A_738, %add3A_741, %mul3A_61 : vector<16xi1>, vector<16xi32>
        %reshape3A = vector.shape_cast %select_n3A_742 : vector<16xi32> to vector<16x1xi32>
        %gather3A = vector.shape_cast %reshape3A : vector<16x1xi32> to vector<16xi32>
        %gather3A_743 = tpu.dynamic_gather %add3A_240[%gather3A] in [0] : vector<16xf32>, vector<16xi32> -> vector<16xf32>
        %lt3A_744 = arith.constant 0 : i32
        %lt3A_745 = vector.broadcast %lt3A_744 : i32 to vector<16xi32>
        %lt3A_746 = arith.cmpi slt, %add3A_64, %lt3A_745 : vector<16xi32>
        %add3A_747 = arith.constant 16 : i32
        %add3A_748 = vector.broadcast %add3A_747 : i32 to vector<16xi32>
        %add3A_749 = arith.addi %add3A_64, %add3A_748 : vector<16xi32>
        %select_n3A_750 = arith.select %lt3A_746, %add3A_749, %add3A_64 : vector<16xi1>, vector<16xi32>
        %reshape3A_751 = vector.shape_cast %select_n3A_750 : vector<16xi32> to vector<16x1xi32>
        %gather3A_752 = vector.shape_cast %reshape3A_751 : vector<16x1xi32> to vector<16xi32>
        %gather3A_753 = tpu.dynamic_gather %add3A_240[%gather3A_752] in [0] : vector<16xf32>, vector<16xi32> -> vector<16xf32>
        %add3A_754 = arith.addf %gather3A_743, %gather3A_753 : vector<16xf32>
        %lt3A_755 = arith.constant 0 : i32
        %lt3A_756 = vector.broadcast %lt3A_755 : i32 to vector<16xi32>
        %lt3A_757 = arith.cmpi slt, %mul3A_61, %lt3A_756 : vector<16xi32>
        %add3A_758 = arith.constant 16 : i32
        %add3A_759 = vector.broadcast %add3A_758 : i32 to vector<16xi32>
        %add3A_760 = arith.addi %mul3A_61, %add3A_759 : vector<16xi32>
        %select_n3A_761 = arith.select %lt3A_757, %add3A_760, %mul3A_61 : vector<16xi1>, vector<16xi32>
        %reshape3A_762 = vector.shape_cast %select_n3A_761 : vector<16xi32> to vector<16x1xi32>
        %gather3A_763 = vector.shape_cast %reshape3A_762 : vector<16x1xi32> to vector<16xi32>
        %gather3A_764 = tpu.dynamic_gather %add3A_273[%gather3A_763] in [0] : vector<16xf32>, vector<16xi32> -> vector<16xf32>
        %lt3A_765 = arith.constant 0 : i32
        %lt3A_766 = vector.broadcast %lt3A_765 : i32 to vector<16xi32>
        %lt3A_767 = arith.cmpi slt, %add3A_64, %lt3A_766 : vector<16xi32>
        %add3A_768 = arith.constant 16 : i32
        %add3A_769 = vector.broadcast %add3A_768 : i32 to vector<16xi32>
        %add3A_770 = arith.addi %add3A_64, %add3A_769 : vector<16xi32>
        %select_n3A_771 = arith.select %lt3A_767, %add3A_770, %add3A_64 : vector<16xi1>, vector<16xi32>
        %reshape3A_772 = vector.shape_cast %select_n3A_771 : vector<16xi32> to vector<16x1xi32>
        %gather3A_773 = vector.shape_cast %reshape3A_772 : vector<16x1xi32> to vector<16xi32>
        %gather3A_774 = tpu.dynamic_gather %add3A_273[%gather3A_773] in [0] : vector<16xf32>, vector<16xi32> -> vector<16xf32>
        %add3A_775 = arith.addf %gather3A_764, %gather3A_774 : vector<16xf32>
        %select_n3A_776 = arith.select %lt3A_67, %add3A_754, %add3A_775 : vector<16xi1>, vector<16xf32>
        %lt3A_777 = arith.constant 0 : i32
        %lt3A_778 = vector.broadcast %lt3A_777 : i32 to vector<16xi32>
        %lt3A_779 = arith.cmpi slt, %mul3A_61, %lt3A_778 : vector<16xi32>
        %add3A_780 = arith.constant 16 : i32
        %add3A_781 = vector.broadcast %add3A_780 : i32 to vector<16xi32>
        %add3A_782 = arith.addi %mul3A_61, %add3A_781 : vector<16xi32>
        %select_n3A_783 = arith.select %lt3A_779, %add3A_782, %mul3A_61 : vector<16xi1>, vector<16xi32>
        %reshape3A_784 = vector.shape_cast %select_n3A_783 : vector<16xi32> to vector<16x1xi32>
        %gather3A_785 = vector.shape_cast %reshape3A_784 : vector<16x1xi32> to vector<16xi32>
        %gather3A_786 = tpu.dynamic_gather %add3A_306[%gather3A_785] in [0] : vector<16xf32>, vector<16xi32> -> vector<16xf32>
        %lt3A_787 = arith.constant 0 : i32
        %lt3A_788 = vector.broadcast %lt3A_787 : i32 to vector<16xi32>
        %lt3A_789 = arith.cmpi slt, %add3A_64, %lt3A_788 : vector<16xi32>
        %add3A_790 = arith.constant 16 : i32
        %add3A_791 = vector.broadcast %add3A_790 : i32 to vector<16xi32>
        %add3A_792 = arith.addi %add3A_64, %add3A_791 : vector<16xi32>
        %select_n3A_793 = arith.select %lt3A_789, %add3A_792, %add3A_64 : vector<16xi1>, vector<16xi32>
        %reshape3A_794 = vector.shape_cast %select_n3A_793 : vector<16xi32> to vector<16x1xi32>
        %gather3A_795 = vector.shape_cast %reshape3A_794 : vector<16x1xi32> to vector<16xi32>
        %gather3A_796 = tpu.dynamic_gather %add3A_306[%gather3A_795] in [0] : vector<16xf32>, vector<16xi32> -> vector<16xf32>
        %add3A_797 = arith.addf %gather3A_786, %gather3A_796 : vector<16xf32>
        %lt3A_798 = arith.constant 0 : i32
        %lt3A_799 = vector.broadcast %lt3A_798 : i32 to vector<16xi32>
        %lt3A_800 = arith.cmpi slt, %mul3A_61, %lt3A_799 : vector<16xi32>
        %add3A_801 = arith.constant 16 : i32
        %add3A_802 = vector.broadcast %add3A_801 : i32 to vector<16xi32>
        %add3A_803 = arith.addi %mul3A_61, %add3A_802 : vector<16xi32>
        %select_n3A_804 = arith.select %lt3A_800, %add3A_803, %mul3A_61 : vector<16xi1>, vector<16xi32>
        %reshape3A_805 = vector.shape_cast %select_n3A_804 : vector<16xi32> to vector<16x1xi32>
        %gather3A_806 = vector.shape_cast %reshape3A_805 : vector<16x1xi32> to vector<16xi32>
        %gather3A_807 = tpu.dynamic_gather %add3A_339[%gather3A_806] in [0] : vector<16xf32>, vector<16xi32> -> vector<16xf32>
        %lt3A_808 = arith.constant 0 : i32
        %lt3A_809 = vector.broadcast %lt3A_808 : i32 to vector<16xi32>
        %lt3A_810 = arith.cmpi slt, %add3A_64, %lt3A_809 : vector<16xi32>
        %add3A_811 = arith.constant 16 : i32
        %add3A_812 = vector.broadcast %add3A_811 : i32 to vector<16xi32>
        %add3A_813 = arith.addi %add3A_64, %add3A_812 : vector<16xi32>
        %select_n3A_814 = arith.select %lt3A_810, %add3A_813, %add3A_64 : vector<16xi1>, vector<16xi32>
        %reshape3A_815 = vector.shape_cast %select_n3A_814 : vector<16xi32> to vector<16x1xi32>
        %gather3A_816 = vector.shape_cast %reshape3A_815 : vector<16x1xi32> to vector<16xi32>
        %gather3A_817 = tpu.dynamic_gather %add3A_339[%gather3A_816] in [0] : vector<16xf32>, vector<16xi32> -> vector<16xf32>
        %add3A_818 = arith.addf %gather3A_807, %gather3A_817 : vector<16xf32>
        %select_n3A_819 = arith.select %lt3A_67, %add3A_797, %add3A_818 : vector<16xi1>, vector<16xf32>
        %lt3A_820 = arith.constant 0 : i32
        %lt3A_821 = vector.broadcast %lt3A_820 : i32 to vector<16xi32>
        %lt3A_822 = arith.cmpi slt, %mul3A_61, %lt3A_821 : vector<16xi32>
        %add3A_823 = arith.constant 16 : i32
        %add3A_824 = vector.broadcast %add3A_823 : i32 to vector<16xi32>
        %add3A_825 = arith.addi %mul3A_61, %add3A_824 : vector<16xi32>
        %select_n3A_826 = arith.select %lt3A_822, %add3A_825, %mul3A_61 : vector<16xi1>, vector<16xi32>
        %reshape3A_827 = vector.shape_cast %select_n3A_826 : vector<16xi32> to vector<16x1xi32>
        %gather3A_828 = vector.shape_cast %reshape3A_827 : vector<16x1xi32> to vector<16xi32>
        %gather3A_829 = tpu.dynamic_gather %add3A_372[%gather3A_828] in [0] : vector<16xf32>, vector<16xi32> -> vector<16xf32>
        %lt3A_830 = arith.constant 0 : i32
        %lt3A_831 = vector.broadcast %lt3A_830 : i32 to vector<16xi32>
        %lt3A_832 = arith.cmpi slt, %add3A_64, %lt3A_831 : vector<16xi32>
        %add3A_833 = arith.constant 16 : i32
        %add3A_834 = vector.broadcast %add3A_833 : i32 to vector<16xi32>
        %add3A_835 = arith.addi %add3A_64, %add3A_834 : vector<16xi32>
        %select_n3A_836 = arith.select %lt3A_832, %add3A_835, %add3A_64 : vector<16xi1>, vector<16xi32>
        %reshape3A_837 = vector.shape_cast %select_n3A_836 : vector<16xi32> to vector<16x1xi32>
        %gather3A_838 = vector.shape_cast %reshape3A_837 : vector<16x1xi32> to vector<16xi32>
        %gather3A_839 = tpu.dynamic_gather %add3A_372[%gather3A_838] in [0] : vector<16xf32>, vector<16xi32> -> vector<16xf32>
        %add3A_840 = arith.addf %gather3A_829, %gather3A_839 : vector<16xf32>
        %lt3A_841 = arith.constant 0 : i32
        %lt3A_842 = vector.broadcast %lt3A_841 : i32 to vector<16xi32>
        %lt3A_843 = arith.cmpi slt, %mul3A_61, %lt3A_842 : vector<16xi32>
        %add3A_844 = arith.constant 16 : i32
        %add3A_845 = vector.broadcast %add3A_844 : i32 to vector<16xi32>
        %add3A_846 = arith.addi %mul3A_61, %add3A_845 : vector<16xi32>
        %select_n3A_847 = arith.select %lt3A_843, %add3A_846, %mul3A_61 : vector<16xi1>, vector<16xi32>
        %reshape3A_848 = vector.shape_cast %select_n3A_847 : vector<16xi32> to vector<16x1xi32>
        %gather3A_849 = vector.shape_cast %reshape3A_848 : vector<16x1xi32> to vector<16xi32>
        %gather3A_850 = tpu.dynamic_gather %add3A_405[%gather3A_849] in [0] : vector<16xf32>, vector<16xi32> -> vector<16xf32>
        %lt3A_851 = arith.constant 0 : i32
        %lt3A_852 = vector.broadcast %lt3A_851 : i32 to vector<16xi32>
        %lt3A_853 = arith.cmpi slt, %add3A_64, %lt3A_852 : vector<16xi32>
        %add3A_854 = arith.constant 16 : i32
        %add3A_855 = vector.broadcast %add3A_854 : i32 to vector<16xi32>
        %add3A_856 = arith.addi %add3A_64, %add3A_855 : vector<16xi32>
        %select_n3A_857 = arith.select %lt3A_853, %add3A_856, %add3A_64 : vector<16xi1>, vector<16xi32>
        %reshape3A_858 = vector.shape_cast %select_n3A_857 : vector<16xi32> to vector<16x1xi32>
        %gather3A_859 = vector.shape_cast %reshape3A_858 : vector<16x1xi32> to vector<16xi32>
        %gather3A_860 = tpu.dynamic_gather %add3A_405[%gather3A_859] in [0] : vector<16xf32>, vector<16xi32> -> vector<16xf32>
        %add3A_861 = arith.addf %gather3A_850, %gather3A_860 : vector<16xf32>
        %select_n3A_862 = arith.select %lt3A_67, %add3A_840, %add3A_861 : vector<16xi1>, vector<16xf32>
        %lt3A_863 = arith.constant 0 : i32
        %lt3A_864 = vector.broadcast %lt3A_863 : i32 to vector<16xi32>
        %lt3A_865 = arith.cmpi slt, %mul3A_61, %lt3A_864 : vector<16xi32>
        %add3A_866 = arith.constant 16 : i32
        %add3A_867 = vector.broadcast %add3A_866 : i32 to vector<16xi32>
        %add3A_868 = arith.addi %mul3A_61, %add3A_867 : vector<16xi32>
        %select_n3A_869 = arith.select %lt3A_865, %add3A_868, %mul3A_61 : vector<16xi1>, vector<16xi32>
        %reshape3A_870 = vector.shape_cast %select_n3A_869 : vector<16xi32> to vector<16x1xi32>
        %gather3A_871 = vector.shape_cast %reshape3A_870 : vector<16x1xi32> to vector<16xi32>
        %gather3A_872 = tpu.dynamic_gather %add3A_438[%gather3A_871] in [0] : vector<16xf32>, vector<16xi32> -> vector<16xf32>
        %lt3A_873 = arith.constant 0 : i32
        %lt3A_874 = vector.broadcast %lt3A_873 : i32 to vector<16xi32>
        %lt3A_875 = arith.cmpi slt, %add3A_64, %lt3A_874 : vector<16xi32>
        %add3A_876 = arith.constant 16 : i32
        %add3A_877 = vector.broadcast %add3A_876 : i32 to vector<16xi32>
        %add3A_878 = arith.addi %add3A_64, %add3A_877 : vector<16xi32>
        %select_n3A_879 = arith.select %lt3A_875, %add3A_878, %add3A_64 : vector<16xi1>, vector<16xi32>
        %reshape3A_880 = vector.shape_cast %select_n3A_879 : vector<16xi32> to vector<16x1xi32>
        %gather3A_881 = vector.shape_cast %reshape3A_880 : vector<16x1xi32> to vector<16xi32>
        %gather3A_882 = tpu.dynamic_gather %add3A_438[%gather3A_881] in [0] : vector<16xf32>, vector<16xi32> -> vector<16xf32>
        %add3A_883 = arith.addf %gather3A_872, %gather3A_882 : vector<16xf32>
        %lt3A_884 = arith.constant 0 : i32
        %lt3A_885 = vector.broadcast %lt3A_884 : i32 to vector<16xi32>
        %lt3A_886 = arith.cmpi slt, %mul3A_61, %lt3A_885 : vector<16xi32>
        %add3A_887 = arith.constant 16 : i32
        %add3A_888 = vector.broadcast %add3A_887 : i32 to vector<16xi32>
        %add3A_889 = arith.addi %mul3A_61, %add3A_888 : vector<16xi32>
        %select_n3A_890 = arith.select %lt3A_886, %add3A_889, %mul3A_61 : vector<16xi1>, vector<16xi32>
        %reshape3A_891 = vector.shape_cast %select_n3A_890 : vector<16xi32> to vector<16x1xi32>
        %gather3A_892 = vector.shape_cast %reshape3A_891 : vector<16x1xi32> to vector<16xi32>
        %gather3A_893 = tpu.dynamic_gather %add3A_471[%gather3A_892] in [0] : vector<16xf32>, vector<16xi32> -> vector<16xf32>
        %lt3A_894 = arith.constant 0 : i32
        %lt3A_895 = vector.broadcast %lt3A_894 : i32 to vector<16xi32>
        %lt3A_896 = arith.cmpi slt, %add3A_64, %lt3A_895 : vector<16xi32>
        %add3A_897 = arith.constant 16 : i32
        %add3A_898 = vector.broadcast %add3A_897 : i32 to vector<16xi32>
        %add3A_899 = arith.addi %add3A_64, %add3A_898 : vector<16xi32>
        %select_n3A_900 = arith.select %lt3A_896, %add3A_899, %add3A_64 : vector<16xi1>, vector<16xi32>
        %reshape3A_901 = vector.shape_cast %select_n3A_900 : vector<16xi32> to vector<16x1xi32>
        %gather3A_902 = vector.shape_cast %reshape3A_901 : vector<16x1xi32> to vector<16xi32>
        %gather3A_903 = tpu.dynamic_gather %add3A_471[%gather3A_902] in [0] : vector<16xf32>, vector<16xi32> -> vector<16xf32>
        %add3A_904 = arith.addf %gather3A_893, %gather3A_903 : vector<16xf32>
        %select_n3A_905 = arith.select %lt3A_67, %add3A_883, %add3A_904 : vector<16xi1>, vector<16xf32>
        %lt3A_906 = arith.constant 0 : i32
        %lt3A_907 = vector.broadcast %lt3A_906 : i32 to vector<16xi32>
        %lt3A_908 = arith.cmpi slt, %mul3A_61, %lt3A_907 : vector<16xi32>
        %add3A_909 = arith.constant 16 : i32
        %add3A_910 = vector.broadcast %add3A_909 : i32 to vector<16xi32>
        %add3A_911 = arith.addi %mul3A_61, %add3A_910 : vector<16xi32>
        %select_n3A_912 = arith.select %lt3A_908, %add3A_911, %mul3A_61 : vector<16xi1>, vector<16xi32>
        %reshape3A_913 = vector.shape_cast %select_n3A_912 : vector<16xi32> to vector<16x1xi32>
        %gather3A_914 = vector.shape_cast %reshape3A_913 : vector<16x1xi32> to vector<16xi32>
        %gather3A_915 = tpu.dynamic_gather %add3A_504[%gather3A_914] in [0] : vector<16xf32>, vector<16xi32> -> vector<16xf32>
        %lt3A_916 = arith.constant 0 : i32
        %lt3A_917 = vector.broadcast %lt3A_916 : i32 to vector<16xi32>
        %lt3A_918 = arith.cmpi slt, %add3A_64, %lt3A_917 : vector<16xi32>
        %add3A_919 = arith.constant 16 : i32
        %add3A_920 = vector.broadcast %add3A_919 : i32 to vector<16xi32>
        %add3A_921 = arith.addi %add3A_64, %add3A_920 : vector<16xi32>
        %select_n3A_922 = arith.select %lt3A_918, %add3A_921, %add3A_64 : vector<16xi1>, vector<16xi32>
        %reshape3A_923 = vector.shape_cast %select_n3A_922 : vector<16xi32> to vector<16x1xi32>
        %gather3A_924 = vector.shape_cast %reshape3A_923 : vector<16x1xi32> to vector<16xi32>
        %gather3A_925 = tpu.dynamic_gather %add3A_504[%gather3A_924] in [0] : vector<16xf32>, vector<16xi32> -> vector<16xf32>
        %add3A_926 = arith.addf %gather3A_915, %gather3A_925 : vector<16xf32>
        %lt3A_927 = arith.constant 0 : i32
        %lt3A_928 = vector.broadcast %lt3A_927 : i32 to vector<16xi32>
        %lt3A_929 = arith.cmpi slt, %mul3A_61, %lt3A_928 : vector<16xi32>
        %add3A_930 = arith.constant 16 : i32
        %add3A_931 = vector.broadcast %add3A_930 : i32 to vector<16xi32>
        %add3A_932 = arith.addi %mul3A_61, %add3A_931 : vector<16xi32>
        %select_n3A_933 = arith.select %lt3A_929, %add3A_932, %mul3A_61 : vector<16xi1>, vector<16xi32>
        %reshape3A_934 = vector.shape_cast %select_n3A_933 : vector<16xi32> to vector<16x1xi32>
        %gather3A_935 = vector.shape_cast %reshape3A_934 : vector<16x1xi32> to vector<16xi32>
        %gather3A_936 = tpu.dynamic_gather %add3A_537[%gather3A_935] in [0] : vector<16xf32>, vector<16xi32> -> vector<16xf32>
        %lt3A_937 = arith.constant 0 : i32
        %lt3A_938 = vector.broadcast %lt3A_937 : i32 to vector<16xi32>
        %lt3A_939 = arith.cmpi slt, %add3A_64, %lt3A_938 : vector<16xi32>
        %add3A_940 = arith.constant 16 : i32
        %add3A_941 = vector.broadcast %add3A_940 : i32 to vector<16xi32>
        %add3A_942 = arith.addi %add3A_64, %add3A_941 : vector<16xi32>
        %select_n3A_943 = arith.select %lt3A_939, %add3A_942, %add3A_64 : vector<16xi1>, vector<16xi32>
        %reshape3A_944 = vector.shape_cast %select_n3A_943 : vector<16xi32> to vector<16x1xi32>
        %gather3A_945 = vector.shape_cast %reshape3A_944 : vector<16x1xi32> to vector<16xi32>
        %gather3A_946 = tpu.dynamic_gather %add3A_537[%gather3A_945] in [0] : vector<16xf32>, vector<16xi32> -> vector<16xf32>
        %add3A_947 = arith.addf %gather3A_936, %gather3A_946 : vector<16xf32>
        %select_n3A_948 = arith.select %lt3A_67, %add3A_926, %add3A_947 : vector<16xi1>, vector<16xf32>
        %lt3A_949 = arith.constant 0 : i32
        %lt3A_950 = vector.broadcast %lt3A_949 : i32 to vector<16xi32>
        %lt3A_951 = arith.cmpi slt, %mul3A_61, %lt3A_950 : vector<16xi32>
        %add3A_952 = arith.constant 16 : i32
        %add3A_953 = vector.broadcast %add3A_952 : i32 to vector<16xi32>
        %add3A_954 = arith.addi %mul3A_61, %add3A_953 : vector<16xi32>
        %select_n3A_955 = arith.select %lt3A_951, %add3A_954, %mul3A_61 : vector<16xi1>, vector<16xi32>
        %reshape3A_956 = vector.shape_cast %select_n3A_955 : vector<16xi32> to vector<16x1xi32>
        %gather3A_957 = vector.shape_cast %reshape3A_956 : vector<16x1xi32> to vector<16xi32>
        %gather3A_958 = tpu.dynamic_gather %add3A_570[%gather3A_957] in [0] : vector<16xf32>, vector<16xi32> -> vector<16xf32>
        %lt3A_959 = arith.constant 0 : i32
        %lt3A_960 = vector.broadcast %lt3A_959 : i32 to vector<16xi32>
        %lt3A_961 = arith.cmpi slt, %add3A_64, %lt3A_960 : vector<16xi32>
        %add3A_962 = arith.constant 16 : i32
        %add3A_963 = vector.broadcast %add3A_962 : i32 to vector<16xi32>
        %add3A_964 = arith.addi %add3A_64, %add3A_963 : vector<16xi32>
        %select_n3A_965 = arith.select %lt3A_961, %add3A_964, %add3A_64 : vector<16xi1>, vector<16xi32>
        %reshape3A_966 = vector.shape_cast %select_n3A_965 : vector<16xi32> to vector<16x1xi32>
        %gather3A_967 = vector.shape_cast %reshape3A_966 : vector<16x1xi32> to vector<16xi32>
        %gather3A_968 = tpu.dynamic_gather %add3A_570[%gather3A_967] in [0] : vector<16xf32>, vector<16xi32> -> vector<16xf32>
        %add3A_969 = arith.addf %gather3A_958, %gather3A_968 : vector<16xf32>
        %lt3A_970 = arith.constant 0 : i32
        %lt3A_971 = vector.broadcast %lt3A_970 : i32 to vector<16xi32>
        %lt3A_972 = arith.cmpi slt, %mul3A_61, %lt3A_971 : vector<16xi32>
        %add3A_973 = arith.constant 16 : i32
        %add3A_974 = vector.broadcast %add3A_973 : i32 to vector<16xi32>
        %add3A_975 = arith.addi %mul3A_61, %add3A_974 : vector<16xi32>
        %select_n3A_976 = arith.select %lt3A_972, %add3A_975, %mul3A_61 : vector<16xi1>, vector<16xi32>
        %reshape3A_977 = vector.shape_cast %select_n3A_976 : vector<16xi32> to vector<16x1xi32>
        %gather3A_978 = vector.shape_cast %reshape3A_977 : vector<16x1xi32> to vector<16xi32>
        %gather3A_979 = tpu.dynamic_gather %add3A_603[%gather3A_978] in [0] : vector<16xf32>, vector<16xi32> -> vector<16xf32>
        %lt3A_980 = arith.constant 0 : i32
        %lt3A_981 = vector.broadcast %lt3A_980 : i32 to vector<16xi32>
        %lt3A_982 = arith.cmpi slt, %add3A_64, %lt3A_981 : vector<16xi32>
        %add3A_983 = arith.constant 16 : i32
        %add3A_984 = vector.broadcast %add3A_983 : i32 to vector<16xi32>
        %add3A_985 = arith.addi %add3A_64, %add3A_984 : vector<16xi32>
        %select_n3A_986 = arith.select %lt3A_982, %add3A_985, %add3A_64 : vector<16xi1>, vector<16xi32>
        %reshape3A_987 = vector.shape_cast %select_n3A_986 : vector<16xi32> to vector<16x1xi32>
        %gather3A_988 = vector.shape_cast %reshape3A_987 : vector<16x1xi32> to vector<16xi32>
        %gather3A_989 = tpu.dynamic_gather %add3A_603[%gather3A_988] in [0] : vector<16xf32>, vector<16xi32> -> vector<16xf32>
        %add3A_990 = arith.addf %gather3A_979, %gather3A_989 : vector<16xf32>
        %select_n3A_991 = arith.select %lt3A_67, %add3A_969, %add3A_990 : vector<16xi1>, vector<16xf32>
        %lt3A_992 = arith.constant 0 : i32
        %lt3A_993 = vector.broadcast %lt3A_992 : i32 to vector<16xi32>
        %lt3A_994 = arith.cmpi slt, %mul3A_61, %lt3A_993 : vector<16xi32>
        %add3A_995 = arith.constant 16 : i32
        %add3A_996 = vector.broadcast %add3A_995 : i32 to vector<16xi32>
        %add3A_997 = arith.addi %mul3A_61, %add3A_996 : vector<16xi32>
        %select_n3A_998 = arith.select %lt3A_994, %add3A_997, %mul3A_61 : vector<16xi1>, vector<16xi32>
        %reshape3A_999 = vector.shape_cast %select_n3A_998 : vector<16xi32> to vector<16x1xi32>
        %gather3A_1000 = vector.shape_cast %reshape3A_999 : vector<16x1xi32> to vector<16xi32>
        %gather3A_1001 = tpu.dynamic_gather %add3A_636[%gather3A_1000] in [0] : vector<16xf32>, vector<16xi32> -> vector<16xf32>
        %lt3A_1002 = arith.constant 0 : i32
        %lt3A_1003 = vector.broadcast %lt3A_1002 : i32 to vector<16xi32>
        %lt3A_1004 = arith.cmpi slt, %add3A_64, %lt3A_1003 : vector<16xi32>
        %add3A_1005 = arith.constant 16 : i32
        %add3A_1006 = vector.broadcast %add3A_1005 : i32 to vector<16xi32>
        %add3A_1007 = arith.addi %add3A_64, %add3A_1006 : vector<16xi32>
        %select_n3A_1008 = arith.select %lt3A_1004, %add3A_1007, %add3A_64 : vector<16xi1>, vector<16xi32>
        %reshape3A_1009 = vector.shape_cast %select_n3A_1008 : vector<16xi32> to vector<16x1xi32>
        %gather3A_1010 = vector.shape_cast %reshape3A_1009 : vector<16x1xi32> to vector<16xi32>
        %gather3A_1011 = tpu.dynamic_gather %add3A_636[%gather3A_1010] in [0] : vector<16xf32>, vector<16xi32> -> vector<16xf32>
        %add3A_1012 = arith.addf %gather3A_1001, %gather3A_1011 : vector<16xf32>
        %lt3A_1013 = arith.constant 0 : i32
        %lt3A_1014 = vector.broadcast %lt3A_1013 : i32 to vector<16xi32>
        %lt3A_1015 = arith.cmpi slt, %mul3A_61, %lt3A_1014 : vector<16xi32>
        %add3A_1016 = arith.constant 16 : i32
        %add3A_1017 = vector.broadcast %add3A_1016 : i32 to vector<16xi32>
        %add3A_1018 = arith.addi %mul3A_61, %add3A_1017 : vector<16xi32>
        %select_n3A_1019 = arith.select %lt3A_1015, %add3A_1018, %mul3A_61 : vector<16xi1>, vector<16xi32>
        %reshape3A_1020 = vector.shape_cast %select_n3A_1019 : vector<16xi32> to vector<16x1xi32>
        %gather3A_1021 = vector.shape_cast %reshape3A_1020 : vector<16x1xi32> to vector<16xi32>
        %gather3A_1022 = tpu.dynamic_gather %add3A_669[%gather3A_1021] in [0] : vector<16xf32>, vector<16xi32> -> vector<16xf32>
        %lt3A_1023 = arith.constant 0 : i32
        %lt3A_1024 = vector.broadcast %lt3A_1023 : i32 to vector<16xi32>
        %lt3A_1025 = arith.cmpi slt, %add3A_64, %lt3A_1024 : vector<16xi32>
        %add3A_1026 = arith.constant 16 : i32
        %add3A_1027 = vector.broadcast %add3A_1026 : i32 to vector<16xi32>
        %add3A_1028 = arith.addi %add3A_64, %add3A_1027 : vector<16xi32>
        %select_n3A_1029 = arith.select %lt3A_1025, %add3A_1028, %add3A_64 : vector<16xi1>, vector<16xi32>
        %reshape3A_1030 = vector.shape_cast %select_n3A_1029 : vector<16xi32> to vector<16x1xi32>
        %gather3A_1031 = vector.shape_cast %reshape3A_1030 : vector<16x1xi32> to vector<16xi32>
        %gather3A_1032 = tpu.dynamic_gather %add3A_669[%gather3A_1031] in [0] : vector<16xf32>, vector<16xi32> -> vector<16xf32>
        %add3A_1033 = arith.addf %gather3A_1022, %gather3A_1032 : vector<16xf32>
        %select_n3A_1034 = arith.select %lt3A_67, %add3A_1012, %add3A_1033 : vector<16xi1>, vector<16xf32>
        %lt3A_1035 = arith.constant 0 : i32
        %lt3A_1036 = vector.broadcast %lt3A_1035 : i32 to vector<16xi32>
        %lt3A_1037 = arith.cmpi slt, %mul3A_61, %lt3A_1036 : vector<16xi32>
        %add3A_1038 = arith.constant 16 : i32
        %add3A_1039 = vector.broadcast %add3A_1038 : i32 to vector<16xi32>
        %add3A_1040 = arith.addi %mul3A_61, %add3A_1039 : vector<16xi32>
        %select_n3A_1041 = arith.select %lt3A_1037, %add3A_1040, %mul3A_61 : vector<16xi1>, vector<16xi32>
        %reshape3A_1042 = vector.shape_cast %select_n3A_1041 : vector<16xi32> to vector<16x1xi32>
        %gather3A_1043 = vector.shape_cast %reshape3A_1042 : vector<16x1xi32> to vector<16xi32>
        %gather3A_1044 = tpu.dynamic_gather %add3A_702[%gather3A_1043] in [0] : vector<16xf32>, vector<16xi32> -> vector<16xf32>
        %lt3A_1045 = arith.constant 0 : i32
        %lt3A_1046 = vector.broadcast %lt3A_1045 : i32 to vector<16xi32>
        %lt3A_1047 = arith.cmpi slt, %add3A_64, %lt3A_1046 : vector<16xi32>
        %add3A_1048 = arith.constant 16 : i32
        %add3A_1049 = vector.broadcast %add3A_1048 : i32 to vector<16xi32>
        %add3A_1050 = arith.addi %add3A_64, %add3A_1049 : vector<16xi32>
        %select_n3A_1051 = arith.select %lt3A_1047, %add3A_1050, %add3A_64 : vector<16xi1>, vector<16xi32>
        %reshape3A_1052 = vector.shape_cast %select_n3A_1051 : vector<16xi32> to vector<16x1xi32>
        %gather3A_1053 = vector.shape_cast %reshape3A_1052 : vector<16x1xi32> to vector<16xi32>
        %gather3A_1054 = tpu.dynamic_gather %add3A_702[%gather3A_1053] in [0] : vector<16xf32>, vector<16xi32> -> vector<16xf32>
        %add3A_1055 = arith.addf %gather3A_1044, %gather3A_1054 : vector<16xf32>
        %lt3A_1056 = arith.constant 0 : i32
        %lt3A_1057 = vector.broadcast %lt3A_1056 : i32 to vector<16xi32>
        %lt3A_1058 = arith.cmpi slt, %mul3A_61, %lt3A_1057 : vector<16xi32>
        %add3A_1059 = arith.constant 16 : i32
        %add3A_1060 = vector.broadcast %add3A_1059 : i32 to vector<16xi32>
        %add3A_1061 = arith.addi %mul3A_61, %add3A_1060 : vector<16xi32>
        %select_n3A_1062 = arith.select %lt3A_1058, %add3A_1061, %mul3A_61 : vector<16xi1>, vector<16xi32>
        %reshape3A_1063 = vector.shape_cast %select_n3A_1062 : vector<16xi32> to vector<16x1xi32>
        %gather3A_1064 = vector.shape_cast %reshape3A_1063 : vector<16x1xi32> to vector<16xi32>
        %gather3A_1065 = tpu.dynamic_gather %add3A_735[%gather3A_1064] in [0] : vector<16xf32>, vector<16xi32> -> vector<16xf32>
        %lt3A_1066 = arith.constant 0 : i32
        %lt3A_1067 = vector.broadcast %lt3A_1066 : i32 to vector<16xi32>
        %lt3A_1068 = arith.cmpi slt, %add3A_64, %lt3A_1067 : vector<16xi32>
        %add3A_1069 = arith.constant 16 : i32
        %add3A_1070 = vector.broadcast %add3A_1069 : i32 to vector<16xi32>
        %add3A_1071 = arith.addi %add3A_64, %add3A_1070 : vector<16xi32>
        %select_n3A_1072 = arith.select %lt3A_1068, %add3A_1071, %add3A_64 : vector<16xi1>, vector<16xi32>
        %reshape3A_1073 = vector.shape_cast %select_n3A_1072 : vector<16xi32> to vector<16x1xi32>
        %gather3A_1074 = vector.shape_cast %reshape3A_1073 : vector<16x1xi32> to vector<16xi32>
        %gather3A_1075 = tpu.dynamic_gather %add3A_735[%gather3A_1074] in [0] : vector<16xf32>, vector<16xi32> -> vector<16xf32>
        %add3A_1076 = arith.addf %gather3A_1065, %gather3A_1075 : vector<16xf32>
        %select_n3A_1077 = arith.select %lt3A_67, %add3A_1055, %add3A_1076 : vector<16xi1>, vector<16xf32>
        %lt3A_1078 = arith.constant 0 : i32
        %lt3A_1079 = vector.broadcast %lt3A_1078 : i32 to vector<16xi32>
        %lt3A_1080 = arith.cmpi slt, %mul3A_61, %lt3A_1079 : vector<16xi32>
        %add3A_1081 = arith.constant 16 : i32
        %add3A_1082 = vector.broadcast %add3A_1081 : i32 to vector<16xi32>
        %add3A_1083 = arith.addi %mul3A_61, %add3A_1082 : vector<16xi32>
        %select_n3A_1084 = arith.select %lt3A_1080, %add3A_1083, %mul3A_61 : vector<16xi1>, vector<16xi32>
        %reshape3A_1085 = vector.shape_cast %select_n3A_1084 : vector<16xi32> to vector<16x1xi32>
        %gather3A_1086 = vector.shape_cast %reshape3A_1085 : vector<16x1xi32> to vector<16xi32>
        %gather3A_1087 = tpu.dynamic_gather %select_n3A_776[%gather3A_1086] in [0] : vector<16xf32>, vector<16xi32> -> vector<16xf32>
        %lt3A_1088 = arith.constant 0 : i32
        %lt3A_1089 = vector.broadcast %lt3A_1088 : i32 to vector<16xi32>
        %lt3A_1090 = arith.cmpi slt, %add3A_64, %lt3A_1089 : vector<16xi32>
        %add3A_1091 = arith.constant 16 : i32
        %add3A_1092 = vector.broadcast %add3A_1091 : i32 to vector<16xi32>
        %add3A_1093 = arith.addi %add3A_64, %add3A_1092 : vector<16xi32>
        %select_n3A_1094 = arith.select %lt3A_1090, %add3A_1093, %add3A_64 : vector<16xi1>, vector<16xi32>
        %reshape3A_1095 = vector.shape_cast %select_n3A_1094 : vector<16xi32> to vector<16x1xi32>
        %gather3A_1096 = vector.shape_cast %reshape3A_1095 : vector<16x1xi32> to vector<16xi32>
        %gather3A_1097 = tpu.dynamic_gather %select_n3A_776[%gather3A_1096] in [0] : vector<16xf32>, vector<16xi32> -> vector<16xf32>
        %add3A_1098 = arith.addf %gather3A_1087, %gather3A_1097 : vector<16xf32>
        %lt3A_1099 = arith.constant 0 : i32
        %lt3A_1100 = vector.broadcast %lt3A_1099 : i32 to vector<16xi32>
        %lt3A_1101 = arith.cmpi slt, %mul3A_61, %lt3A_1100 : vector<16xi32>
        %add3A_1102 = arith.constant 16 : i32
        %add3A_1103 = vector.broadcast %add3A_1102 : i32 to vector<16xi32>
        %add3A_1104 = arith.addi %mul3A_61, %add3A_1103 : vector<16xi32>
        %select_n3A_1105 = arith.select %lt3A_1101, %add3A_1104, %mul3A_61 : vector<16xi1>, vector<16xi32>
        %reshape3A_1106 = vector.shape_cast %select_n3A_1105 : vector<16xi32> to vector<16x1xi32>
        %gather3A_1107 = vector.shape_cast %reshape3A_1106 : vector<16x1xi32> to vector<16xi32>
        %gather3A_1108 = tpu.dynamic_gather %select_n3A_819[%gather3A_1107] in [0] : vector<16xf32>, vector<16xi32> -> vector<16xf32>
        %lt3A_1109 = arith.constant 0 : i32
        %lt3A_1110 = vector.broadcast %lt3A_1109 : i32 to vector<16xi32>
        %lt3A_1111 = arith.cmpi slt, %add3A_64, %lt3A_1110 : vector<16xi32>
        %add3A_1112 = arith.constant 16 : i32
        %add3A_1113 = vector.broadcast %add3A_1112 : i32 to vector<16xi32>
        %add3A_1114 = arith.addi %add3A_64, %add3A_1113 : vector<16xi32>
        %select_n3A_1115 = arith.select %lt3A_1111, %add3A_1114, %add3A_64 : vector<16xi1>, vector<16xi32>
        %reshape3A_1116 = vector.shape_cast %select_n3A_1115 : vector<16xi32> to vector<16x1xi32>
        %gather3A_1117 = vector.shape_cast %reshape3A_1116 : vector<16x1xi32> to vector<16xi32>
        %gather3A_1118 = tpu.dynamic_gather %select_n3A_819[%gather3A_1117] in [0] : vector<16xf32>, vector<16xi32> -> vector<16xf32>
        %add3A_1119 = arith.addf %gather3A_1108, %gather3A_1118 : vector<16xf32>
        %select_n3A_1120 = arith.select %lt3A_67, %add3A_1098, %add3A_1119 : vector<16xi1>, vector<16xf32>
        %lt3A_1121 = arith.constant 0 : i32
        %lt3A_1122 = vector.broadcast %lt3A_1121 : i32 to vector<16xi32>
        %lt3A_1123 = arith.cmpi slt, %mul3A_61, %lt3A_1122 : vector<16xi32>
        %add3A_1124 = arith.constant 16 : i32
        %add3A_1125 = vector.broadcast %add3A_1124 : i32 to vector<16xi32>
        %add3A_1126 = arith.addi %mul3A_61, %add3A_1125 : vector<16xi32>
        %select_n3A_1127 = arith.select %lt3A_1123, %add3A_1126, %mul3A_61 : vector<16xi1>, vector<16xi32>
        %reshape3A_1128 = vector.shape_cast %select_n3A_1127 : vector<16xi32> to vector<16x1xi32>
        %gather3A_1129 = vector.shape_cast %reshape3A_1128 : vector<16x1xi32> to vector<16xi32>
        %gather3A_1130 = tpu.dynamic_gather %select_n3A_862[%gather3A_1129] in [0] : vector<16xf32>, vector<16xi32> -> vector<16xf32>
        %lt3A_1131 = arith.constant 0 : i32
        %lt3A_1132 = vector.broadcast %lt3A_1131 : i32 to vector<16xi32>
        %lt3A_1133 = arith.cmpi slt, %add3A_64, %lt3A_1132 : vector<16xi32>
        %add3A_1134 = arith.constant 16 : i32
        %add3A_1135 = vector.broadcast %add3A_1134 : i32 to vector<16xi32>
        %add3A_1136 = arith.addi %add3A_64, %add3A_1135 : vector<16xi32>
        %select_n3A_1137 = arith.select %lt3A_1133, %add3A_1136, %add3A_64 : vector<16xi1>, vector<16xi32>
        %reshape3A_1138 = vector.shape_cast %select_n3A_1137 : vector<16xi32> to vector<16x1xi32>
        %gather3A_1139 = vector.shape_cast %reshape3A_1138 : vector<16x1xi32> to vector<16xi32>
        %gather3A_1140 = tpu.dynamic_gather %select_n3A_862[%gather3A_1139] in [0] : vector<16xf32>, vector<16xi32> -> vector<16xf32>
        %add3A_1141 = arith.addf %gather3A_1130, %gather3A_1140 : vector<16xf32>
        %lt3A_1142 = arith.constant 0 : i32
        %lt3A_1143 = vector.broadcast %lt3A_1142 : i32 to vector<16xi32>
        %lt3A_1144 = arith.cmpi slt, %mul3A_61, %lt3A_1143 : vector<16xi32>
        %add3A_1145 = arith.constant 16 : i32
        %add3A_1146 = vector.broadcast %add3A_1145 : i32 to vector<16xi32>
        %add3A_1147 = arith.addi %mul3A_61, %add3A_1146 : vector<16xi32>
        %select_n3A_1148 = arith.select %lt3A_1144, %add3A_1147, %mul3A_61 : vector<16xi1>, vector<16xi32>
        %reshape3A_1149 = vector.shape_cast %select_n3A_1148 : vector<16xi32> to vector<16x1xi32>
        %gather3A_1150 = vector.shape_cast %reshape3A_1149 : vector<16x1xi32> to vector<16xi32>
        %gather3A_1151 = tpu.dynamic_gather %select_n3A_905[%gather3A_1150] in [0] : vector<16xf32>, vector<16xi32> -> vector<16xf32>
        %lt3A_1152 = arith.constant 0 : i32
        %lt3A_1153 = vector.broadcast %lt3A_1152 : i32 to vector<16xi32>
        %lt3A_1154 = arith.cmpi slt, %add3A_64, %lt3A_1153 : vector<16xi32>
        %add3A_1155 = arith.constant 16 : i32
        %add3A_1156 = vector.broadcast %add3A_1155 : i32 to vector<16xi32>
        %add3A_1157 = arith.addi %add3A_64, %add3A_1156 : vector<16xi32>
        %select_n3A_1158 = arith.select %lt3A_1154, %add3A_1157, %add3A_64 : vector<16xi1>, vector<16xi32>
        %reshape3A_1159 = vector.shape_cast %select_n3A_1158 : vector<16xi32> to vector<16x1xi32>
        %gather3A_1160 = vector.shape_cast %reshape3A_1159 : vector<16x1xi32> to vector<16xi32>
        %gather3A_1161 = tpu.dynamic_gather %select_n3A_905[%gather3A_1160] in [0] : vector<16xf32>, vector<16xi32> -> vector<16xf32>
        %add3A_1162 = arith.addf %gather3A_1151, %gather3A_1161 : vector<16xf32>
        %select_n3A_1163 = arith.select %lt3A_67, %add3A_1141, %add3A_1162 : vector<16xi1>, vector<16xf32>
        %lt3A_1164 = arith.constant 0 : i32
        %lt3A_1165 = vector.broadcast %lt3A_1164 : i32 to vector<16xi32>
        %lt3A_1166 = arith.cmpi slt, %mul3A_61, %lt3A_1165 : vector<16xi32>
        %add3A_1167 = arith.constant 16 : i32
        %add3A_1168 = vector.broadcast %add3A_1167 : i32 to vector<16xi32>
        %add3A_1169 = arith.addi %mul3A_61, %add3A_1168 : vector<16xi32>
        %select_n3A_1170 = arith.select %lt3A_1166, %add3A_1169, %mul3A_61 : vector<16xi1>, vector<16xi32>
        %reshape3A_1171 = vector.shape_cast %select_n3A_1170 : vector<16xi32> to vector<16x1xi32>
        %gather3A_1172 = vector.shape_cast %reshape3A_1171 : vector<16x1xi32> to vector<16xi32>
        %gather3A_1173 = tpu.dynamic_gather %select_n3A_948[%gather3A_1172] in [0] : vector<16xf32>, vector<16xi32> -> vector<16xf32>
        %lt3A_1174 = arith.constant 0 : i32
        %lt3A_1175 = vector.broadcast %lt3A_1174 : i32 to vector<16xi32>
        %lt3A_1176 = arith.cmpi slt, %add3A_64, %lt3A_1175 : vector<16xi32>
        %add3A_1177 = arith.constant 16 : i32
        %add3A_1178 = vector.broadcast %add3A_1177 : i32 to vector<16xi32>
        %add3A_1179 = arith.addi %add3A_64, %add3A_1178 : vector<16xi32>
        %select_n3A_1180 = arith.select %lt3A_1176, %add3A_1179, %add3A_64 : vector<16xi1>, vector<16xi32>
        %reshape3A_1181 = vector.shape_cast %select_n3A_1180 : vector<16xi32> to vector<16x1xi32>
        %gather3A_1182 = vector.shape_cast %reshape3A_1181 : vector<16x1xi32> to vector<16xi32>
        %gather3A_1183 = tpu.dynamic_gather %select_n3A_948[%gather3A_1182] in [0] : vector<16xf32>, vector<16xi32> -> vector<16xf32>
        %add3A_1184 = arith.addf %gather3A_1173, %gather3A_1183 : vector<16xf32>
        %lt3A_1185 = arith.constant 0 : i32
        %lt3A_1186 = vector.broadcast %lt3A_1185 : i32 to vector<16xi32>
        %lt3A_1187 = arith.cmpi slt, %mul3A_61, %lt3A_1186 : vector<16xi32>
        %add3A_1188 = arith.constant 16 : i32
        %add3A_1189 = vector.broadcast %add3A_1188 : i32 to vector<16xi32>
        %add3A_1190 = arith.addi %mul3A_61, %add3A_1189 : vector<16xi32>
        %select_n3A_1191 = arith.select %lt3A_1187, %add3A_1190, %mul3A_61 : vector<16xi1>, vector<16xi32>
        %reshape3A_1192 = vector.shape_cast %select_n3A_1191 : vector<16xi32> to vector<16x1xi32>
        %gather3A_1193 = vector.shape_cast %reshape3A_1192 : vector<16x1xi32> to vector<16xi32>
        %gather3A_1194 = tpu.dynamic_gather %select_n3A_991[%gather3A_1193] in [0] : vector<16xf32>, vector<16xi32> -> vector<16xf32>
        %lt3A_1195 = arith.constant 0 : i32
        %lt3A_1196 = vector.broadcast %lt3A_1195 : i32 to vector<16xi32>
        %lt3A_1197 = arith.cmpi slt, %add3A_64, %lt3A_1196 : vector<16xi32>
        %add3A_1198 = arith.constant 16 : i32
        %add3A_1199 = vector.broadcast %add3A_1198 : i32 to vector<16xi32>
        %add3A_1200 = arith.addi %add3A_64, %add3A_1199 : vector<16xi32>
        %select_n3A_1201 = arith.select %lt3A_1197, %add3A_1200, %add3A_64 : vector<16xi1>, vector<16xi32>
        %reshape3A_1202 = vector.shape_cast %select_n3A_1201 : vector<16xi32> to vector<16x1xi32>
        %gather3A_1203 = vector.shape_cast %reshape3A_1202 : vector<16x1xi32> to vector<16xi32>
        %gather3A_1204 = tpu.dynamic_gather %select_n3A_991[%gather3A_1203] in [0] : vector<16xf32>, vector<16xi32> -> vector<16xf32>
        %add3A_1205 = arith.addf %gather3A_1194, %gather3A_1204 : vector<16xf32>
        %select_n3A_1206 = arith.select %lt3A_67, %add3A_1184, %add3A_1205 : vector<16xi1>, vector<16xf32>
        %lt3A_1207 = arith.constant 0 : i32
        %lt3A_1208 = vector.broadcast %lt3A_1207 : i32 to vector<16xi32>
        %lt3A_1209 = arith.cmpi slt, %mul3A_61, %lt3A_1208 : vector<16xi32>
        %add3A_1210 = arith.constant 16 : i32
        %add3A_1211 = vector.broadcast %add3A_1210 : i32 to vector<16xi32>
        %add3A_1212 = arith.addi %mul3A_61, %add3A_1211 : vector<16xi32>
        %select_n3A_1213 = arith.select %lt3A_1209, %add3A_1212, %mul3A_61 : vector<16xi1>, vector<16xi32>
        %reshape3A_1214 = vector.shape_cast %select_n3A_1213 : vector<16xi32> to vector<16x1xi32>
        %gather3A_1215 = vector.shape_cast %reshape3A_1214 : vector<16x1xi32> to vector<16xi32>
        %gather3A_1216 = tpu.dynamic_gather %select_n3A_1034[%gather3A_1215] in [0] : vector<16xf32>, vector<16xi32> -> vector<16xf32>
        %lt3A_1217 = arith.constant 0 : i32
        %lt3A_1218 = vector.broadcast %lt3A_1217 : i32 to vector<16xi32>
        %lt3A_1219 = arith.cmpi slt, %add3A_64, %lt3A_1218 : vector<16xi32>
        %add3A_1220 = arith.constant 16 : i32
        %add3A_1221 = vector.broadcast %add3A_1220 : i32 to vector<16xi32>
        %add3A_1222 = arith.addi %add3A_64, %add3A_1221 : vector<16xi32>
        %select_n3A_1223 = arith.select %lt3A_1219, %add3A_1222, %add3A_64 : vector<16xi1>, vector<16xi32>
        %reshape3A_1224 = vector.shape_cast %select_n3A_1223 : vector<16xi32> to vector<16x1xi32>
        %gather3A_1225 = vector.shape_cast %reshape3A_1224 : vector<16x1xi32> to vector<16xi32>
        %gather3A_1226 = tpu.dynamic_gather %select_n3A_1034[%gather3A_1225] in [0] : vector<16xf32>, vector<16xi32> -> vector<16xf32>
        %add3A_1227 = arith.addf %gather3A_1216, %gather3A_1226 : vector<16xf32>
        %lt3A_1228 = arith.constant 0 : i32
        %lt3A_1229 = vector.broadcast %lt3A_1228 : i32 to vector<16xi32>
        %lt3A_1230 = arith.cmpi slt, %mul3A_61, %lt3A_1229 : vector<16xi32>
        %add3A_1231 = arith.constant 16 : i32
        %add3A_1232 = vector.broadcast %add3A_1231 : i32 to vector<16xi32>
        %add3A_1233 = arith.addi %mul3A_61, %add3A_1232 : vector<16xi32>
        %select_n3A_1234 = arith.select %lt3A_1230, %add3A_1233, %mul3A_61 : vector<16xi1>, vector<16xi32>
        %reshape3A_1235 = vector.shape_cast %select_n3A_1234 : vector<16xi32> to vector<16x1xi32>
        %gather3A_1236 = vector.shape_cast %reshape3A_1235 : vector<16x1xi32> to vector<16xi32>
        %gather3A_1237 = tpu.dynamic_gather %select_n3A_1077[%gather3A_1236] in [0] : vector<16xf32>, vector<16xi32> -> vector<16xf32>
        %lt3A_1238 = arith.constant 0 : i32
        %lt3A_1239 = vector.broadcast %lt3A_1238 : i32 to vector<16xi32>
        %lt3A_1240 = arith.cmpi slt, %add3A_64, %lt3A_1239 : vector<16xi32>
        %add3A_1241 = arith.constant 16 : i32
        %add3A_1242 = vector.broadcast %add3A_1241 : i32 to vector<16xi32>
        %add3A_1243 = arith.addi %add3A_64, %add3A_1242 : vector<16xi32>
        %select_n3A_1244 = arith.select %lt3A_1240, %add3A_1243, %add3A_64 : vector<16xi1>, vector<16xi32>
        %reshape3A_1245 = vector.shape_cast %select_n3A_1244 : vector<16xi32> to vector<16x1xi32>
        %gather3A_1246 = vector.shape_cast %reshape3A_1245 : vector<16x1xi32> to vector<16xi32>
        %gather3A_1247 = tpu.dynamic_gather %select_n3A_1077[%gather3A_1246] in [0] : vector<16xf32>, vector<16xi32> -> vector<16xf32>
        %add3A_1248 = arith.addf %gather3A_1237, %gather3A_1247 : vector<16xf32>
        %select_n3A_1249 = arith.select %lt3A_67, %add3A_1227, %add3A_1248 : vector<16xi1>, vector<16xf32>
        %lt3A_1250 = arith.constant 0 : i32
        %lt3A_1251 = vector.broadcast %lt3A_1250 : i32 to vector<16xi32>
        %lt3A_1252 = arith.cmpi slt, %mul3A_61, %lt3A_1251 : vector<16xi32>
        %add3A_1253 = arith.constant 16 : i32
        %add3A_1254 = vector.broadcast %add3A_1253 : i32 to vector<16xi32>
        %add3A_1255 = arith.addi %mul3A_61, %add3A_1254 : vector<16xi32>
        %select_n3A_1256 = arith.select %lt3A_1252, %add3A_1255, %mul3A_61 : vector<16xi1>, vector<16xi32>
        %reshape3A_1257 = vector.shape_cast %select_n3A_1256 : vector<16xi32> to vector<16x1xi32>
        %gather3A_1258 = vector.shape_cast %reshape3A_1257 : vector<16x1xi32> to vector<16xi32>
        %gather3A_1259 = tpu.dynamic_gather %select_n3A_1120[%gather3A_1258] in [0] : vector<16xf32>, vector<16xi32> -> vector<16xf32>
        %lt3A_1260 = arith.constant 0 : i32
        %lt3A_1261 = vector.broadcast %lt3A_1260 : i32 to vector<16xi32>
        %lt3A_1262 = arith.cmpi slt, %add3A_64, %lt3A_1261 : vector<16xi32>
        %add3A_1263 = arith.constant 16 : i32
        %add3A_1264 = vector.broadcast %add3A_1263 : i32 to vector<16xi32>
        %add3A_1265 = arith.addi %add3A_64, %add3A_1264 : vector<16xi32>
        %select_n3A_1266 = arith.select %lt3A_1262, %add3A_1265, %add3A_64 : vector<16xi1>, vector<16xi32>
        %reshape3A_1267 = vector.shape_cast %select_n3A_1266 : vector<16xi32> to vector<16x1xi32>
        %gather3A_1268 = vector.shape_cast %reshape3A_1267 : vector<16x1xi32> to vector<16xi32>
        %gather3A_1269 = tpu.dynamic_gather %select_n3A_1120[%gather3A_1268] in [0] : vector<16xf32>, vector<16xi32> -> vector<16xf32>
        %add3A_1270 = arith.addf %gather3A_1259, %gather3A_1269 : vector<16xf32>
        %lt3A_1271 = arith.constant 0 : i32
        %lt3A_1272 = vector.broadcast %lt3A_1271 : i32 to vector<16xi32>
        %lt3A_1273 = arith.cmpi slt, %mul3A_61, %lt3A_1272 : vector<16xi32>
        %add3A_1274 = arith.constant 16 : i32
        %add3A_1275 = vector.broadcast %add3A_1274 : i32 to vector<16xi32>
        %add3A_1276 = arith.addi %mul3A_61, %add3A_1275 : vector<16xi32>
        %select_n3A_1277 = arith.select %lt3A_1273, %add3A_1276, %mul3A_61 : vector<16xi1>, vector<16xi32>
        %reshape3A_1278 = vector.shape_cast %select_n3A_1277 : vector<16xi32> to vector<16x1xi32>
        %gather3A_1279 = vector.shape_cast %reshape3A_1278 : vector<16x1xi32> to vector<16xi32>
        %gather3A_1280 = tpu.dynamic_gather %select_n3A_1163[%gather3A_1279] in [0] : vector<16xf32>, vector<16xi32> -> vector<16xf32>
        %lt3A_1281 = arith.constant 0 : i32
        %lt3A_1282 = vector.broadcast %lt3A_1281 : i32 to vector<16xi32>
        %lt3A_1283 = arith.cmpi slt, %add3A_64, %lt3A_1282 : vector<16xi32>
        %add3A_1284 = arith.constant 16 : i32
        %add3A_1285 = vector.broadcast %add3A_1284 : i32 to vector<16xi32>
        %add3A_1286 = arith.addi %add3A_64, %add3A_1285 : vector<16xi32>
        %select_n3A_1287 = arith.select %lt3A_1283, %add3A_1286, %add3A_64 : vector<16xi1>, vector<16xi32>
        %reshape3A_1288 = vector.shape_cast %select_n3A_1287 : vector<16xi32> to vector<16x1xi32>
        %gather3A_1289 = vector.shape_cast %reshape3A_1288 : vector<16x1xi32> to vector<16xi32>
        %gather3A_1290 = tpu.dynamic_gather %select_n3A_1163[%gather3A_1289] in [0] : vector<16xf32>, vector<16xi32> -> vector<16xf32>
        %add3A_1291 = arith.addf %gather3A_1280, %gather3A_1290 : vector<16xf32>
        %select_n3A_1292 = arith.select %lt3A_67, %add3A_1270, %add3A_1291 : vector<16xi1>, vector<16xf32>
        %lt3A_1293 = arith.constant 0 : i32
        %lt3A_1294 = vector.broadcast %lt3A_1293 : i32 to vector<16xi32>
        %lt3A_1295 = arith.cmpi slt, %mul3A_61, %lt3A_1294 : vector<16xi32>
        %add3A_1296 = arith.constant 16 : i32
        %add3A_1297 = vector.broadcast %add3A_1296 : i32 to vector<16xi32>
        %add3A_1298 = arith.addi %mul3A_61, %add3A_1297 : vector<16xi32>
        %select_n3A_1299 = arith.select %lt3A_1295, %add3A_1298, %mul3A_61 : vector<16xi1>, vector<16xi32>
        %reshape3A_1300 = vector.shape_cast %select_n3A_1299 : vector<16xi32> to vector<16x1xi32>
        %gather3A_1301 = vector.shape_cast %reshape3A_1300 : vector<16x1xi32> to vector<16xi32>
        %gather3A_1302 = tpu.dynamic_gather %select_n3A_1206[%gather3A_1301] in [0] : vector<16xf32>, vector<16xi32> -> vector<16xf32>
        %lt3A_1303 = arith.constant 0 : i32
        %lt3A_1304 = vector.broadcast %lt3A_1303 : i32 to vector<16xi32>
        %lt3A_1305 = arith.cmpi slt, %add3A_64, %lt3A_1304 : vector<16xi32>
        %add3A_1306 = arith.constant 16 : i32
        %add3A_1307 = vector.broadcast %add3A_1306 : i32 to vector<16xi32>
        %add3A_1308 = arith.addi %add3A_64, %add3A_1307 : vector<16xi32>
        %select_n3A_1309 = arith.select %lt3A_1305, %add3A_1308, %add3A_64 : vector<16xi1>, vector<16xi32>
        %reshape3A_1310 = vector.shape_cast %select_n3A_1309 : vector<16xi32> to vector<16x1xi32>
        %gather3A_1311 = vector.shape_cast %reshape3A_1310 : vector<16x1xi32> to vector<16xi32>
        %gather3A_1312 = tpu.dynamic_gather %select_n3A_1206[%gather3A_1311] in [0] : vector<16xf32>, vector<16xi32> -> vector<16xf32>
        %add3A_1313 = arith.addf %gather3A_1302, %gather3A_1312 : vector<16xf32>
        %lt3A_1314 = arith.constant 0 : i32
        %lt3A_1315 = vector.broadcast %lt3A_1314 : i32 to vector<16xi32>
        %lt3A_1316 = arith.cmpi slt, %mul3A_61, %lt3A_1315 : vector<16xi32>
        %add3A_1317 = arith.constant 16 : i32
        %add3A_1318 = vector.broadcast %add3A_1317 : i32 to vector<16xi32>
        %add3A_1319 = arith.addi %mul3A_61, %add3A_1318 : vector<16xi32>
        %select_n3A_1320 = arith.select %lt3A_1316, %add3A_1319, %mul3A_61 : vector<16xi1>, vector<16xi32>
        %reshape3A_1321 = vector.shape_cast %select_n3A_1320 : vector<16xi32> to vector<16x1xi32>
        %gather3A_1322 = vector.shape_cast %reshape3A_1321 : vector<16x1xi32> to vector<16xi32>
        %gather3A_1323 = tpu.dynamic_gather %select_n3A_1249[%gather3A_1322] in [0] : vector<16xf32>, vector<16xi32> -> vector<16xf32>
        %lt3A_1324 = arith.constant 0 : i32
        %lt3A_1325 = vector.broadcast %lt3A_1324 : i32 to vector<16xi32>
        %lt3A_1326 = arith.cmpi slt, %add3A_64, %lt3A_1325 : vector<16xi32>
        %add3A_1327 = arith.constant 16 : i32
        %add3A_1328 = vector.broadcast %add3A_1327 : i32 to vector<16xi32>
        %add3A_1329 = arith.addi %add3A_64, %add3A_1328 : vector<16xi32>
        %select_n3A_1330 = arith.select %lt3A_1326, %add3A_1329, %add3A_64 : vector<16xi1>, vector<16xi32>
        %reshape3A_1331 = vector.shape_cast %select_n3A_1330 : vector<16xi32> to vector<16x1xi32>
        %gather3A_1332 = vector.shape_cast %reshape3A_1331 : vector<16x1xi32> to vector<16xi32>
        %gather3A_1333 = tpu.dynamic_gather %select_n3A_1249[%gather3A_1332] in [0] : vector<16xf32>, vector<16xi32> -> vector<16xf32>
        %add3A_1334 = arith.addf %gather3A_1323, %gather3A_1333 : vector<16xf32>
        %select_n3A_1335 = arith.select %lt3A_67, %add3A_1313, %add3A_1334 : vector<16xi1>, vector<16xf32>
        %lt3A_1336 = arith.constant 0 : i32
        %lt3A_1337 = vector.broadcast %lt3A_1336 : i32 to vector<16xi32>
        %lt3A_1338 = arith.cmpi slt, %mul3A_61, %lt3A_1337 : vector<16xi32>
        %add3A_1339 = arith.constant 16 : i32
        %add3A_1340 = vector.broadcast %add3A_1339 : i32 to vector<16xi32>
        %add3A_1341 = arith.addi %mul3A_61, %add3A_1340 : vector<16xi32>
        %select_n3A_1342 = arith.select %lt3A_1338, %add3A_1341, %mul3A_61 : vector<16xi1>, vector<16xi32>
        %reshape3A_1343 = vector.shape_cast %select_n3A_1342 : vector<16xi32> to vector<16x1xi32>
        %gather3A_1344 = vector.shape_cast %reshape3A_1343 : vector<16x1xi32> to vector<16xi32>
        %gather3A_1345 = tpu.dynamic_gather %select_n3A_1292[%gather3A_1344] in [0] : vector<16xf32>, vector<16xi32> -> vector<16xf32>
        %lt3A_1346 = arith.constant 0 : i32
        %lt3A_1347 = vector.broadcast %lt3A_1346 : i32 to vector<16xi32>
        %lt3A_1348 = arith.cmpi slt, %add3A_64, %lt3A_1347 : vector<16xi32>
        %add3A_1349 = arith.constant 16 : i32
        %add3A_1350 = vector.broadcast %add3A_1349 : i32 to vector<16xi32>
        %add3A_1351 = arith.addi %add3A_64, %add3A_1350 : vector<16xi32>
        %select_n3A_1352 = arith.select %lt3A_1348, %add3A_1351, %add3A_64 : vector<16xi1>, vector<16xi32>
        %reshape3A_1353 = vector.shape_cast %select_n3A_1352 : vector<16xi32> to vector<16x1xi32>
        %gather3A_1354 = vector.shape_cast %reshape3A_1353 : vector<16x1xi32> to vector<16xi32>
        %gather3A_1355 = tpu.dynamic_gather %select_n3A_1292[%gather3A_1354] in [0] : vector<16xf32>, vector<16xi32> -> vector<16xf32>
        %add3A_1356 = arith.addf %gather3A_1345, %gather3A_1355 : vector<16xf32>
        %lt3A_1357 = arith.constant 0 : i32
        %lt3A_1358 = vector.broadcast %lt3A_1357 : i32 to vector<16xi32>
        %lt3A_1359 = arith.cmpi slt, %mul3A_61, %lt3A_1358 : vector<16xi32>
        %add3A_1360 = arith.constant 16 : i32
        %add3A_1361 = vector.broadcast %add3A_1360 : i32 to vector<16xi32>
        %add3A_1362 = arith.addi %mul3A_61, %add3A_1361 : vector<16xi32>
        %select_n3A_1363 = arith.select %lt3A_1359, %add3A_1362, %mul3A_61 : vector<16xi1>, vector<16xi32>
        %reshape3A_1364 = vector.shape_cast %select_n3A_1363 : vector<16xi32> to vector<16x1xi32>
        %gather3A_1365 = vector.shape_cast %reshape3A_1364 : vector<16x1xi32> to vector<16xi32>
        %gather3A_1366 = tpu.dynamic_gather %select_n3A_1335[%gather3A_1365] in [0] : vector<16xf32>, vector<16xi32> -> vector<16xf32>
        %lt3A_1367 = arith.constant 0 : i32
        %lt3A_1368 = vector.broadcast %lt3A_1367 : i32 to vector<16xi32>
        %lt3A_1369 = arith.cmpi slt, %add3A_64, %lt3A_1368 : vector<16xi32>
        %add3A_1370 = arith.constant 16 : i32
        %add3A_1371 = vector.broadcast %add3A_1370 : i32 to vector<16xi32>
        %add3A_1372 = arith.addi %add3A_64, %add3A_1371 : vector<16xi32>
        %select_n3A_1373 = arith.select %lt3A_1369, %add3A_1372, %add3A_64 : vector<16xi1>, vector<16xi32>
        %reshape3A_1374 = vector.shape_cast %select_n3A_1373 : vector<16xi32> to vector<16x1xi32>
        %gather3A_1375 = vector.shape_cast %reshape3A_1374 : vector<16x1xi32> to vector<16xi32>
        %gather3A_1376 = tpu.dynamic_gather %select_n3A_1335[%gather3A_1375] in [0] : vector<16xf32>, vector<16xi32> -> vector<16xf32>
        %add3A_1377 = arith.addf %gather3A_1366, %gather3A_1376 : vector<16xf32>
        %select_n3A_1378 = arith.select %lt3A_67, %add3A_1356, %add3A_1377 : vector<16xi1>, vector<16xf32>
        %swap3A = arith.index_cast %mul3A_208 : i32 to index
        %swap3A_1379 = tpu.vector_load %arg13[%swap3A] {strides = array<i32>} : memref<352xf32, #tpu.memory_space<vmem>>, vector<16xf32>,
        tpu.vector_store %arg13[%swap3A], %select_n3A_1378 {strides = array<i32>} : memref<352xf32, #tpu.memory_space<vmem>>, vector<16xf32>,
      }
      %scan3A_179 = arith.constant 22 : i32
      %lt3A_180 = arith.constant 44 : i32
      %lt3A_181 = arith.cmpi slt, %add3A_156, %lt3A_180 : i32
      %mul3A_182 = arith.constant 44 : i32
      %mul3A_183 = arith.muli %add3A, %mul3A_182 : i32
      %add3A_184 = arith.addi %mul3A_183, %add3A_156 : i32
      %mul3A_185 = arith.constant 352 : i32
      %mul3A_186 = arith.muli %add3A_184, %mul3A_185 : i32
      %sub3A_187 = arith.constant 46 : i32
      %sub3A_188 = arith.subi %sub3A_187, %add3A_156 : i32
      %mul3A_189 = arith.constant 32 : i32
      %mul3A_190 = arith.muli %sub3A_188, %mul3A_189 : i32
      %sub3A_191 = arith.subi %mul3A_190, %add3A : i32
      %mul3A_192 = arith.constant 352 : i32
      %mul3A_193 = arith.muli %sub3A_191, %mul3A_192 : i32
      %sub3A_194 = arith.constant 500000 : i32
      %sub3A_195 = arith.subi %sub3A_194, %mul3A_193 : i32
      %select_n3A_196 = arith.select %lt3A_181, %mul3A_186, %sub3A_195 : i32
      %dma_start3A_197 = tpu.memref_slice %arg5[%select_n3A_196] : memref<500000xf32, #tpu.memory_space<hbm>> -> memref<352xf32, #tpu.memory_space<hbm>>
      %dma_start3A_198 = tpu.memref_slice %arg5[%select_n3A_196] : memref<500000xf32, #tpu.memory_space<hbm>> -> memref<352xf32, #tpu.memory_space<hbm>>
      tpu.enqueue_dma source(%arg13 : memref<352xf32, #tpu.memory_space<vmem>>) target(%dma_start3A_198 : memref<352xf32, #tpu.memory_space<hbm>>) target_semaphore(%arg17 : memref<!tpu.dma_semaphore, #tpu.memory_space<semaphore_mem>>)
      %add3A_199 = arith.constant 2 : i32
      %add3A_200 = arith.addi %add3A_156, %add3A_199 : i32
      %lt3A_201 = arith.constant 46 : i32
      %lt3A_202 = arith.cmpi slt, %add3A_200, %lt3A_201 : i32
      %convert_element_type3A_203 = arith.extui %lt3A_202 : i1 to i32
      %cond3A_204 = arith.constant 0 : i32
      %cond3A_205 = arith.cmpi ne, %convert_element_type3A_203, %cond3A_204 : i32
      scf.if %cond3A_205 {
        %add3A_206 = arith.constant 2 : i32
        %add3A_207 = arith.addi %add3A_156, %add3A_206 : i32
        %mul3A_208 = arith.constant 352 : i32
        %mul3A_209 = arith.muli %add3A_207, %mul3A_208 : i32
        %mul3A_210 = arith.constant 352 : i32
        %mul3A_211 = arith.muli %add3A_207, %mul3A_210 : i32
        %dma_start3A_212 = tpu.memref_slice %arg6[%mul3A_209] : memref<16192xi32, #tpu.memory_space<vmem>> -> memref<352xi32, #tpu.memory_space<vmem>>
        %dma_start3A_213 = arith.constant 0 : i32
        %dma_start3A_214 = arith.constant 0 : i32
        %dma_start3A_215 = tpu.memref_slice %arg2[%dma_start3A_213, %dma_start3A_214] : memref<100000x64xf32, #tpu.memory_space<hbm>> -> memref<100000x64xf32, #tpu.memory_space<hbm>>
        tpu.enqueue_indirect_dma source(%dma_start3A_215 : memref<100000x64xf32, #tpu.memory_space<hbm>>) target(%arg9 : memref<352x64xf32, #tpu.memory_space<vmem>>) offsets(%dma_start3A_212 : memref<352xi32, #tpu.memory_space<vmem>>) semaphore(%arg15 : memref<!tpu.dma_semaphore, #tpu.memory_space<semaphore_mem>>)
        %dma_start3A_216 = tpu.memref_slice %arg7[%mul3A_211] : memref<16192xi32, #tpu.memory_space<vmem>> -> memref<352xi32, #tpu.memory_space<vmem>>
        %dma_start3A_217 = arith.constant 0 : i32
        %dma_start3A_218 = arith.constant 0 : i32
        %dma_start3A_219 = tpu.memref_slice %arg3[%dma_start3A_217, %dma_start3A_218] : memref<100000x64xf32, #tpu.memory_space<hbm>> -> memref<100000x64xf32, #tpu.memory_space<hbm>>
        tpu.enqueue_indirect_dma source(%dma_start3A_219 : memref<100000x64xf32, #tpu.memory_space<hbm>>) target(%arg11 : memref<352x64xf32, #tpu.memory_space<vmem>>) offsets(%dma_start3A_216 : memref<352xi32, #tpu.memory_space<vmem>>) semaphore(%arg15 : memref<!tpu.dma_semaphore, #tpu.memory_space<semaphore_mem>>)
      } else {
      }
    }
    %scan3A_72 = arith.constant 23 : i32
    %mul3A_73 = arith.constant 44 : i32
    %mul3A_74 = arith.muli %add3A, %mul3A_73 : i32
    %add3A_75 = arith.constant 44 : i32
    %add3A_76 = arith.addi %mul3A_74, %add3A_75 : i32
    %mul3A_77 = arith.constant 352 : i32
    %mul3A_78 = arith.muli %add3A_76, %mul3A_77 : i32
    %sub3A_79 = arith.constant 64 : i32
    %sub3A_80 = arith.subi %sub3A_79, %add3A : i32
    %mul3A_81 = arith.constant 352 : i32
    %mul3A_82 = arith.muli %sub3A_80, %mul3A_81 : i32
    %sub3A_83 = arith.constant 500000 : i32
    %sub3A_84 = arith.subi %sub3A_83, %mul3A_82 : i32
    %jit3A_85 = arith.constant false
    %select_n3A_86 = arith.select %jit3A_85, %mul3A_78, %sub3A_84 : i32
    %dma_wait3A = tpu.memref_slice %arg5[%select_n3A_86] : memref<500000xf32, #tpu.memory_space<hbm>> -> memref<352xf32, #tpu.memory_space<hbm>>
    %dma_wait3A_87 = tpu.memref_slice %arg5[%select_n3A_86] : memref<500000xf32, #tpu.memory_space<hbm>> -> memref<352xf32, #tpu.memory_space<hbm>>
    tpu.wait_dma2 semaphore(%arg16 : memref<!tpu.dma_semaphore, #tpu.memory_space<semaphore_mem>>) src(%arg12 : memref<352xf32, #tpu.memory_space<vmem>>) dst(%dma_wait3A_87 : memref<352xf32, #tpu.memory_space<hbm>>)
    %mul3A_88 = arith.constant 44 : i32
    %mul3A_89 = arith.muli %add3A, %mul3A_88 : i32
    %add3A_90 = arith.constant 45 : i32
    %add3A_91 = arith.addi %mul3A_89, %add3A_90 : i32
    %mul3A_92 = arith.constant 352 : i32
    %mul3A_93 = arith.muli %add3A_91, %mul3A_92 : i32
    %sub3A_94 = arith.constant 32 : i32
    %sub3A_95 = arith.subi %sub3A_94, %add3A : i32
    %mul3A_96 = arith.constant 352 : i32
    %mul3A_97 = arith.muli %sub3A_95, %mul3A_96 : i32
    %sub3A_98 = arith.constant 500000 : i32
    %sub3A_99 = arith.subi %sub3A_98, %mul3A_97 : i32
    %jit3A_100 = arith.constant false
    %select_n3A_101 = arith.select %jit3A_100, %mul3A_93, %sub3A_99 : i32
    %dma_wait3A_102 = tpu.memref_slice %arg5[%select_n3A_101] : memref<500000xf32, #tpu.memory_space<hbm>> -> memref<352xf32, #tpu.memory_space<hbm>>
    %dma_wait3A_103 = tpu.memref_slice %arg5[%select_n3A_101] : memref<500000xf32, #tpu.memory_space<hbm>> -> memref<352xf32, #tpu.memory_space<hbm>>
    tpu.wait_dma2 semaphore(%arg17 : memref<!tpu.dma_semaphore, #tpu.memory_space<semaphore_mem>>) src(%arg13 : memref<352xf32, #tpu.memory_space<vmem>>) dst(%dma_wait3A_103 : memref<352xf32, #tpu.memory_space<hbm>>)
    return
  }
}

</mosaic_0001>

<sc_bundles>
// kernel: _run.3.cloned.1.call-start
scs
__scs_entry_jumppad:
0x0: {  	(pc) =	sbr.rel $0x88, $3  }
0x1: {  	(tag) =	ssettag $0x0;
	lr =	simm.s32 $0x1  }
0x2: {  	[smem:$0x3F9E] =	sst lr;
	_ =	strace $0xD0000000  }
0x3: {  	_ = 	snop  }
0x4: {  	_ = 	snop  }
0x5: {  	_ = 	snop  }
0x6: {  	_ = 	snop  }
0x7: {  	_ = 	snop  }
__scs_overlays_trampoline_lowered:
0x8: {  	[smem:$0x3FAD] =	sst s0  }
0x9: {  	[smem:$0x3FAE] =	sst s1  }
0xa: {  	[smem:$0x3FAF] =	sst s2  }
0xb: {  	[smem:$0x3FB0] =	sst s3  }
0xc: {  	[smem:$0x3FB1] =	sst s4  }
0xd: {  	[smem:$0x3FB2] =	sst s5  }
0xe: {  	[smem:$0x3FB3] =	sst s6  }
0xf: {  	[smem:$0x3FB4] =	sst s7  }
0x10: {  	[smem:$0x3FB5] =	sst s8  }
0x11: {  	[smem:$0x3FB6] =	sst s9;
	s0 =	simm.s32 @!p0 $0x0  }
0x12: {  	s1 =	sld [smem:$0x3F9C];
	s0 =	simm.s32 @p0 $0x1  }
0x13: {  	[smem:$0x3FB7] =	sst s0;
	s0 =	simm.s32 @!p1 $0x0  }
0x14: {  	s2 =	sld [smem:$0x3F9B];
	s0 =	simm.s32 @p1 $0x1  }
0x15: {  	[smem:$0x3FB8] =	sst s0;
	s0 =	simm.s32 @!p2 $0x0  }
0x16: {  	s3 =	sld [smem:$0x3FDB];
	s0 =	simm.s32 @p2 $0x1  }
0x17: {  	s4 =	simm.s32 $0x1BF5;
	[smem:$0x3FBA] =	sst s0  }
0x18: {  	s0 =	sld [smem:$0x3F9D];
	_ =	swait.ge [sflag:s4], $0x0  }
0x19: {  	s7 =	sld [smem:$0x3F9E]  }
0x1a: {  	s8 =	sadd.s32 $0xFFFFE003, lr  }
0x1b: {  	s9 =	sadd.s32 $0xFFFFFEF7, lr;
	s5 =	simm.s32 $0xFFFFFFFF;
	p2 =	slt.u32 s8, $0xFFFFF086  }
0x1c: {  	p1 =	slt.u32 s9, $0xF7A;
	s5 =	simm.s32 @!p2 $0x0  }
0x1d: {  	s5 =	simm.s32 @p1 $0x1;
	p0 =	seq.s32 s7, s2  }
0x1e: {  	s7 =	smul.u32 @!p0 $0xF7A, s2;
	p2 =	seq.s32 @!p0 s5, $0x0  }
0x1f: {  	s9 =	smul.u32 $0xF7A, s1;
	s8 =	simm.s32 @!p0 $0x1BF5;
	p2 =	por !p2, p0  }
0x20: {  	[sflag:s8] =	ssyncset.s32 @!p0 $0xFFFFF086;
	s6 =	sadd.s32 @!p0 s3, s7;
	s7 =	simm.s32 @!p0 $0x108  }
0x21: {  	s3 =	sadd.s32 s3, s9;
	s6 =	sadd.s32 @!p0 $0x88, s6;
	s7 =	simm.s32 @p2 $0x1082  }
0x22: {  	[simem:s7], [sflag:s8] =	dma.local @!p0 [hbm:s6], $0xF7A  }
0x23: {  	s9 =	sor.u32 $0xD0000000, s2;
	s6 =	simm.s32 $0x108;
	_ =	swait.ge @!p0 [sflag:s8], $0x0  }
0x24: {  	s3 =	sadd.s32 $0x88, s3;
	s6 =	simm.s32 @!p1 $0x1082;
	[sflag:s4] =	ssyncset.s32 $0xFFFFF086  }
0x25: {  	[simem:s6], [sflag:s4] =	dma.local [hbm:s3], $0xF7A  }
0x26: {  	[smem:$0x3F9E] =	sst s1;
	(tag) =	ssettag s2;
	_ =	strace s9  }
0x27: {  	s1 =	sld [smem:$0x3FAE]  }
0x28: {  	s2 =	sld [smem:$0x3FAF]  }
0x29: {  	s4 =	sld [smem:$0x3FB1]  }
0x2a: {  	p0 =	seq.s32 s5, $0x0;
	s5 =	sld [smem:$0x3FB2]  }
0x2b: {  	s6 =	sld [smem:$0x3FB3]  }
0x2c: {  	s7 =	sld [smem:$0x3FB4]  }
0x2d: {  	s3 =	simm.s32 $0x108;
	s8 =	sld [smem:$0x3FB5]  }
0x2e: {  	s3 =	simm.s32 @!p0 $0x1082;
	s9 =	sld [smem:$0x3FB6]  }
0x2f: {  	lr =	sadd.s32 s0, s3;
	s0 =	sld [smem:$0x3FAD]  }
0x30: {  	s3 =	sld [smem:$0x3FB0]  }
0x31: {  	[smem:$0x3FB9] =	sst s10  }
0x32: {  	s10 =	sld [smem:$0x3FB7];
	_ =	sdelay $0x3  }
0x33: {  	p0 =	seq.s32 s10, $0x1;
	s10 =	sld [smem:$0x3FB9];
	_ =	sdelay $0x3  }
0x34: {  	[smem:$0x3FB9] =	sst s10  }
0x35: {  	s10 =	sld [smem:$0x3FB8];
	_ =	sdelay $0x3  }
0x36: {  	p1 =	seq.s32 s10, $0x1;
	s10 =	sld [smem:$0x3FB9];
	_ =	sdelay $0x3  }
0x37: {  	[smem:$0x3FB9] =	sst s10  }
0x38: {  	s10 =	sld [smem:$0x3FBA]  }
0x39: {  	_ = 	snop;
	(pc) =	sbr.ind lr, $3  }
0x3a: {  	_ = 	snop  }
0x3b: {  	_ = 	snop  }
0x3c: {  	p2 =	seq.s32 s10, $0x1;
	s10 =	sld [smem:$0x3FB9]  }
0x3d: {  	_ =	shalt  }
0x3e: {  	_ =	shalt  }
0x3f: {  	_ =	shalt  }
0x40: {  	_ =	shalt  }
0x41: {  	_ =	shalt  }
0x42: {  	_ =	shalt  }
0x43: {  	_ =	shalt  }
0x44: {  	_ =	shalt  }
0x45: {  	_ =	shalt  }
0x46: {  	_ =	shalt  }
0x47: {  	_ =	shalt  }
0x48: {  	_ =	shalt  }
0x49: {  	_ =	shalt  }
0x4a: {  	_ =	shalt  }
0x4b: {  	_ =	shalt  }
0x4c: {  	_ =	shalt  }
0x4d: {  	_ =	shalt  }
0x4e: {  	_ =	shalt  }
0x4f: {  	_ =	shalt  }
0x50: {  	_ =	shalt  }
0x51: {  	_ =	shalt  }
0x52: {  	_ =	shalt  }
0x53: {  	_ =	shalt  }
0x54: {  	_ =	shalt  }
0x55: {  	_ =	shalt  }
0x56: {  	_ =	shalt  }
0x57: {  	_ =	shalt  }
0x58: {  	_ =	shalt  }
0x59: {  	_ =	shalt  }
0x5a: {  	_ =	shalt  }
0x5b: {  	_ =	shalt  }
0x5c: {  	_ =	shalt  }
0x5d: {  	_ =	shalt  }
0x5e: {  	_ =	shalt  }
0x5f: {  	_ =	shalt  }
0x60: {  	_ =	shalt  }
0x61: {  	_ =	shalt  }
0x62: {  	_ =	shalt  }
0x63: {  	_ =	shalt  }
0x64: {  	_ =	shalt  }
0x65: {  	_ =	shalt  }
0x66: {  	_ =	shalt  }
0x67: {  	_ =	shalt  }
0x68: {  	_ =	shalt  }
0x69: {  	_ =	shalt  }
0x6a: {  	_ =	shalt  }
0x6b: {  	_ =	shalt  }
0x6c: {  	_ =	shalt  }
0x6d: {  	_ =	shalt  }
0x6e: {  	_ =	shalt  }
0x6f: {  	_ =	shalt  }
0x70: {  	_ =	shalt  }
0x71: {  	_ =	shalt  }
0x72: {  	_ =	shalt  }
0x73: {  	_ =	shalt  }
0x74: {  	_ =	shalt  }
0x75: {  	_ =	shalt  }
0x76: {  	_ =	shalt  }
0x77: {  	_ =	shalt  }
0x78: {  	_ =	shalt  }
0x79: {  	_ =	shalt  }
0x7a: {  	_ =	shalt  }
0x7b: {  	_ =	shalt  }
0x7c: {  	_ =	shalt  }
0x7d: {  	_ =	shalt  }
0x7e: {  	_ =	shalt  }
0x7f: {  	_ =	shalt  }
0x80: {  	_ =	shalt  }
0x81: {  	_ =	shalt  }
0x82: {  	_ =	shalt  }
0x83: {  	_ =	shalt  }
0x84: {  	_ =	shalt  }
0x85: {  	_ =	shalt  }
0x86: {  	_ =	shalt  }
0x87: {  	_ =	shalt  }
.Lfunc_end0:
.L_simem_size_0:
called_computation_lowered:
.L_overlay_start_0:
0x88: {  	s2 =	sld [smem:$0x3FD9]  }
0x89: {  	s3 =	sld [smem:$0x3FFE];
	_ =	sdelay $0x1  }
0x8a: {  	s1 =	srdreg.scid  }
0x8b: {  	s0 =	sand.u32 $0x1, s1  }
0x8c: {  	s17 =	sshll.u32 s0, $0xA;
	s2 =	sadd.s32 s3, s2  }
0x8d: {  	s2 =	sadd.s32 s2, s17  }
0x8e: {  	[smem:$0x3FC5] =	sst s2  }
0x8f: {  	_ = 	snop  }
0x90: {  	s2 =	sld [smem:$0x3FD0];
	(tm) =	ssettm $0x1  }
0x91: {  	s18 =	sld [smem:$0x3FFB];
	_ =	sdelay $0x3  }
0x92: {  	_ =	strace s18  }
0x93: {  	s3 =	sld [smem:$0x3FFC];
	_ =	sdelay $0x3  }
0x94: {  	_ =	strace s3  }
0x95: {  	s3 =	sld [smem:$0x3FFD];
	_ =	sdelay $0x3  }
0x96: {  	_ =	strace s3  }
0x97: {  	_ =	strace $0x8FFFFFFF  }
0x98: {  	s19 =	sld [smem:$0x3FDB];
	_ =	sdelay $0x1  }
0x99: {  	s4 =	simm.s32 $_scs_section_size  }
0x9a: {  	s5 =	simm.s32 $_size__tile_overlayer_lowered;
	s6 =	simm.s32 $_tile_overlayer_lowered  }
0x9b: {  	s22 =	simm.s32 $0x1BFF;
	s21 =	sshll.u32 s6, $0x1;
	s3 =	sadd.s32 s4, s19  }
0x9c: {  	s7 =	simm.s32 $0x0;
	s20 =	sshll.u32 s5, $0x1;
	s5 =	sadd.s32 s21, s3  }
0x9d: {  	[timem:s7], [sflag:s22] =	dma.local [hbm:s5], s20  }
0x9e: {  	_ =	swait.ge [sflag:s22], s20  }
0x9f: {  	s4 =	ssub.s32 $0x0, s20;
	[sflag:s22] =	ssyncset.done $0x0  }
0xa0: {  	[sflag:s22] =	ssyncadd.s32 s4;
	_ =	sdelay $0x1  }
0xa1: {  	s23 =	simm.s32 $0x1B8B  }
0xa2: {  	_ =	swait.ge [sflag:s23], $0x1  }
0xa3: {  	[sflag:s23] =	ssyncset.done $0x0  }
0xa4: {  	s25 =	simm.s32 $0x1B8E;
	s24 =	sld [smem:$0x3FFE];
	[sflag:s23] =	ssyncadd.s32 $0xFFFFFFFF  }
0xa5: {  	s26 =	simm.s32 $execute0_lowered;
	[smem:$0x3FD2] =	sst s25  }
0xa6: {  	s5 =	sshll.u32 s26, $0x1;
	_ =	strace $0x80000046;
	[dreg:$0x1] =	wrdreg $0xFFFFFFFF  }
0xa7: {  	s28 =	simm.s32 $_size_execute0_lowered;
	s3 =	sadd.s32 s3, s5;
	[dreg:$0x0] =	wrdreg $0x0  }
0xa8: {  	s5 =	sshll.u32 s28, $0x1;
	[dreg:$0x2] =	wrdreg s3  }
0xa9: {  	[dreg:$0x3] =	wrdreg s5  }
0xaa: {  	[dreg:$0x4] =	wrdreg $0xC0  }
0xab: {  	_ =	task [dreg:s7], $0x5FFFF  }
0xac: {  	[dreg:$0x1] =	wrdreg $0xFFFFFFFF  }
0xad: {  	[dreg:$0x0] =	wrdreg $0x60  }
0xae: {  	[dreg:$0x2] =	wrdreg s24  }
0xaf: {  	[dreg:$0x3] =	wrdreg s2  }
0xb0: {  	[dreg:$0x4] =	wrdreg $0x9  }
0xb1: {  	_ =	task.clear_ibuf [dreg:s7], $0x5FFFF;
	_ =	strace $0x90000046  }
0xb2: {  	s29 =	simm.s32 $0x9;
	_ =	strace $0x80000048  }
0xb3: {  	_ =	swait.ge [sflag:s29], $0x1  }
0xb4: {  	[sflag:s29] =	ssyncadd.s32 $0xFFFFFFFF  }
0xb5: {  	_ =	strace $0x90000048  }
0xb6: {  	_ =	sfence  }
0xb7: {  	s30 =	sld [smem:$0x0];
	_ =	sdelay $0x2  }
0xb8: {  	s31 =	sshll.u32 s1, $0xD;
	s1 =	sshrl.u32 s1, $0x2  }
0xb9: {  	s3 =	sand.u32 $0x4000, s31;
	s1 =	sadd.s32 s1, s30  }
0xba: {  	s0 =	sor.u32 s3, s0;
	s1 =	sshll.u32 s1, $0x11  }
0xbb: {  	s0 =	sor.u32 s1, s0  }
0xbc: {  	s0 =	sadd.s32 $0x8F2B, s0  }
0xbd: {  	[sflag:s0] =	ssyncadd.remote.s32 $0x1  }
0xbe: {  	_ =	sfence.sel $0xFFFF  }
0xbf: {  	[dreg:$0x0] =	wrdreg $0xFFFFFFFF;
	(pc) =	sbr.abs _section_cstart, $3  }
0xc0: {  	[dreg:$0x1] =	wrdreg $0xFFFFFFFF  }
0xc1: {  	_ =	task.clear_ibuf [dreg:s7], $0x2FFFF;
	_ =	strace $0x9FFFFFFF  }
0xc2: {  	(tm) =	ssettm $0x7FFFFFFF  }
0xc3: {  	_ =	shalt  }
tec
execute0_lowered:
.L_overlay_start_1:
0x0: {  	(tag) =	ssettag $0x1  }
0x1: {  	s0 =	rddreg [dreg:$0x0]  }
0x2: {  	s2 =	rddreg [dreg:$0x1];
	s3 =	simm.s32 $0x0;
	s1 =	srdreg.scid  }
0x3: {  	s4 =	stileid.u32;
	s16 =	simm.s32 $0x5;
	s22 =	simm.s32 $0x160  }
0x4: {  	s28 =	simm.s32 $0x18680;
	s29 =	simm.s32 $0x1;
	s30 =	simm.s32 $0x1DE80  }
0x5: {  	s31 =	simm.s32 $0x2;
	s18 =	simm.s32 $0x4;
	s19 =	simm.s32 $0x0  }
0x6: {  	[smem:$0x7FF] =	sst s3;
	s1 =	sand.u32 $0x1, s1;
	s4 =	sshll.u32 s4, $0x1  }
0x7: {  	s5 =	sadd.s32 $0x24C200, s0;
	_ =	strace $0x80000047;
	s4 =	sor.u32 s1, s4  }
0x8: {  	s1 =	ssub.s32 $0x2, s1;
	s7 =	smul.u32 $0x3C80, s4;
	s6 =	ssub.s32 $0x40, s4  }
0x9: {  	s8 =	sshrl.u32 s1, $0x1;
	s9 =	ssub.s32 $0x20, s4;
	s10 =	smul.u32 $0xFFFFFEA0, s6  }
0xa: {  	s6 =	sadd.s32 $0x188C00, s0;
	s0 =	sadd.s32 $0x2200, s0;
	s1 =	ssub.s32 s1, s8  }
0xb: {  	s12 =	smul.u32 $0xFFFFFEA0, s9;
	s7 =	sshrl.u32 s7, $0x3;
	s15 =	smax.u32 s1, $0x1  }
0xc: {  	s1 =	simm.s32 $0x3;
	s23 =	sadd.s32 $0x7A120, s10;
	s7 =	sadd.s32 s0, s7  }
0xd: {  	s10 =	sadd.s32 $0xF4240, s10;
	s26 =	sadd.s32 $0x7A120, s12;
	s12 =	sadd.s32 $0xF4240, s12  }
.Ltmp0:
0xe: {  	v0 =	vlaneseq.u32;
	s11 =	sshrl.u32 s23, $0x3;
	s24 =	sadd.s32 $0xF424, s7;
	(pc) =	sbr.rel .LBB2_1-.Ltmp0, $4  }
0xf: {  	v0 =	vand.u32 $0x7, v0;
	s25 =	sshrl.u32 s10, $0x3;
	s13 =	sshrl.u32 s26, $0x3;
	s14 =	sshrl.u32 s12, $0x3  }
0x10: {  	v0 =	vmul.u32 $0x2, v0;
	s10 =	smul.u32 $0x2C, s4;
	[dreg:$0x3] =	wrdreg s24;
	s9 =	sadd.s32 s0, s11  }
0x11: {  	s11 =	sadd.s32 s0, s25;
	s12 =	sadd.s32 s0, s13;
	s13 =	sadd.s32 s0, s14  }
0x12: {  	vm0 =	vmmov $0xff;
	v1 =	vor.u32 $0x1, v0;
	s25 =	simm.s32 $0xD680;
	s0 =	simm.s32 $0x1DFE0;
	s14 =	sor.u32 $0x1, s10  }
.LBB2_8:
0x13: {  	s19 =	sadd.s32 $0x1, s19  }
0x14: {  	_ =	swait.ge [sflag:s1], $0x160;
	p0 =	sne.s32 s19, s15  }
.Ltmp1:
0x15: {  	[sflag:s1] =	ssyncset.done $0x0;
	(pc) =	sbr.rel @!p0 .LBB2_9-.Ltmp1, $4  }
0x16: {  	[sflag:s1] =	ssyncadd.s32 $0xFFFFFEA0  }
0x17: {  	_ =	swait.ge [sflag:s18], $0x160  }
0x18: {  	[sflag:s18] =	ssyncset.done $0x0  }
0x19: {  	[sflag:s18] =	ssyncadd.s32 $0xFFFFFEA0  }
.LBB2_1:
0x1a: {  	[tilespmem:s3], [sflag:$0x5] =	stream.linear.gather [hbm4b:s7+s3], $0x3C80, $0x38;
	[tilespmem:$0x1E140] =	vst v63  }
0x1b: {  	_ =	swait.ge [sflag:s16], $0x3C80  }
0x1c: {  	[sflag:s16] =	ssyncset.done $0x0  }
0x1d: {  	s17 =	simm.s32 $0x3F40;
	s8 =	rddreg [dreg:$0x3];
	[sflag:s16] =	ssyncadd.s32 $0xFFFFC380  }
0x1e: {  	[tilespmem:s17], [sflag:$0x5] =	stream.linear.gather [hbm4b:s8+s3], $0x3C80, $0x38;
	[tilespmem:$0x1E140] =	vst v63  }
0x1f: {  	_ =	swait.ge [sflag:s16], $0x3C80  }
0x20: {  	[sflag:s16] =	ssyncset.done $0x0  }
0x21: {  	s24 =	simm.s32 $0x3C80;
	[sflag:s16] =	ssyncadd.s32 $0xFFFFC380  }
0x22: {  	[tilespmem:s24], [sflag:$0x5] =	stream.linear.gather [hbm4b:s9+s3], $0x160, $0x38;
	[tilespmem:$0x1E140] =	vst v63  }
0x23: {  	_ =	swait.ge [sflag:s16], $0x160  }
0x24: {  	[sflag:s16] =	ssyncset.done $0x0  }
0x25: {  	s26 =	simm.s32 $0x7BC0;
	[sflag:s16] =	ssyncadd.s32 $0xFFFFFEA0  }
0x26: {  	[tilespmem:s26], [sflag:$0x5] =	stream.linear.gather [hbm4b:s11+s3], $0x160, $0x38;
	[tilespmem:$0x1E140] =	vst v63  }
0x27: {  	_ =	swait.ge [sflag:s16], $0x160  }
0x28: {  	[sflag:s16] =	ssyncset.done $0x0  }
0x29: {  	s20 =	simm.s32 $0x3DE0;
	[sflag:s16] =	ssyncadd.s32 $0xFFFFFEA0  }
0x2a: {  	[tilespmem:s20], [sflag:$0x5] =	stream.linear.gather [hbm4b:s12+s3], $0x160, $0x38;
	[tilespmem:$0x1E140] =	vst v63  }
0x2b: {  	_ =	swait.ge [sflag:s16], $0x160  }
0x2c: {  	[sflag:s16] =	ssyncset.done $0x0  }
0x2d: {  	s21 =	simm.s32 $0x7D20;
	[sflag:s16] =	ssyncadd.s32 $0xFFFFFEA0  }
0x2e: {  	[tilespmem:s21], [sflag:$0x5] =	stream.linear.gather [hbm4b:s13+s3], $0x160, $0x38;
	[tilespmem:$0x1E140] =	vst v63  }
0x2f: {  	_ =	swait.ge [sflag:s16], $0x160  }
0x30: {  	[sflag:s16] =	ssyncset.done $0x0  }
0x31: {  	s23 =	simm.s32 $0x7E80;
	[sflag:s16] =	ssyncadd.s32 $0xFFFFFEA0  }
0x32: {  	[tilespmem:s23], [sflag:$0x1] =	stream.indirect.gather [hbm4b:s5+s22], $0x40, s3, s22, $0xb8;
	[tilespmem:$0x1E140] =	vst v63  }
0x33: {  	s24 =	simm.s32 $0x12E80  }
0x34: {  	[tilespmem:s24], [sflag:$0x1] =	stream.indirect.gather [hbm4b:s6+s22], $0x40, s17, s22, $0xb8;
	[tilespmem:$0x1E140] =	vst v63  }
0x35: {  	_ = 	snop  }
0x36: {  	[tilespmem:s25], [sflag:$0x2] =	stream.indirect.gather [hbm4b:s5+s22], $0x40, s22, s22, $0xb8;
	[tilespmem:$0x1E140] =	vst v63  }
0x37: {  	s26 =	simm.s32 $0x40A0;
	s20 =	simm.s32 $0x0  }
0x38: {  	[tilespmem:s28], [sflag:$0x2] =	stream.indirect.gather [hbm4b:s6+s22], $0x40, s26, s22, $0xb8;
	[tilespmem:$0x1E140] =	vst v63  }
.LBB2_2:
0x39: {  	_ =	swait.ge [sflag:s29], $0x5800  }
0x3a: {  	[sflag:s29] =	ssyncset.done $0x0  }
0x3b: {  	[sflag:s29] =	ssyncadd.s32 $0xFFFFA800  }
0x3c: {  	_ =	swait.ge [sflag:s29], $0x5800  }
0x3d: {  	p0 =	seq.s32 s20, $0x0;
	[sflag:s29] =	ssyncset.done $0x0  }
0x3e: {  	s17 =	simm.s32 @!p0 $0x3;
	[sflag:s29] =	ssyncadd.s32 $0xFFFFA800  }
0x3f: {  	_ =	swait.ge @!p0 [sflag:s17], $0x160  }
0x40: {  	[sflag:s17] =	ssyncset.done @!p0 $0x0  }
0x41: {  	s26 =	simm.s32 $0x3F0;
	[sflag:s17] =	ssyncadd.s32 @!p0 $0xFFFFFEA0  }
0x42: {  	v27 =	vld [tilespmem:s26+$0x7CC0]  }
0x43: {  	v25 =	vld [tilespmem:s26+$0x12CC0]  }
0x44: {  	v32 =	vld [tilespmem:s26+$0x7D00]  }
0x45: {  	v18 =	vld [tilespmem:s26+$0x12D00]  }
0x46: {  	v19 =	vld [tilespmem:s26+$0x7D40]  }
0x47: {  	v20 =	vld [tilespmem:s26+$0x12D40]  }
0x48: {  	v21 =	vld [tilespmem:s26+$0x7D80]  }
0x49: {  	v22 =	vld [tilespmem:s26+$0x12D80]  }
0x4a: {  	v23 =	vld [tilespmem:s26+$0x7DC0]  }
0x4b: {  	v24 =	vld [tilespmem:s26+$0x12DC0]  }
0x4c: {  	v26 =	vld [tilespmem:s26+$0x7E00]  }
0x4d: {  	v28 =	vld [tilespmem:s26+$0x12E00]  }
0x4e: {  	v2 =	vld [tilespmem:s26+$0x7E40]  }
0x4f: {  	v31 =	vld [tilespmem:s26+$0x12E40]  }
0x50: {  	v30 =	vld [tilespmem:s26+$0x7CB0]  }
0x51: {  	v33 =	vld [tilespmem:s26+$0x12CB0]  }
0x52: {  	v34 =	vld [tilespmem:s26+$0x7CF0]  }
0x53: {  	v35 =	vld [tilespmem:s26+$0x12CF0]  }
0x54: {  	v36 =	vld [tilespmem:s26+$0x7D30]  }
0x55: {  	v37 =	vld [tilespmem:s26+$0x12D30]  }
0x56: {  	v38 =	vld [tilespmem:s26+$0x7D70]  }
0x57: {  	v39 =	vld [tilespmem:s26+$0x12D70]  }
0x58: {  	v40 =	vld [tilespmem:s26+$0x7DB0]  }
0x59: {  	v41 =	vld [tilespmem:s26+$0x12DB0]  }
0x5a: {  	v42 =	vld [tilespmem:s26+$0x7DF0]  }
0x5b: {  	v43 =	vld [tilespmem:s26+$0x12DF0]  }
0x5c: {  	v44 =	vld [tilespmem:s26+$0x7E30]  }
0x5d: {  	v45 =	vld [tilespmem:s26+$0x12E30]  }
0x5e: {  	v46 =	vld [tilespmem:s26+$0x7E70]  }
0x5f: {  	v47 =	vld [tilespmem:s26+$0x12E70]  }
0x60: {  	v48 =	vld [tilespmem:s26+$0x7C90]  }
0x61: {  	v49 =	vld [tilespmem:s26+$0x12C90]  }
0x62: {  	v50 =	vld [tilespmem:s26+$0x7CA0]  }
0x63: {  	v51 =	vld [tilespmem:s26+$0x12CA0]  }
0x64: {  	v52 =	vld [tilespmem:s26+$0x7CD0]  }
0x65: {  	v53 =	vld [tilespmem:s26+$0x12CD0]  }
0x66: {  	v54 =	vld [tilespmem:s26+$0x7CE0]  }
0x67: {  	v55 =	vld [tilespmem:s26+$0x12CE0]  }
0x68: {  	v56 =	vld [tilespmem:s26+$0x7D10]  }
0x69: {  	v57 =	vld [tilespmem:s26+$0x12D10]  }
0x6a: {  	v58 =	vld [tilespmem:s26+$0x7D20]  }
0x6b: {  	v59 =	vld [tilespmem:s26+$0x12D20]  }
0x6c: {  	v60 =	vld [tilespmem:s26+$0x7D50]  }
0x6d: {  	v61 =	vld [tilespmem:s26+$0x12D50]  }
0x6e: {  	v62 =	vld [tilespmem:s26+$0x7D60]  }
0x6f: {  	v63 =	vld [tilespmem:s26+$0x12D60]  }
0x70: {  	v14 =	vld [tilespmem:s26+$0x7D90]  }
0x71: {  	v17 =	vld [tilespmem:s26+$0x12D90]  }
0x72: {  	v11 =	vld [tilespmem:s26+$0x7DA0]  }
0x73: {  	v9 =	vld [tilespmem:s26+$0x12DA0]  }
0x74: {  	v13 =	vld [tilespmem:s26+$0x7DD0]  }
0x75: {  	v7 =	vld [tilespmem:s26+$0x12DD0]  }
0x76: {  	v8 =	vld [tilespmem:s26+$0x7DE0]  }
0x77: {  	v5 =	vld [tilespmem:s26+$0x12DE0]  }
0x78: {  	v6 =	vld [tilespmem:s26+$0x7E10]  }
0x79: {  	v3 =	vld [tilespmem:s26+$0x12E10]  }
0x7a: {  	v4 =	vld [tilespmem:s26+$0x7E20]  }
0x7b: {  	v12 =	vld [tilespmem:s26+$0x7E50]  }
0x7c: {  	v29 =	vld [tilespmem:s26+$0x12C80]  }
0x7d: {  	v10 =	vld [tilespmem:s26+$0x12E50]  }
0x7e: {  	v16 =	vld [tilespmem:s26+$0x7E60]  }
0x7f: {  	v15 =	vld [tilespmem:s26+$0x12E60]  }
0x80: {  	[tilespmem:$0x1FDD0] =	vst v2;
	v2 =	vld [tilespmem:s26+$0x7E80]  }
0x81: {  	[tilespmem:$0x1FE00] =	vst v29;
	v29 =	vld [tilespmem:s26+$0x7C80]  }
0x82: {  	v27 =	vmul.f32 v25, v27;
	v25 =	vld [tilespmem:s26+$0x12AC0];
	v18 =	vmul.f32 v18, v32  }
0x83: {  	v19 =	vmul.f32 v20, v19;
	v20 =	vmul.f32 v22, v21;
	v32 =	vld [tilespmem:s26+$0x12C70]  }
0x84: {  	v21 =	vmul.f32 v24, v23;
	v22 =	vmul.f32 v28, v26;
	v23 =	vld [tilespmem:s26+$0x7C70]  }
0x85: {  	v28 =	vmul.f32 v35, v34;
	v35 =	vmul.f32 v37, v36;
	v36 =	vld [tilespmem:s26+$0x12C30]  }
0x86: {  	v26 =	vmul.f32 v49, v48;
	v48 =	vld [tilespmem:s26+$0x7C30]  }
0x87: {  	v34 =	vld [tilespmem:s26+$0x12BF0]  }
0x88: {  	v24 =	vld [tilespmem:s26+$0x7BF0]  }
0x89: {  	[tilespmem:$0x1FE10] =	vst v29;
	v29 =	vld [tilespmem:s26+$0x12C40]  }
0x8a: {  	v33 =	vmul.f32 v33, v30;
	v30 =	vld [tilespmem:s26+$0x12BB0]  }
0x8b: {  	v9 =	vmul.f32 v9, v11;
	v11 =	vld [tilespmem:s26+$0x7BB0]  }
0x8c: {  	v8 =	vmul.f32 v5, v8;
	v5 =	vld [tilespmem:s26+$0x12B80]  }
0x8d: {  	v14 =	vmul.f32 v17, v14;
	v17 =	vld [tilespmem:s26+$0x12B70]  }
0x8e: {  	[tilespmem:$0x1FE40] =	vst v29;
	v29 =	vld [tilespmem:s26+$0x7C40]  }
0x8f: {  	v7 =	vmul.f32 v7, v13;
	v13 =	vmul.f32 v3, v6;
	v3 =	vld [tilespmem:s26+$0x12B30]  }
0x90: {  	v6 =	vld [tilespmem:s26+$0x12AF0]  }
0x91: {  	v49 =	vmul.f32 v53, v52;
	v53 =	vld [tilespmem:s26+$0x12C60]  }
0x92: {  	v37 =	vmul.f32 v51, v50;
	v50 =	vmul.f32 v55, v54;
	v54 =	vld [tilespmem:s26+$0x12C20]  }
0x93: {  	[tilespmem:$0x1FE50] =	vst v29;
	v29 =	vld [tilespmem:s26+$0x12C00]  }
0x94: {  	v55 =	vld [tilespmem:s26+$0x7C20]  }
0x95: {  	v57 =	vmul.f32 v57, v56;
	v56 =	vld [tilespmem:s26+$0x12C10]  }
0x96: {  	v51 =	vmul.f32 v43, v42;
	v43 =	vld [tilespmem:s26+$0x7BE0]  }
0x97: {  	v52 =	vmul.f32 v45, v44;
	v44 =	vld [tilespmem:s26+$0x7B60]  }
0x98: {  	v59 =	vmul.f32 v59, v58;
	[tilespmem:$0x1FE20] =	vst v29;
	v29 =	vld [tilespmem:s26+$0x7C00]  }
0x99: {  	v60 =	vmul.f32 v61, v60;
	v37 =	vadd.f32 v37, v26;
	v26 =	vld [tilespmem:s26+$0x7AF0]  }
0x9a: {  	v61 =	vmul.f32 v63, v62;
	v10 =	vmul.f32 v10, v12;
	v12 =	vadd.f32 v59, v57;
	v57 =	vld [tilespmem:s26+$0x7C10]  }
0x9b: {  	v7 =	vadd.f32 v8, v7;
	v8 =	vmul.f32 v41, v40;
	v41 =	vld [tilespmem:s26+$0x12BE0]  }
0x9c: {  	v15 =	vmul.f32 v15, v16;
	v49 =	vadd.f32 v50, v49;
	v63 =	vadd.f32 v61, v60;
	v61 =	vld [tilespmem:$0x1FE00]  }
0x9d: {  	[tilespmem:$0x1FE30] =	vst v29;
	v29 =	vld [tilespmem:s26+$0x12BC0]  }
0x9e: {  	v16 =	vmul.f32 v39, v38;
	v10 =	vadd.f32 v15, v10;
	v15 =	vadd.f32 v28, v49;
	v28 =	vld [tilespmem:s26+$0x12AB0]  }
0x9f: {  	v9 =	vadd.f32 v9, v14;
	v14 =	vadd.f32 v33, v37;
	v37 =	vld [tilespmem:s26+$0x7AB0]  }
0xa0: {  	v16 =	vadd.f32 v16, v63;
	v63 =	vld [tilespmem:s26+$0x7B20]  }
0xa1: {  	[tilespmem:$0x1FDE0] =	vst v2;
	v2 =	vld [tilespmem:s26+$0x12E80]  }
0xa2: {  	[tilespmem:$0x1FE80] =	vst v29;
	v29 =	vld [tilespmem:s26+$0x7BC0]  }
0xa3: {  	[tilespmem:$0x1FEA0] =	vst v25;
	v25 =	vld [tilespmem:s26+$0x7AC0]  }
0xa4: {  	v8 =	vadd.f32 v8, v9;
	v9 =	vmul.f32 v47, v46;
	v11 =	vmul.f32 v30, v11;
	v30 =	vld [tilespmem:s26+$0x7AE0]  }
0xa5: {  	v14 =	vadd.f32 v27, v14;
	v27 =	vld [tilespmem:$0x1FDD0]  }
0xa6: {  	v12 =	vadd.f32 v35, v12;
	v9 =	vadd.f32 v9, v10;
	v10 =	vld [tilespmem:$0x1FDE0]  }
0xa7: {  	v15 =	vadd.f32 v18, v15;
	[tilespmem:$0x1FE90] =	vst v29;
	v29 =	vld [tilespmem:s26+$0x7B80]  }
0xa8: {  	v12 =	vadd.f32 v19, v12;
	v59 =	vmul.f32 v56, v57;
	v56 =	vld [tilespmem:s26+$0x7B10]  }
0xa9: {  	v16 =	vadd.f32 v20, v16;
	v57 =	vld [tilespmem:s26+$0x12AE0];
	v20 =	vperm.xlane v15, v0;
	v15 =	vperm.xlane v15, v1  }
0xaa: {  	v7 =	vadd.f32 v51, v7;
	v8 =	vadd.f32 v21, v8;
	[tilespmem:$0x1FDF0] =	vst v2;
	v2 =	vld [tilespmem:s26+$0x12E20]  }
0xab: {  	v21 =	vperm.xlane v12, v0;
	v12 =	vperm.xlane v12, v1;
	v15 =	vadd.f32 v15, v20;
	v20 =	vld [tilespmem:s26+$0x12BD0]  }
0xac: {  	v7 =	vadd.f32 v22, v7;
	v22 =	vperm.xlane v16, v0;
	v16 =	vperm.xlane v16, v1;
	[tilespmem:$0x1FED0] =	vst v29;
	v29 =	vld [tilespmem:s26+$0x12B40]  }
0xad: {  	v12 =	vadd.f32 v12, v21;
	v21 =	vld [tilespmem:s26+$0x7BD0]  }
0xae: {  	v16 =	vadd.f32 v16, v22;
	v22 =	vld [tilespmem:s26+$0x7B90]  }
0xaf: {  	v19 =	vperm.xlane v14, v0;
	v14 =	vperm.xlane v14, v1;
	v18 =	vld [tilespmem:$0x1FDF0]  }
0xb0: {  	v27 =	vmul.f32 v31, v27;
	v31 =	vld [tilespmem:s26+$0x7C50]  }
0xb1: {  	v14 =	vadd.f32 v14, v19;
	[tilespmem:$0x1FE60] =	vst v29;
	v29 =	vld [tilespmem:s26+$0x7B40]  }
0xb2: {  	v47 =	vld [tilespmem:$0x1FE40]  }
0xb3: {  	v14 =	vsel vm0, v14, v15;
	v15 =	vld [tilespmem:s26+$0x7BA0]  }
0xb4: {  	v62 =	vmul.f32 v2, v4;
	v2 =	vld [tilespmem:s26+$0x7B70]  }
0xb5: {  	v12 =	vsel vm0, v12, v16;
	v16 =	vperm.xlane v14, v0;
	v14 =	vperm.xlane v14, v1;
	v4 =	vld [tilespmem:s26+$0x7B30]  }
0xb6: {  	[tilespmem:$0x1FE70] =	vst v29;
	v29 =	vld [tilespmem:s26+$0x12B00]  }
0xb7: {  	v14 =	vadd.f32 v14, v16;
	v16 =	vld [tilespmem:s26+$0x7B50];
	v10 =	vmul.f32 v18, v10  }
0xb8: {  	v18 =	vld [tilespmem:s26+$0x12C50];
	v13 =	vadd.f32 v62, v13  }
0xb9: {  	v60 =	vmul.f32 v36, v48;
	v48 =	vld [tilespmem:$0x1FE50];
	v9 =	vadd.f32 v10, v9  }
0xba: {  	v62 =	vld [tilespmem:$0x1FE10];
	v10 =	vperm.xlane v7, v0;
	v7 =	vperm.xlane v7, v1;
	v13 =	vadd.f32 v52, v13  }
0xbb: {  	v19 =	vperm.xlane v9, v0;
	v9 =	vperm.xlane v9, v1;
	[tilespmem:$0x1FEB0] =	vst v29;
	v29 =	vld [tilespmem:s26+$0x7B00]  }
0xbc: {  	v7 =	vadd.f32 v7, v10;
	v10 =	vld [tilespmem:s26+$0x12BA0];
	v13 =	vadd.f32 v27, v13;
	v27 =	vperm.xlane v8, v0  }
0xbd: {  	v8 =	vperm.xlane v8, v1;
	v18 =	vmul.f32 v18, v31;
	v31 =	vld [tilespmem:s26+$0x12B50]  }
0xbe: {  	v45 =	vld [tilespmem:$0x1FE20];
	v58 =	vperm.xlane v13, v0;
	v13 =	vperm.xlane v13, v1  }
0xbf: {  	v35 =	vmul.f32 v54, v55;
	v9 =	vadd.f32 v9, v19;
	v19 =	vld [tilespmem:s26+$0x12B90];
	v8 =	vadd.f32 v8, v27  }
0xc0: {  	v20 =	vmul.f32 v20, v21;
	v21 =	vmul.f32 v41, v43;
	v13 =	vadd.f32 v13, v58;
	[tilespmem:$0x1FEC0] =	vst v29;
	v29 =	vld [tilespmem:s26+$0x7C60]  }
0xc1: {  	v27 =	vld [tilespmem:s26+$0x12B60];
	v7 =	vsel vm0, v8, v7;
	v8 =	vperm.xlane v12, v0;
	v12 =	vperm.xlane v12, v1  }
0xc2: {  	v46 =	vld [tilespmem:$0x1FE30];
	v9 =	vsel vm0, v13, v9;
	v13 =	vperm.xlane v7, v0;
	v7 =	vperm.xlane v7, v1  }
0xc3: {  	v23 =	vmul.f32 v32, v23;
	v24 =	vmul.f32 v34, v24;
	v8 =	vadd.f32 v12, v8;
	v12 =	vld [tilespmem:s26+$0x12B20]  }
0xc4: {  	v6 =	vmul.f32 v6, v26;
	v20 =	vadd.f32 v21, v20;
	v7 =	vadd.f32 v7, v13;
	v13 =	vld [tilespmem:s26+$0x12AD0]  }
0xc5: {  	v3 =	vmul.f32 v3, v4;
	v51 =	vld [tilespmem:$0x1FE80];
	v29 =	vmul.f32 v53, v29  }
0xc6: {  	v2 =	vmul.f32 v17, v2;
	v17 =	vadd.f32 v24, v20;
	v19 =	vmul.f32 v19, v22;
	v22 =	vld [tilespmem:$0x1FED0]  }
0xc7: {  	v33 =	vmul.f32 v61, v62;
	v10 =	vmul.f32 v10, v15;
	v52 =	vld [tilespmem:$0x1FE90];
	v18 =	vadd.f32 v29, v18  }
0xc8: {  	v16 =	vmul.f32 v31, v16;
	v8 =	vsel vm0, v14, v8;
	v14 =	vld [tilespmem:s26+$0x12AA0];
	v29 =	vadd.f32 v35, v59  }
0xc9: {  	v20 =	vmul.f32 v27, v44;
	v4 =	vadd.f32 v10, v19;
	v10 =	vld [tilespmem:s26+$0x7A90];
	v18 =	vadd.f32 v23, v18  }
0xca: {  	v38 =	vmul.f32 v47, v48;
	v42 =	vperm.xlane v9, v0;
	v49 =	vld [tilespmem:$0x1FE60];
	v29 =	vadd.f32 v60, v29  }
0xcb: {  	v16 =	vadd.f32 v20, v16;
	v5 =	vmul.f32 v5, v22;
	v22 =	vld [tilespmem:s26+$0x12A90];
	v18 =	vadd.f32 v33, v18  }
0xcc: {  	v36 =	vmul.f32 v45, v46;
	v40 =	vmul.f32 v51, v52;
	v50 =	vld [tilespmem:$0x1FE70];
	v29 =	vadd.f32 v38, v29  }
0xcd: {  	v4 =	vadd.f32 v11, v4;
	v23 =	vld [tilespmem:s26+$0x12B10];
	v58 =	vperm.xlane v18, v0;
	v18 =	vperm.xlane v18, v1  }
0xce: {  	v2 =	vadd.f32 v2, v16;
	v59 =	vld [tilespmem:s26+$0x7AD0];
	v38 =	vperm.xlane v29, v0;
	v29 =	vperm.xlane v29, v1  }
0xcf: {  	v9 =	vperm.xlane v9, v1;
	v17 =	vadd.f32 v36, v17;
	v15 =	vadd.f32 v18, v58;
	v18 =	vld [tilespmem:s26+$0x7AA0]  }
0xd0: {  	v19 =	vmul.f32 v28, v37;
	v4 =	vadd.f32 v40, v4;
	v54 =	vld [tilespmem:$0x1FEB0];
	v21 =	vadd.f32 v29, v38  }
0xd1: {  	v12 =	vmul.f32 v12, v63;
	v16 =	vperm.xlane v17, v0;
	v2 =	vadd.f32 v5, v2;
	v55 =	vld [tilespmem:$0x1FEC0]  }
0xd2: {  	v5 =	vperm.xlane v4, v0;
	v53 =	vld [tilespmem:$0x1FEA0];
	v15 =	vsel vm0, v21, v15;
	v21 =	vmul.f32 v23, v56  }
0xd3: {  	v9 =	vadd.f32 v9, v42;
	v13 =	vmul.f32 v13, v59;
	v23 =	vmul.f32 v57, v30  }
0xd4: {  	v10 =	vmul.f32 v22, v10;
	v12 =	vadd.f32 v12, v21;
	v14 =	vmul.f32 v14, v18  }
0xd5: {  	v4 =	vperm.xlane v4, v1;
	v39 =	vmul.f32 v49, v50;
	v13 =	vadd.f32 v23, v13  }
0xd6: {  	v32 =	vmul.f32 v54, v55;
	v3 =	vadd.f32 v3, v12;
	v10 =	vadd.f32 v14, v10  }
0xd7: {  	v25 =	vmul.f32 v53, v25;
	v11 =	vperm.xlane v15, v0;
	v6 =	vadd.f32 v6, v13  }
0xd8: {  	v12 =	vperm.xlane v17, v1;
	v3 =	vadd.f32 v39, v3;
	v10 =	vadd.f32 v19, v10  }
0xd9: {  	v13 =	vperm.xlane v2, v0;
	v2 =	vperm.xlane v2, v1;
	v6 =	vadd.f32 v32, v6  }
0xda: {  	v14 =	vperm.xlane v3, v0;
	v3 =	vperm.xlane v3, v1;
	v10 =	vadd.f32 v25, v10  }
0xdb: {  	v4 =	vadd.f32 v4, v5;
	v17 =	vperm.xlane v6, v0;
	v6 =	vperm.xlane v6, v1  }
0xdc: {  	v12 =	vadd.f32 v12, v16;
	v16 =	vperm.xlane v10, v0;
	v10 =	vperm.xlane v10, v1  }
0xdd: {  	v5 =	vperm.xlane v15, v1;
	v2 =	vadd.f32 v2, v13;
	v3 =	vadd.f32 v3, v14  }
0xde: {  	v4 =	vsel vm0, v4, v12;
	v6 =	vadd.f32 v6, v17;
	v10 =	vadd.f32 v10, v16  }
0xdf: {  	v2 =	vsel vm0, v3, v2;
	v3 =	vperm.xlane v4, v0;
	v4 =	vperm.xlane v4, v1  }
0xe0: {  	v6 =	vsel vm0, v10, v6;
	v10 =	vperm.xlane v2, v0;
	v2 =	vperm.xlane v2, v1  }
0xe1: {  	v7 =	vsel vm0, v7, v9;
	v12 =	vperm.xlane v6, v0;
	v6 =	vperm.xlane v6, v1  }
0xe2: {  	v3 =	vadd.f32 v4, v3;
	v4 =	vadd.f32 v5, v11;
	v5 =	vperm.xlane v8, v0  }
0xe3: {  	v8 =	vperm.xlane v8, v1;
	v2 =	vadd.f32 v2, v10;
	v6 =	vadd.f32 v6, v12  }
0xe4: {  	v3 =	vsel vm0, v3, v4;
	v4 =	vperm.xlane v7, v0;
	v7 =	vperm.xlane v7, v1  }
0xe5: {  	v2 =	vsel vm0, v6, v2;
	v6 =	vperm.xlane v3, v0;
	v3 =	vperm.xlane v3, v1  }
0xe6: {  	v9 =	vperm.xlane v2, v0;
	v2 =	vperm.xlane v2, v1  }
0xe7: {  	v5 =	vadd.f32 v8, v5;
	v4 =	vadd.f32 v7, v4  }
0xe8: {  	v3 =	vadd.f32 v3, v6;
	v2 =	vadd.f32 v2, v9  }
0xe9: {  	v4 =	vsel vm0, v5, v4  }
0xea: {  	v2 =	vsel vm0, v2, v3;
	v3 =	vperm.xlane v4, v0;
	v4 =	vperm.xlane v4, v1  }
0xeb: {  	v5 =	vperm.xlane v2, v0;
	v2 =	vperm.xlane v2, v1;
	_ =	sdelay $0x1  }
0xec: {  	v3 =	vadd.f32 v4, v3;
	v2 =	vadd.f32 v2, v5;
	_ =	sdelay $0x1  }
0xed: {  	s24 =	simm.s32 $0x1DE80;
	v2 =	vsel vm0, v2, v3  }
0xee: {  	s23 =	simm.s32 $0x7F0;
	[tilespmem:s24+$0x0] =	vst v2  }
0xef: {  	v29 =	vld [tilespmem:s23+$0x7CC0]  }
0xf0: {  	v23 =	vld [tilespmem:s23+$0x12CC0]  }
0xf1: {  	v22 =	vld [tilespmem:s23+$0x7D00]  }
0xf2: {  	v21 =	vld [tilespmem:s23+$0x12D00]  }
0xf3: {  	v28 =	vld [tilespmem:s23+$0x7D40]  }
0xf4: {  	v20 =	vld [tilespmem:s23+$0x12D40]  }
0xf5: {  	v19 =	vld [tilespmem:s23+$0x7D80]  }
0xf6: {  	v24 =	vld [tilespmem:s23+$0x12D80]  }
0xf7: {  	v25 =	vld [tilespmem:s23+$0x7DC0]  }
0xf8: {  	v26 =	vld [tilespmem:s23+$0x12DC0]  }
0xf9: {  	v33 =	vld [tilespmem:s23+$0x7E00]  }
0xfa: {  	v34 =	vld [tilespmem:s23+$0x12E00]  }
0xfb: {  	v2 =	vld [tilespmem:s23+$0x7E40]  }
0xfc: {  	v31 =	vld [tilespmem:s23+$0x12E40]  }
0xfd: {  	v27 =	vld [tilespmem:s23+$0x7CB0]  }
0xfe: {  	v30 =	vld [tilespmem:s23+$0x12C80]  }
0xff: {  	v32 =	vld [tilespmem:s23+$0x12CB0]  }
0x100: {  	v35 =	vld [tilespmem:s23+$0x7CF0]  }
0x101: {  	v36 =	vld [tilespmem:s23+$0x12CF0]  }
0x102: {  	v37 =	vld [tilespmem:s23+$0x7D30]  }
0x103: {  	[tilespmem:$0x1FF10] =	vst v30;
	v30 =	vld [tilespmem:s23+$0x7C80]  }
0x104: {  	v38 =	vld [tilespmem:s23+$0x12D30]  }
0x105: {  	v39 =	vld [tilespmem:s23+$0x7D70]  }
0x106: {  	v40 =	vld [tilespmem:s23+$0x12D70]  }
0x107: {  	v41 =	vld [tilespmem:s23+$0x7DB0]  }
0x108: {  	[tilespmem:$0x1FF20] =	vst v30;
	v30 =	vld [tilespmem:s23+$0x12C40]  }
0x109: {  	v42 =	vld [tilespmem:s23+$0x12DB0]  }
0x10a: {  	v43 =	vld [tilespmem:s23+$0x7DF0]  }
0x10b: {  	v44 =	vld [tilespmem:s23+$0x12DF0]  }
0x10c: {  	v45 =	vld [tilespmem:s23+$0x7E30]  }
0x10d: {  	[tilespmem:$0x1FF50] =	vst v30;
	v30 =	vld [tilespmem:s23+$0x7C40]  }
0x10e: {  	v46 =	vld [tilespmem:s23+$0x12E30]  }
0x10f: {  	v47 =	vld [tilespmem:s23+$0x7E70]  }
0x110: {  	v48 =	vld [tilespmem:s23+$0x12E70]  }
0x111: {  	v49 =	vld [tilespmem:s23+$0x7C90]  }
0x112: {  	[tilespmem:$0x1FF60] =	vst v30;
	v30 =	vld [tilespmem:s23+$0x12C00]  }
0x113: {  	v50 =	vld [tilespmem:s23+$0x12C90]  }
0x114: {  	v51 =	vld [tilespmem:s23+$0x7CA0]  }
0x115: {  	v52 =	vld [tilespmem:s23+$0x12CA0]  }
0x116: {  	v53 =	vld [tilespmem:s23+$0x7CD0]  }
0x117: {  	[tilespmem:$0x1FF30] =	vst v30;
	v30 =	vld [tilespmem:s23+$0x7C00]  }
0x118: {  	v54 =	vld [tilespmem:s23+$0x12CD0]  }
0x119: {  	v55 =	vld [tilespmem:s23+$0x7CE0]  }
0x11a: {  	v56 =	vld [tilespmem:s23+$0x12CE0]  }
0x11b: {  	v57 =	vld [tilespmem:s23+$0x7D10]  }
0x11c: {  	[tilespmem:$0x1FF40] =	vst v30;
	v30 =	vld [tilespmem:s23+$0x12BC0]  }
0x11d: {  	v58 =	vld [tilespmem:s23+$0x12D10]  }
0x11e: {  	v59 =	vld [tilespmem:s23+$0x7D20]  }
0x11f: {  	v60 =	vld [tilespmem:s23+$0x12D20]  }
0x120: {  	v61 =	vld [tilespmem:s23+$0x7D50]  }
0x121: {  	[tilespmem:$0x1FF90] =	vst v30;
	v30 =	vld [tilespmem:s23+$0x7BC0]  }
0x122: {  	v62 =	vld [tilespmem:s23+$0x12D50]  }
0x123: {  	v63 =	vld [tilespmem:s23+$0x7D60]  }
0x124: {  	v13 =	vld [tilespmem:s23+$0x12D60]  }
0x125: {  	v16 =	vld [tilespmem:s23+$0x7D90]  }
0x126: {  	[tilespmem:$0x1FFA0] =	vst v30;
	v30 =	vld [tilespmem:s23+$0x7B80]  }
0x127: {  	v11 =	vld [tilespmem:s23+$0x12D90]  }
0x128: {  	v12 =	vld [tilespmem:s23+$0x7DA0]  }
0x129: {  	v9 =	vld [tilespmem:s23+$0x12DA0]  }
0x12a: {  	v15 =	vld [tilespmem:s23+$0x7DD0]  }
0x12b: {  	[tilespmem:$0x1FFF0] =	vst v30;
	v30 =	vld [tilespmem:s23+$0x12B40]  }
0x12c: {  	v7 =	vld [tilespmem:s23+$0x12DD0]  }
0x12d: {  	v8 =	vld [tilespmem:s23+$0x7DE0]  }
0x12e: {  	v5 =	vld [tilespmem:s23+$0x12DE0]  }
0x12f: {  	v6 =	vld [tilespmem:s23+$0x7E10]  }
0x130: {  	[tilespmem:$0x1FF70] =	vst v30;
	v30 =	vld [tilespmem:s23+$0x7B40]  }
0x131: {  	v3 =	vld [tilespmem:s23+$0x12E10]  }
0x132: {  	[tilespmem:$0x1FEE0] =	vst v2;
	v2 =	vld [tilespmem:s23+$0x7E80]  }
0x133: {  	v4 =	vld [tilespmem:s23+$0x7E20]  }
0x134: {  	v14 =	vld [tilespmem:s23+$0x7E50]  }
0x135: {  	[tilespmem:$0x1FF80] =	vst v30;
	v30 =	vld [tilespmem:s23+$0x12B00]  }
0x136: {  	v10 =	vld [tilespmem:s23+$0x12E50]  }
0x137: {  	v23 =	vmul.f32 v23, v29;
	v21 =	vmul.f32 v21, v22;
	[tilespmem:$0x1FEF0] =	vst v2;
	v2 =	vld [tilespmem:s23+$0x12E80]  }
0x138: {  	v18 =	vld [tilespmem:s23+$0x7E60];
	v20 =	vmul.f32 v20, v28;
	v19 =	vmul.f32 v24, v19  }
0x139: {  	v17 =	vld [tilespmem:s23+$0x12E60];
	v29 =	vmul.f32 v26, v25;
	v24 =	vmul.f32 v32, v27  }
0x13a: {  	v35 =	vmul.f32 v36, v35;
	v37 =	vmul.f32 v38, v37;
	[tilespmem:$0x1FFD0] =	vst v30;
	v30 =	vld [tilespmem:s23+$0x7B00]  }
0x13b: {  	v22 =	vld [tilespmem:s23+$0x12C70];
	v27 =	vmul.f32 v50, v49;
	v50 =	vmul.f32 v52, v51  }
0x13c: {  	v51 =	vmul.f32 v54, v53;
	v52 =	vmul.f32 v56, v55;
	[tilespmem:$0x1FF00] =	vst v2;
	v2 =	vld [tilespmem:s23+$0x12E20]  }
0x13d: {  	v28 =	vld [tilespmem:s23+$0x7C70];
	v53 =	vmul.f32 v58, v57;
	v60 =	vmul.f32 v60, v59  }
0x13e: {  	v25 =	vld [tilespmem:s23+$0x12C30];
	v62 =	vmul.f32 v62, v61;
	v63 =	vmul.f32 v13, v63  }
0x13f: {  	v9 =	vmul.f32 v9, v12;
	v7 =	vmul.f32 v7, v15;
	[tilespmem:$0x1FFE0] =	vst v30;
	v30 =	vld [tilespmem:s23+$0x12AC0]  }
0x140: {  	v38 =	vld [tilespmem:s23+$0x7C30];
	v5 =	vmul.f32 v5, v8;
	v3 =	vmul.f32 v3, v6  }
0x141: {  	v36 =	vld [tilespmem:s23+$0x12BF0];
	v10 =	vmul.f32 v10, v14;
	v6 =	vadd.f32 v50, v27;
	v4 =	vmul.f32 v2, v4  }
0x142: {  	v26 =	vld [tilespmem:s23+$0x7BF0];
	v17 =	vmul.f32 v17, v18;
	v8 =	vadd.f32 v52, v51;
	v12 =	vadd.f32 v60, v53  }
0x143: {  	v11 =	vmul.f32 v11, v16;
	v15 =	vadd.f32 v63, v62;
	v60 =	vadd.f32 v4, v3;
	v4 =	vld [tilespmem:$0x1FEE0]  }
0x144: {  	v7 =	vadd.f32 v5, v7;
	v10 =	vadd.f32 v17, v10;
	v17 =	vmul.f32 v44, v43;
	[tilespmem:$0x1FFB0] =	vst v30;
	v30 =	vld [tilespmem:s23+$0x7AC0]  }
0x145: {  	v32 =	vld [tilespmem:s23+$0x12BB0];
	v9 =	vadd.f32 v9, v11;
	v6 =	vadd.f32 v24, v6  }
0x146: {  	v11 =	vmul.f32 v42, v41;
	v8 =	vadd.f32 v35, v8;
	v7 =	vadd.f32 v17, v7;
	v17 =	vld [tilespmem:s23+$0x12C60]  }
0x147: {  	v18 =	vmul.f32 v40, v39;
	v12 =	vadd.f32 v37, v12;
	v6 =	vadd.f32 v23, v6;
	v23 =	vld [tilespmem:s23+$0x7C60]  }
0x148: {  	v9 =	vadd.f32 v11, v9;
	v11 =	vmul.f32 v48, v47;
	v8 =	vadd.f32 v21, v8;
	v21 =	vld [tilespmem:$0x1FF00]  }
0x149: {  	v15 =	vadd.f32 v18, v15;
	v18 =	vmul.f32 v46, v45;
	[tilespmem:$0x1FFC0] =	vst v30;
	v30 =	vmul.f32 v31, v4;
	v4 =	vld [tilespmem:$0x1FEF0]  }
0x14a: {  	v24 =	vmul.f32 v34, v33;
	v10 =	vadd.f32 v11, v10;
	v11 =	vld [tilespmem:s23+$0x12C50];
	v12 =	vadd.f32 v20, v12  }
0x14b: {  	v15 =	vadd.f32 v19, v15;
	v20 =	vperm.xlane v6, v0;
	v6 =	vperm.xlane v6, v1;
	v31 =	vld [tilespmem:s23+$0x7C50]  }
0x14c: {  	v57 =	vld [tilespmem:s23+$0x7BB0];
	v9 =	vadd.f32 v29, v9;
	v19 =	vperm.xlane v8, v0;
	v8 =	vperm.xlane v8, v1  }
0x14d: {  	v49 =	vld [tilespmem:s23+$0x12B80];
	v29 =	vperm.xlane v12, v0;
	v12 =	vperm.xlane v12, v1;
	v18 =	vadd.f32 v18, v60  }
0x14e: {  	v13 =	vld [tilespmem:s23+$0x12B70];
	v7 =	vadd.f32 v24, v7;
	v24 =	vperm.xlane v15, v0;
	v21 =	vmul.f32 v21, v4  }
0x14f: {  	v16 =	vld [tilespmem:s23+$0x7B70];
	v15 =	vperm.xlane v15, v1;
	v6 =	vadd.f32 v6, v20;
	v18 =	vadd.f32 v30, v18  }
0x150: {  	v14 =	vld [tilespmem:s23+$0x12B30];
	v17 =	vmul.f32 v17, v23;
	v11 =	vmul.f32 v11, v31;
	v10 =	vadd.f32 v21, v10  }
0x151: {  	v8 =	vadd.f32 v8, v19;
	v52 =	vperm.xlane v18, v0;
	v18 =	vperm.xlane v18, v1;
	v4 =	vld [tilespmem:$0x1FF10]  }
0x152: {  	v20 =	vadd.f32 v17, v11;
	v11 =	vld [tilespmem:$0x1FF20];
	v19 =	vperm.xlane v10, v0;
	v10 =	vperm.xlane v10, v1  }
0x153: {  	v61 =	vld [tilespmem:s23+$0x12C20];
	v12 =	vadd.f32 v12, v29;
	v15 =	vadd.f32 v15, v24  }
0x154: {  	v54 =	vld [tilespmem:s23+$0x12BD0];
	v6 =	vsel vm0, v6, v8;
	v8 =	vadd.f32 v18, v52;
	v10 =	vadd.f32 v10, v19  }
0x155: {  	v55 =	vld [tilespmem:s23+$0x12BA0];
	v12 =	vsel vm0, v12, v15;
	v21 =	vperm.xlane v7, v0;
	v7 =	vperm.xlane v7, v1  }
0x156: {  	v56 =	vld [tilespmem:s23+$0x7BA0];
	v8 =	vsel vm0, v8, v10;
	v10 =	vperm.xlane v12, v0;
	v12 =	vperm.xlane v12, v1  }
0x157: {  	v19 =	vmul.f32 v22, v28;
	v22 =	vmul.f32 v4, v11;
	v4 =	vld [tilespmem:$0x1FF30]  }
0x158: {  	v7 =	vadd.f32 v7, v21;
	v21 =	vmul.f32 v25, v38;
	v25 =	vadd.f32 v12, v10;
	v10 =	vld [tilespmem:$0x1FF40]  }
0x159: {  	v58 =	vld [tilespmem:s23+$0x12B90]  }
0x15a: {  	v59 =	vld [tilespmem:s23+$0x7B90]  }
0x15b: {  	v27 =	vld [tilespmem:s23+$0x7B30]  }
0x15c: {  	v50 =	vld [tilespmem:s23+$0x12AB0]  }
0x15d: {  	v17 =	vmul.f32 v4, v10;
	v4 =	vld [tilespmem:$0x1FF50]  }
0x15e: {  	v10 =	vld [tilespmem:$0x1FF60]  }
0x15f: {  	v5 =	vld [tilespmem:s23+$0x7AB0]  }
0x160: {  	v62 =	vld [tilespmem:s23+$0x7C20]  }
0x161: {  	v63 =	vld [tilespmem:s23+$0x12C10]  }
0x162: {  	v51 =	vld [tilespmem:s23+$0x12BE0]  }
0x163: {  	v23 =	vmul.f32 v4, v10;
	v4 =	vld [tilespmem:$0x1FF70]  }
0x164: {  	v10 =	vld [tilespmem:$0x1FF80]  }
0x165: {  	v53 =	vld [tilespmem:s23+$0x7BE0]  }
0x166: {  	v48 =	vld [tilespmem:s23+$0x7C10]  }
0x167: {  	v33 =	vld [tilespmem:s23+$0x7B60]  }
0x168: {  	v34 =	vld [tilespmem:s23+$0x12B50]  }
0x169: {  	v11 =	vmul.f32 v4, v10;
	v4 =	vld [tilespmem:$0x1FF90]  }
0x16a: {  	v10 =	vld [tilespmem:$0x1FFA0]  }
0x16b: {  	v35 =	vld [tilespmem:s23+$0x7B50]  }
0x16c: {  	v37 =	vld [tilespmem:s23+$0x12B20];
	v13 =	vmul.f32 v13, v16  }
0x16d: {  	v16 =	vld [tilespmem:s23+$0x12A90];
	v15 =	vperm.xlane v6, v0;
	v6 =	vperm.xlane v6, v1  }
0x16e: {  	v24 =	vld [tilespmem:s23+$0x7BD0]  }
0x16f: {  	v6 =	vadd.f32 v6, v15;
	v15 =	vmul.f32 v4, v10;
	v4 =	vld [tilespmem:$0x1FFB0]  }
0x170: {  	v29 =	vmul.f32 v36, v26;
	v10 =	vld [tilespmem:$0x1FFC0]  }
0x171: {  	v36 =	vld [tilespmem:s23+$0x12AA0];
	v30 =	vperm.xlane v9, v0;
	v9 =	vperm.xlane v9, v1  }
0x172: {  	v2 =	vld [tilespmem:s23+$0x12AF0]  }
0x173: {  	v3 =	vld [tilespmem:s23+$0x7AF0];
	v9 =	vadd.f32 v9, v30  }
0x174: {  	v43 =	vmul.f32 v55, v56;
	v18 =	vmul.f32 v61, v62;
	v12 =	vld [tilespmem:$0x1FFE0]  }
0x175: {  	v7 =	vsel vm0, v9, v7;
	v9 =	vmul.f32 v63, v48;
	v10 =	vmul.f32 v4, v10;
	v4 =	vld [tilespmem:$0x1FFD0]  }
0x176: {  	v39 =	vmul.f32 v51, v53;
	v14 =	vmul.f32 v14, v27;
	v30 =	vld [tilespmem:s23+$0x12B60]  }
0x177: {  	v24 =	vmul.f32 v54, v24;
	v38 =	vld [tilespmem:s23+$0x7B20];
	v9 =	vadd.f32 v18, v9;
	v19 =	vadd.f32 v19, v20  }
0x178: {  	v28 =	vperm.xlane v7, v0;
	v7 =	vperm.xlane v7, v1;
	v18 =	vld [tilespmem:s23+$0x12B10]  }
0x179: {  	v20 =	vld [tilespmem:s23+$0x7B10];
	v60 =	vperm.xlane v8, v0;
	v9 =	vadd.f32 v21, v9;
	v31 =	vadd.f32 v22, v19  }
0x17a: {  	v8 =	vperm.xlane v8, v1;
	v7 =	vadd.f32 v7, v28;
	v12 =	vmul.f32 v4, v12;
	v4 =	vld [tilespmem:$0x1FFF0]  }
0x17b: {  	v19 =	vld [tilespmem:s23+$0x12AE0];
	v28 =	vperm.xlane v31, v0;
	v61 =	vperm.xlane v31, v1;
	v26 =	vadd.f32 v23, v9  }
0x17c: {  	v21 =	vld [tilespmem:s23+$0x7AE0];
	v9 =	vadd.f32 v8, v60;
	v8 =	vsel vm0, v6, v25;
	v25 =	vmul.f32 v58, v59  }
0x17d: {  	v31 =	vld [tilespmem:s23+$0x7AD0];
	v62 =	vperm.xlane v26, v0;
	v63 =	vperm.xlane v26, v1  }
0x17e: {  	v22 =	vmul.f32 v32, v57;
	v40 =	vadd.f32 v61, v28;
	v23 =	vld [tilespmem:s23+$0x12AD0];
	v26 =	vadd.f32 v39, v24  }
0x17f: {  	s21 =	sshll.u32 s20, $0x1;
	s26 =	simm.s32 $0x2FC0;
	v39 =	vld [tilespmem:s23+$0x7AA0];
	v24 =	vadd.f32 v43, v25;
	v41 =	vadd.f32 v63, v62;
	v6 =	vmul.f32 v49, v4  }
.LBB2_3:
0x180: {  	v25 =	vld [tilespmem:s23+$0x7A90];
	_ =	sdelay $0x1  }
0x181: {  	v2 =	vmul.f32 v2, v3  }
0x182: {  	v4 =	vmul.f32 v50, v5;
	v5 =	vadd.f32 v22, v24;
	v24 =	vmul.f32 v34, v35  }
0x183: {  	v3 =	vadd.f32 v29, v26;
	v27 =	vmul.f32 v30, v33;
	v19 =	vmul.f32 v19, v21  }
0x184: {  	v26 =	vsel vm0, v41, v40;
	v21 =	vmul.f32 v36, v39;
	v16 =	vmul.f32 v16, v25  }
0x185: {  	v3 =	vadd.f32 v17, v3;
	v17 =	vmul.f32 v18, v20;
	v18 =	vmul.f32 v37, v38  }
0x186: {  	v5 =	vadd.f32 v15, v5;
	v15 =	vmul.f32 v23, v31;
	v20 =	vadd.f32 v27, v24  }
0x187: {  	v22 =	vperm.xlane v26, v0;
	v16 =	vadd.f32 v21, v16;
	v17 =	vadd.f32 v18, v17  }
0x188: {  	v15 =	vadd.f32 v19, v15;
	v13 =	vadd.f32 v13, v20;
	v18 =	vperm.xlane v3, v0  }
0x189: {  	v3 =	vperm.xlane v3, v1;
	v4 =	vadd.f32 v4, v16;
	v14 =	vadd.f32 v14, v17  }
0x18a: {  	v2 =	vadd.f32 v2, v15;
	v6 =	vadd.f32 v6, v13;
	v13 =	vperm.xlane v5, v0  }
0x18b: {  	v5 =	vperm.xlane v5, v1;
	v4 =	vadd.f32 v10, v4;
	v11 =	vadd.f32 v11, v14  }
0x18c: {  	v2 =	vadd.f32 v12, v2;
	v12 =	vperm.xlane v6, v0;
	v6 =	vperm.xlane v6, v1  }
0x18d: {  	v3 =	vadd.f32 v3, v18;
	v15 =	vperm.xlane v4, v0;
	v4 =	vperm.xlane v4, v1  }
0x18e: {  	v5 =	vadd.f32 v5, v13;
	v10 =	vperm.xlane v11, v0;
	v11 =	vperm.xlane v11, v1  }
0x18f: {  	v14 =	vperm.xlane v2, v0;
	v2 =	vperm.xlane v2, v1  }
0x190: {  	v6 =	vadd.f32 v6, v12;
	v3 =	vsel vm0, v5, v3;
	v10 =	vadd.f32 v11, v10  }
0x191: {  	v4 =	vadd.f32 v4, v15;
	v11 =	vperm.xlane v26, v1;
	v2 =	vadd.f32 v2, v14  }
0x192: {  	v5 =	vsel vm0, v10, v6;
	v6 =	vperm.xlane v3, v0;
	v3 =	vperm.xlane v3, v1  }
0x193: {  	v2 =	vsel vm0, v4, v2;
	v4 =	vperm.xlane v5, v0;
	v5 =	vperm.xlane v5, v1  }
0x194: {  	v7 =	vsel vm0, v7, v9;
	v10 =	vperm.xlane v2, v0;
	v2 =	vperm.xlane v2, v1  }
0x195: {  	v9 =	vperm.xlane v8, v0;
	v3 =	vadd.f32 v3, v6;
	v6 =	vadd.f32 v11, v22  }
0x196: {  	v2 =	vadd.f32 v2, v10;
	v4 =	vadd.f32 v5, v4;
	v5 =	vperm.xlane v8, v1  }
0x197: {  	v3 =	vsel vm0, v3, v6;
	v6 =	vperm.xlane v7, v0;
	v7 =	vperm.xlane v7, v1  }
0x198: {  	v2 =	vsel vm0, v2, v4;
	v4 =	vperm.xlane v3, v0;
	v3 =	vperm.xlane v3, v1  }
0x199: {  	v8 =	vperm.xlane v2, v0;
	v2 =	vperm.xlane v2, v1  }
0x19a: {  	v5 =	vadd.f32 v5, v9;
	v6 =	vadd.f32 v7, v6  }
0x19b: {  	v3 =	vadd.f32 v3, v4;
	v2 =	vadd.f32 v2, v8  }
0x19c: {  	v4 =	vsel vm0, v5, v6  }
0x19d: {  	v2 =	vsel vm0, v2, v3;
	v3 =	vperm.xlane v4, v0;
	v4 =	vperm.xlane v4, v1  }
0x19e: {  	v5 =	vperm.xlane v2, v0;
	v2 =	vperm.xlane v2, v1;
	_ =	sdelay $0x1  }
0x19f: {  	v3 =	vadd.f32 v4, v3;
	v2 =	vadd.f32 v2, v5;
	_ =	sdelay $0x1  }
0x1a0: {  	s24 =	sadd.s32 $0x10, s24;
	v2 =	vsel vm0, v2, v3  }
0x1a1: {  	s23 =	sshra.s32 s26, $0x2;
	[tilespmem:s24+$0x0] =	vst v2  }
0x1a2: {  	v24 =	vld [tilespmem:s23+$0x7CC0]  }
0x1a3: {  	v42 =	vld [tilespmem:s23+$0x12CC0]  }
0x1a4: {  	v37 =	vld [tilespmem:s23+$0x7D00]  }
0x1a5: {  	v27 =	vld [tilespmem:s23+$0x12D00]  }
0x1a6: {  	v28 =	vld [tilespmem:s23+$0x7D40]  }
0x1a7: {  	v31 =	vld [tilespmem:s23+$0x12D40]  }
0x1a8: {  	v29 =	vld [tilespmem:s23+$0x7D80]  }
0x1a9: {  	v32 =	vld [tilespmem:s23+$0x12D80]  }
0x1aa: {  	v36 =	vld [tilespmem:s23+$0x7DC0]  }
0x1ab: {  	v41 =	vld [tilespmem:s23+$0x12DC0]  }
0x1ac: {  	v40 =	vld [tilespmem:s23+$0x7E00]  }
0x1ad: {  	v43 =	vld [tilespmem:s23+$0x12E00]  }
0x1ae: {  	v2 =	vld [tilespmem:s23+$0x7E40]  }
0x1af: {  	v44 =	vld [tilespmem:s23+$0x7CB0]  }
0x1b0: {  	v46 =	vld [tilespmem:s23+$0x12CB0]  }
0x1b1: {  	v45 =	vld [tilespmem:s23+$0x7CF0]  }
0x1b2: {  	v47 =	vld [tilespmem:s23+$0x12CF0]  }
0x1b3: {  	v48 =	vld [tilespmem:s23+$0x7D30]  }
0x1b4: {  	v49 =	vld [tilespmem:s23+$0x12D30]  }
0x1b5: {  	v19 =	vld [tilespmem:s23+$0x7D70]  }
0x1b6: {  	v39 =	vld [tilespmem:s23+$0x12D70]  }
0x1b7: {  	v20 =	vld [tilespmem:s23+$0x7DB0]  }
0x1b8: {  	v38 =	vld [tilespmem:s23+$0x12DB0]  }
0x1b9: {  	v21 =	vld [tilespmem:s23+$0x7DF0]  }
0x1ba: {  	v35 =	vld [tilespmem:s23+$0x12DF0]  }
0x1bb: {  	v22 =	vld [tilespmem:s23+$0x7E30]  }
0x1bc: {  	v34 =	vld [tilespmem:s23+$0x12E30]  }
0x1bd: {  	v30 =	vld [tilespmem:s23+$0x7E70]  }
0x1be: {  	v4 =	vld [tilespmem:s23+$0x12C80]  }
0x1bf: {  	v33 =	vld [tilespmem:s23+$0x12E70]  }
0x1c0: {  	v50 =	vld [tilespmem:s23+$0x7C90]  }
0x1c1: {  	v51 =	vld [tilespmem:s23+$0x12C90]  }
0x1c2: {  	v52 =	vld [tilespmem:s23+$0x7CA0]  }
0x1c3: {  	[tilespmem:$0x1FD00] =	vst v4;
	v4 =	vld [tilespmem:s23+$0x7C80]  }
0x1c4: {  	v53 =	vld [tilespmem:s23+$0x12CA0]  }
0x1c5: {  	v54 =	vld [tilespmem:s23+$0x7CD0]  }
0x1c6: {  	v55 =	vld [tilespmem:s23+$0x12CD0]  }
0x1c7: {  	v56 =	vld [tilespmem:s23+$0x7CE0]  }
0x1c8: {  	[tilespmem:$0x1FD10] =	vst v4;
	v4 =	vld [tilespmem:s23+$0x12C40]  }
0x1c9: {  	v57 =	vld [tilespmem:s23+$0x12CE0]  }
0x1ca: {  	v58 =	vld [tilespmem:s23+$0x7D10]  }
0x1cb: {  	v59 =	vld [tilespmem:s23+$0x12D10]  }
0x1cc: {  	v60 =	vld [tilespmem:s23+$0x7D20]  }
0x1cd: {  	[tilespmem:$0x1FD40] =	vst v4;
	v4 =	vld [tilespmem:s23+$0x7C40]  }
0x1ce: {  	v61 =	vld [tilespmem:s23+$0x12D20]  }
0x1cf: {  	v62 =	vld [tilespmem:s23+$0x7D50]  }
0x1d0: {  	v63 =	vld [tilespmem:s23+$0x12D50]  }
0x1d1: {  	v18 =	vld [tilespmem:s23+$0x7D60]  }
0x1d2: {  	[tilespmem:$0x1FD50] =	vst v4;
	v4 =	vld [tilespmem:s23+$0x12C00]  }
0x1d3: {  	v25 =	vld [tilespmem:s23+$0x12D60]  }
0x1d4: {  	v26 =	vld [tilespmem:s23+$0x7D90]  }
0x1d5: {  	v17 =	vld [tilespmem:s23+$0x12D90]  }
0x1d6: {  	v16 =	vld [tilespmem:s23+$0x7DA0]  }
0x1d7: {  	[tilespmem:$0x1FD20] =	vst v4;
	v4 =	vld [tilespmem:s23+$0x7C00]  }
0x1d8: {  	v14 =	vld [tilespmem:s23+$0x12DA0]  }
0x1d9: {  	v15 =	vld [tilespmem:s23+$0x7DD0]  }
0x1da: {  	v13 =	vld [tilespmem:s23+$0x12DD0]  }
0x1db: {  	v12 =	vld [tilespmem:s23+$0x7DE0]  }
0x1dc: {  	[tilespmem:$0x1FD30] =	vst v4;
	v4 =	vld [tilespmem:s23+$0x12BC0]  }
0x1dd: {  	v9 =	vld [tilespmem:s23+$0x12DE0]  }
0x1de: {  	v11 =	vld [tilespmem:s23+$0x7E10]  }
0x1df: {  	v8 =	vld [tilespmem:s23+$0x12E10]  }
0x1e0: {  	v6 =	vld [tilespmem:s23+$0x7E20]  }
0x1e1: {  	[tilespmem:$0x1FD80] =	vst v4;
	v4 =	vld [tilespmem:s23+$0x7BC0]  }
0x1e2: {  	v7 =	vld [tilespmem:s23+$0x7E50]  }
0x1e3: {  	v3 =	vld [tilespmem:s23+$0x12E50]  }
0x1e4: {  	v10 =	vld [tilespmem:s23+$0x7E60]  }
0x1e5: {  	v5 =	vld [tilespmem:s23+$0x12E60]  }
0x1e6: {  	[tilespmem:$0x1FD90] =	vst v4;
	v4 =	vld [tilespmem:s23+$0x7B80]  }
0x1e7: {  	[tilespmem:$0x1FCC0] =	vst v2;
	v2 =	vld [tilespmem:s23+$0x12E40]  }
0x1e8: {  	v23 =	vld [tilespmem:s23+$0x12AC0]  }
0x1e9: {  	v27 =	vmul.f32 v27, v37;
	v37 =	vld [tilespmem:s23+$0x12C70]  }
0x1ea: {  	v46 =	vmul.f32 v46, v44;
	v44 =	vmul.f32 v43, v40;
	v40 =	vld [tilespmem:s23+$0x12C30]  }
0x1eb: {  	[tilespmem:$0x1FDC0] =	vst v4;
	v4 =	vld [tilespmem:s23+$0x12B40]  }
0x1ec: {  	[tilespmem:$0x1FCD0] =	vst v2;
	v2 =	vld [tilespmem:s23+$0x7E80]  }
0x1ed: {  	v43 =	vld [tilespmem:s23+$0x7C30]  }
0x1ee: {  	v49 =	vmul.f32 v49, v48;
	v48 =	vld [tilespmem:s23+$0x12BF0]  }
0x1ef: {  	v28 =	vmul.f32 v31, v28;
	v47 =	vmul.f32 v47, v45;
	v45 =	vld [tilespmem:s23+$0x7BF0]  }
0x1f0: {  	v29 =	vmul.f32 v32, v29;
	v31 =	vmul.f32 v41, v36;
	[tilespmem:$0x1FD60] =	vst v4;
	v4 =	vld [tilespmem:s23+$0x7B40]  }
0x1f1: {  	v32 =	vmul.f32 v51, v50;
	v50 =	vmul.f32 v53, v52;
	[tilespmem:$0x1FCE0] =	vst v2;
	v2 =	vld [tilespmem:s23+$0x12E80]  }
0x1f2: {  	v51 =	vmul.f32 v55, v54;
	v52 =	vmul.f32 v57, v56;
	v36 =	vld [tilespmem:s23+$0x12BB0]  }
0x1f3: {  	v57 =	vmul.f32 v59, v58;
	v58 =	vmul.f32 v61, v60;
	v60 =	vld [tilespmem:s23+$0x7BB0]  }
0x1f4: {  	v59 =	vmul.f32 v63, v62;
	v17 =	vmul.f32 v17, v26;
	v26 =	vld [tilespmem:s23+$0x12B80]  }
0x1f5: {  	v18 =	vmul.f32 v25, v18;
	v16 =	vmul.f32 v14, v16;
	[tilespmem:$0x1FD70] =	vst v4;
	v4 =	vld [tilespmem:s23+$0x12B00]  }
0x1f6: {  	v15 =	vmul.f32 v13, v15;
	v9 =	vmul.f32 v9, v12;
	[tilespmem:$0x1FCF0] =	vst v2;
	v2 =	vld [tilespmem:s23+$0x12E20]  }
0x1f7: {  	v25 =	vld [tilespmem:s23+$0x12B70];
	v8 =	vmul.f32 v8, v11;
	v3 =	vmul.f32 v3, v7  }
0x1f8: {  	v13 =	vld [tilespmem:s23+$0x7B70];
	v5 =	vmul.f32 v5, v10;
	v11 =	vadd.f32 v50, v32;
	v12 =	vadd.f32 v52, v51  }
0x1f9: {  	v14 =	vld [tilespmem:s23+$0x12B30];
	v10 =	vmul.f32 v39, v19;
	v7 =	vadd.f32 v58, v57;
	v18 =	vadd.f32 v18, v59  }
0x1fa: {  	v16 =	vadd.f32 v16, v17;
	v9 =	vadd.f32 v9, v15;
	v15 =	vmul.f32 v38, v20;
	[tilespmem:$0x1FDA0] =	vst v4;
	v4 =	vld [tilespmem:s23+$0x7B00]  }
0x1fb: {  	v61 =	vld [tilespmem:s23+$0x7C10];
	v11 =	vadd.f32 v46, v11;
	v12 =	vadd.f32 v47, v12;
	v6 =	vmul.f32 v2, v6  }
0x1fc: {  	v39 =	vld [tilespmem:s23+$0x12BE0];
	v17 =	vmul.f32 v35, v21;
	v7 =	vadd.f32 v49, v7;
	v15 =	vadd.f32 v15, v16  }
0x1fd: {  	v63 =	vld [tilespmem:s23+$0x12BD0];
	v16 =	vmul.f32 v33, v30;
	v6 =	vadd.f32 v6, v8;
	v8 =	vadd.f32 v5, v3  }
0x1fe: {  	v10 =	vadd.f32 v10, v18;
	v18 =	vmul.f32 v34, v22;
	v9 =	vadd.f32 v17, v9;
	v19 =	vld [tilespmem:$0x1FCF0]  }
0x1ff: {  	v12 =	vadd.f32 v27, v12;
	v8 =	vadd.f32 v16, v8;
	v16 =	vld [tilespmem:$0x1FCE0];
	[tilespmem:$0x1FDB0] =	vst v4;
	v4 =	vmul.f32 v42, v24  }
0x200: {  	v7 =	vadd.f32 v28, v7;
	v6 =	vadd.f32 v18, v6;
	v18 =	vld [tilespmem:$0x1FCD0]  }
0x201: {  	v10 =	vadd.f32 v29, v10;
	v22 =	vperm.xlane v12, v0;
	v4 =	vadd.f32 v4, v11;
	v11 =	vld [tilespmem:$0x1FCC0]  }
0x202: {  	v56 =	vld [tilespmem:s23+$0x7BA0];
	v15 =	vadd.f32 v31, v15;
	v12 =	vperm.xlane v12, v1;
	v28 =	vperm.xlane v7, v0  }
0x203: {  	v21 =	vld [tilespmem:s23+$0x7C50];
	v9 =	vadd.f32 v44, v9;
	v7 =	vperm.xlane v7, v1;
	v30 =	vperm.xlane v10, v0  }
0x204: {  	v17 =	vld [tilespmem:s23+$0x12C60];
	v10 =	vperm.xlane v10, v1;
	v12 =	vadd.f32 v12, v22;
	v16 =	vmul.f32 v19, v16  }
0x205: {  	v7 =	vadd.f32 v7, v28;
	v19 =	vld [tilespmem:s23+$0x12C50];
	v20 =	vperm.xlane v4, v0;
	v4 =	vperm.xlane v4, v1  }
0x206: {  	v10 =	vadd.f32 v10, v30;
	v8 =	vadd.f32 v16, v8;
	v11 =	vmul.f32 v18, v11;
	v18 =	vld [tilespmem:s23+$0x7C60]  }
0x207: {  	v32 =	vld [tilespmem:s23+$0x7B30];
	v16 =	vperm.xlane v9, v0;
	v9 =	vperm.xlane v9, v1;
	v4 =	vadd.f32 v4, v20  }
0x208: {  	v27 =	vld [tilespmem:s23+$0x12C20];
	v6 =	vadd.f32 v11, v6;
	v11 =	vperm.xlane v15, v0;
	v15 =	vperm.xlane v15, v1  }
0x209: {  	v29 =	vld [tilespmem:s23+$0x7C20];
	v7 =	vsel vm0, v7, v10;
	v9 =	vadd.f32 v9, v16;
	v4 =	vsel vm0, v4, v12  }
0x20a: {  	v50 =	vld [tilespmem:s23+$0x12AB0];
	v12 =	vmul.f32 v19, v21;
	v10 =	vperm.xlane v4, v0;
	v11 =	vadd.f32 v15, v11  }
0x20b: {  	v57 =	vld [tilespmem:s23+$0x12B90];
	v4 =	vperm.xlane v4, v1;
	v15 =	vmul.f32 v17, v18  }
0x20c: {  	v58 =	vld [tilespmem:s23+$0x7B90];
	v9 =	vsel vm0, v11, v9;
	v11 =	vperm.xlane v7, v0;
	v7 =	vperm.xlane v7, v1  }
0x20d: {  	v4 =	vadd.f32 v4, v10;
	v10 =	vadd.f32 v15, v12;
	v15 =	vld [tilespmem:$0x1FD10]  }
0x20e: {  	v18 =	vmul.f32 v27, v29;
	v27 =	vadd.f32 v7, v11;
	v11 =	vld [tilespmem:$0x1FD00]  }
0x20f: {  	v35 =	vld [tilespmem:s23+$0x7B50]  }
0x210: {  	v38 =	vld [tilespmem:s23+$0x7B20]  }
0x211: {  	v33 =	vld [tilespmem:s23+$0x7B60]  }
0x212: {  	v31 =	vld [tilespmem:s23+$0x12C10]  }
0x213: {  	v21 =	vmul.f32 v11, v15;
	v11 =	vld [tilespmem:$0x1FD20]  }
0x214: {  	v15 =	vld [tilespmem:$0x1FD30]  }
0x215: {  	v44 =	vld [tilespmem:s23+$0x7BE0]  }
0x216: {  	v28 =	vld [tilespmem:s23+$0x7BD0]  }
0x217: {  	v42 =	vld [tilespmem:s23+$0x7C70];
	v17 =	vmul.f32 v31, v61  }
0x218: {  	v34 =	vld [tilespmem:s23+$0x12B50]  }
0x219: {  	v7 =	vadd.f32 v18, v17;
	v17 =	vmul.f32 v11, v15;
	v11 =	vld [tilespmem:$0x1FD40]  }
0x21a: {  	v15 =	vld [tilespmem:$0x1FD50]  }
0x21b: {  	v30 =	vld [tilespmem:s23+$0x12B60];
	v28 =	vmul.f32 v63, v28  }
0x21c: {  	v63 =	vmul.f32 v39, v44;
	v39 =	vld [tilespmem:s23+$0x7AA0];
	v12 =	vmul.f32 v37, v42  }
0x21d: {  	v2 =	vld [tilespmem:s23+$0x12AF0]  }
0x21e: {  	v22 =	vadd.f32 v12, v10;
	v10 =	vld [tilespmem:$0x1FD60]  }
0x21f: {  	v31 =	vmul.f32 v11, v15;
	v11 =	vld [tilespmem:$0x1FD70]  }
0x220: {  	v3 =	vld [tilespmem:s23+$0x7AF0]  }
0x221: {  	v5 =	vld [tilespmem:s23+$0x7AB0]  }
0x222: {  	v16 =	vld [tilespmem:s23+$0x12BA0];
	v20 =	vperm.xlane v8, v0;
	v8 =	vperm.xlane v8, v1  }
0x223: {  	v62 =	vperm.xlane v6, v0;
	v6 =	vperm.xlane v6, v1;
	v12 =	vld [tilespmem:$0x1FD90]  }
0x224: {  	v11 =	vmul.f32 v10, v11;
	v10 =	vld [tilespmem:$0x1FD80]  }
0x225: {  	v24 =	vld [tilespmem:s23+$0x7AC0];
	v8 =	vadd.f32 v8, v20;
	v6 =	vadd.f32 v6, v62  }
0x226: {  	v19 =	vmul.f32 v40, v43;
	v20 =	vld [tilespmem:s23+$0x7B10]  }
0x227: {  	v37 =	vld [tilespmem:s23+$0x12B20];
	v6 =	vsel vm0, v6, v8;
	v8 =	vperm.xlane v9, v0  }
0x228: {  	v9 =	vperm.xlane v9, v1;
	v18 =	vld [tilespmem:s23+$0x12B10];
	v59 =	vperm.xlane v6, v0;
	v7 =	vadd.f32 v19, v7  }
0x229: {  	v6 =	vperm.xlane v6, v1;
	v19 =	vld [tilespmem:$0x1FDB0];
	v15 =	vmul.f32 v10, v12  }
0x22a: {  	v10 =	vmul.f32 v23, v24;
	v12 =	vld [tilespmem:$0x1FDA0];
	v23 =	vadd.f32 v21, v22;
	v24 =	vadd.f32 v31, v7  }
0x22b: {  	v22 =	vmul.f32 v36, v60;
	v21 =	vld [tilespmem:s23+$0x7AE0];
	v7 =	vadd.f32 v9, v8;
	v9 =	vadd.f32 v6, v59  }
0x22c: {  	p1 =	sne.s32 s26, $0x15FC0;
	v8 =	vsel vm0, v4, v27;
	v4 =	vmul.f32 v57, v58;
	v27 =	vmul.f32 v16, v56;
	v6 =	vld [tilespmem:$0x1FDC0]  }
.Ltmp2:
0x22d: {  	v31 =	vld [tilespmem:s23+$0x7AD0];
	v60 =	vperm.xlane v23, v0;
	v61 =	vperm.xlane v23, v1;
	(pc) =	sbr.rel @p1 .LBB2_3-.Ltmp2, $4  }
0x22e: {  	v36 =	vld [tilespmem:s23+$0x12AA0];
	v62 =	vperm.xlane v24, v0;
	v24 =	vperm.xlane v24, v1  }
0x22f: {  	v13 =	vmul.f32 v25, v13;
	v14 =	vmul.f32 v14, v32;
	v16 =	vld [tilespmem:s23+$0x12A90];
	v40 =	vadd.f32 v61, v60  }
0x230: {  	v29 =	vmul.f32 v48, v45;
	v23 =	vld [tilespmem:s23+$0x12AD0];
	v41 =	vadd.f32 v24, v62;
	v24 =	vadd.f32 v27, v4  }
0x231: {  	s26 =	sadd.s32 $0x1000, s26;
	v12 =	vmul.f32 v12, v19;
	v19 =	vld [tilespmem:s23+$0x12AE0];
	v6 =	vmul.f32 v26, v6;
	v26 =	vadd.f32 v63, v28  }
0x232: {  	v4 =	vld [tilespmem:s23+$0x7A90];
	v2 =	vmul.f32 v2, v3;
	v25 =	vsel vm0, v41, v40;
	v22 =	vadd.f32 v22, v24  }
0x233: {  	v5 =	vmul.f32 v50, v5;
	v27 =	vmul.f32 v30, v33;
	v3 =	vadd.f32 v29, v26  }
0x234: {  	v24 =	vperm.xlane v25, v0;
	v26 =	vmul.f32 v34, v35;
	v15 =	vadd.f32 v15, v22  }
0x235: {  	v3 =	vadd.f32 v17, v3;
	v17 =	vmul.f32 v18, v20;
	v18 =	vmul.f32 v37, v38  }
0x236: {  	v20 =	vmul.f32 v23, v31;
	v19 =	vmul.f32 v19, v21;
	v21 =	vadd.f32 v27, v26  }
0x237: {  	v4 =	vmul.f32 v16, v4;
	v16 =	vmul.f32 v36, v39;
	v17 =	vadd.f32 v18, v17  }
0x238: {  	v18 =	vadd.f32 v19, v20;
	v13 =	vadd.f32 v13, v21;
	v19 =	vperm.xlane v3, v0  }
0x239: {  	v3 =	vperm.xlane v3, v1;
	v4 =	vadd.f32 v16, v4;
	v14 =	vadd.f32 v14, v17  }
0x23a: {  	v2 =	vadd.f32 v2, v18;
	v6 =	vadd.f32 v6, v13;
	v13 =	vperm.xlane v15, v0  }
0x23b: {  	v4 =	vadd.f32 v5, v4;
	v5 =	vadd.f32 v11, v14;
	v11 =	vperm.xlane v15, v1  }
0x23c: {  	v2 =	vadd.f32 v12, v2;
	v12 =	vperm.xlane v6, v0;
	v6 =	vperm.xlane v6, v1  }
0x23d: {  	v4 =	vadd.f32 v10, v4;
	v10 =	vperm.xlane v5, v0;
	v5 =	vperm.xlane v5, v1  }
0x23e: {  	v3 =	vadd.f32 v3, v19;
	v14 =	vperm.xlane v2, v0;
	v2 =	vperm.xlane v2, v1  }
0x23f: {  	v11 =	vadd.f32 v11, v13;
	v15 =	vperm.xlane v4, v0;
	v4 =	vperm.xlane v4, v1  }
0x240: {  	v6 =	vadd.f32 v6, v12;
	v5 =	vadd.f32 v5, v10;
	v10 =	vperm.xlane v25, v1  }
0x241: {  	v3 =	vsel vm0, v11, v3;
	v2 =	vadd.f32 v2, v14;
	v4 =	vadd.f32 v4, v15  }
0x242: {  	v5 =	vsel vm0, v5, v6;
	v6 =	vperm.xlane v3, v0;
	v3 =	vperm.xlane v3, v1  }
0x243: {  	v2 =	vsel vm0, v4, v2;
	v4 =	vperm.xlane v5, v0;
	v5 =	vperm.xlane v5, v1  }
0x244: {  	v7 =	vsel vm0, v7, v9;
	v11 =	vperm.xlane v2, v0;
	v2 =	vperm.xlane v2, v1  }
0x245: {  	v9 =	vperm.xlane v8, v0;
	v3 =	vadd.f32 v3, v6;
	v6 =	vadd.f32 v10, v24  }
0x246: {  	v4 =	vadd.f32 v5, v4;
	v5 =	vperm.xlane v8, v1;
	v2 =	vadd.f32 v2, v11  }
0x247: {  	v3 =	vsel vm0, v3, v6;
	v6 =	vperm.xlane v7, v0;
	v7 =	vperm.xlane v7, v1  }
0x248: {  	v2 =	vsel vm0, v2, v4;
	v4 =	vperm.xlane v3, v0;
	v3 =	vperm.xlane v3, v1  }
0x249: {  	v8 =	vperm.xlane v2, v0;
	v2 =	vperm.xlane v2, v1  }
0x24a: {  	v5 =	vadd.f32 v5, v9;
	v6 =	vadd.f32 v7, v6  }
0x24b: {  	s17 =	sshll.u32 s20, $0x6;
	v3 =	vadd.f32 v3, v4;
	v2 =	vadd.f32 v2, v8  }
0x24c: {  	s23 =	sor.u32 s4, s17;
	v4 =	vsel vm0, v5, v6  }
0x24d: {  	s17 =	ssub.s32 $0x5C0, s23;
	v2 =	vsel vm0, v2, v3;
	v3 =	vperm.xlane v4, v0;
	v4 =	vperm.xlane v4, v1  }
0x24e: {  	s26 =	sadd.s32 s10, s21;
	s17 =	smul.u32 $0xFFFFFEA0, s17;
	v5 =	vperm.xlane v2, v0;
	v2 =	vperm.xlane v2, v1  }
0x24f: {  	s26 =	smul.u32 $0x160, s26  }
0x250: {  	p1 =	seq.s32 s20, $0x16;
	s17 =	sadd.s32 $0x7A120, s17;
	v3 =	vadd.f32 v4, v3;
	v2 =	vadd.f32 v2, v5  }
0x251: {  	s26 =	smov.u32 @p1 s17  }
0x252: {  	s24 =	sadd.s32 $0x10, s24;
	s26 =	sshrl.u32 s26, $0x3;
	v2 =	vsel vm0, v2, v3  }
0x253: {  	s8 =	sadd.s32 s2, s26;
	[tilespmem:s24+$0x0] =	vst v2;
	s24 =	smul.u32 @!p1 $0x2C0, s20  }
0x254: {  	[hbm4b:s8+s3] =	stream.linear.scatter [tilespmem:s30], [sflag:$0x3], $0x160, $0x38;
	[tilespmem:$0x1E140] =	vst v63  }
0x255: {  	s26 =	simm.s32 @!p1 $0x160;
	s8 =	simm.s32 @!p1 $0x7E80;
	s17 =	sadd.s32 @!p1 $0x2C0, s24  }
0x256: {  	[tilespmem:s8], [sflag:$0x1] =	stream.indirect.gather @!p1 [hbm4b:s5+s26], $0x40, s17, s26, $0xb8;
	[tilespmem:$0x1E140] =	vst v63  }
0x257: {  	s8 =	sadd.s32 @!p1 $0x4200, s24;
	s17 =	simm.s32 @!p1 $0x12E80  }
0x258: {  	[tilespmem:s17], [sflag:$0x1] =	stream.indirect.gather @!p1 [hbm4b:s6+s26], $0x40, s8, s26, $0xb8;
	[tilespmem:$0x1E140] =	vst v63  }
0x259: {  	_ =	swait.ge [sflag:s31], $0x5800  }
0x25a: {  	[sflag:s31] =	ssyncset.done $0x0  }
0x25b: {  	[sflag:s31] =	ssyncadd.s32 $0xFFFFA800  }
0x25c: {  	_ =	swait.ge [sflag:s31], $0x5800  }
0x25d: {  	[sflag:s31] =	ssyncset.done $0x0  }
0x25e: {  	s8 =	simm.s32 @!p0 $0x4;
	[sflag:s31] =	ssyncadd.s32 $0xFFFFA800  }
0x25f: {  	_ =	swait.ge @!p0 [sflag:s8], $0x160  }
0x260: {  	[sflag:s8] =	ssyncset.done @!p0 $0x0  }
0x261: {  	s26 =	simm.s32 $0x3F0;
	[sflag:s8] =	ssyncadd.s32 @!p0 $0xFFFFFEA0  }
0x262: {  	v27 =	vld [tilespmem:s26+$0xD4C0]  }
0x263: {  	v25 =	vld [tilespmem:s26+$0x184C0]  }
0x264: {  	v32 =	vld [tilespmem:s26+$0xD500]  }
0x265: {  	v18 =	vld [tilespmem:s26+$0x18500]  }
0x266: {  	v19 =	vld [tilespmem:s26+$0xD540]  }
0x267: {  	v20 =	vld [tilespmem:s26+$0x18540]  }
0x268: {  	v21 =	vld [tilespmem:s26+$0xD580]  }
0x269: {  	v22 =	vld [tilespmem:s26+$0x18580]  }
0x26a: {  	v23 =	vld [tilespmem:s26+$0xD5C0]  }
0x26b: {  	v24 =	vld [tilespmem:s26+$0x185C0]  }
0x26c: {  	v26 =	vld [tilespmem:s26+$0xD600]  }
0x26d: {  	v28 =	vld [tilespmem:s26+$0x18600]  }
0x26e: {  	v2 =	vld [tilespmem:s26+$0xD640]  }
0x26f: {  	v31 =	vld [tilespmem:s26+$0x18640]  }
0x270: {  	v30 =	vld [tilespmem:s26+$0xD4B0]  }
0x271: {  	v33 =	vld [tilespmem:s26+$0x184B0]  }
0x272: {  	v34 =	vld [tilespmem:s26+$0xD4F0]  }
0x273: {  	v35 =	vld [tilespmem:s26+$0x184F0]  }
0x274: {  	v36 =	vld [tilespmem:s26+$0xD530]  }
0x275: {  	v37 =	vld [tilespmem:s26+$0x18530]  }
0x276: {  	v38 =	vld [tilespmem:s26+$0xD570]  }
0x277: {  	v39 =	vld [tilespmem:s26+$0x18570]  }
0x278: {  	v40 =	vld [tilespmem:s26+$0xD5B0]  }
0x279: {  	v41 =	vld [tilespmem:s26+$0x185B0]  }
0x27a: {  	v42 =	vld [tilespmem:s26+$0xD5F0]  }
0x27b: {  	v43 =	vld [tilespmem:s26+$0x185F0]  }
0x27c: {  	v44 =	vld [tilespmem:s26+$0xD630]  }
0x27d: {  	v45 =	vld [tilespmem:s26+$0x18630]  }
0x27e: {  	v46 =	vld [tilespmem:s26+$0xD670]  }
0x27f: {  	v47 =	vld [tilespmem:s26+$0x18670]  }
0x280: {  	v48 =	vld [tilespmem:s26+$0xD490]  }
0x281: {  	v49 =	vld [tilespmem:s26+$0x18490]  }
0x282: {  	v50 =	vld [tilespmem:s26+$0xD4A0]  }
0x283: {  	v51 =	vld [tilespmem:s26+$0x184A0]  }
0x284: {  	v52 =	vld [tilespmem:s26+$0xD4D0]  }
0x285: {  	v53 =	vld [tilespmem:s26+$0x184D0]  }
0x286: {  	v54 =	vld [tilespmem:s26+$0xD4E0]  }
0x287: {  	v55 =	vld [tilespmem:s26+$0x184E0]  }
0x288: {  	v56 =	vld [tilespmem:s26+$0xD510]  }
0x289: {  	v57 =	vld [tilespmem:s26+$0x18510]  }
0x28a: {  	v58 =	vld [tilespmem:s26+$0xD520]  }
0x28b: {  	v59 =	vld [tilespmem:s26+$0x18520]  }
0x28c: {  	v60 =	vld [tilespmem:s26+$0xD550]  }
0x28d: {  	v61 =	vld [tilespmem:s26+$0x18550]  }
0x28e: {  	v62 =	vld [tilespmem:s26+$0xD560]  }
0x28f: {  	v63 =	vld [tilespmem:s26+$0x18560]  }
0x290: {  	v14 =	vld [tilespmem:s26+$0xD590]  }
0x291: {  	v17 =	vld [tilespmem:s26+$0x18590]  }
0x292: {  	v11 =	vld [tilespmem:s26+$0xD5A0]  }
0x293: {  	v9 =	vld [tilespmem:s26+$0x185A0]  }
0x294: {  	v13 =	vld [tilespmem:s26+$0xD5D0]  }
0x295: {  	v7 =	vld [tilespmem:s26+$0x185D0]  }
0x296: {  	v8 =	vld [tilespmem:s26+$0xD5E0]  }
0x297: {  	v5 =	vld [tilespmem:s26+$0x185E0]  }
0x298: {  	v6 =	vld [tilespmem:s26+$0xD610]  }
0x299: {  	v3 =	vld [tilespmem:s26+$0x18610]  }
0x29a: {  	v4 =	vld [tilespmem:s26+$0xD620]  }
0x29b: {  	v12 =	vld [tilespmem:s26+$0xD650]  }
0x29c: {  	v29 =	vld [tilespmem:s26+$0x18480]  }
0x29d: {  	v10 =	vld [tilespmem:s26+$0x18650]  }
0x29e: {  	v16 =	vld [tilespmem:s26+$0xD660]  }
0x29f: {  	v15 =	vld [tilespmem:s26+$0x18660]  }
0x2a0: {  	[tilespmem:$0x1FA90] =	vst v2;
	v2 =	vld [tilespmem:s26+$0xD680]  }
0x2a1: {  	[tilespmem:$0x1FAC0] =	vst v29;
	v29 =	vld [tilespmem:s26+$0xD480]  }
0x2a2: {  	v27 =	vmul.f32 v25, v27;
	v25 =	vld [tilespmem:s26+$0x182C0];
	v18 =	vmul.f32 v18, v32  }
0x2a3: {  	v19 =	vmul.f32 v20, v19;
	v20 =	vmul.f32 v22, v21;
	v32 =	vld [tilespmem:s26+$0x18470]  }
0x2a4: {  	v21 =	vmul.f32 v24, v23;
	v22 =	vmul.f32 v28, v26;
	v23 =	vld [tilespmem:s26+$0xD470]  }
0x2a5: {  	v28 =	vmul.f32 v35, v34;
	v35 =	vmul.f32 v37, v36;
	v36 =	vld [tilespmem:s26+$0x18430]  }
0x2a6: {  	v26 =	vmul.f32 v49, v48;
	v48 =	vld [tilespmem:s26+$0xD430]  }
0x2a7: {  	v34 =	vld [tilespmem:s26+$0x183F0]  }
0x2a8: {  	v24 =	vld [tilespmem:s26+$0xD3F0]  }
0x2a9: {  	[tilespmem:$0x1FAD0] =	vst v29;
	v29 =	vld [tilespmem:s26+$0x18440]  }
0x2aa: {  	v33 =	vmul.f32 v33, v30;
	v30 =	vld [tilespmem:s26+$0x183B0]  }
0x2ab: {  	v9 =	vmul.f32 v9, v11;
	v11 =	vld [tilespmem:s26+$0xD3B0]  }
0x2ac: {  	v8 =	vmul.f32 v5, v8;
	v5 =	vld [tilespmem:s26+$0x18380]  }
0x2ad: {  	v14 =	vmul.f32 v17, v14;
	v17 =	vld [tilespmem:s26+$0x18370]  }
0x2ae: {  	[tilespmem:$0x1FB00] =	vst v29;
	v29 =	vld [tilespmem:s26+$0xD440]  }
0x2af: {  	v7 =	vmul.f32 v7, v13;
	v13 =	vmul.f32 v3, v6;
	v3 =	vld [tilespmem:s26+$0x18330]  }
0x2b0: {  	v6 =	vld [tilespmem:s26+$0x182F0]  }
0x2b1: {  	v49 =	vmul.f32 v53, v52;
	v53 =	vld [tilespmem:s26+$0x18460]  }
0x2b2: {  	v37 =	vmul.f32 v51, v50;
	v50 =	vmul.f32 v55, v54;
	v54 =	vld [tilespmem:s26+$0x18420]  }
0x2b3: {  	[tilespmem:$0x1FB10] =	vst v29;
	v29 =	vld [tilespmem:s26+$0x18400]  }
0x2b4: {  	v55 =	vld [tilespmem:s26+$0xD420]  }
0x2b5: {  	v57 =	vmul.f32 v57, v56;
	v56 =	vld [tilespmem:s26+$0x18410]  }
0x2b6: {  	v51 =	vmul.f32 v43, v42;
	v43 =	vld [tilespmem:s26+$0xD3E0]  }
0x2b7: {  	v52 =	vmul.f32 v45, v44;
	v44 =	vld [tilespmem:s26+$0xD360]  }
0x2b8: {  	v59 =	vmul.f32 v59, v58;
	[tilespmem:$0x1FAE0] =	vst v29;
	v29 =	vld [tilespmem:s26+$0xD400]  }
0x2b9: {  	v60 =	vmul.f32 v61, v60;
	v37 =	vadd.f32 v37, v26;
	v26 =	vld [tilespmem:s26+$0xD2F0]  }
0x2ba: {  	v61 =	vmul.f32 v63, v62;
	v10 =	vmul.f32 v10, v12;
	v12 =	vadd.f32 v59, v57;
	v57 =	vld [tilespmem:s26+$0xD410]  }
0x2bb: {  	v7 =	vadd.f32 v8, v7;
	v8 =	vmul.f32 v41, v40;
	v41 =	vld [tilespmem:s26+$0x183E0]  }
0x2bc: {  	v15 =	vmul.f32 v15, v16;
	v49 =	vadd.f32 v50, v49;
	v63 =	vadd.f32 v61, v60;
	v61 =	vld [tilespmem:$0x1FAC0]  }
0x2bd: {  	[tilespmem:$0x1FAF0] =	vst v29;
	v29 =	vld [tilespmem:s26+$0x183C0]  }
0x2be: {  	v16 =	vmul.f32 v39, v38;
	v10 =	vadd.f32 v15, v10;
	v15 =	vadd.f32 v28, v49;
	v28 =	vld [tilespmem:s26+$0x182B0]  }
0x2bf: {  	v9 =	vadd.f32 v9, v14;
	v14 =	vadd.f32 v33, v37;
	v37 =	vld [tilespmem:s26+$0xD2B0]  }
0x2c0: {  	v16 =	vadd.f32 v16, v63;
	v63 =	vld [tilespmem:s26+$0xD320]  }
0x2c1: {  	[tilespmem:$0x1FAA0] =	vst v2;
	v2 =	vld [tilespmem:s26+$0x18680]  }
0x2c2: {  	[tilespmem:$0x1FB40] =	vst v29;
	v29 =	vld [tilespmem:s26+$0xD3C0]  }
0x2c3: {  	[tilespmem:$0x1FB60] =	vst v25;
	v25 =	vld [tilespmem:s26+$0xD2C0]  }
0x2c4: {  	v8 =	vadd.f32 v8, v9;
	v9 =	vmul.f32 v47, v46;
	v11 =	vmul.f32 v30, v11;
	v30 =	vld [tilespmem:s26+$0xD2E0]  }
0x2c5: {  	v14 =	vadd.f32 v27, v14;
	v27 =	vld [tilespmem:$0x1FA90]  }
0x2c6: {  	v12 =	vadd.f32 v35, v12;
	v9 =	vadd.f32 v9, v10;
	v10 =	vld [tilespmem:$0x1FAA0]  }
0x2c7: {  	v15 =	vadd.f32 v18, v15;
	[tilespmem:$0x1FB50] =	vst v29;
	v29 =	vld [tilespmem:s26+$0xD380]  }
0x2c8: {  	v12 =	vadd.f32 v19, v12;
	v59 =	vmul.f32 v56, v57;
	v56 =	vld [tilespmem:s26+$0xD310]  }
0x2c9: {  	v16 =	vadd.f32 v20, v16;
	v57 =	vld [tilespmem:s26+$0x182E0];
	v20 =	vperm.xlane v15, v0;
	v15 =	vperm.xlane v15, v1  }
0x2ca: {  	v7 =	vadd.f32 v51, v7;
	v8 =	vadd.f32 v21, v8;
	[tilespmem:$0x1FAB0] =	vst v2;
	v2 =	vld [tilespmem:s26+$0x18620]  }
0x2cb: {  	v21 =	vperm.xlane v12, v0;
	v12 =	vperm.xlane v12, v1;
	v15 =	vadd.f32 v15, v20;
	v20 =	vld [tilespmem:s26+$0x183D0]  }
0x2cc: {  	v7 =	vadd.f32 v22, v7;
	v22 =	vperm.xlane v16, v0;
	v16 =	vperm.xlane v16, v1;
	[tilespmem:$0x1FB90] =	vst v29;
	v29 =	vld [tilespmem:s26+$0x18340]  }
0x2cd: {  	v12 =	vadd.f32 v12, v21;
	v21 =	vld [tilespmem:s26+$0xD3D0]  }
0x2ce: {  	v16 =	vadd.f32 v16, v22;
	v22 =	vld [tilespmem:s26+$0xD390]  }
0x2cf: {  	v19 =	vperm.xlane v14, v0;
	v14 =	vperm.xlane v14, v1;
	v18 =	vld [tilespmem:$0x1FAB0]  }
0x2d0: {  	v27 =	vmul.f32 v31, v27;
	v31 =	vld [tilespmem:s26+$0xD450]  }
0x2d1: {  	v14 =	vadd.f32 v14, v19;
	[tilespmem:$0x1FB20] =	vst v29;
	v29 =	vld [tilespmem:s26+$0xD340]  }
0x2d2: {  	v47 =	vld [tilespmem:$0x1FB00]  }
0x2d3: {  	v14 =	vsel vm0, v14, v15;
	v15 =	vld [tilespmem:s26+$0xD3A0]  }
0x2d4: {  	v62 =	vmul.f32 v2, v4;
	v2 =	vld [tilespmem:s26+$0xD370]  }
0x2d5: {  	v12 =	vsel vm0, v12, v16;
	v16 =	vperm.xlane v14, v0;
	v14 =	vperm.xlane v14, v1;
	v4 =	vld [tilespmem:s26+$0xD330]  }
0x2d6: {  	[tilespmem:$0x1FB30] =	vst v29;
	v29 =	vld [tilespmem:s26+$0x18300]  }
0x2d7: {  	v14 =	vadd.f32 v14, v16;
	v16 =	vld [tilespmem:s26+$0xD350];
	v10 =	vmul.f32 v18, v10  }
0x2d8: {  	v18 =	vld [tilespmem:s26+$0x18450];
	v13 =	vadd.f32 v62, v13  }
0x2d9: {  	v60 =	vmul.f32 v36, v48;
	v48 =	vld [tilespmem:$0x1FB10];
	v9 =	vadd.f32 v10, v9  }
0x2da: {  	v62 =	vld [tilespmem:$0x1FAD0];
	v10 =	vperm.xlane v7, v0;
	v7 =	vperm.xlane v7, v1;
	v13 =	vadd.f32 v52, v13  }
0x2db: {  	v19 =	vperm.xlane v9, v0;
	v9 =	vperm.xlane v9, v1;
	[tilespmem:$0x1FB70] =	vst v29;
	v29 =	vld [tilespmem:s26+$0xD300]  }
0x2dc: {  	v7 =	vadd.f32 v7, v10;
	v10 =	vld [tilespmem:s26+$0x183A0];
	v13 =	vadd.f32 v27, v13;
	v27 =	vperm.xlane v8, v0  }
0x2dd: {  	v8 =	vperm.xlane v8, v1;
	v18 =	vmul.f32 v18, v31;
	v31 =	vld [tilespmem:s26+$0x18350]  }
0x2de: {  	v45 =	vld [tilespmem:$0x1FAE0];
	v58 =	vperm.xlane v13, v0;
	v13 =	vperm.xlane v13, v1  }
0x2df: {  	v35 =	vmul.f32 v54, v55;
	v9 =	vadd.f32 v9, v19;
	v19 =	vld [tilespmem:s26+$0x18390];
	v8 =	vadd.f32 v8, v27  }
0x2e0: {  	v20 =	vmul.f32 v20, v21;
	v21 =	vmul.f32 v41, v43;
	v13 =	vadd.f32 v13, v58;
	[tilespmem:$0x1FB80] =	vst v29;
	v29 =	vld [tilespmem:s26+$0xD460]  }
0x2e1: {  	v27 =	vld [tilespmem:s26+$0x18360];
	v7 =	vsel vm0, v8, v7;
	v8 =	vperm.xlane v12, v0;
	v12 =	vperm.xlane v12, v1  }
0x2e2: {  	v46 =	vld [tilespmem:$0x1FAF0];
	v9 =	vsel vm0, v13, v9;
	v13 =	vperm.xlane v7, v0;
	v7 =	vperm.xlane v7, v1  }
0x2e3: {  	v23 =	vmul.f32 v32, v23;
	v24 =	vmul.f32 v34, v24;
	v8 =	vadd.f32 v12, v8;
	v12 =	vld [tilespmem:s26+$0x18320]  }
0x2e4: {  	v6 =	vmul.f32 v6, v26;
	v20 =	vadd.f32 v21, v20;
	v7 =	vadd.f32 v7, v13;
	v13 =	vld [tilespmem:s26+$0x182D0]  }
0x2e5: {  	v3 =	vmul.f32 v3, v4;
	v51 =	vld [tilespmem:$0x1FB40];
	v29 =	vmul.f32 v53, v29  }
0x2e6: {  	v2 =	vmul.f32 v17, v2;
	v17 =	vadd.f32 v24, v20;
	v19 =	vmul.f32 v19, v22;
	v22 =	vld [tilespmem:$0x1FB90]  }
0x2e7: {  	v33 =	vmul.f32 v61, v62;
	v10 =	vmul.f32 v10, v15;
	v52 =	vld [tilespmem:$0x1FB50];
	v18 =	vadd.f32 v29, v18  }
0x2e8: {  	v16 =	vmul.f32 v31, v16;
	v8 =	vsel vm0, v14, v8;
	v14 =	vld [tilespmem:s26+$0x182A0];
	v29 =	vadd.f32 v35, v59  }
0x2e9: {  	v20 =	vmul.f32 v27, v44;
	v4 =	vadd.f32 v10, v19;
	v10 =	vld [tilespmem:s26+$0xD290];
	v18 =	vadd.f32 v23, v18  }
0x2ea: {  	v38 =	vmul.f32 v47, v48;
	v42 =	vperm.xlane v9, v0;
	v49 =	vld [tilespmem:$0x1FB20];
	v29 =	vadd.f32 v60, v29  }
0x2eb: {  	v16 =	vadd.f32 v20, v16;
	v5 =	vmul.f32 v5, v22;
	v22 =	vld [tilespmem:s26+$0x18290];
	v18 =	vadd.f32 v33, v18  }
0x2ec: {  	v36 =	vmul.f32 v45, v46;
	v40 =	vmul.f32 v51, v52;
	v50 =	vld [tilespmem:$0x1FB30];
	v29 =	vadd.f32 v38, v29  }
0x2ed: {  	v4 =	vadd.f32 v11, v4;
	v23 =	vld [tilespmem:s26+$0x18310];
	v58 =	vperm.xlane v18, v0;
	v18 =	vperm.xlane v18, v1  }
0x2ee: {  	v2 =	vadd.f32 v2, v16;
	v59 =	vld [tilespmem:s26+$0xD2D0];
	v38 =	vperm.xlane v29, v0;
	v29 =	vperm.xlane v29, v1  }
0x2ef: {  	v9 =	vperm.xlane v9, v1;
	v17 =	vadd.f32 v36, v17;
	v15 =	vadd.f32 v18, v58;
	v18 =	vld [tilespmem:s26+$0xD2A0]  }
0x2f0: {  	v19 =	vmul.f32 v28, v37;
	v4 =	vadd.f32 v40, v4;
	v54 =	vld [tilespmem:$0x1FB70];
	v21 =	vadd.f32 v29, v38  }
0x2f1: {  	v12 =	vmul.f32 v12, v63;
	v16 =	vperm.xlane v17, v0;
	v2 =	vadd.f32 v5, v2;
	v55 =	vld [tilespmem:$0x1FB80]  }
0x2f2: {  	v5 =	vperm.xlane v4, v0;
	v53 =	vld [tilespmem:$0x1FB60];
	v15 =	vsel vm0, v21, v15;
	v21 =	vmul.f32 v23, v56  }
0x2f3: {  	v9 =	vadd.f32 v9, v42;
	v13 =	vmul.f32 v13, v59;
	v23 =	vmul.f32 v57, v30  }
0x2f4: {  	v10 =	vmul.f32 v22, v10;
	v12 =	vadd.f32 v12, v21;
	v14 =	vmul.f32 v14, v18  }
0x2f5: {  	v4 =	vperm.xlane v4, v1;
	v39 =	vmul.f32 v49, v50;
	v13 =	vadd.f32 v23, v13  }
0x2f6: {  	v32 =	vmul.f32 v54, v55;
	v3 =	vadd.f32 v3, v12;
	v10 =	vadd.f32 v14, v10  }
0x2f7: {  	v25 =	vmul.f32 v53, v25;
	v11 =	vperm.xlane v15, v0;
	v6 =	vadd.f32 v6, v13  }
0x2f8: {  	v12 =	vperm.xlane v17, v1;
	v3 =	vadd.f32 v39, v3;
	v10 =	vadd.f32 v19, v10  }
0x2f9: {  	v13 =	vperm.xlane v2, v0;
	v2 =	vperm.xlane v2, v1;
	v6 =	vadd.f32 v32, v6  }
0x2fa: {  	v14 =	vperm.xlane v3, v0;
	v3 =	vperm.xlane v3, v1;
	v10 =	vadd.f32 v25, v10  }
0x2fb: {  	v4 =	vadd.f32 v4, v5;
	v17 =	vperm.xlane v6, v0;
	v6 =	vperm.xlane v6, v1  }
0x2fc: {  	v12 =	vadd.f32 v12, v16;
	v16 =	vperm.xlane v10, v0;
	v10 =	vperm.xlane v10, v1  }
0x2fd: {  	v5 =	vperm.xlane v15, v1;
	v2 =	vadd.f32 v2, v13;
	v3 =	vadd.f32 v3, v14  }
0x2fe: {  	v4 =	vsel vm0, v4, v12;
	v6 =	vadd.f32 v6, v17;
	v10 =	vadd.f32 v10, v16  }
0x2ff: {  	v2 =	vsel vm0, v3, v2;
	v3 =	vperm.xlane v4, v0;
	v4 =	vperm.xlane v4, v1  }
0x300: {  	v6 =	vsel vm0, v10, v6;
	v10 =	vperm.xlane v2, v0;
	v2 =	vperm.xlane v2, v1  }
0x301: {  	v7 =	vsel vm0, v7, v9;
	v12 =	vperm.xlane v6, v0;
	v6 =	vperm.xlane v6, v1  }
0x302: {  	v3 =	vadd.f32 v4, v3;
	v4 =	vadd.f32 v5, v11;
	v5 =	vperm.xlane v8, v0  }
0x303: {  	v8 =	vperm.xlane v8, v1;
	v2 =	vadd.f32 v2, v10;
	v6 =	vadd.f32 v6, v12  }
0x304: {  	v3 =	vsel vm0, v3, v4;
	v4 =	vperm.xlane v7, v0;
	v7 =	vperm.xlane v7, v1  }
0x305: {  	v2 =	vsel vm0, v6, v2;
	v6 =	vperm.xlane v3, v0;
	v3 =	vperm.xlane v3, v1  }
0x306: {  	v9 =	vperm.xlane v2, v0;
	v2 =	vperm.xlane v2, v1  }
0x307: {  	v5 =	vadd.f32 v8, v5;
	v4 =	vadd.f32 v7, v4  }
0x308: {  	v3 =	vadd.f32 v3, v6;
	v2 =	vadd.f32 v2, v9  }
0x309: {  	v4 =	vsel vm0, v5, v4  }
0x30a: {  	v2 =	vsel vm0, v2, v3;
	v3 =	vperm.xlane v4, v0;
	v4 =	vperm.xlane v4, v1  }
0x30b: {  	v5 =	vperm.xlane v2, v0;
	v2 =	vperm.xlane v2, v1;
	_ =	sdelay $0x1  }
0x30c: {  	v3 =	vadd.f32 v4, v3;
	v2 =	vadd.f32 v2, v5;
	_ =	sdelay $0x1  }
0x30d: {  	s24 =	simm.s32 $0x1DFE0;
	v2 =	vsel vm0, v2, v3  }
0x30e: {  	s26 =	simm.s32 $0x7F0;
	[tilespmem:s24+$0x0] =	vst v2  }
0x30f: {  	v29 =	vld [tilespmem:s26+$0xD4C0]  }
0x310: {  	v23 =	vld [tilespmem:s26+$0x184C0]  }
0x311: {  	v22 =	vld [tilespmem:s26+$0xD500]  }
0x312: {  	v21 =	vld [tilespmem:s26+$0x18500]  }
0x313: {  	v28 =	vld [tilespmem:s26+$0xD540]  }
0x314: {  	v20 =	vld [tilespmem:s26+$0x18540]  }
0x315: {  	v19 =	vld [tilespmem:s26+$0xD580]  }
0x316: {  	v24 =	vld [tilespmem:s26+$0x18580]  }
0x317: {  	v25 =	vld [tilespmem:s26+$0xD5C0]  }
0x318: {  	v26 =	vld [tilespmem:s26+$0x185C0]  }
0x319: {  	v33 =	vld [tilespmem:s26+$0xD600]  }
0x31a: {  	v34 =	vld [tilespmem:s26+$0x18600]  }
0x31b: {  	v2 =	vld [tilespmem:s26+$0xD640]  }
0x31c: {  	v31 =	vld [tilespmem:s26+$0x18640]  }
0x31d: {  	v27 =	vld [tilespmem:s26+$0xD4B0]  }
0x31e: {  	v30 =	vld [tilespmem:s26+$0x18480]  }
0x31f: {  	v32 =	vld [tilespmem:s26+$0x184B0]  }
0x320: {  	v35 =	vld [tilespmem:s26+$0xD4F0]  }
0x321: {  	v36 =	vld [tilespmem:s26+$0x184F0]  }
0x322: {  	v37 =	vld [tilespmem:s26+$0xD530]  }
0x323: {  	[tilespmem:$0x1FBD0] =	vst v30;
	v30 =	vld [tilespmem:s26+$0xD480]  }
0x324: {  	v38 =	vld [tilespmem:s26+$0x18530]  }
0x325: {  	v39 =	vld [tilespmem:s26+$0xD570]  }
0x326: {  	v40 =	vld [tilespmem:s26+$0x18570]  }
0x327: {  	v41 =	vld [tilespmem:s26+$0xD5B0]  }
0x328: {  	[tilespmem:$0x1FBE0] =	vst v30;
	v30 =	vld [tilespmem:s26+$0x18440]  }
0x329: {  	v42 =	vld [tilespmem:s26+$0x185B0]  }
0x32a: {  	v43 =	vld [tilespmem:s26+$0xD5F0]  }
0x32b: {  	v44 =	vld [tilespmem:s26+$0x185F0]  }
0x32c: {  	v45 =	vld [tilespmem:s26+$0xD630]  }
0x32d: {  	[tilespmem:$0x1FC10] =	vst v30;
	v30 =	vld [tilespmem:s26+$0xD440]  }
0x32e: {  	v46 =	vld [tilespmem:s26+$0x18630]  }
0x32f: {  	v47 =	vld [tilespmem:s26+$0xD670]  }
0x330: {  	v48 =	vld [tilespmem:s26+$0x18670]  }
0x331: {  	v49 =	vld [tilespmem:s26+$0xD490]  }
0x332: {  	[tilespmem:$0x1FC20] =	vst v30;
	v30 =	vld [tilespmem:s26+$0x18400]  }
0x333: {  	v50 =	vld [tilespmem:s26+$0x18490]  }
0x334: {  	v51 =	vld [tilespmem:s26+$0xD4A0]  }
0x335: {  	v52 =	vld [tilespmem:s26+$0x184A0]  }
0x336: {  	v53 =	vld [tilespmem:s26+$0xD4D0]  }
0x337: {  	[tilespmem:$0x1FBF0] =	vst v30;
	v30 =	vld [tilespmem:s26+$0xD400]  }
0x338: {  	v54 =	vld [tilespmem:s26+$0x184D0]  }
0x339: {  	v55 =	vld [tilespmem:s26+$0xD4E0]  }
0x33a: {  	v56 =	vld [tilespmem:s26+$0x184E0]  }
0x33b: {  	v57 =	vld [tilespmem:s26+$0xD510]  }
0x33c: {  	[tilespmem:$0x1FC00] =	vst v30;
	v30 =	vld [tilespmem:s26+$0x183C0]  }
0x33d: {  	v58 =	vld [tilespmem:s26+$0x18510]  }
0x33e: {  	v59 =	vld [tilespmem:s26+$0xD520]  }
0x33f: {  	v60 =	vld [tilespmem:s26+$0x18520]  }
0x340: {  	v61 =	vld [tilespmem:s26+$0xD550]  }
0x341: {  	[tilespmem:$0x1FC50] =	vst v30;
	v30 =	vld [tilespmem:s26+$0xD3C0]  }
0x342: {  	v62 =	vld [tilespmem:s26+$0x18550]  }
0x343: {  	v63 =	vld [tilespmem:s26+$0xD560]  }
0x344: {  	v13 =	vld [tilespmem:s26+$0x18560]  }
0x345: {  	v16 =	vld [tilespmem:s26+$0xD590]  }
0x346: {  	[tilespmem:$0x1FC60] =	vst v30;
	v30 =	vld [tilespmem:s26+$0xD380]  }
0x347: {  	v11 =	vld [tilespmem:s26+$0x18590]  }
0x348: {  	v12 =	vld [tilespmem:s26+$0xD5A0]  }
0x349: {  	v9 =	vld [tilespmem:s26+$0x185A0]  }
0x34a: {  	v15 =	vld [tilespmem:s26+$0xD5D0]  }
0x34b: {  	[tilespmem:$0x1FCB0] =	vst v30;
	v30 =	vld [tilespmem:s26+$0x18340]  }
0x34c: {  	v7 =	vld [tilespmem:s26+$0x185D0]  }
0x34d: {  	v8 =	vld [tilespmem:s26+$0xD5E0]  }
0x34e: {  	v5 =	vld [tilespmem:s26+$0x185E0]  }
0x34f: {  	v6 =	vld [tilespmem:s26+$0xD610]  }
0x350: {  	[tilespmem:$0x1FC30] =	vst v30;
	v30 =	vld [tilespmem:s26+$0xD340]  }
0x351: {  	v3 =	vld [tilespmem:s26+$0x18610]  }
0x352: {  	[tilespmem:$0x1FBA0] =	vst v2;
	v2 =	vld [tilespmem:s26+$0xD680]  }
0x353: {  	v4 =	vld [tilespmem:s26+$0xD620]  }
0x354: {  	v14 =	vld [tilespmem:s26+$0xD650]  }
0x355: {  	[tilespmem:$0x1FC40] =	vst v30;
	v30 =	vld [tilespmem:s26+$0x18300]  }
0x356: {  	v10 =	vld [tilespmem:s26+$0x18650]  }
0x357: {  	v23 =	vmul.f32 v23, v29;
	v21 =	vmul.f32 v21, v22;
	[tilespmem:$0x1FBB0] =	vst v2;
	v2 =	vld [tilespmem:s26+$0x18680]  }
0x358: {  	v18 =	vld [tilespmem:s26+$0xD660];
	v20 =	vmul.f32 v20, v28;
	v19 =	vmul.f32 v24, v19  }
0x359: {  	v17 =	vld [tilespmem:s26+$0x18660];
	v29 =	vmul.f32 v26, v25;
	v24 =	vmul.f32 v32, v27  }
0x35a: {  	v35 =	vmul.f32 v36, v35;
	v37 =	vmul.f32 v38, v37;
	[tilespmem:$0x1FC90] =	vst v30;
	v30 =	vld [tilespmem:s26+$0xD300]  }
0x35b: {  	v22 =	vld [tilespmem:s26+$0x18470];
	v27 =	vmul.f32 v50, v49;
	v50 =	vmul.f32 v52, v51  }
0x35c: {  	v51 =	vmul.f32 v54, v53;
	v52 =	vmul.f32 v56, v55;
	[tilespmem:$0x1FBC0] =	vst v2;
	v2 =	vld [tilespmem:s26+$0x18620]  }
0x35d: {  	v28 =	vld [tilespmem:s26+$0xD470];
	v53 =	vmul.f32 v58, v57;
	v60 =	vmul.f32 v60, v59  }
0x35e: {  	v25 =	vld [tilespmem:s26+$0x18430];
	v62 =	vmul.f32 v62, v61;
	v63 =	vmul.f32 v13, v63  }
0x35f: {  	v9 =	vmul.f32 v9, v12;
	v7 =	vmul.f32 v7, v15;
	[tilespmem:$0x1FCA0] =	vst v30;
	v30 =	vld [tilespmem:s26+$0x182C0]  }
0x360: {  	v38 =	vld [tilespmem:s26+$0xD430];
	v5 =	vmul.f32 v5, v8;
	v3 =	vmul.f32 v3, v6  }
0x361: {  	v36 =	vld [tilespmem:s26+$0x183F0];
	v10 =	vmul.f32 v10, v14;
	v6 =	vadd.f32 v50, v27;
	v4 =	vmul.f32 v2, v4  }
0x362: {  	v26 =	vld [tilespmem:s26+$0xD3F0];
	v17 =	vmul.f32 v17, v18;
	v8 =	vadd.f32 v52, v51;
	v12 =	vadd.f32 v60, v53  }
0x363: {  	v11 =	vmul.f32 v11, v16;
	v15 =	vadd.f32 v63, v62;
	v60 =	vadd.f32 v4, v3;
	v4 =	vld [tilespmem:$0x1FBA0]  }
0x364: {  	v7 =	vadd.f32 v5, v7;
	v10 =	vadd.f32 v17, v10;
	v17 =	vmul.f32 v44, v43;
	[tilespmem:$0x1FC70] =	vst v30;
	v30 =	vld [tilespmem:s26+$0xD2C0]  }
0x365: {  	v32 =	vld [tilespmem:s26+$0x183B0];
	v9 =	vadd.f32 v9, v11;
	v6 =	vadd.f32 v24, v6  }
0x366: {  	v11 =	vmul.f32 v42, v41;
	v8 =	vadd.f32 v35, v8;
	v7 =	vadd.f32 v17, v7;
	v17 =	vld [tilespmem:s26+$0x18460]  }
0x367: {  	v18 =	vmul.f32 v40, v39;
	v12 =	vadd.f32 v37, v12;
	v6 =	vadd.f32 v23, v6;
	v23 =	vld [tilespmem:s26+$0xD460]  }
0x368: {  	v9 =	vadd.f32 v11, v9;
	v11 =	vmul.f32 v48, v47;
	v8 =	vadd.f32 v21, v8;
	v21 =	vld [tilespmem:$0x1FBC0]  }
0x369: {  	v15 =	vadd.f32 v18, v15;
	v18 =	vmul.f32 v46, v45;
	[tilespmem:$0x1FC80] =	vst v30;
	v30 =	vmul.f32 v31, v4;
	v4 =	vld [tilespmem:$0x1FBB0]  }
0x36a: {  	v24 =	vmul.f32 v34, v33;
	v10 =	vadd.f32 v11, v10;
	v11 =	vld [tilespmem:s26+$0x18450];
	v12 =	vadd.f32 v20, v12  }
0x36b: {  	v15 =	vadd.f32 v19, v15;
	v20 =	vperm.xlane v6, v0;
	v6 =	vperm.xlane v6, v1;
	v31 =	vld [tilespmem:s26+$0xD450]  }
0x36c: {  	v57 =	vld [tilespmem:s26+$0xD3B0];
	v9 =	vadd.f32 v29, v9;
	v19 =	vperm.xlane v8, v0;
	v8 =	vperm.xlane v8, v1  }
0x36d: {  	v49 =	vld [tilespmem:s26+$0x18380];
	v29 =	vperm.xlane v12, v0;
	v12 =	vperm.xlane v12, v1;
	v18 =	vadd.f32 v18, v60  }
0x36e: {  	v13 =	vld [tilespmem:s26+$0x18370];
	v7 =	vadd.f32 v24, v7;
	v24 =	vperm.xlane v15, v0;
	v21 =	vmul.f32 v21, v4  }
0x36f: {  	v16 =	vld [tilespmem:s26+$0xD370];
	v15 =	vperm.xlane v15, v1;
	v6 =	vadd.f32 v6, v20;
	v18 =	vadd.f32 v30, v18  }
0x370: {  	v14 =	vld [tilespmem:s26+$0x18330];
	v17 =	vmul.f32 v17, v23;
	v11 =	vmul.f32 v11, v31;
	v10 =	vadd.f32 v21, v10  }
0x371: {  	v8 =	vadd.f32 v8, v19;
	v52 =	vperm.xlane v18, v0;
	v18 =	vperm.xlane v18, v1;
	v4 =	vld [tilespmem:$0x1FBD0]  }
0x372: {  	v20 =	vadd.f32 v17, v11;
	v11 =	vld [tilespmem:$0x1FBE0];
	v19 =	vperm.xlane v10, v0;
	v10 =	vperm.xlane v10, v1  }
0x373: {  	v61 =	vld [tilespmem:s26+$0x18420];
	v12 =	vadd.f32 v12, v29;
	v15 =	vadd.f32 v15, v24  }
0x374: {  	v54 =	vld [tilespmem:s26+$0x183D0];
	v6 =	vsel vm0, v6, v8;
	v8 =	vadd.f32 v18, v52;
	v10 =	vadd.f32 v10, v19  }
0x375: {  	v55 =	vld [tilespmem:s26+$0x183A0];
	v12 =	vsel vm0, v12, v15;
	v21 =	vperm.xlane v7, v0;
	v7 =	vperm.xlane v7, v1  }
0x376: {  	v56 =	vld [tilespmem:s26+$0xD3A0];
	v8 =	vsel vm0, v8, v10;
	v10 =	vperm.xlane v12, v0;
	v12 =	vperm.xlane v12, v1  }
0x377: {  	v19 =	vmul.f32 v22, v28;
	v22 =	vmul.f32 v4, v11;
	v4 =	vld [tilespmem:$0x1FBF0]  }
0x378: {  	v7 =	vadd.f32 v7, v21;
	v21 =	vmul.f32 v25, v38;
	v25 =	vadd.f32 v12, v10;
	v10 =	vld [tilespmem:$0x1FC00]  }
0x379: {  	v58 =	vld [tilespmem:s26+$0x18390]  }
0x37a: {  	v59 =	vld [tilespmem:s26+$0xD390]  }
0x37b: {  	v27 =	vld [tilespmem:s26+$0xD330]  }
0x37c: {  	v50 =	vld [tilespmem:s26+$0x182B0]  }
0x37d: {  	v17 =	vmul.f32 v4, v10;
	v4 =	vld [tilespmem:$0x1FC10]  }
0x37e: {  	v10 =	vld [tilespmem:$0x1FC20]  }
0x37f: {  	v5 =	vld [tilespmem:s26+$0xD2B0]  }
0x380: {  	v62 =	vld [tilespmem:s26+$0xD420]  }
0x381: {  	v63 =	vld [tilespmem:s26+$0x18410]  }
0x382: {  	v51 =	vld [tilespmem:s26+$0x183E0]  }
0x383: {  	v23 =	vmul.f32 v4, v10;
	v4 =	vld [tilespmem:$0x1FC30]  }
0x384: {  	v10 =	vld [tilespmem:$0x1FC40]  }
0x385: {  	v53 =	vld [tilespmem:s26+$0xD3E0]  }
0x386: {  	v48 =	vld [tilespmem:s26+$0xD410]  }
0x387: {  	v33 =	vld [tilespmem:s26+$0xD360]  }
0x388: {  	v34 =	vld [tilespmem:s26+$0x18350]  }
0x389: {  	v11 =	vmul.f32 v4, v10;
	v4 =	vld [tilespmem:$0x1FC50]  }
0x38a: {  	v10 =	vld [tilespmem:$0x1FC60]  }
0x38b: {  	v35 =	vld [tilespmem:s26+$0xD350]  }
0x38c: {  	v37 =	vld [tilespmem:s26+$0x18320];
	v13 =	vmul.f32 v13, v16  }
0x38d: {  	v16 =	vld [tilespmem:s26+$0x18290];
	v15 =	vperm.xlane v6, v0;
	v6 =	vperm.xlane v6, v1  }
0x38e: {  	v24 =	vld [tilespmem:s26+$0xD3D0]  }
0x38f: {  	v6 =	vadd.f32 v6, v15;
	v15 =	vmul.f32 v4, v10;
	v4 =	vld [tilespmem:$0x1FC70]  }
0x390: {  	v29 =	vmul.f32 v36, v26;
	v10 =	vld [tilespmem:$0x1FC80]  }
0x391: {  	v36 =	vld [tilespmem:s26+$0x182A0];
	v30 =	vperm.xlane v9, v0;
	v9 =	vperm.xlane v9, v1  }
0x392: {  	v2 =	vld [tilespmem:s26+$0x182F0]  }
0x393: {  	v3 =	vld [tilespmem:s26+$0xD2F0];
	v9 =	vadd.f32 v9, v30  }
0x394: {  	v43 =	vmul.f32 v55, v56;
	v18 =	vmul.f32 v61, v62;
	v12 =	vld [tilespmem:$0x1FCA0]  }
0x395: {  	v7 =	vsel vm0, v9, v7;
	v9 =	vmul.f32 v63, v48;
	v10 =	vmul.f32 v4, v10;
	v4 =	vld [tilespmem:$0x1FC90]  }
0x396: {  	v39 =	vmul.f32 v51, v53;
	v14 =	vmul.f32 v14, v27;
	v30 =	vld [tilespmem:s26+$0x18360]  }
0x397: {  	v24 =	vmul.f32 v54, v24;
	v38 =	vld [tilespmem:s26+$0xD320];
	v9 =	vadd.f32 v18, v9;
	v19 =	vadd.f32 v19, v20  }
0x398: {  	v28 =	vperm.xlane v7, v0;
	v7 =	vperm.xlane v7, v1;
	v18 =	vld [tilespmem:s26+$0x18310]  }
0x399: {  	v20 =	vld [tilespmem:s26+$0xD310];
	v60 =	vperm.xlane v8, v0;
	v9 =	vadd.f32 v21, v9;
	v31 =	vadd.f32 v22, v19  }
0x39a: {  	v8 =	vperm.xlane v8, v1;
	v7 =	vadd.f32 v7, v28;
	v12 =	vmul.f32 v4, v12;
	v4 =	vld [tilespmem:$0x1FCB0]  }
0x39b: {  	v19 =	vld [tilespmem:s26+$0x182E0];
	v28 =	vperm.xlane v31, v0;
	v61 =	vperm.xlane v31, v1;
	v26 =	vadd.f32 v23, v9  }
0x39c: {  	v21 =	vld [tilespmem:s26+$0xD2E0];
	v9 =	vadd.f32 v8, v60;
	v8 =	vsel vm0, v6, v25;
	v25 =	vmul.f32 v58, v59  }
0x39d: {  	v31 =	vld [tilespmem:s26+$0xD2D0];
	v62 =	vperm.xlane v26, v0;
	v63 =	vperm.xlane v26, v1  }
0x39e: {  	v22 =	vmul.f32 v32, v57;
	v40 =	vadd.f32 v61, v28;
	v23 =	vld [tilespmem:s26+$0x182D0];
	v26 =	vadd.f32 v39, v24  }
0x39f: {  	s17 =	simm.s32 $0x2FC0;
	v39 =	vld [tilespmem:s26+$0xD2A0];
	v24 =	vadd.f32 v43, v25;
	v41 =	vadd.f32 v63, v62;
	v6 =	vmul.f32 v49, v4  }
.LBB2_5:
0x3a0: {  	v25 =	vld [tilespmem:s26+$0xD290];
	_ =	sdelay $0x1  }
0x3a1: {  	v2 =	vmul.f32 v2, v3  }
0x3a2: {  	v4 =	vmul.f32 v50, v5;
	v5 =	vadd.f32 v22, v24;
	v24 =	vmul.f32 v34, v35  }
0x3a3: {  	v3 =	vadd.f32 v29, v26;
	v27 =	vmul.f32 v30, v33;
	v19 =	vmul.f32 v19, v21  }
0x3a4: {  	v26 =	vsel vm0, v41, v40;
	v21 =	vmul.f32 v36, v39;
	v16 =	vmul.f32 v16, v25  }
0x3a5: {  	v3 =	vadd.f32 v17, v3;
	v17 =	vmul.f32 v18, v20;
	v18 =	vmul.f32 v37, v38  }
0x3a6: {  	v5 =	vadd.f32 v15, v5;
	v15 =	vmul.f32 v23, v31;
	v20 =	vadd.f32 v27, v24  }
0x3a7: {  	v22 =	vperm.xlane v26, v0;
	v16 =	vadd.f32 v21, v16;
	v17 =	vadd.f32 v18, v17  }
0x3a8: {  	v15 =	vadd.f32 v19, v15;
	v13 =	vadd.f32 v13, v20;
	v18 =	vperm.xlane v3, v0  }
0x3a9: {  	v3 =	vperm.xlane v3, v1;
	v4 =	vadd.f32 v4, v16;
	v14 =	vadd.f32 v14, v17  }
0x3aa: {  	v2 =	vadd.f32 v2, v15;
	v6 =	vadd.f32 v6, v13;
	v13 =	vperm.xlane v5, v0  }
0x3ab: {  	v5 =	vperm.xlane v5, v1;
	v4 =	vadd.f32 v10, v4;
	v11 =	vadd.f32 v11, v14  }
0x3ac: {  	v2 =	vadd.f32 v12, v2;
	v12 =	vperm.xlane v6, v0;
	v6 =	vperm.xlane v6, v1  }
0x3ad: {  	v3 =	vadd.f32 v3, v18;
	v15 =	vperm.xlane v4, v0;
	v4 =	vperm.xlane v4, v1  }
0x3ae: {  	v5 =	vadd.f32 v5, v13;
	v10 =	vperm.xlane v11, v0;
	v11 =	vperm.xlane v11, v1  }
0x3af: {  	v14 =	vperm.xlane v2, v0;
	v2 =	vperm.xlane v2, v1  }
0x3b0: {  	v6 =	vadd.f32 v6, v12;
	v3 =	vsel vm0, v5, v3;
	v10 =	vadd.f32 v11, v10  }
0x3b1: {  	v4 =	vadd.f32 v4, v15;
	v11 =	vperm.xlane v26, v1;
	v2 =	vadd.f32 v2, v14  }
0x3b2: {  	v5 =	vsel vm0, v10, v6;
	v6 =	vperm.xlane v3, v0;
	v3 =	vperm.xlane v3, v1  }
0x3b3: {  	v2 =	vsel vm0, v4, v2;
	v4 =	vperm.xlane v5, v0;
	v5 =	vperm.xlane v5, v1  }
0x3b4: {  	v7 =	vsel vm0, v7, v9;
	v10 =	vperm.xlane v2, v0;
	v2 =	vperm.xlane v2, v1  }
0x3b5: {  	v9 =	vperm.xlane v8, v0;
	v3 =	vadd.f32 v3, v6;
	v6 =	vadd.f32 v11, v22  }
0x3b6: {  	v2 =	vadd.f32 v2, v10;
	v4 =	vadd.f32 v5, v4;
	v5 =	vperm.xlane v8, v1  }
0x3b7: {  	v3 =	vsel vm0, v3, v6;
	v6 =	vperm.xlane v7, v0;
	v7 =	vperm.xlane v7, v1  }
0x3b8: {  	v2 =	vsel vm0, v2, v4;
	v4 =	vperm.xlane v3, v0;
	v3 =	vperm.xlane v3, v1  }
0x3b9: {  	v8 =	vperm.xlane v2, v0;
	v2 =	vperm.xlane v2, v1  }
0x3ba: {  	v5 =	vadd.f32 v5, v9;
	v6 =	vadd.f32 v7, v6  }
0x3bb: {  	v3 =	vadd.f32 v3, v4;
	v2 =	vadd.f32 v2, v8  }
0x3bc: {  	v4 =	vsel vm0, v5, v6  }
0x3bd: {  	v2 =	vsel vm0, v2, v3;
	v3 =	vperm.xlane v4, v0;
	v4 =	vperm.xlane v4, v1  }
0x3be: {  	v5 =	vperm.xlane v2, v0;
	v2 =	vperm.xlane v2, v1;
	_ =	sdelay $0x1  }
0x3bf: {  	v3 =	vadd.f32 v4, v3;
	v2 =	vadd.f32 v2, v5;
	_ =	sdelay $0x1  }
0x3c0: {  	s24 =	sadd.s32 $0x10, s24;
	v2 =	vsel vm0, v2, v3  }
0x3c1: {  	s26 =	sshra.s32 s17, $0x2;
	[tilespmem:s24+$0x0] =	vst v2  }
0x3c2: {  	v24 =	vld [tilespmem:s26+$0xD4C0]  }
0x3c3: {  	v42 =	vld [tilespmem:s26+$0x184C0]  }
0x3c4: {  	v37 =	vld [tilespmem:s26+$0xD500]  }
0x3c5: {  	v27 =	vld [tilespmem:s26+$0x18500]  }
0x3c6: {  	v28 =	vld [tilespmem:s26+$0xD540]  }
0x3c7: {  	v31 =	vld [tilespmem:s26+$0x18540]  }
0x3c8: {  	v29 =	vld [tilespmem:s26+$0xD580]  }
0x3c9: {  	v32 =	vld [tilespmem:s26+$0x18580]  }
0x3ca: {  	v36 =	vld [tilespmem:s26+$0xD5C0]  }
0x3cb: {  	v41 =	vld [tilespmem:s26+$0x185C0]  }
0x3cc: {  	v40 =	vld [tilespmem:s26+$0xD600]  }
0x3cd: {  	v43 =	vld [tilespmem:s26+$0x18600]  }
0x3ce: {  	v2 =	vld [tilespmem:s26+$0xD640]  }
0x3cf: {  	v44 =	vld [tilespmem:s26+$0xD4B0]  }
0x3d0: {  	v46 =	vld [tilespmem:s26+$0x184B0]  }
0x3d1: {  	v45 =	vld [tilespmem:s26+$0xD4F0]  }
0x3d2: {  	v47 =	vld [tilespmem:s26+$0x184F0]  }
0x3d3: {  	v48 =	vld [tilespmem:s26+$0xD530]  }
0x3d4: {  	v49 =	vld [tilespmem:s26+$0x18530]  }
0x3d5: {  	v19 =	vld [tilespmem:s26+$0xD570]  }
0x3d6: {  	v39 =	vld [tilespmem:s26+$0x18570]  }
0x3d7: {  	v20 =	vld [tilespmem:s26+$0xD5B0]  }
0x3d8: {  	v38 =	vld [tilespmem:s26+$0x185B0]  }
0x3d9: {  	v21 =	vld [tilespmem:s26+$0xD5F0]  }
0x3da: {  	v35 =	vld [tilespmem:s26+$0x185F0]  }
0x3db: {  	v22 =	vld [tilespmem:s26+$0xD630]  }
0x3dc: {  	v34 =	vld [tilespmem:s26+$0x18630]  }
0x3dd: {  	v30 =	vld [tilespmem:s26+$0xD670]  }
0x3de: {  	v4 =	vld [tilespmem:s26+$0x18480]  }
0x3df: {  	v33 =	vld [tilespmem:s26+$0x18670]  }
0x3e0: {  	v50 =	vld [tilespmem:s26+$0xD490]  }
0x3e1: {  	v51 =	vld [tilespmem:s26+$0x18490]  }
0x3e2: {  	v52 =	vld [tilespmem:s26+$0xD4A0]  }
0x3e3: {  	[tilespmem:$0x1F9C0] =	vst v4;
	v4 =	vld [tilespmem:s26+$0xD480]  }
0x3e4: {  	v53 =	vld [tilespmem:s26+$0x184A0]  }
0x3e5: {  	v54 =	vld [tilespmem:s26+$0xD4D0]  }
0x3e6: {  	v55 =	vld [tilespmem:s26+$0x184D0]  }
0x3e7: {  	v56 =	vld [tilespmem:s26+$0xD4E0]  }
0x3e8: {  	[tilespmem:$0x1F9D0] =	vst v4;
	v4 =	vld [tilespmem:s26+$0x18440]  }
0x3e9: {  	v57 =	vld [tilespmem:s26+$0x184E0]  }
0x3ea: {  	v58 =	vld [tilespmem:s26+$0xD510]  }
0x3eb: {  	v59 =	vld [tilespmem:s26+$0x18510]  }
0x3ec: {  	v60 =	vld [tilespmem:s26+$0xD520]  }
0x3ed: {  	[tilespmem:$0x1FA00] =	vst v4;
	v4 =	vld [tilespmem:s26+$0xD440]  }
0x3ee: {  	v61 =	vld [tilespmem:s26+$0x18520]  }
0x3ef: {  	v62 =	vld [tilespmem:s26+$0xD550]  }
0x3f0: {  	v63 =	vld [tilespmem:s26+$0x18550]  }
0x3f1: {  	v18 =	vld [tilespmem:s26+$0xD560]  }
0x3f2: {  	[tilespmem:$0x1FA10] =	vst v4;
	v4 =	vld [tilespmem:s26+$0x18400]  }
0x3f3: {  	v25 =	vld [tilespmem:s26+$0x18560]  }
0x3f4: {  	v26 =	vld [tilespmem:s26+$0xD590]  }
0x3f5: {  	v17 =	vld [tilespmem:s26+$0x18590]  }
0x3f6: {  	v16 =	vld [tilespmem:s26+$0xD5A0]  }
0x3f7: {  	[tilespmem:$0x1F9E0] =	vst v4;
	v4 =	vld [tilespmem:s26+$0xD400]  }
0x3f8: {  	v14 =	vld [tilespmem:s26+$0x185A0]  }
0x3f9: {  	v15 =	vld [tilespmem:s26+$0xD5D0]  }
0x3fa: {  	v13 =	vld [tilespmem:s26+$0x185D0]  }
0x3fb: {  	v12 =	vld [tilespmem:s26+$0xD5E0]  }
0x3fc: {  	[tilespmem:$0x1F9F0] =	vst v4;
	v4 =	vld [tilespmem:s26+$0x183C0]  }
0x3fd: {  	v9 =	vld [tilespmem:s26+$0x185E0]  }
0x3fe: {  	v11 =	vld [tilespmem:s26+$0xD610]  }
0x3ff: {  	v8 =	vld [tilespmem:s26+$0x18610]  }
0x400: {  	v6 =	vld [tilespmem:s26+$0xD620]  }
0x401: {  	[tilespmem:$0x1FA40] =	vst v4;
	v4 =	vld [tilespmem:s26+$0xD3C0]  }
0x402: {  	v7 =	vld [tilespmem:s26+$0xD650]  }
0x403: {  	v3 =	vld [tilespmem:s26+$0x18650]  }
0x404: {  	v10 =	vld [tilespmem:s26+$0xD660]  }
0x405: {  	v5 =	vld [tilespmem:s26+$0x18660]  }
0x406: {  	[tilespmem:$0x1FA50] =	vst v4;
	v4 =	vld [tilespmem:s26+$0xD380]  }
0x407: {  	[tilespmem:$0x1F980] =	vst v2;
	v2 =	vld [tilespmem:s26+$0x18640]  }
0x408: {  	v23 =	vld [tilespmem:s26+$0x182C0]  }
0x409: {  	v27 =	vmul.f32 v27, v37;
	v37 =	vld [tilespmem:s26+$0x18470]  }
0x40a: {  	v46 =	vmul.f32 v46, v44;
	v44 =	vmul.f32 v43, v40;
	v40 =	vld [tilespmem:s26+$0x18430]  }
0x40b: {  	[tilespmem:$0x1FA80] =	vst v4;
	v4 =	vld [tilespmem:s26+$0x18340]  }
0x40c: {  	[tilespmem:$0x1F990] =	vst v2;
	v2 =	vld [tilespmem:s26+$0xD680]  }
0x40d: {  	v43 =	vld [tilespmem:s26+$0xD430]  }
0x40e: {  	v49 =	vmul.f32 v49, v48;
	v48 =	vld [tilespmem:s26+$0x183F0]  }
0x40f: {  	v28 =	vmul.f32 v31, v28;
	v47 =	vmul.f32 v47, v45;
	v45 =	vld [tilespmem:s26+$0xD3F0]  }
0x410: {  	v29 =	vmul.f32 v32, v29;
	v31 =	vmul.f32 v41, v36;
	[tilespmem:$0x1FA20] =	vst v4;
	v4 =	vld [tilespmem:s26+$0xD340]  }
0x411: {  	v32 =	vmul.f32 v51, v50;
	v50 =	vmul.f32 v53, v52;
	[tilespmem:$0x1F9A0] =	vst v2;
	v2 =	vld [tilespmem:s26+$0x18680]  }
0x412: {  	v51 =	vmul.f32 v55, v54;
	v52 =	vmul.f32 v57, v56;
	v36 =	vld [tilespmem:s26+$0x183B0]  }
0x413: {  	v57 =	vmul.f32 v59, v58;
	v58 =	vmul.f32 v61, v60;
	v60 =	vld [tilespmem:s26+$0xD3B0]  }
0x414: {  	v59 =	vmul.f32 v63, v62;
	v17 =	vmul.f32 v17, v26;
	v26 =	vld [tilespmem:s26+$0x18380]  }
0x415: {  	v18 =	vmul.f32 v25, v18;
	v16 =	vmul.f32 v14, v16;
	[tilespmem:$0x1FA30] =	vst v4;
	v4 =	vld [tilespmem:s26+$0x18300]  }
0x416: {  	v15 =	vmul.f32 v13, v15;
	v9 =	vmul.f32 v9, v12;
	[tilespmem:$0x1F9B0] =	vst v2;
	v2 =	vld [tilespmem:s26+$0x18620]  }
0x417: {  	v25 =	vld [tilespmem:s26+$0x18370];
	v8 =	vmul.f32 v8, v11;
	v3 =	vmul.f32 v3, v7  }
0x418: {  	v13 =	vld [tilespmem:s26+$0xD370];
	v5 =	vmul.f32 v5, v10;
	v11 =	vadd.f32 v50, v32;
	v12 =	vadd.f32 v52, v51  }
0x419: {  	v14 =	vld [tilespmem:s26+$0x18330];
	v10 =	vmul.f32 v39, v19;
	v7 =	vadd.f32 v58, v57;
	v18 =	vadd.f32 v18, v59  }
0x41a: {  	v16 =	vadd.f32 v16, v17;
	v9 =	vadd.f32 v9, v15;
	v15 =	vmul.f32 v38, v20;
	[tilespmem:$0x1FA60] =	vst v4;
	v4 =	vld [tilespmem:s26+$0xD300]  }
0x41b: {  	v61 =	vld [tilespmem:s26+$0xD410];
	v11 =	vadd.f32 v46, v11;
	v12 =	vadd.f32 v47, v12;
	v6 =	vmul.f32 v2, v6  }
0x41c: {  	v39 =	vld [tilespmem:s26+$0x183E0];
	v17 =	vmul.f32 v35, v21;
	v7 =	vadd.f32 v49, v7;
	v15 =	vadd.f32 v15, v16  }
0x41d: {  	v63 =	vld [tilespmem:s26+$0x183D0];
	v16 =	vmul.f32 v33, v30;
	v6 =	vadd.f32 v6, v8;
	v8 =	vadd.f32 v5, v3  }
0x41e: {  	v10 =	vadd.f32 v10, v18;
	v18 =	vmul.f32 v34, v22;
	v9 =	vadd.f32 v17, v9;
	v19 =	vld [tilespmem:$0x1F9B0]  }
0x41f: {  	v12 =	vadd.f32 v27, v12;
	v8 =	vadd.f32 v16, v8;
	v16 =	vld [tilespmem:$0x1F9A0];
	[tilespmem:$0x1FA70] =	vst v4;
	v4 =	vmul.f32 v42, v24  }
0x420: {  	v7 =	vadd.f32 v28, v7;
	v6 =	vadd.f32 v18, v6;
	v18 =	vld [tilespmem:$0x1F990]  }
0x421: {  	v10 =	vadd.f32 v29, v10;
	v22 =	vperm.xlane v12, v0;
	v4 =	vadd.f32 v4, v11;
	v11 =	vld [tilespmem:$0x1F980]  }
0x422: {  	v56 =	vld [tilespmem:s26+$0xD3A0];
	v15 =	vadd.f32 v31, v15;
	v12 =	vperm.xlane v12, v1;
	v28 =	vperm.xlane v7, v0  }
0x423: {  	v21 =	vld [tilespmem:s26+$0xD450];
	v9 =	vadd.f32 v44, v9;
	v7 =	vperm.xlane v7, v1;
	v30 =	vperm.xlane v10, v0  }
0x424: {  	v17 =	vld [tilespmem:s26+$0x18460];
	v10 =	vperm.xlane v10, v1;
	v12 =	vadd.f32 v12, v22;
	v16 =	vmul.f32 v19, v16  }
0x425: {  	v7 =	vadd.f32 v7, v28;
	v19 =	vld [tilespmem:s26+$0x18450];
	v20 =	vperm.xlane v4, v0;
	v4 =	vperm.xlane v4, v1  }
0x426: {  	v10 =	vadd.f32 v10, v30;
	v8 =	vadd.f32 v16, v8;
	v11 =	vmul.f32 v18, v11;
	v18 =	vld [tilespmem:s26+$0xD460]  }
0x427: {  	v32 =	vld [tilespmem:s26+$0xD330];
	v16 =	vperm.xlane v9, v0;
	v9 =	vperm.xlane v9, v1;
	v4 =	vadd.f32 v4, v20  }
0x428: {  	v27 =	vld [tilespmem:s26+$0x18420];
	v6 =	vadd.f32 v11, v6;
	v11 =	vperm.xlane v15, v0;
	v15 =	vperm.xlane v15, v1  }
0x429: {  	v29 =	vld [tilespmem:s26+$0xD420];
	v7 =	vsel vm0, v7, v10;
	v9 =	vadd.f32 v9, v16;
	v4 =	vsel vm0, v4, v12  }
0x42a: {  	v50 =	vld [tilespmem:s26+$0x182B0];
	v12 =	vmul.f32 v19, v21;
	v10 =	vperm.xlane v4, v0;
	v11 =	vadd.f32 v15, v11  }
0x42b: {  	v57 =	vld [tilespmem:s26+$0x18390];
	v4 =	vperm.xlane v4, v1;
	v15 =	vmul.f32 v17, v18  }
0x42c: {  	v58 =	vld [tilespmem:s26+$0xD390];
	v9 =	vsel vm0, v11, v9;
	v11 =	vperm.xlane v7, v0;
	v7 =	vperm.xlane v7, v1  }
0x42d: {  	v4 =	vadd.f32 v4, v10;
	v10 =	vadd.f32 v15, v12;
	v15 =	vld [tilespmem:$0x1F9D0]  }
0x42e: {  	v18 =	vmul.f32 v27, v29;
	v27 =	vadd.f32 v7, v11;
	v11 =	vld [tilespmem:$0x1F9C0]  }
0x42f: {  	v35 =	vld [tilespmem:s26+$0xD350]  }
0x430: {  	v38 =	vld [tilespmem:s26+$0xD320]  }
0x431: {  	v33 =	vld [tilespmem:s26+$0xD360]  }
0x432: {  	v31 =	vld [tilespmem:s26+$0x18410]  }
0x433: {  	v21 =	vmul.f32 v11, v15;
	v11 =	vld [tilespmem:$0x1F9E0]  }
0x434: {  	v15 =	vld [tilespmem:$0x1F9F0]  }
0x435: {  	v44 =	vld [tilespmem:s26+$0xD3E0]  }
0x436: {  	v28 =	vld [tilespmem:s26+$0xD3D0]  }
0x437: {  	v42 =	vld [tilespmem:s26+$0xD470];
	v17 =	vmul.f32 v31, v61  }
0x438: {  	v34 =	vld [tilespmem:s26+$0x18350]  }
0x439: {  	v7 =	vadd.f32 v18, v17;
	v17 =	vmul.f32 v11, v15;
	v11 =	vld [tilespmem:$0x1FA00]  }
0x43a: {  	v15 =	vld [tilespmem:$0x1FA10]  }
0x43b: {  	v30 =	vld [tilespmem:s26+$0x18360];
	v28 =	vmul.f32 v63, v28  }
0x43c: {  	v63 =	vmul.f32 v39, v44;
	v39 =	vld [tilespmem:s26+$0xD2A0];
	v12 =	vmul.f32 v37, v42  }
0x43d: {  	v2 =	vld [tilespmem:s26+$0x182F0]  }
0x43e: {  	v22 =	vadd.f32 v12, v10;
	v10 =	vld [tilespmem:$0x1FA20]  }
0x43f: {  	v31 =	vmul.f32 v11, v15;
	v11 =	vld [tilespmem:$0x1FA30]  }
0x440: {  	v3 =	vld [tilespmem:s26+$0xD2F0]  }
0x441: {  	v5 =	vld [tilespmem:s26+$0xD2B0]  }
0x442: {  	v16 =	vld [tilespmem:s26+$0x183A0];
	v20 =	vperm.xlane v8, v0;
	v8 =	vperm.xlane v8, v1  }
0x443: {  	v62 =	vperm.xlane v6, v0;
	v6 =	vperm.xlane v6, v1;
	v12 =	vld [tilespmem:$0x1FA50]  }
0x444: {  	v11 =	vmul.f32 v10, v11;
	v10 =	vld [tilespmem:$0x1FA40]  }
0x445: {  	v24 =	vld [tilespmem:s26+$0xD2C0];
	v8 =	vadd.f32 v8, v20;
	v6 =	vadd.f32 v6, v62  }
0x446: {  	v19 =	vmul.f32 v40, v43;
	v20 =	vld [tilespmem:s26+$0xD310]  }
0x447: {  	v37 =	vld [tilespmem:s26+$0x18320];
	v6 =	vsel vm0, v6, v8;
	v8 =	vperm.xlane v9, v0  }
0x448: {  	v9 =	vperm.xlane v9, v1;
	v18 =	vld [tilespmem:s26+$0x18310];
	v59 =	vperm.xlane v6, v0;
	v7 =	vadd.f32 v19, v7  }
0x449: {  	v6 =	vperm.xlane v6, v1;
	v19 =	vld [tilespmem:$0x1FA70];
	v15 =	vmul.f32 v10, v12  }
0x44a: {  	v10 =	vmul.f32 v23, v24;
	v12 =	vld [tilespmem:$0x1FA60];
	v23 =	vadd.f32 v21, v22;
	v24 =	vadd.f32 v31, v7  }
0x44b: {  	v22 =	vmul.f32 v36, v60;
	v21 =	vld [tilespmem:s26+$0xD2E0];
	v7 =	vadd.f32 v9, v8;
	v9 =	vadd.f32 v6, v59  }
0x44c: {  	p0 =	sne.s32 s17, $0x15FC0;
	v8 =	vsel vm0, v4, v27;
	v4 =	vmul.f32 v57, v58;
	v27 =	vmul.f32 v16, v56;
	v6 =	vld [tilespmem:$0x1FA80]  }
.Ltmp3:
0x44d: {  	v31 =	vld [tilespmem:s26+$0xD2D0];
	v60 =	vperm.xlane v23, v0;
	v61 =	vperm.xlane v23, v1;
	(pc) =	sbr.rel @p0 .LBB2_5-.Ltmp3, $4  }
0x44e: {  	v36 =	vld [tilespmem:s26+$0x182A0];
	v62 =	vperm.xlane v24, v0;
	v24 =	vperm.xlane v24, v1  }
0x44f: {  	v13 =	vmul.f32 v25, v13;
	v14 =	vmul.f32 v14, v32;
	v16 =	vld [tilespmem:s26+$0x18290];
	v40 =	vadd.f32 v61, v60  }
0x450: {  	v29 =	vmul.f32 v48, v45;
	v23 =	vld [tilespmem:s26+$0x182D0];
	v41 =	vadd.f32 v24, v62;
	v24 =	vadd.f32 v27, v4  }
0x451: {  	s17 =	sadd.s32 $0x1000, s17;
	v12 =	vmul.f32 v12, v19;
	v19 =	vld [tilespmem:s26+$0x182E0];
	v6 =	vmul.f32 v26, v6;
	v26 =	vadd.f32 v63, v28  }
0x452: {  	v4 =	vld [tilespmem:s26+$0xD290];
	v2 =	vmul.f32 v2, v3;
	v25 =	vsel vm0, v41, v40;
	v5 =	vmul.f32 v50, v5  }
0x453: {  	v22 =	vadd.f32 v22, v24;
	v34 =	vmul.f32 v34, v35;
	v27 =	vmul.f32 v30, v33  }
0x454: {  	v35 =	vmul.f32 v18, v20;
	v38 =	vmul.f32 v37, v38;
	v3 =	vadd.f32 v29, v26  }
0x455: {  	v32 =	vperm.xlane v25, v0;
	v42 =	vmul.f32 v36, v39;
	v15 =	vadd.f32 v15, v22  }
0x456: {  	v41 =	vadd.f32 v27, v34;
	v40 =	vmul.f32 v23, v31;
	v19 =	vmul.f32 v19, v21  }
0x457: {  	v3 =	vadd.f32 v17, v3;
	v17 =	vadd.f32 v38, v35;
	v4 =	vmul.f32 v16, v4  }
0x458: {  	v13 =	vadd.f32 v13, v41;
	v45 =	vperm.xlane v15, v0;
	v43 =	vadd.f32 v19, v40  }
0x459: {  	v47 =	vperm.xlane v15, v1;
	v14 =	vadd.f32 v14, v17;
	v4 =	vadd.f32 v42, v4  }
0x45a: {  	v44 =	vperm.xlane v3, v0;
	v6 =	vadd.f32 v6, v13;
	v2 =	vadd.f32 v2, v43  }
0x45b: {  	v3 =	vperm.xlane v3, v1;
	v46 =	vadd.f32 v11, v14;
	v4 =	vadd.f32 v5, v4  }
0x45c: {  	v48 =	vperm.xlane v6, v0;
	v6 =	vperm.xlane v6, v1;
	v2 =	vadd.f32 v12, v2  }
0x45d: {  	v49 =	vperm.xlane v46, v0;
	v5 =	vperm.xlane v46, v1;
	v4 =	vadd.f32 v10, v4  }
0x45e: {  	v3 =	vadd.f32 v3, v44;
	v50 =	vperm.xlane v2, v0;
	v2 =	vperm.xlane v2, v1  }
0x45f: {  	v11 =	vadd.f32 v47, v45;
	v51 =	vperm.xlane v4, v0;
	v4 =	vperm.xlane v4, v1  }
0x460: {  	v52 =	vperm.xlane v25, v1;
	v6 =	vadd.f32 v6, v48;
	v5 =	vadd.f32 v5, v49  }
0x461: {  	v3 =	vsel vm0, v11, v3;
	v2 =	vadd.f32 v2, v50;
	v4 =	vadd.f32 v4, v51  }
0x462: {  	v53 =	vperm.xlane v3, v0;
	v3 =	vperm.xlane v3, v1;
	v5 =	vsel vm0, v5, v6  }
0x463: {  	v54 =	vperm.xlane v5, v0;
	v5 =	vperm.xlane v5, v1;
	v2 =	vsel vm0, v4, v2  }
0x464: {  	v7 =	vsel vm0, v7, v9;
	v55 =	vperm.xlane v2, v0;
	v2 =	vperm.xlane v2, v1  }
0x465: {  	v57 =	vperm.xlane v8, v0;
	v56 =	vadd.f32 v52, v32;
	v3 =	vadd.f32 v3, v53  }
0x466: {  	v58 =	vperm.xlane v8, v1;
	v4 =	vadd.f32 v5, v54;
	v2 =	vadd.f32 v2, v55  }
0x467: {  	v59 =	vperm.xlane v7, v0;
	v7 =	vperm.xlane v7, v1;
	v3 =	vsel vm0, v3, v56  }
0x468: {  	v60 =	vperm.xlane v3, v0;
	v3 =	vperm.xlane v3, v1;
	v2 =	vsel vm0, v2, v4  }
0x469: {  	v61 =	vperm.xlane v2, v0;
	v2 =	vperm.xlane v2, v1  }
0x46a: {  	v6 =	vadd.f32 v7, v59;
	v5 =	vadd.f32 v58, v57  }
0x46b: {  	v3 =	vadd.f32 v3, v60;
	v2 =	vadd.f32 v2, v61  }
0x46c: {  	v62 =	vsel vm0, v5, v6  }
0x46d: {  	s8 =	ssub.s32 $0x5A0, s23;
	v4 =	vperm.xlane v62, v1;
	v2 =	vsel vm0, v2, v3;
	v3 =	vperm.xlane v62, v0  }
0x46e: {  	s17 =	sadd.s32 s21, s14;
	s8 =	smul.u32 $0xFFFFFEA0, s8;
	v63 =	vperm.xlane v2, v0;
	v2 =	vperm.xlane v2, v1  }
0x46f: {  	s17 =	smul.u32 $0x160, s17  }
.Ltmp4:
0x470: {  	s8 =	sadd.s32 $0x7A120, s8;
	v3 =	vadd.f32 v4, v3;
	v2 =	vadd.f32 v2, v63;
	(pc) =	sbr.rel @p1 .LBB2_8-.Ltmp4, $4  }
0x471: {  	s17 =	smov.u32 @p1 s8  }
0x472: {  	s24 =	sadd.s32 $0x10, s24;
	s17 =	sshrl.u32 s17, $0x3;
	v2 =	vsel vm0, v2, v3  }
0x473: {  	s26 =	sadd.s32 s2, s17;
	[tilespmem:s24+$0x0] =	vst v2  }
0x474: {  	[hbm4b:s26+s3] =	stream.linear.scatter [tilespmem:s0], [sflag:$0x4], $0x160, $0x38;
	[tilespmem:$0x1E140] =	vst v63  }
0x475: {  	s8 =	smul.u32 $0x2C0, s20  }
.Ltmp5:
0x476: {  	_ = 	snop;
	(pc) =	sbr.rel .LBB2_2-.Ltmp5, $4  }
0x477: {  	s17 =	sadd.s32 $0x420, s8  }
0x478: {  	[tilespmem:s25], [sflag:$0x2] =	stream.indirect.gather [hbm4b:s5+s22], $0x40, s17, s22, $0xb8;
	[tilespmem:$0x1E140] =	vst v63  }
0x479: {  	s20 =	sadd.s32 $0x1, s20;
	s8 =	sadd.s32 $0x4360, s8  }
0x47a: {  	[tilespmem:s28], [sflag:$0x2] =	stream.indirect.gather [hbm4b:s6+s22], $0x40, s8, s22, $0xb8;
	[tilespmem:$0x1E140] =	vst v63  }
.LBB2_9:
0x47b: {  	_ =	sfence.sel $0x180000  }
0x47c: {  	[bflag:$0x0] =	sbarrier.arrive $0xFFFF  }
0x47d: {  	_ =	strace $0x90000047  }
0x47e: {  	s0 =	stileid.u32;
	[bflag:$0x2] =	sbarrier.arrive $0xFFFF  }
0x47f: {  	p0 =	sne.s32 s0, $0x0;
	s0 =	rddreg [dreg:$0x2]  }
0x480: {  	s0 =	sadd.s32 @!p0 $0x100000, s0  }
0x481: {  	[sflag:s0] =	ssyncadd.tile.s32 @!p0 $0x1;
	_ =	shalt  }
.Lfunc_end2:
_tile_overlayer_lowered:
.L_overlay_start_2:
0x482: {  	(tag) =	ssettag $0x2  }
0x483: {  	s0 =	rddreg [dreg:$0x0];
	s2 =	stileid.u32  }
0x484: {  	s1 =	rddreg [dreg:$0x1];
	p0 =	sne.s32 s2, $0x0  }
0x485: {  	s3 =	rddreg [dreg:$0x2];
	[bflag:$0x3] =	sbarrier.arrive $0xFFFF;
	s2 =	simm.s32 @!p0 $0x1C05  }
0x486: {  	[timem:s3], [sflag:s2] =	dma.local @!p0 [hbm:s0], s1  }
0x487: {  	s0 =	simm.s32 @!p0 $0x5  }
0x488: {  	_ =	swait.ge @!p0 [sflag:s0], s1  }
0x489: {  	s1 =	ssub.s32 @!p0 $0x0, s1;
	[sflag:s0] =	ssyncset.done @!p0 $0x0  }
0x48a: {  	[sflag:s0] =	ssyncadd.s32 @!p0 s1  }
0x48b: {  	[bflag:$0x3] =	sbarrier.arrive $0xFFFF  }
0x48c: {  	_ =	shalt  }

</sc_bundles>
